<compile_context>
chip_gen: v7x
topology: tpu7x:2x2x1
jax: 0.10.2.dev20260603
libtpu: 0.0.44.dev20260713+nightly
codegen_flags: <defaults>
</compile_context>

<pallas_src>
import dataclasses
import functools

import jax
import jax.numpy as jnp
from jax import lax
from jax.experimental import pallas as pl
from jax.experimental.pallas import tpu as pltpu
from jax.experimental.pallas import tpu_sc as plsc

N = 10000
E = 320000
D = 128
HID = 256
NG = 128
TOPK = 5000

NP = 10240
GR = NP
RS = NP + 128
NC, NS = 2, 16
NW = NC * NS
CHUNK = 10240
NB = CHUNK // 128
BB = 128
IBB = 10
IB = IBB * BB
EP = NW * CHUNK

_mesh = plsc.VectorSubcoreMesh(core_axis_name="c", subcore_axis_name="s")

_cp_no_layout = pltpu.CompilerParams()
if "needs_layout_passes" in pltpu.CompilerParams.__dataclass_fields__:
    _cp_no_layout = dataclasses.replace(_cp_no_layout,
                                        needs_layout_passes=False)


def _zero16(dtype):
    return jnp.zeros((16,), dtype)


def _zero_1d(ref):
    z = _zero16(ref.dtype)

    @pl.loop(0, ref.shape[0] // 16)
    def _(i):
        ref[pl.ds(i * 16, 16)] = z


def _copy128_local(src_ref, src_off, dst_ref):
    for j in range(BB // 16):
        dst_ref[pl.ds(j * 16, 16)] = src_ref[pl.ds(src_off + j * 16, 16)]


@functools.partial(
    pl.kernel,
    mesh=_mesh,
    compiler_params=_cp_no_layout,
    out_type=jax.ShapeDtypeStruct((NW, RS), jnp.float32),
    scratch_types=[
        pltpu.VMEM((RS,), jnp.float32),
        pltpu.VMEM((BB,), jnp.int32),
    ],
)
def _k1_deg(dst_hbm, deg_hbm, deg_v, dbuf):
    c = lax.axis_index("c")
    s = lax.axis_index("s")
    wid = s * NC + c
    _zero_1d(deg_v)
    ones16 = jnp.ones((16,), jnp.float32)
    base = wid * CHUNK

    @pl.loop(0, NB)
    def _(b):
        pltpu.sync_copy(dst_hbm.at[pl.ds(base + b * BB, BB)], dbuf)
        for j in range(BB // 16):
            d16 = dbuf[pl.ds(j * 16, 16)]
            plsc.addupdate_scatter(deg_v, [d16], ones16)

    pltpu.sync_copy(deg_v, deg_hbm.at[wid])


@functools.partial(
    pl.kernel,
    mesh=_mesh,
    out_type=jax.ShapeDtypeStruct((NC, NP, D), jnp.float32),
    scratch_types=[
        pltpu.VMEM((BB,), jnp.int32),
        pltpu.VMEM((BB,), jnp.int32),
        pltpu.VMEM((BB,), jnp.int32),
        pltpu.VMEM((BB,), jnp.int32),
        pltpu.VMEM((IB,), jnp.int32),
        pltpu.VMEM((IB,), jnp.int32),
        pltpu.VMEM((BB, D), jnp.float32),
        pltpu.VMEM((BB, D), jnp.float32),
        pltpu.VMEM((16, D), jnp.float32),
        pltpu.VMEM_SHARED((RS, D), jnp.float32),
        pltpu.SemaphoreType.DMA,
        pltpu.SemaphoreType.DMA,
        pltpu.SemaphoreType.DMA,
        pltpu.SemaphoreType.DMA,
    ],
)
def _k3_agg1(y_hbm, src_hbm, dst_hbm, zsl_hbm, agg_hbm, sidx0, sidx1,
             didx0, didx1, isrc, idst, rows0, rows1, z_v, agg_sh, sem0, sem1,
             ssem0, ssem1):
    c = lax.axis_index("c")
    s = lax.axis_index("s")
    wid = s * NC + c
    pltpu.sync_copy(zsl_hbm, z_v)

    @pl.loop(s, RS // 16, step=NS)
    def _(j):
        pltpu.sync_copy(z_v, agg_sh.at[pl.ds(j * 16, 16)])

    plsc.subcore_barrier()
    base = wid * CHUNK
    sidx = (sidx0, sidx1)
    didx = (didx0, didx1)
    rows = (rows0, rows1)
    gsem = (sem0, sem1)
    ssem = (ssem0, ssem1)

    pltpu.sync_copy(src_hbm.at[pl.ds(base, IB)], isrc)
    pltpu.sync_copy(dst_hbm.at[pl.ds(base, IB)], idst)
    _copy128_local(isrc, 0, sidx[0])
    _copy128_local(idst, 0, didx[0])
    pltpu.async_copy(y_hbm.at[sidx[0]], rows[0], gsem[0])

    @pl.loop(0, NB, step=2)
    def _(b):
        for t in range(2):
            cur, nxt = t, 1 - t
            bb = b + t

            @pl.when(bb + 1 < NB)
            def _():
                @pl.when(bb + 1 >= 2)
                def _():
                    pltpu.make_async_copy(
                        rows[nxt], agg_sh.at[didx[nxt]], ssem[nxt]).wait()

                nb1 = bb + 1

                @pl.when(nb1 % IBB == 0)
                def _():
                    off = base + nb1 * BB
                    pltpu.sync_copy(src_hbm.at[pl.ds(off, IB)], isrc)
                    pltpu.sync_copy(dst_hbm.at[pl.ds(off, IB)], idst)

                blk = (nb1 % IBB) * BB
                _copy128_local(isrc, blk, sidx[nxt])
                _copy128_local(idst, blk, didx[nxt])
                pltpu.async_copy(y_hbm.at[sidx[nxt]], rows[nxt], gsem[nxt])

            pltpu.make_async_copy(y_hbm.at[sidx[cur]], rows[cur],
                                  gsem[cur]).wait()
            pltpu.async_copy(rows[cur], agg_sh.at[didx[cur]], ssem[cur],
                             add=True)

    pltpu.make_async_copy(rows[0], agg_sh.at[didx[0]], ssem[0]).wait()
    pltpu.make_async_copy(rows[1], agg_sh.at[didx[1]], ssem[1]).wait()
    plsc.subcore_barrier()
    rows_per = NP // NS
    pltpu.sync_copy(agg_sh.at[pl.ds(s * rows_per, rows_per)],
                    agg_hbm.at[c].at[pl.ds(s * rows_per, rows_per)])


@functools.partial(
    pl.kernel,
    mesh=_mesh,
    compiler_params=_cp_no_layout,
    out_type=(
        jax.ShapeDtypeStruct((NW, CHUNK), jnp.int32),
        jax.ShapeDtypeStruct((NW, CHUNK), jnp.int32),
        jax.ShapeDtypeStruct((NW, 16), jnp.int32),
        jax.ShapeDtypeStruct((NW, RS), jnp.float32),
    ),
    scratch_types=[
        pltpu.VMEM((NP + 16,), jnp.int32),
        pltpu.VMEM((BB,), jnp.int32),
        pltpu.VMEM((BB,), jnp.int32),
        pltpu.VMEM((CHUNK,), jnp.int32),
        pltpu.VMEM((CHUNK,), jnp.int32),
        pltpu.VMEM((RS,), jnp.float32),
        pltpu.VMEM((16,), jnp.int32),
    ],
)
def _k5_compact(src_hbm, dst_hbm, kept_hbm, csrc_hbm, cdst_hbm, cnt_hbm,
                deg_hbm, kept_v, sbuf, dbuf, csrc_v, cdst_v, deg_v, cnt_v):
    c = lax.axis_index("c")
    s = lax.axis_index("s")
    wid = s * NC + c
    lane = lax.iota(jnp.int32, 16)
    _zero_1d(deg_v)
    pltpu.sync_copy(kept_hbm, kept_v.at[pl.ds(0, NP)])
    kept_v[pl.ds(NP, 16)] = _zero16(jnp.int32)
    zi = _zero16(jnp.int32)
    gi = jnp.full((16,), GR, jnp.int32)
    ones16 = jnp.ones((16,), jnp.float32)

    @pl.loop(0, CHUNK // 16)
    def _(i):
        csrc_v[pl.ds(i * 16, 16)] = zi
        cdst_v[pl.ds(i * 16, 16)] = gi

    base = wid * CHUNK

    def batch_body(b, cnt):
        pltpu.sync_copy(src_hbm.at[pl.ds(base + b * BB, BB)], sbuf)
        pltpu.sync_copy(dst_hbm.at[pl.ds(base + b * BB, BB)], dbuf)
        for j in range(BB // 16):
            s16 = sbuf[pl.ds(j * 16, 16)]
            d16 = dbuf[pl.ds(j * 16, 16)]
            ks = plsc.load_gather(kept_v, [s16])
            kd = plsc.load_gather(kept_v, [d16])
            vi = ks * kd
            valid = vi == 1
            pos = plsc.cumsum(vi)
            idx16 = cnt + pos - 1
            plsc.store_scatter(csrc_v, [idx16], s16, mask=valid)
            plsc.store_scatter(cdst_v, [idx16], d16, mask=valid)
            plsc.addupdate_scatter(deg_v, [jnp.where(valid, d16, GR)],
                                   ones16)
            cnt = cnt + jnp.sum(vi)
        return cnt

    total = lax.fori_loop(0, NB, batch_body, jnp.int32(0))
    cnt_v[...] = jnp.where(lane == 0, total, 0).astype(jnp.int32)
    pltpu.sync_copy(csrc_v, csrc_hbm.at[wid])
    pltpu.sync_copy(cdst_v, cdst_hbm.at[wid])
    pltpu.sync_copy(cnt_v, cnt_hbm.at[wid])
    pltpu.sync_copy(deg_v, deg_hbm.at[wid])


@functools.partial(
    pl.kernel,
    mesh=_mesh,
    out_type=jax.ShapeDtypeStruct((NC, NP, D), jnp.float32),
    scratch_types=[
        pltpu.VMEM((BB,), jnp.int32),
        pltpu.VMEM((BB,), jnp.int32),
        pltpu.VMEM((BB,), jnp.int32),
        pltpu.VMEM((BB,), jnp.int32),
        pltpu.VMEM((BB, D), jnp.float32),
        pltpu.VMEM((BB, D), jnp.float32),
        pltpu.VMEM((16, D), jnp.float32),
        pltpu.VMEM((16,), jnp.int32),
        pltpu.VMEM_SHARED((RS, D), jnp.float32),
        pltpu.SemaphoreType.DMA,
        pltpu.SemaphoreType.DMA,
        pltpu.SemaphoreType.DMA,
        pltpu.SemaphoreType.DMA,
    ],
)
def _k7_agg2(y2_hbm, csrc_hbm, cdst_hbm, cnt_hbm, zsl_hbm, agg_hbm,
             sidx0, sidx1, didx0, didx1, rows0, rows1, z_v, cnt_v,
             agg_sh, sem0, sem1, ssem0, ssem1):
    c = lax.axis_index("c")
    s = lax.axis_index("s")
    pltpu.sync_copy(zsl_hbm, z_v)

    @pl.loop(s, RS // 16, step=NS)
    def _(j):
        pltpu.sync_copy(z_v, agg_sh.at[pl.ds(j * 16, 16)])

    plsc.subcore_barrier()
    sidx = (sidx0, sidx1)
    didx = (didx0, didx1)
    rows = (rows0, rows1)
    sems = (sem0, sem1)
    ssem = (ssem0, ssem1)

    for t in range(2):
        w = s * 2 + t
        pltpu.sync_copy(cnt_hbm.at[w], cnt_v)
        cw = cnt_v[...][0]
        npair = (cw + 255) // 256

        @pl.when(npair > 0)
        def _():
            pltpu.sync_copy(csrc_hbm.at[w, pl.ds(0, BB)], sidx[0])
            pltpu.sync_copy(cdst_hbm.at[w, pl.ds(0, BB)], didx[0])
            pltpu.async_copy(y2_hbm.at[c].at[sidx[0]], rows[0], sems[0])

            @pl.loop(0, npair)
            def _(p):
                for u in range(2):
                    bb = p * 2 + u
                    cur, nxt = u, 1 - u

                    @pl.when(bb + 1 < npair * 2)
                    def _():
                        @pl.when(bb + 1 >= 2)
                        def _():
                            pltpu.make_async_copy(
                                rows[nxt], agg_sh.at[didx[nxt]],
                                ssem[nxt]).wait()

                        off = (bb + 1) * BB
                        pltpu.sync_copy(csrc_hbm.at[w, pl.ds(off, BB)],
                                        sidx[nxt])
                        pltpu.sync_copy(cdst_hbm.at[w, pl.ds(off, BB)],
                                        didx[nxt])
                        pltpu.async_copy(y2_hbm.at[c].at[sidx[nxt]],
                                         rows[nxt], sems[nxt])

                    pltpu.make_async_copy(y2_hbm.at[c].at[sidx[cur]],
                                          rows[cur], sems[cur]).wait()
                    pltpu.async_copy(rows[cur], agg_sh.at[didx[cur]],
                                     ssem[cur], add=True)

            pltpu.make_async_copy(rows[0], agg_sh.at[didx[0]],
                                  ssem[0]).wait()
            pltpu.make_async_copy(rows[1], agg_sh.at[didx[1]],
                                  ssem[1]).wait()

    plsc.subcore_barrier()
    rows_per = NP // NS
    pltpu.sync_copy(agg_sh.at[pl.ds(s * rows_per, rows_per)],
                    agg_hbm.at[c].at[pl.ds(s * rows_per, rows_per)])


_RB = 1280
_GRID = NP // _RB


def _sum_partials(degp_blk):
    ones = jnp.ones((NW, 1), jnp.float32)
    return lax.dot_general(degp_blk, ones, (((0,), (0,)), ((), ())),
                           preferred_element_type=jnp.float32,
                           precision=lax.Precision.HIGHEST)


def _k2_body(degp_ref, x_ref, y_ref):
    dinv = lax.rsqrt(jnp.maximum(_sum_partials(degp_ref[...]) + 1.0, 1.0))
    y_ref[...] = dinv * x_ref[...]


def _k4a_body(x_ref, aggp_ref, degp_ref, w1_ref, b1_ref, p_ref, h1_ref,
              sc_ref):
    i = pl.program_id(0)
    dinv = lax.rsqrt(jnp.maximum(_sum_partials(degp_ref[...]) + 1.0, 1.0))
    u = dinv * (aggp_ref[0] + aggp_ref[1]) + (dinv * dinv) * x_ref[...]
    h1 = jnp.maximum(
        lax.dot_general(u, w1_ref[...], (((1,), (0,)), ((), ())),
                        preferred_element_type=jnp.float32,
                        precision=lax.Precision.HIGHEST)
        + b1_ref[...][None, :], 0.0)
    h1_ref[...] = h1
    p = p_ref[...]
    pn = jnp.sqrt(jnp.sum(p * p))
    sc = lax.dot_general(h1, p, (((1,), (0,)), ((), ())),
                         preferred_element_type=jnp.float32,
                         precision=lax.Precision.HIGHEST) / pn
    ridx = i * _RB + lax.broadcasted_iota(jnp.int32, (_RB, 1), 0)
    sc_ref[...] = jnp.where(ridx < N, sc, -jnp.inf)


def _k4b_body(sc_ref, kept_ref, gs_ref):
    s = sc_ref[...]
    bits = lax.bitcast_convert_type(s, jnp.int32)
    m = bits ^ jnp.where(bits < 0, jnp.int32(0x7FFFFFFF), jnp.int32(0))

    def bs(it, T):
        cand = T + (jnp.int32(1) << (jnp.int32(30) - it))
        c = jnp.sum((m >= cand).astype(jnp.int32))
        return jnp.where(c >= TOPK, cand, T)

    T = lax.fori_loop(0, 31, bs, jnp.int32(-2**31))
    cnt_gt = jnp.sum((m > T).astype(jnp.int32))
    need = (TOPK - cnt_gt).astype(jnp.float32)
    eq = (m == T)
    eqf = eq.astype(jnp.float32)
    r128 = lax.broadcasted_iota(jnp.int32, (128, 128), 0)
    c128 = lax.broadcasted_iota(jnp.int32, (128, 128), 1)
    u128 = (r128 < c128).astype(jnp.float32)
    p1 = lax.dot_general(eqf, u128, (((1,), (0,)), ((), ())),
                         preferred_element_type=jnp.float32,
                         precision=lax.Precision.HIGHEST)
    rowtot = jnp.sum(eqf, axis=1, keepdims=True)
    r80 = lax.broadcasted_iota(jnp.int32, (80, 80), 0)
    c80 = lax.broadcasted_iota(jnp.int32, (80, 80), 1)
    u80 = (r80 < c80).astype(jnp.float32)
    carry = lax.dot_general(u80, rowtot, (((1,), (0,)), ((), ())),
                            preferred_element_type=jnp.float32,
                            precision=lax.Precision.HIGHEST)
    prefix = p1 + carry
    kept = (m > T) | (eq & (prefix < need))
    keptf = kept.astype(jnp.float32)
    kept_ref[...] = keptf
    gs_ref[...] = keptf * jnp.tanh(s)


def _k4c_body(h1_ref, gs_ref, w3_ref, z_ref):
    xp = gs_ref[...] * h1_ref[...]
    z_ref[...] = lax.dot_general(xp, w3_ref[...], (((1,), (0,)), ((), ())),
                                 preferred_element_type=jnp.float32,
                                 precision=lax.Precision.HIGHEST)


def _dinv2_of(degp_blk, keptf):
    deg2 = _sum_partials(degp_blk) + keptf
    return keptf * lax.rsqrt(jnp.maximum(deg2, 1.0))


def _k6_body(z_ref, degp_ref, kept_ref, y2_ref):
    dinv2 = _dinv2_of(degp_ref[...], kept_ref[...])
    z = z_ref[...]
    y2_ref[0] = dinv2 * z[:, :D]
    y2_ref[1] = dinv2 * z[:, D:]


def _k8_body(agg2_ref, z_ref, degp_ref, kept_ref, batch_ref, b3_ref,
             w2_ref, b2_ref, out_ref, sums, cnt):
    i = pl.program_id(0)

    @pl.when(i == 0)
    def _():
        sums[...] = jnp.zeros_like(sums)
        cnt[...] = jnp.zeros_like(cnt)

    keptf = kept_ref[...]
    dinv2 = _dinv2_of(degp_ref[...], keptf)
    agg = jnp.concatenate([agg2_ref[0], agg2_ref[1]], axis=1)
    h3 = jnp.maximum(dinv2 * agg + (dinv2 * dinv2) * z_ref[...]
                     + b3_ref[...][None, :], 0.0)
    oh = (batch_ref[...] ==
          lax.broadcasted_iota(jnp.int32, (1, NG), 1)).astype(jnp.float32)
    wh3 = keptf * h3
    sums[...] += lax.dot_general(oh, wh3, (((0,), (0,)), ((), ())),
                                 preferred_element_type=jnp.float32,
                                 precision=lax.Precision.HIGHEST)
    cnt[...] += lax.dot_general(oh, keptf, (((0,), (0,)), ((), ())),
                                preferred_element_type=jnp.float32,
                                precision=lax.Precision.HIGHEST)

    @pl.when(i == _GRID - 1)
    def _():
        gm = sums[...] / jnp.maximum(cnt[...], 1.0)
        logit = lax.dot_general(gm, w2_ref[...], (((1,), (0,)), ((), ())),
                                preferred_element_type=jnp.float32,
                                precision=lax.Precision.HIGHEST)
        out_ref[...] = jax.nn.sigmoid(logit + b2_ref[...])


def _rows(block_cols):
    return pl.BlockSpec((_RB, block_cols), lambda i: (i, 0))


def _pair(block_cols):
    return pl.BlockSpec((2, _RB, block_cols), lambda i: (0, i, 0))


def _deg_spec():
    return pl.BlockSpec((NW, _RB), lambda i: (0, i))


def _full(shape):
    return pl.BlockSpec(shape, lambda i: tuple(0 for _ in shape))


def kernel(x, edge_list, dummy, batch, W1, b1, p_vec, W3, b3, W2, b2):
    f32 = jnp.float32
    src = edge_list[:, 0].astype(jnp.int32)
    dst = edge_list[:, 1].astype(jnp.int32)
    pad_e = CHUNK - E // NW
    srcp = jnp.concatenate(
        [src.reshape(NW, E // NW),
         jnp.zeros((NW, pad_e), jnp.int32)], axis=1).reshape(-1)
    dstp = jnp.concatenate(
        [dst.reshape(NW, E // NW),
         jnp.full((NW, pad_e), GR, jnp.int32)], axis=1).reshape(-1)
    xp = jnp.pad(x, ((0, NP - N), (0, 0)))
    batchp = jnp.pad(batch.astype(jnp.int32), (0, NP - N)).reshape(NP, 1)
    zsl = jnp.zeros((16, D), f32)

    deg1p = _k1_deg(dstp)

    y = pl.pallas_call(
        _k2_body,
        grid=(_GRID,),
        in_specs=[_deg_spec(), _rows(D)],
        out_specs=_rows(D),
        out_shape=jax.ShapeDtypeStruct((NP, D), f32),
    )(deg1p, xp)

    agg1p = _k3_agg1(y, srcp, dstp, zsl)

    h1, score = pl.pallas_call(
        _k4a_body,
        grid=(_GRID,),
        in_specs=[_rows(D), _pair(D), _deg_spec(), _full((D, HID)),
                  _full((HID,)), _full((HID, 1))],
        out_specs=[_rows(HID), _rows(1)],
        out_shape=[jax.ShapeDtypeStruct((NP, HID), f32),
                   jax.ShapeDtypeStruct((NP, 1), f32)],
    )(xp, agg1p, deg1p, W1, b1, p_vec.reshape(HID, 1))

    keptm, gsm = pl.pallas_call(
        _k4b_body,
        in_specs=[pl.BlockSpec((80, 128), lambda: (0, 0))],
        out_specs=[pl.BlockSpec((80, 128), lambda: (0, 0))] * 2,
        out_shape=[jax.ShapeDtypeStruct((80, 128), f32)] * 2,
    )(score.reshape(80, 128))
    keptc = keptm.reshape(NP, 1)
    kept_i = keptm.reshape(NP).astype(jnp.int32)

    z = pl.pallas_call(
        _k4c_body,
        grid=(_GRID,),
        in_specs=[_rows(HID), _rows(1), _full((HID, HID))],
        out_specs=_rows(HID),
        out_shape=jax.ShapeDtypeStruct((NP, HID), f32),
    )(h1, gsm.reshape(NP, 1), W3)

    csrc, cdst, cnts, deg2p = _k5_compact(srcp, dstp, kept_i)

    y2 = pl.pallas_call(
        _k6_body,
        grid=(_GRID,),
        in_specs=[_rows(HID), _deg_spec(), _rows(1)],
        out_specs=_pair(D),
        out_shape=jax.ShapeDtypeStruct((NC, NP, D), f32),
    )(z, deg2p, keptc)

    agg2 = _k7_agg2(y2, csrc, cdst, cnts, zsl)

    out = pl.pallas_call(
        _k8_body,
        grid=(_GRID,),
        in_specs=[_pair(D), _rows(HID), _deg_spec(), _rows(1),
                  pl.BlockSpec((_RB, 1), lambda i: (i, 0)),
                  _full((HID,)), _full((HID, 1)), _full((1, 1))],
        out_specs=_full((NG, 1)),
        out_shape=jax.ShapeDtypeStruct((NG, 1), f32),
        scratch_shapes=[pltpu.VMEM((NG, HID), f32),
                        pltpu.VMEM((NG, 1), f32)],
    )(agg2, z, deg2p, keptc, batchp, b3, W2, b2.reshape(1, 1))
    return out.reshape(-1)

# --- scband reference (transcript-rebuilt; emitter-appended) ---
"""Pipeline reference for scband-graph-conv-pool-nn-71305047048208 (READ-ONLY COPY).

The authoritative reference and input builder live on the scoring server;
editing this copy changes nothing except your own understanding.
"""

import jax, jax.numpy as jnp
import numpy as np

N = 10000
E = 320000
D_FEAT = 128
HID = 256
NUM_GRAPHS = 128
RATIO_K = N // 2


def gcn_conv(h_in, src, dst, edge_w, W, b, n_nodes):
    # PyG-style GCNConv: x @ W, add self loops, symmetric D^-1/2 A D^-1/2 normalization, + bias
    h = h_in @ W
    loop = jnp.arange(n_nodes)
    src_f = jnp.concatenate([src, loop])
    dst_f = jnp.concatenate([dst, loop])
    w_f = jnp.concatenate([edge_w, jnp.ones((n_nodes,), jnp.float32)])
    deg = jnp.zeros((n_nodes,), jnp.float32).at[dst_f].add(w_f)
    dinv = jnp.where(deg > 0, jax.lax.rsqrt(jnp.maximum(deg, 1e-12)), 0.0)
    coef = (dinv[src_f] * dinv[dst_f] * w_f)[:, None]
    msg = h[src_f] * coef
    agg = jnp.zeros((n_nodes, h.shape[1]), jnp.float32).at[dst_f].add(msg)
    return agg + b


def forward_core(x, edge_list, batch, W1, b1, p_vec, W3, b3, W2, b2):
    src = edge_list[:, 0]
    dst = edge_list[:, 1]
    # conv1 + relu (dropout p=0.0 is identity)
    h1 = jax.nn.relu(gcn_conv(x, src, dst, jnp.ones((E,), jnp.float32), W1, b1, N))
    # TopK pooling (ratio=0.5): score = x.p/||p||, keep top-k nodes, gate by tanh(score)
    score = (h1 @ p_vec) / jnp.linalg.norm(p_vec)
    vals, idx = jax.lax.top_k(score, RATIO_K)
    gate = jnp.tanh(vals)
    xp = h1[idx] * gate[:, None]
    kept = jnp.zeros((N,), bool).at[idx].set(True)
    new_id = jnp.zeros((N,), jnp.int32).at[idx].set(jnp.arange(RATIO_K, dtype=jnp.int32))
    valid = (kept[src] & kept[dst]).astype(jnp.float32)
    ns = jnp.where(valid > 0, new_id[src], 0)
    nd = jnp.where(valid > 0, new_id[dst], 0)
    batch_p = batch[idx]
    # conv3 + relu on pooled graph (invalid edges masked via zero edge weight)
    h3 = jax.nn.relu(gcn_conv(xp, ns, nd, valid, W3, b3, RATIO_K))
    # global mean pool over graph ids
    sums = jnp.zeros((NUM_GRAPHS, HID), jnp.float32).at[batch_p].add(h3)
    cnt = jnp.zeros((NUM_GRAPHS,), jnp.float32).at[batch_p].add(1.0)
    gm = sums / jnp.maximum(cnt, 1.0)[:, None]
    # fc2 + sigmoid; num_classes==2 -> 1 output unit, flattened
    out = jax.nn.sigmoid(gm @ W2 + b2)
    return out.reshape(-1)


def setup_inputs(seed: int = 0):
    key = jax.random.key(seed)
    ks = jax.random.split(key, 10)
    x = jax.random.normal(ks[0], (N, D_FEAT), jnp.float32)
    edge_list = jax.random.randint(ks[1], (E, 2), 0, N)
    dummy = jnp.zeros((1,), jnp.float32)
    batch = jnp.sort(jax.random.randint(ks[2], (N,), 0, NUM_GRAPHS))
    W1 = jax.random.normal(ks[3], (D_FEAT, HID), jnp.float32) / np.sqrt(D_FEAT)
    b1 = jnp.zeros((HID,), jnp.float32)
    p_vec = jax.random.normal(ks[4], (HID,), jnp.float32) / np.sqrt(HID)
    W3 = jax.random.normal(ks[5], (HID, HID), jnp.float32) / np.sqrt(HID)
    b3 = jnp.zeros((HID,), jnp.float32)
    W2 = jax.random.normal(ks[6], (HID, 1), jnp.float32) / np.sqrt(HID)
    b2 = jnp.zeros((1,), jnp.float32)
    return {"x": x, "edge_list": edge_list, "dummy": dummy, "batch": batch,
            "W1": W1, "b1": b1, "p_vec": p_vec, "W3": W3, "b3": b3, "W2": W2, "b2": b2}


def reference(x, edge_list, dummy, batch, W1, b1, p_vec, W3, b3, W2, b2):
    # dummy corresponds to unused data[2] in the original tuple input
    return forward_core(x, edge_list, batch, W1, b1, p_vec, W3, b3, W2, b2)

if __name__ == "__main__":
    import jax
    _d = setup_inputs()
    print(jax.jit(kernel)(*tuple(_d.values())))

</pallas_src>

<mosaic_0001>
#map = affine_map<(d0, d1) -> (0)>
#map1 = affine_map<(d0, d1) -> (0, 0)>
module attributes {stable_mosaic.version = 14 : i64} {
  func.func @_k1_deg(%arg0: i32, %arg1: i32, %arg2: memref<327680xi32, #tpu.memory_space<hbm>>, %arg3: memref<32x10368xf32, #tpu.memory_space<hbm>>, %arg4: memref<10368xf32, #tpu.memory_space<vmem>>, %arg5: memref<128xi32, #tpu.memory_space<vmem>>) attributes {dimension_semantics = [#tpu.dimension_semantics<core_parallel>, #tpu.dimension_semantics<subcore_parallel>], iteration_bounds = array<i64: 2, 16>, scalar_prefetch = 0 : i64, scratch_operands = 2 : i64, tpu.core_type = #tpu.core_type<sc_vector_subcore>, window_params = [{transform_indices = #map}, {transform_indices = #map1}]} {
    %mul3A = arith.constant 2 : i32
    %mul3A_0 = arith.muli %arg1, %mul3A : i32
    %add3A = arith.addi %mul3A_0, %arg0 : i32
    %broadcast_in_dim3A = arith.constant 0.000000e+00 : f32
    %broadcast_in_dim3A_1 = vector.broadcast %broadcast_in_dim3A : f32 to vector<16xf32>
    %scan3A = arith.constant 0 : i32
    %scan3A_2 = arith.constant 648 : i32
    %scan3A_3 = arith.addi %scan3A, %scan3A_2 : i32
    %scan3A_4 = arith.constant 1 : i32
    scf.for %scan3A_15 = %scan3A to %scan3A_3 step %scan3A_4  : i32 {
      %mul3A_16 = arith.constant 1 : i32
      %mul3A_17 = arith.muli %scan3A_15, %mul3A_16 : i32
      %add3A_18 = arith.constant 0 : i32
      %add3A_19 = arith.addi %add3A_18, %mul3A_17 : i32
      %mul3A_20 = arith.constant 16 : i32
      %mul3A_21 = arith.muli %add3A_19, %mul3A_20 : i32
      %swap3A = arith.index_cast %mul3A_21 : i32 to index
      %swap3A_22 = tpu.vector_load %arg4[%swap3A] {strides = array<i32>} : memref<10368xf32, #tpu.memory_space<vmem>>, vector<16xf32>,
      tpu.vector_store %arg4[%swap3A], %broadcast_in_dim3A_1 {strides = array<i32>} : memref<10368xf32, #tpu.memory_space<vmem>>, vector<16xf32>,
    }
    %scan3A_5 = arith.constant 648 : i32
    %broadcast_in_dim3A_6 = arith.constant 1.000000e+00 : f32
    %broadcast_in_dim3A_7 = vector.broadcast %broadcast_in_dim3A_6 : f32 to vector<16xf32>
    %mul3A_8 = arith.constant 10240 : i32
    %mul3A_9 = arith.muli %add3A, %mul3A_8 : i32
    %scan3A_10 = arith.constant 0 : i32
    %scan3A_11 = arith.constant 80 : i32
    %scan3A_12 = arith.addi %scan3A_10, %scan3A_11 : i32
    %scan3A_13 = arith.constant 1 : i32
    scf.for %scan3A_15 = %scan3A_10 to %scan3A_12 step %scan3A_13  : i32 {
      %mul3A_16 = arith.constant 1 : i32
      %mul3A_17 = arith.muli %scan3A_15, %mul3A_16 : i32
      %add3A_18 = arith.constant 0 : i32
      %add3A_19 = arith.addi %add3A_18, %mul3A_17 : i32
      %mul3A_20 = arith.constant 128 : i32
      %mul3A_21 = arith.muli %add3A_19, %mul3A_20 : i32
      %add3A_22 = arith.addi %mul3A_9, %mul3A_21 : i32
      "tpu.region"() ({
        %run_scoped3A = tpu.sem_alloc : memref<!tpu.dma_semaphore, #tpu.memory_space<semaphore_mem>>
        %dma_start3A = tpu.memref_slice %arg2[%add3A_22] : memref<327680xi32, #tpu.memory_space<hbm>> -> memref<128xi32, #tpu.memory_space<hbm>>
        %dma_start3A_38 = tpu.memref_slice %arg2[%add3A_22] : memref<327680xi32, #tpu.memory_space<hbm>> -> memref<128xi32, #tpu.memory_space<hbm>>
        tpu.enqueue_dma source(%dma_start3A_38 : memref<128xi32, #tpu.memory_space<hbm>>) target(%arg5 : memref<128xi32, #tpu.memory_space<vmem>>) target_semaphore(%run_scoped3A : memref<!tpu.dma_semaphore, #tpu.memory_space<semaphore_mem>>)
        %dma_wait3A = tpu.memref_slice %arg2[%add3A_22] : memref<327680xi32, #tpu.memory_space<hbm>> -> memref<128xi32, #tpu.memory_space<hbm>>
        %dma_wait3A_39 = tpu.memref_slice %arg2[%add3A_22] : memref<327680xi32, #tpu.memory_space<hbm>> -> memref<128xi32, #tpu.memory_space<hbm>>
        tpu.wait_dma2 semaphore(%run_scoped3A : memref<!tpu.dma_semaphore, #tpu.memory_space<semaphore_mem>>) src(%dma_wait3A_39 : memref<128xi32, #tpu.memory_space<hbm>>) dst(%arg5 : memref<128xi32, #tpu.memory_space<vmem>>)
        tpu.yield
      }) : () -> ()
      %get3A = arith.constant 0 : index
      %get3A_23 = tpu.vector_load %arg5[%get3A] {strides = array<i32>} : memref<128xi32, #tpu.memory_space<vmem>>, vector<16xi32>,
      tpu.vector_store_idx %arg4[%get3A_23], %broadcast_in_dim3A_7 {add = true} : memref<10368xf32, #tpu.memory_space<vmem>>[vector<16xi32>], vector<16xf32>,
      %get3A_24 = arith.constant 16 : index
      %get3A_25 = tpu.vector_load %arg5[%get3A_24] {strides = array<i32>} : memref<128xi32, #tpu.memory_space<vmem>>, vector<16xi32>,
      tpu.vector_store_idx %arg4[%get3A_25], %broadcast_in_dim3A_7 {add = true} : memref<10368xf32, #tpu.memory_space<vmem>>[vector<16xi32>], vector<16xf32>,
      %get3A_26 = arith.constant 32 : index
      %get3A_27 = tpu.vector_load %arg5[%get3A_26] {strides = array<i32>} : memref<128xi32, #tpu.memory_space<vmem>>, vector<16xi32>,
      tpu.vector_store_idx %arg4[%get3A_27], %broadcast_in_dim3A_7 {add = true} : memref<10368xf32, #tpu.memory_space<vmem>>[vector<16xi32>], vector<16xf32>,
      %get3A_28 = arith.constant 48 : index
      %get3A_29 = tpu.vector_load %arg5[%get3A_28] {strides = array<i32>} : memref<128xi32, #tpu.memory_space<vmem>>, vector<16xi32>,
      tpu.vector_store_idx %arg4[%get3A_29], %broadcast_in_dim3A_7 {add = true} : memref<10368xf32, #tpu.memory_space<vmem>>[vector<16xi32>], vector<16xf32>,
      %get3A_30 = arith.constant 64 : index
      %get3A_31 = tpu.vector_load %arg5[%get3A_30] {strides = array<i32>} : memref<128xi32, #tpu.memory_space<vmem>>, vector<16xi32>,
      tpu.vector_store_idx %arg4[%get3A_31], %broadcast_in_dim3A_7 {add = true} : memref<10368xf32, #tpu.memory_space<vmem>>[vector<16xi32>], vector<16xf32>,
      %get3A_32 = arith.constant 80 : index
      %get3A_33 = tpu.vector_load %arg5[%get3A_32] {strides = array<i32>} : memref<128xi32, #tpu.memory_space<vmem>>, vector<16xi32>,
      tpu.vector_store_idx %arg4[%get3A_33], %broadcast_in_dim3A_7 {add = true} : memref<10368xf32, #tpu.memory_space<vmem>>[vector<16xi32>], vector<16xf32>,
      %get3A_34 = arith.constant 96 : index
      %get3A_35 = tpu.vector_load %arg5[%get3A_34] {strides = array<i32>} : memref<128xi32, #tpu.memory_space<vmem>>, vector<16xi32>,
      tpu.vector_store_idx %arg4[%get3A_35], %broadcast_in_dim3A_7 {add = true} : memref<10368xf32, #tpu.memory_space<vmem>>[vector<16xi32>], vector<16xf32>,
      %get3A_36 = arith.constant 112 : index
      %get3A_37 = tpu.vector_load %arg5[%get3A_36] {strides = array<i32>} : memref<128xi32, #tpu.memory_space<vmem>>, vector<16xi32>,
      tpu.vector_store_idx %arg4[%get3A_37], %broadcast_in_dim3A_7 {add = true} : memref<10368xf32, #tpu.memory_space<vmem>>[vector<16xi32>], vector<16xf32>,
    }
    %scan3A_14 = arith.constant 80 : i32
    "tpu.region"() ({
      %run_scoped3A = tpu.sem_alloc : memref<!tpu.dma_semaphore, #tpu.memory_space<semaphore_mem>>
      %dma_start3A = arith.constant 0 : i32
      %dma_start3A_15 = tpu.memref_slice %arg3[%add3A, %dma_start3A] : memref<32x10368xf32, #tpu.memory_space<hbm>> -> memref<1x10368xf32, #tpu.memory_space<hbm>>
      %dma_start3A_16 = tpu.memref_squeeze %dma_start3A_15 : memref<1x10368xf32, #tpu.memory_space<hbm>> -> memref<10368xf32, #tpu.memory_space<hbm>>
      %dma_start3A_17 = arith.constant 0 : i32
      %dma_start3A_18 = tpu.memref_slice %arg3[%add3A, %dma_start3A_17] : memref<32x10368xf32, #tpu.memory_space<hbm>> -> memref<1x10368xf32, #tpu.memory_space<hbm>>
      %dma_start3A_19 = tpu.memref_squeeze %dma_start3A_18 : memref<1x10368xf32, #tpu.memory_space<hbm>> -> memref<10368xf32, #tpu.memory_space<hbm>>
      tpu.enqueue_dma source(%arg4 : memref<10368xf32, #tpu.memory_space<vmem>>) target(%dma_start3A_19 : memref<10368xf32, #tpu.memory_space<hbm>>) target_semaphore(%run_scoped3A : memref<!tpu.dma_semaphore, #tpu.memory_space<semaphore_mem>>)
      %dma_wait3A = arith.constant 0 : i32
      %dma_wait3A_20 = tpu.memref_slice %arg3[%add3A, %dma_wait3A] : memref<32x10368xf32, #tpu.memory_space<hbm>> -> memref<1x10368xf32, #tpu.memory_space<hbm>>
      %dma_wait3A_21 = tpu.memref_squeeze %dma_wait3A_20 : memref<1x10368xf32, #tpu.memory_space<hbm>> -> memref<10368xf32, #tpu.memory_space<hbm>>
      %dma_wait3A_22 = arith.constant 0 : i32
      %dma_wait3A_23 = tpu.memref_slice %arg3[%add3A, %dma_wait3A_22] : memref<32x10368xf32, #tpu.memory_space<hbm>> -> memref<1x10368xf32, #tpu.memory_space<hbm>>
      %dma_wait3A_24 = tpu.memref_squeeze %dma_wait3A_23 : memref<1x10368xf32, #tpu.memory_space<hbm>> -> memref<10368xf32, #tpu.memory_space<hbm>>
      tpu.wait_dma2 semaphore(%run_scoped3A : memref<!tpu.dma_semaphore, #tpu.memory_space<semaphore_mem>>) src(%arg4 : memref<10368xf32, #tpu.memory_space<vmem>>) dst(%dma_wait3A_24 : memref<10368xf32, #tpu.memory_space<hbm>>)
      tpu.yield
    }) : () -> ()
    return
  }
}

#map = affine_map<(d0, d1) -> (0, 0, 0)>
#map1 = affine_map<(d0, d1) -> (0, 0)>
module attributes {stable_mosaic.version = 14 : i64} {
  func.func @_k7_agg2(%arg0: i32, %arg1: i32, %arg2: memref<2x10240x128xf32, #tpu.memory_space<hbm>>, %arg3: memref<32x10240xi32, #tpu.memory_space<hbm>>, %arg4: memref<32x10240xi32, #tpu.memory_space<hbm>>, %arg5: memref<32x16xi32, #tpu.memory_space<hbm>>, %arg6: memref<16x128xf32, #tpu.memory_space<hbm>>, %arg7: memref<2x10240x128xf32, #tpu.memory_space<hbm>>, %arg8: memref<128xi32, #tpu.memory_space<vmem>>, %arg9: memref<128xi32, #tpu.memory_space<vmem>>, %arg10: memref<128xi32, #tpu.memory_space<vmem>>, %arg11: memref<128xi32, #tpu.memory_space<vmem>>, %arg12: memref<128x128xf32, #tpu.memory_space<vmem>>, %arg13: memref<128x128xf32, #tpu.memory_space<vmem>>, %arg14: memref<16x128xf32, #tpu.memory_space<vmem>>, %arg15: memref<16xi32, #tpu.memory_space<vmem>>, %arg16: memref<10368x128xf32, #tpu.memory_space<vmem_shared>>, %arg17: memref<!tpu.dma_semaphore, #tpu.memory_space<semaphore_mem>>, %arg18: memref<!tpu.dma_semaphore, #tpu.memory_space<semaphore_mem>>, %arg19: memref<!tpu.dma_semaphore, #tpu.memory_space<semaphore_mem>>, %arg20: memref<!tpu.dma_semaphore, #tpu.memory_space<semaphore_mem>>) attributes {dimension_semantics = [#tpu.dimension_semantics<core_parallel>, #tpu.dimension_semantics<subcore_parallel>], iteration_bounds = array<i64: 2, 16>, scalar_prefetch = 0 : i64, scratch_operands = 13 : i64, tpu.core_type = #tpu.core_type<sc_vector_subcore>, window_params = [{transform_indices = #map}, {transform_indices = #map1}, {transform_indices = #map1}, {transform_indices = #map1}, {transform_indices = #map1}, {transform_indices = #map}]} {
    "tpu.region"() ({
      %run_scoped3A = tpu.sem_alloc : memref<!tpu.dma_semaphore, #tpu.memory_space<semaphore_mem>>
      tpu.enqueue_dma source(%arg6 : memref<16x128xf32, #tpu.memory_space<hbm>>) target(%arg14 : memref<16x128xf32, #tpu.memory_space<vmem>>) target_semaphore(%run_scoped3A : memref<!tpu.dma_semaphore, #tpu.memory_space<semaphore_mem>>)
      tpu.wait_dma2 semaphore(%run_scoped3A : memref<!tpu.dma_semaphore, #tpu.memory_space<semaphore_mem>>) src(%arg6 : memref<16x128xf32, #tpu.memory_space<hbm>>) dst(%arg14 : memref<16x128xf32, #tpu.memory_space<vmem>>)
      tpu.yield
    }) : () -> ()
    %sub3A = arith.constant 648 : i32
    %sub3A_0 = arith.subi %sub3A, %arg1 : i32
    %sub3A_1 = arith.constant 16 : i32
    %sub3A_2 = arith.constant 1 : i32
    %sub3A_3 = arith.subi %sub3A_1, %sub3A_2 : i32
    %add3A = arith.addi %sub3A_0, %sub3A_3 : i32
    %div3A = arith.constant 16 : i32
    %div3A_4 = arith.divsi %add3A, %div3A : i32
    %while3A = arith.constant 16 : i32
    %while3A_5 = arith.constant 0 : i32
    %while3A_6 = arith.subi %div3A_4, %while3A_5 : i32
    %while3A_7 = arith.addi %while3A_5, %while3A_6 : i32
    %while3A_8 = arith.constant 1 : i32
    %while3A_9 = arith.divsi %while3A_6, %while3A_8 : i32
    %while3A_10 = arith.muli %while3A_9, %while3A_8 : i32
    %while3A_11 = arith.addi %while3A_5, %while3A_10 : i32
    %while3A_12 = arith.constant 1 : i32
    scf.for %while3A_86 = %while3A_5 to %while3A_11 step %while3A_12  : i32 {
      %mul3A_87 = arith.muli %while3A_86, %while3A : i32
      %add3A_88 = arith.addi %arg1, %mul3A_87 : i32
      %mul3A_89 = arith.constant 16 : i32
      %mul3A_90 = arith.muli %add3A_88, %mul3A_89 : i32
      "tpu.region"() ({
        %run_scoped3A = tpu.sem_alloc : memref<!tpu.dma_semaphore, #tpu.memory_space<semaphore_mem>>
        %dma_start3A = arith.constant 0 : i32
        %dma_start3A_91 = tpu.memref_slice %arg16[%mul3A_90, %dma_start3A] : memref<10368x128xf32, #tpu.memory_space<vmem_shared>> -> memref<16x128xf32, #tpu.memory_space<vmem_shared>>
        %dma_start3A_92 = arith.constant 0 : i32
        %dma_start3A_93 = tpu.memref_slice %arg16[%mul3A_90, %dma_start3A_92] : memref<10368x128xf32, #tpu.memory_space<vmem_shared>> -> memref<16x128xf32, #tpu.memory_space<vmem_shared>>
        tpu.enqueue_dma source(%arg14 : memref<16x128xf32, #tpu.memory_space<vmem>>) target(%dma_start3A_93 : memref<16x128xf32, #tpu.memory_space<vmem_shared>>) target_semaphore(%run_scoped3A : memref<!tpu.dma_semaphore, #tpu.memory_space<semaphore_mem>>)
        %dma_wait3A = arith.constant 0 : i32
        %dma_wait3A_94 = tpu.memref_slice %arg16[%mul3A_90, %dma_wait3A] : memref<10368x128xf32, #tpu.memory_space<vmem_shared>> -> memref<16x128xf32, #tpu.memory_space<vmem_shared>>
        %dma_wait3A_95 = arith.constant 0 : i32
        %dma_wait3A_96 = tpu.memref_slice %arg16[%mul3A_90, %dma_wait3A_95] : memref<10368x128xf32, #tpu.memory_space<vmem_shared>> -> memref<16x128xf32, #tpu.memory_space<vmem_shared>>
        tpu.wait_dma2 semaphore(%run_scoped3A : memref<!tpu.dma_semaphore, #tpu.memory_space<semaphore_mem>>) src(%arg14 : memref<16x128xf32, #tpu.memory_space<vmem>>) dst(%dma_wait3A_96 : memref<16x128xf32, #tpu.memory_space<vmem_shared>>)
        tpu.yield
      }) : () -> ()
    }
    %while3A_13 = arith.constant 1 : i32
    scf.for %while3A_86 = %while3A_11 to %while3A_7 step %while3A_13  : i32 {
      %mul3A_87 = arith.muli %while3A_86, %while3A : i32
      %add3A_88 = arith.addi %arg1, %mul3A_87 : i32
      %mul3A_89 = arith.constant 16 : i32
      %mul3A_90 = arith.muli %add3A_88, %mul3A_89 : i32
      "tpu.region"() ({
        %run_scoped3A = tpu.sem_alloc : memref<!tpu.dma_semaphore, #tpu.memory_space<semaphore_mem>>
        %dma_start3A = arith.constant 0 : i32
        %dma_start3A_91 = tpu.memref_slice %arg16[%mul3A_90, %dma_start3A] : memref<10368x128xf32, #tpu.memory_space<vmem_shared>> -> memref<16x128xf32, #tpu.memory_space<vmem_shared>>
        %dma_start3A_92 = arith.constant 0 : i32
        %dma_start3A_93 = tpu.memref_slice %arg16[%mul3A_90, %dma_start3A_92] : memref<10368x128xf32, #tpu.memory_space<vmem_shared>> -> memref<16x128xf32, #tpu.memory_space<vmem_shared>>
        tpu.enqueue_dma source(%arg14 : memref<16x128xf32, #tpu.memory_space<vmem>>) target(%dma_start3A_93 : memref<16x128xf32, #tpu.memory_space<vmem_shared>>) target_semaphore(%run_scoped3A : memref<!tpu.dma_semaphore, #tpu.memory_space<semaphore_mem>>)
        %dma_wait3A = arith.constant 0 : i32
        %dma_wait3A_94 = tpu.memref_slice %arg16[%mul3A_90, %dma_wait3A] : memref<10368x128xf32, #tpu.memory_space<vmem_shared>> -> memref<16x128xf32, #tpu.memory_space<vmem_shared>>
        %dma_wait3A_95 = arith.constant 0 : i32
        %dma_wait3A_96 = tpu.memref_slice %arg16[%mul3A_90, %dma_wait3A_95] : memref<10368x128xf32, #tpu.memory_space<vmem_shared>> -> memref<16x128xf32, #tpu.memory_space<vmem_shared>>
        tpu.wait_dma2 semaphore(%run_scoped3A : memref<!tpu.dma_semaphore, #tpu.memory_space<semaphore_mem>>) src(%arg14 : memref<16x128xf32, #tpu.memory_space<vmem>>) dst(%dma_wait3A_96 : memref<16x128xf32, #tpu.memory_space<vmem_shared>>)
        tpu.yield
      }) : () -> ()
    }
    %barrier3A = arith.constant 0 : index
    tpu.barrier barrier_id(%barrier3A)
    %mul3A = arith.constant 2 : i32
    %mul3A_14 = arith.muli %arg1, %mul3A : i32
    %add3A_15 = arith.constant 0 : i32
    %add3A_16 = arith.addi %mul3A_14, %add3A_15 : i32
    "tpu.region"() ({
      %run_scoped3A = tpu.sem_alloc : memref<!tpu.dma_semaphore, #tpu.memory_space<semaphore_mem>>
      %dma_start3A = arith.constant 0 : i32
      %dma_start3A_86 = tpu.memref_slice %arg5[%add3A_16, %dma_start3A] : memref<32x16xi32, #tpu.memory_space<hbm>> -> memref<1x16xi32, #tpu.memory_space<hbm>>
      %dma_start3A_87 = tpu.memref_squeeze %dma_start3A_86 : memref<1x16xi32, #tpu.memory_space<hbm>> -> memref<16xi32, #tpu.memory_space<hbm>>
      %dma_start3A_88 = arith.constant 0 : i32
      %dma_start3A_89 = tpu.memref_slice %arg5[%add3A_16, %dma_start3A_88] : memref<32x16xi32, #tpu.memory_space<hbm>> -> memref<1x16xi32, #tpu.memory_space<hbm>>
      %dma_start3A_90 = tpu.memref_squeeze %dma_start3A_89 : memref<1x16xi32, #tpu.memory_space<hbm>> -> memref<16xi32, #tpu.memory_space<hbm>>
      tpu.enqueue_dma source(%dma_start3A_90 : memref<16xi32, #tpu.memory_space<hbm>>) target(%arg15 : memref<16xi32, #tpu.memory_space<vmem>>) target_semaphore(%run_scoped3A : memref<!tpu.dma_semaphore, #tpu.memory_space<semaphore_mem>>)
      %dma_wait3A = arith.constant 0 : i32
      %dma_wait3A_91 = tpu.memref_slice %arg5[%add3A_16, %dma_wait3A] : memref<32x16xi32, #tpu.memory_space<hbm>> -> memref<1x16xi32, #tpu.memory_space<hbm>>
      %dma_wait3A_92 = tpu.memref_squeeze %dma_wait3A_91 : memref<1x16xi32, #tpu.memory_space<hbm>> -> memref<16xi32, #tpu.memory_space<hbm>>
      %dma_wait3A_93 = arith.constant 0 : i32
      %dma_wait3A_94 = tpu.memref_slice %arg5[%add3A_16, %dma_wait3A_93] : memref<32x16xi32, #tpu.memory_space<hbm>> -> memref<1x16xi32, #tpu.memory_space<hbm>>
      %dma_wait3A_95 = tpu.memref_squeeze %dma_wait3A_94 : memref<1x16xi32, #tpu.memory_space<hbm>> -> memref<16xi32, #tpu.memory_space<hbm>>
      tpu.wait_dma2 semaphore(%run_scoped3A : memref<!tpu.dma_semaphore, #tpu.memory_space<semaphore_mem>>) src(%dma_wait3A_95 : memref<16xi32, #tpu.memory_space<hbm>>) dst(%arg15 : memref<16xi32, #tpu.memory_space<vmem>>)
      tpu.yield
    }) : () -> ()
    %get3A = arith.constant 0 : index
    %get3A_17 = tpu.vector_load %arg15[%get3A] {strides = array<i32>} : memref<16xi32, #tpu.memory_space<vmem>>, vector<16xi32>,
    %get3A_18 = vector.shape_cast %get3A_17 : vector<16xi32> to vector<16xi32>
    %slice3A = vector.extract_strided_slice %get3A_18 {offsets = [0], sizes = [1], strides = [1]} : vector<16xi32> to vector<1xi32>
    %squeeze3A = vector.extract %slice3A[0] : i32 from vector<1xi32>
    %add3A_19 = arith.constant 255 : i32
    %add3A_20 = arith.addi %squeeze3A, %add3A_19 : i32
    %jit3A = arith.constant 256 : i32
    %div3A_21 = arith.divsi %add3A_20, %jit3A : i32
    %sign3A = arith.constant 0 : i32
    %sign3A_22 = arith.cmpi sgt, %add3A_20, %sign3A : i32
    %sign3A_23 = arith.extui %sign3A_22 : i1 to i32
    %sign3A_24 = arith.constant 0 : i32
    %sign3A_25 = arith.cmpi slt, %add3A_20, %sign3A_24 : i32
    %sign3A_26 = arith.extui %sign3A_25 : i1 to i32
    %sign3A_27 = arith.subi %sign3A_23, %sign3A_26 : i32
    %sign3A_28 = arith.constant 0 : i32
    %sign3A_29 = arith.cmpi sgt, %jit3A, %sign3A_28 : i32
    %sign3A_30 = arith.extui %sign3A_29 : i1 to i32
    %sign3A_31 = arith.constant 0 : i32
    %sign3A_32 = arith.cmpi slt, %jit3A, %sign3A_31 : i32
    %sign3A_33 = arith.extui %sign3A_32 : i1 to i32
    %sign3A_34 = arith.subi %sign3A_30, %sign3A_33 : i32
    %ne3A = arith.cmpi ne, %sign3A_27, %sign3A_34 : i32
    %rem3A = arith.remsi %add3A_20, %jit3A : i32
    %ne3A_35 = arith.constant 0 : i32
    %ne3A_36 = arith.cmpi ne, %rem3A, %ne3A_35 : i32
    %and3A = arith.andi %ne3A, %ne3A_36 : i1
    %sub3A_37 = arith.constant 1 : i32
    %sub3A_38 = arith.subi %div3A_21, %sub3A_37 : i32
    %select_n3A = arith.select %and3A, %sub3A_38, %div3A_21 : i32
    %gt3A = arith.constant 0 : i32
    %gt3A_39 = arith.cmpi sgt, %select_n3A, %gt3A : i32
    %convert_element_type3A = arith.extui %gt3A_39 : i1 to i32
    %cond3A = arith.constant 0 : i32
    %cond3A_40 = arith.cmpi ne, %convert_element_type3A, %cond3A : i32
    scf.if %cond3A_40 {
      "tpu.region"() ({
        %run_scoped3A = tpu.sem_alloc : memref<!tpu.dma_semaphore, #tpu.memory_space<semaphore_mem>>
        %dma_start3A_116 = arith.constant 0 : i32
        %dma_start3A_117 = tpu.memref_slice %arg3[%add3A_16, %dma_start3A_116] : memref<32x10240xi32, #tpu.memory_space<hbm>> -> memref<1x128xi32, #tpu.memory_space<hbm>>
        %dma_start3A_118 = tpu.memref_squeeze %dma_start3A_117 : memref<1x128xi32, #tpu.memory_space<hbm>> -> memref<128xi32, #tpu.memory_space<hbm>>
        %dma_start3A_119 = arith.constant 0 : i32
        %dma_start3A_120 = tpu.memref_slice %arg3[%add3A_16, %dma_start3A_119] : memref<32x10240xi32, #tpu.memory_space<hbm>> -> memref<1x128xi32, #tpu.memory_space<hbm>>
        %dma_start3A_121 = tpu.memref_squeeze %dma_start3A_120 : memref<1x128xi32, #tpu.memory_space<hbm>> -> memref<128xi32, #tpu.memory_space<hbm>>
        tpu.enqueue_dma source(%dma_start3A_121 : memref<128xi32, #tpu.memory_space<hbm>>) target(%arg8 : memref<128xi32, #tpu.memory_space<vmem>>) target_semaphore(%run_scoped3A : memref<!tpu.dma_semaphore, #tpu.memory_space<semaphore_mem>>)
        %dma_wait3A_122 = arith.constant 0 : i32
        %dma_wait3A_123 = tpu.memref_slice %arg3[%add3A_16, %dma_wait3A_122] : memref<32x10240xi32, #tpu.memory_space<hbm>> -> memref<1x128xi32, #tpu.memory_space<hbm>>
        %dma_wait3A_124 = tpu.memref_squeeze %dma_wait3A_123 : memref<1x128xi32, #tpu.memory_space<hbm>> -> memref<128xi32, #tpu.memory_space<hbm>>
        %dma_wait3A_125 = arith.constant 0 : i32
        %dma_wait3A_126 = tpu.memref_slice %arg3[%add3A_16, %dma_wait3A_125] : memref<32x10240xi32, #tpu.memory_space<hbm>> -> memref<1x128xi32, #tpu.memory_space<hbm>>
        %dma_wait3A_127 = tpu.memref_squeeze %dma_wait3A_126 : memref<1x128xi32, #tpu.memory_space<hbm>> -> memref<128xi32, #tpu.memory_space<hbm>>
        tpu.wait_dma2 semaphore(%run_scoped3A : memref<!tpu.dma_semaphore, #tpu.memory_space<semaphore_mem>>) src(%dma_wait3A_127 : memref<128xi32, #tpu.memory_space<hbm>>) dst(%arg8 : memref<128xi32, #tpu.memory_space<vmem>>)
        tpu.yield
      }) : () -> ()
      "tpu.region"() ({
        %run_scoped3A = tpu.sem_alloc : memref<!tpu.dma_semaphore, #tpu.memory_space<semaphore_mem>>
        %dma_start3A_116 = arith.constant 0 : i32
        %dma_start3A_117 = tpu.memref_slice %arg4[%add3A_16, %dma_start3A_116] : memref<32x10240xi32, #tpu.memory_space<hbm>> -> memref<1x128xi32, #tpu.memory_space<hbm>>
        %dma_start3A_118 = tpu.memref_squeeze %dma_start3A_117 : memref<1x128xi32, #tpu.memory_space<hbm>> -> memref<128xi32, #tpu.memory_space<hbm>>
        %dma_start3A_119 = arith.constant 0 : i32
        %dma_start3A_120 = tpu.memref_slice %arg4[%add3A_16, %dma_start3A_119] : memref<32x10240xi32, #tpu.memory_space<hbm>> -> memref<1x128xi32, #tpu.memory_space<hbm>>
        %dma_start3A_121 = tpu.memref_squeeze %dma_start3A_120 : memref<1x128xi32, #tpu.memory_space<hbm>> -> memref<128xi32, #tpu.memory_space<hbm>>
        tpu.enqueue_dma source(%dma_start3A_121 : memref<128xi32, #tpu.memory_space<hbm>>) target(%arg10 : memref<128xi32, #tpu.memory_space<vmem>>) target_semaphore(%run_scoped3A : memref<!tpu.dma_semaphore, #tpu.memory_space<semaphore_mem>>)
        %dma_wait3A_122 = arith.constant 0 : i32
        %dma_wait3A_123 = tpu.memref_slice %arg4[%add3A_16, %dma_wait3A_122] : memref<32x10240xi32, #tpu.memory_space<hbm>> -> memref<1x128xi32, #tpu.memory_space<hbm>>
        %dma_wait3A_124 = tpu.memref_squeeze %dma_wait3A_123 : memref<1x128xi32, #tpu.memory_space<hbm>> -> memref<128xi32, #tpu.memory_space<hbm>>
        %dma_wait3A_125 = arith.constant 0 : i32
        %dma_wait3A_126 = tpu.memref_slice %arg4[%add3A_16, %dma_wait3A_125] : memref<32x10240xi32, #tpu.memory_space<hbm>> -> memref<1x128xi32, #tpu.memory_space<hbm>>
        %dma_wait3A_127 = tpu.memref_squeeze %dma_wait3A_126 : memref<1x128xi32, #tpu.memory_space<hbm>> -> memref<128xi32, #tpu.memory_space<hbm>>
        tpu.wait_dma2 semaphore(%run_scoped3A : memref<!tpu.dma_semaphore, #tpu.memory_space<semaphore_mem>>) src(%dma_wait3A_127 : memref<128xi32, #tpu.memory_space<hbm>>) dst(%arg10 : memref<128xi32, #tpu.memory_space<vmem>>)
        tpu.yield
      }) : () -> ()
      %dma_start3A = arith.constant 0 : i32
      %dma_start3A_86 = arith.constant 0 : i32
      %dma_start3A_87 = tpu.memref_slice %arg2[%arg0, %dma_start3A, %dma_start3A_86] : memref<2x10240x128xf32, #tpu.memory_space<hbm>> -> memref<1x10240x128xf32, #tpu.memory_space<hbm>>
      %dma_start3A_88 = tpu.memref_squeeze %dma_start3A_87 : memref<1x10240x128xf32, #tpu.memory_space<hbm>> -> memref<10240x128xf32, #tpu.memory_space<hbm>>
      %dma_start3A_89 = arith.constant 0 : i32
      %dma_start3A_90 = arith.constant 0 : i32
      %dma_start3A_91 = tpu.memref_slice %dma_start3A_88[%dma_start3A_89, %dma_start3A_90] : memref<10240x128xf32, #tpu.memory_space<hbm>> -> memref<10240x128xf32, #tpu.memory_space<hbm>>
      tpu.enqueue_indirect_dma source(%dma_start3A_91 : memref<10240x128xf32, #tpu.memory_space<hbm>>) target(%arg12 : memref<128x128xf32, #tpu.memory_space<vmem>>) offsets(%arg8 : memref<128xi32, #tpu.memory_space<vmem>>) semaphore(%arg17 : memref<!tpu.dma_semaphore, #tpu.memory_space<semaphore_mem>>)
      %sub3A_92 = arith.constant 0 : i32
      %sub3A_93 = arith.subi %select_n3A, %sub3A_92 : i32
      %sub3A_94 = arith.constant 1 : i32
      %sub3A_95 = arith.constant 1 : i32
      %sub3A_96 = arith.subi %sub3A_94, %sub3A_95 : i32
      %add3A_97 = arith.addi %sub3A_93, %sub3A_96 : i32
      %div3A_98 = arith.constant 1 : i32
      %div3A_99 = arith.divsi %add3A_97, %div3A_98 : i32
      %while3A_100 = arith.constant 1 : i32
      %while3A_101 = arith.constant 0 : i32
      %while3A_102 = arith.constant 0 : i32
      %while3A_103 = arith.subi %div3A_99, %while3A_102 : i32
      %while3A_104 = arith.addi %while3A_102, %while3A_103 : i32
      %while3A_105 = arith.constant 1 : i32
      %while3A_106 = arith.divsi %while3A_103, %while3A_105 : i32
      %while3A_107 = arith.muli %while3A_106, %while3A_105 : i32
      %while3A_108 = arith.addi %while3A_102, %while3A_107 : i32
      %while3A_109 = arith.constant 1 : i32
      scf.for %while3A_116 = %while3A_102 to %while3A_108 step %while3A_109  : i32 {
        %mul3A_117 = arith.muli %while3A_116, %while3A_100 : i32
        %add3A_118 = arith.addi %while3A_101, %mul3A_117 : i32
        %mul3A_119 = arith.constant 2 : i32
        %mul3A_120 = arith.muli %add3A_118, %mul3A_119 : i32
        %add3A_121 = arith.constant 0 : i32
        %add3A_122 = arith.addi %mul3A_120, %add3A_121 : i32
        %add3A_123 = arith.constant 1 : i32
        %add3A_124 = arith.addi %add3A_122, %add3A_123 : i32
        %mul3A_125 = arith.constant 2 : i32
        %mul3A_126 = arith.muli %select_n3A, %mul3A_125 : i32
        %lt3A = arith.cmpi slt, %add3A_124, %mul3A_126 : i32
        %convert_element_type3A_127 = arith.extui %lt3A : i1 to i32
        %cond3A_128 = arith.constant 0 : i32
        %cond3A_129 = arith.cmpi ne, %convert_element_type3A_127, %cond3A_128 : i32
        scf.if %cond3A_129 {
          %add3A_162 = arith.constant 1 : i32
          %add3A_163 = arith.addi %add3A_122, %add3A_162 : i32
          %ge3A = arith.constant 2 : i32
          %ge3A_164 = arith.cmpi sge, %add3A_163, %ge3A : i32
          %convert_element_type3A_165 = arith.extui %ge3A_164 : i1 to i32
          %cond3A_166 = arith.constant 0 : i32
          %cond3A_167 = arith.cmpi ne, %convert_element_type3A_165, %cond3A_166 : i32
          scf.if %cond3A_167 {
            %dma_wait3A_179 = arith.constant 0 : i32
            %dma_wait3A_180 = arith.constant 0 : i32
            %dma_wait3A_181 = tpu.memref_slice %arg16[%dma_wait3A_179, %dma_wait3A_180] : memref<10368x128xf32, #tpu.memory_space<vmem_shared>> -> memref<10368x128xf32, #tpu.memory_space<vmem_shared>>
            tpu.wait_indirect_dma semaphore(%arg20 : memref<!tpu.dma_semaphore, #tpu.memory_space<semaphore_mem>>) src(%arg13 : memref<128x128xf32, #tpu.memory_space<vmem>>) dst(%dma_wait3A_181 : memref<10368x128xf32, #tpu.memory_space<vmem_shared>>)
          } else {
          }
          %add3A_168 = arith.constant 1 : i32
          %add3A_169 = arith.addi %add3A_122, %add3A_168 : i32
          %mul3A_170 = arith.constant 128 : i32
          %mul3A_171 = arith.muli %add3A_169, %mul3A_170 : i32
          "tpu.region"() ({
            %run_scoped3A = tpu.sem_alloc : memref<!tpu.dma_semaphore, #tpu.memory_space<semaphore_mem>>
            %dma_start3A_179 = tpu.memref_slice %arg3[%add3A_16, %mul3A_171] : memref<32x10240xi32, #tpu.memory_space<hbm>> -> memref<1x128xi32, #tpu.memory_space<hbm>>
            %dma_start3A_180 = tpu.memref_squeeze %dma_start3A_179 : memref<1x128xi32, #tpu.memory_space<hbm>> -> memref<128xi32, #tpu.memory_space<hbm>>
            %dma_start3A_181 = tpu.memref_slice %arg3[%add3A_16, %mul3A_171] : memref<32x10240xi32, #tpu.memory_space<hbm>> -> memref<1x128xi32, #tpu.memory_space<hbm>>
            %dma_start3A_182 = tpu.memref_squeeze %dma_start3A_181 : memref<1x128xi32, #tpu.memory_space<hbm>> -> memref<128xi32, #tpu.memory_space<hbm>>
            tpu.enqueue_dma source(%dma_start3A_182 : memref<128xi32, #tpu.memory_space<hbm>>) target(%arg9 : memref<128xi32, #tpu.memory_space<vmem>>) target_semaphore(%run_scoped3A : memref<!tpu.dma_semaphore, #tpu.memory_space<semaphore_mem>>)
            %dma_wait3A_183 = tpu.memref_slice %arg3[%add3A_16, %mul3A_171] : memref<32x10240xi32, #tpu.memory_space<hbm>> -> memref<1x128xi32, #tpu.memory_space<hbm>>
            %dma_wait3A_184 = tpu.memref_squeeze %dma_wait3A_183 : memref<1x128xi32, #tpu.memory_space<hbm>> -> memref<128xi32, #tpu.memory_space<hbm>>
            %dma_wait3A_185 = tpu.memref_slice %arg3[%add3A_16, %mul3A_171] : memref<32x10240xi32, #tpu.memory_space<hbm>> -> memref<1x128xi32, #tpu.memory_space<hbm>>
            %dma_wait3A_186 = tpu.memref_squeeze %dma_wait3A_185 : memref<1x128xi32, #tpu.memory_space<hbm>> -> memref<128xi32, #tpu.memory_space<hbm>>
            tpu.wait_dma2 semaphore(%run_scoped3A : memref<!tpu.dma_semaphore, #tpu.memory_space<semaphore_mem>>) src(%dma_wait3A_186 : memref<128xi32, #tpu.memory_space<hbm>>) dst(%arg9 : memref<128xi32, #tpu.memory_space<vmem>>)
            tpu.yield
          }) : () -> ()
          "tpu.region"() ({
            %run_scoped3A = tpu.sem_alloc : memref<!tpu.dma_semaphore, #tpu.memory_space<semaphore_mem>>
            %dma_start3A_179 = tpu.memref_slice %arg4[%add3A_16, %mul3A_171] : memref<32x10240xi32, #tpu.memory_space<hbm>> -> memref<1x128xi32, #tpu.memory_space<hbm>>
            %dma_start3A_180 = tpu.memref_squeeze %dma_start3A_179 : memref<1x128xi32, #tpu.memory_space<hbm>> -> memref<128xi32, #tpu.memory_space<hbm>>
            %dma_start3A_181 = tpu.memref_slice %arg4[%add3A_16, %mul3A_171] : memref<32x10240xi32, #tpu.memory_space<hbm>> -> memref<1x128xi32, #tpu.memory_space<hbm>>
            %dma_start3A_182 = tpu.memref_squeeze %dma_start3A_181 : memref<1x128xi32, #tpu.memory_space<hbm>> -> memref<128xi32, #tpu.memory_space<hbm>>
            tpu.enqueue_dma source(%dma_start3A_182 : memref<128xi32, #tpu.memory_space<hbm>>) target(%arg11 : memref<128xi32, #tpu.memory_space<vmem>>) target_semaphore(%run_scoped3A : memref<!tpu.dma_semaphore, #tpu.memory_space<semaphore_mem>>)
            %dma_wait3A_183 = tpu.memref_slice %arg4[%add3A_16, %mul3A_171] : memref<32x10240xi32, #tpu.memory_space<hbm>> -> memref<1x128xi32, #tpu.memory_space<hbm>>
            %dma_wait3A_184 = tpu.memref_squeeze %dma_wait3A_183 : memref<1x128xi32, #tpu.memory_space<hbm>> -> memref<128xi32, #tpu.memory_space<hbm>>
            %dma_wait3A_185 = tpu.memref_slice %arg4[%add3A_16, %mul3A_171] : memref<32x10240xi32, #tpu.memory_space<hbm>> -> memref<1x128xi32, #tpu.memory_space<hbm>>
            %dma_wait3A_186 = tpu.memref_squeeze %dma_wait3A_185 : memref<1x128xi32, #tpu.memory_space<hbm>> -> memref<128xi32, #tpu.memory_space<hbm>>
            tpu.wait_dma2 semaphore(%run_scoped3A : memref<!tpu.dma_semaphore, #tpu.memory_space<semaphore_mem>>) src(%dma_wait3A_186 : memref<128xi32, #tpu.memory_space<hbm>>) dst(%arg11 : memref<128xi32, #tpu.memory_space<vmem>>)
            tpu.yield
          }) : () -> ()
          %dma_start3A_172 = arith.constant 0 : i32
          %dma_start3A_173 = arith.constant 0 : i32
          %dma_start3A_174 = tpu.memref_slice %arg2[%arg0, %dma_start3A_172, %dma_start3A_173] : memref<2x10240x128xf32, #tpu.memory_space<hbm>> -> memref<1x10240x128xf32, #tpu.memory_space<hbm>>
          %dma_start3A_175 = tpu.memref_squeeze %dma_start3A_174 : memref<1x10240x128xf32, #tpu.memory_space<hbm>> -> memref<10240x128xf32, #tpu.memory_space<hbm>>
          %dma_start3A_176 = arith.constant 0 : i32
          %dma_start3A_177 = arith.constant 0 : i32
          %dma_start3A_178 = tpu.memref_slice %dma_start3A_175[%dma_start3A_176, %dma_start3A_177] : memref<10240x128xf32, #tpu.memory_space<hbm>> -> memref<10240x128xf32, #tpu.memory_space<hbm>>
          tpu.enqueue_indirect_dma source(%dma_start3A_178 : memref<10240x128xf32, #tpu.memory_space<hbm>>) target(%arg13 : memref<128x128xf32, #tpu.memory_space<vmem>>) offsets(%arg9 : memref<128xi32, #tpu.memory_space<vmem>>) semaphore(%arg18 : memref<!tpu.dma_semaphore, #tpu.memory_space<semaphore_mem>>)
        } else {
        }
        %dma_wait3A_130 = arith.constant 0 : i32
        %dma_wait3A_131 = arith.constant 0 : i32
        %dma_wait3A_132 = tpu.memref_slice %arg2[%arg0, %dma_wait3A_130, %dma_wait3A_131] : memref<2x10240x128xf32, #tpu.memory_space<hbm>> -> memref<1x10240x128xf32, #tpu.memory_space<hbm>>
        %dma_wait3A_133 = tpu.memref_squeeze %dma_wait3A_132 : memref<1x10240x128xf32, #tpu.memory_space<hbm>> -> memref<10240x128xf32, #tpu.memory_space<hbm>>
        %dma_wait3A_134 = arith.constant 0 : i32
        %dma_wait3A_135 = arith.constant 0 : i32
        %dma_wait3A_136 = tpu.memref_slice %dma_wait3A_133[%dma_wait3A_134, %dma_wait3A_135] : memref<10240x128xf32, #tpu.memory_space<hbm>> -> memref<10240x128xf32, #tpu.memory_space<hbm>>
        tpu.wait_indirect_dma semaphore(%arg17 : memref<!tpu.dma_semaphore, #tpu.memory_space<semaphore_mem>>) src(%dma_wait3A_136 : memref<10240x128xf32, #tpu.memory_space<hbm>>) dst(%arg12 : memref<128x128xf32, #tpu.memory_space<vmem>>)
        %dma_start3A_137 = arith.constant 0 : i32
        %dma_start3A_138 = arith.constant 0 : i32
        %dma_start3A_139 = tpu.memref_slice %arg16[%dma_start3A_137, %dma_start3A_138] : memref<10368x128xf32, #tpu.memory_space<vmem_shared>> -> memref<10368x128xf32, #tpu.memory_space<vmem_shared>>
        tpu.enqueue_indirect_dma source(%arg12 : memref<128x128xf32, #tpu.memory_space<vmem>>) target(%dma_start3A_139 : memref<10368x128xf32, #tpu.memory_space<vmem_shared>>) offsets(%arg10 : memref<128xi32, #tpu.memory_space<vmem>>) semaphore(%arg19 : memref<!tpu.dma_semaphore, #tpu.memory_space<semaphore_mem>>) {add = true}
        %mul3A_140 = arith.constant 2 : i32
        %mul3A_141 = arith.muli %add3A_118, %mul3A_140 : i32
        %add3A_142 = arith.constant 1 : i32
        %add3A_143 = arith.addi %mul3A_141, %add3A_142 : i32
        %add3A_144 = arith.constant 1 : i32
        %add3A_145 = arith.addi %add3A_143, %add3A_144 : i32
        %mul3A_146 = arith.constant 2 : i32
        %mul3A_147 = arith.muli %select_n3A, %mul3A_146 : i32
        %lt3A_148 = arith.cmpi slt, %add3A_145, %mul3A_147 : i32
        %convert_element_type3A_149 = arith.extui %lt3A_148 : i1 to i32
        %cond3A_150 = arith.constant 0 : i32
        %cond3A_151 = arith.cmpi ne, %convert_element_type3A_149, %cond3A_150 : i32
        scf.if %cond3A_151 {
          %add3A_162 = arith.constant 1 : i32
          %add3A_163 = arith.addi %add3A_143, %add3A_162 : i32
          %ge3A = arith.constant 2 : i32
          %ge3A_164 = arith.cmpi sge, %add3A_163, %ge3A : i32
          %convert_element_type3A_165 = arith.extui %ge3A_164 : i1 to i32
          %cond3A_166 = arith.constant 0 : i32
          %cond3A_167 = arith.cmpi ne, %convert_element_type3A_165, %cond3A_166 : i32
          scf.if %cond3A_167 {
            %dma_wait3A_179 = arith.constant 0 : i32
            %dma_wait3A_180 = arith.constant 0 : i32
            %dma_wait3A_181 = tpu.memref_slice %arg16[%dma_wait3A_179, %dma_wait3A_180] : memref<10368x128xf32, #tpu.memory_space<vmem_shared>> -> memref<10368x128xf32, #tpu.memory_space<vmem_shared>>
            tpu.wait_indirect_dma semaphore(%arg19 : memref<!tpu.dma_semaphore, #tpu.memory_space<semaphore_mem>>) src(%arg12 : memref<128x128xf32, #tpu.memory_space<vmem>>) dst(%dma_wait3A_181 : memref<10368x128xf32, #tpu.memory_space<vmem_shared>>)
          } else {
          }
          %add3A_168 = arith.constant 1 : i32
          %add3A_169 = arith.addi %add3A_143, %add3A_168 : i32
          %mul3A_170 = arith.constant 128 : i32
          %mul3A_171 = arith.muli %add3A_169, %mul3A_170 : i32
          "tpu.region"() ({
            %run_scoped3A = tpu.sem_alloc : memref<!tpu.dma_semaphore, #tpu.memory_space<semaphore_mem>>
            %dma_start3A_179 = tpu.memref_slice %arg3[%add3A_16, %mul3A_171] : memref<32x10240xi32, #tpu.memory_space<hbm>> -> memref<1x128xi32, #tpu.memory_space<hbm>>
            %dma_start3A_180 = tpu.memref_squeeze %dma_start3A_179 : memref<1x128xi32, #tpu.memory_space<hbm>> -> memref<128xi32, #tpu.memory_space<hbm>>
            %dma_start3A_181 = tpu.memref_slice %arg3[%add3A_16, %mul3A_171] : memref<32x10240xi32, #tpu.memory_space<hbm>> -> memref<1x128xi32, #tpu.memory_space<hbm>>
            %dma_start3A_182 = tpu.memref_squeeze %dma_start3A_181 : memref<1x128xi32, #tpu.memory_space<hbm>> -> memref<128xi32, #tpu.memory_space<hbm>>
            tpu.enqueue_dma source(%dma_start3A_182 : memref<128xi32, #tpu.memory_space<hbm>>) target(%arg8 : memref<128xi32, #tpu.memory_space<vmem>>) target_semaphore(%run_scoped3A : memref<!tpu.dma_semaphore, #tpu.memory_space<semaphore_mem>>)
            %dma_wait3A_183 = tpu.memref_slice %arg3[%add3A_16, %mul3A_171] : memref<32x10240xi32, #tpu.memory_space<hbm>> -> memref<1x128xi32, #tpu.memory_space<hbm>>
            %dma_wait3A_184 = tpu.memref_squeeze %dma_wait3A_183 : memref<1x128xi32, #tpu.memory_space<hbm>> -> memref<128xi32, #tpu.memory_space<hbm>>
            %dma_wait3A_185 = tpu.memref_slice %arg3[%add3A_16, %mul3A_171] : memref<32x10240xi32, #tpu.memory_space<hbm>> -> memref<1x128xi32, #tpu.memory_space<hbm>>
            %dma_wait3A_186 = tpu.memref_squeeze %dma_wait3A_185 : memref<1x128xi32, #tpu.memory_space<hbm>> -> memref<128xi32, #tpu.memory_space<hbm>>
            tpu.wait_dma2 semaphore(%run_scoped3A : memref<!tpu.dma_semaphore, #tpu.memory_space<semaphore_mem>>) src(%dma_wait3A_186 : memref<128xi32, #tpu.memory_space<hbm>>) dst(%arg8 : memref<128xi32, #tpu.memory_space<vmem>>)
            tpu.yield
          }) : () -> ()
          "tpu.region"() ({
            %run_scoped3A = tpu.sem_alloc : memref<!tpu.dma_semaphore, #tpu.memory_space<semaphore_mem>>
            %dma_start3A_179 = tpu.memref_slice %arg4[%add3A_16, %mul3A_171] : memref<32x10240xi32, #tpu.memory_space<hbm>> -> memref<1x128xi32, #tpu.memory_space<hbm>>
            %dma_start3A_180 = tpu.memref_squeeze %dma_start3A_179 : memref<1x128xi32, #tpu.memory_space<hbm>> -> memref<128xi32, #tpu.memory_space<hbm>>
            %dma_start3A_181 = tpu.memref_slice %arg4[%add3A_16, %mul3A_171] : memref<32x10240xi32, #tpu.memory_space<hbm>> -> memref<1x128xi32, #tpu.memory_space<hbm>>
            %dma_start3A_182 = tpu.memref_squeeze %dma_start3A_181 : memref<1x128xi32, #tpu.memory_space<hbm>> -> memref<128xi32, #tpu.memory_space<hbm>>
            tpu.enqueue_dma source(%dma_start3A_182 : memref<128xi32, #tpu.memory_space<hbm>>) target(%arg10 : memref<128xi32, #tpu.memory_space<vmem>>) target_semaphore(%run_scoped3A : memref<!tpu.dma_semaphore, #tpu.memory_space<semaphore_mem>>)
            %dma_wait3A_183 = tpu.memref_slice %arg4[%add3A_16, %mul3A_171] : memref<32x10240xi32, #tpu.memory_space<hbm>> -> memref<1x128xi32, #tpu.memory_space<hbm>>
            %dma_wait3A_184 = tpu.memref_squeeze %dma_wait3A_183 : memref<1x128xi32, #tpu.memory_space<hbm>> -> memref<128xi32, #tpu.memory_space<hbm>>
            %dma_wait3A_185 = tpu.memref_slice %arg4[%add3A_16, %mul3A_171] : memref<32x10240xi32, #tpu.memory_space<hbm>> -> memref<1x128xi32, #tpu.memory_space<hbm>>
            %dma_wait3A_186 = tpu.memref_squeeze %dma_wait3A_185 : memref<1x128xi32, #tpu.memory_space<hbm>> -> memref<128xi32, #tpu.memory_space<hbm>>
            tpu.wait_dma2 semaphore(%run_scoped3A : memref<!tpu.dma_semaphore, #tpu.memory_space<semaphore_mem>>) src(%dma_wait3A_186 : memref<128xi32, #tpu.memory_space<hbm>>) dst(%arg10 : memref<128xi32, #tpu.memory_space<vmem>>)
            tpu.yield
          }) : () -> ()
          %dma_start3A_172 = arith.constant 0 : i32
          %dma_start3A_173 = arith.constant 0 : i32
          %dma_start3A_174 = tpu.memref_slice %arg2[%arg0, %dma_start3A_172, %dma_start3A_173] : memref<2x10240x128xf32, #tpu.memory_space<hbm>> -> memref<1x10240x128xf32, #tpu.memory_space<hbm>>
          %dma_start3A_175 = tpu.memref_squeeze %dma_start3A_174 : memref<1x10240x128xf32, #tpu.memory_space<hbm>> -> memref<10240x128xf32, #tpu.memory_space<hbm>>
          %dma_start3A_176 = arith.constant 0 : i32
          %dma_start3A_177 = arith.constant 0 : i32
          %dma_start3A_178 = tpu.memref_slice %dma_start3A_175[%dma_start3A_176, %dma_start3A_177] : memref<10240x128xf32, #tpu.memory_space<hbm>> -> memref<10240x128xf32, #tpu.memory_space<hbm>>
          tpu.enqueue_indirect_dma source(%dma_start3A_178 : memref<10240x128xf32, #tpu.memory_space<hbm>>) target(%arg12 : memref<128x128xf32, #tpu.memory_space<vmem>>) offsets(%arg8 : memref<128xi32, #tpu.memory_space<vmem>>) semaphore(%arg17 : memref<!tpu.dma_semaphore, #tpu.memory_space<semaphore_mem>>)
        } else {
        }
        %dma_wait3A_152 = arith.constant 0 : i32
        %dma_wait3A_153 = arith.constant 0 : i32
        %dma_wait3A_154 = tpu.memref_slice %arg2[%arg0, %dma_wait3A_152, %dma_wait3A_153] : memref<2x10240x128xf32, #tpu.memory_space<hbm>> -> memref<1x10240x128xf32, #tpu.memory_space<hbm>>
        %dma_wait3A_155 = tpu.memref_squeeze %dma_wait3A_154 : memref<1x10240x128xf32, #tpu.memory_space<hbm>> -> memref<10240x128xf32, #tpu.memory_space<hbm>>
        %dma_wait3A_156 = arith.constant 0 : i32
        %dma_wait3A_157 = arith.constant 0 : i32
        %dma_wait3A_158 = tpu.memref_slice %dma_wait3A_155[%dma_wait3A_156, %dma_wait3A_157] : memref<10240x128xf32, #tpu.memory_space<hbm>> -> memref<10240x128xf32, #tpu.memory_space<hbm>>
        tpu.wait_indirect_dma semaphore(%arg18 : memref<!tpu.dma_semaphore, #tpu.memory_space<semaphore_mem>>) src(%dma_wait3A_158 : memref<10240x128xf32, #tpu.memory_space<hbm>>) dst(%arg13 : memref<128x128xf32, #tpu.memory_space<vmem>>)
        %dma_start3A_159 = arith.constant 0 : i32
        %dma_start3A_160 = arith.constant 0 : i32
        %dma_start3A_161 = tpu.memref_slice %arg16[%dma_start3A_159, %dma_start3A_160] : memref<10368x128xf32, #tpu.memory_space<vmem_shared>> -> memref<10368x128xf32, #tpu.memory_space<vmem_shared>>
        tpu.enqueue_indirect_dma source(%arg13 : memref<128x128xf32, #tpu.memory_space<vmem>>) target(%dma_start3A_161 : memref<10368x128xf32, #tpu.memory_space<vmem_shared>>) offsets(%arg11 : memref<128xi32, #tpu.memory_space<vmem>>) semaphore(%arg20 : memref<!tpu.dma_semaphore, #tpu.memory_space<semaphore_mem>>) {add = true}
      }
      %while3A_110 = arith.constant 1 : i32
      scf.for %while3A_116 = %while3A_108 to %while3A_104 step %while3A_110  : i32 {
        %mul3A_117 = arith.muli %while3A_116, %while3A_100 : i32
        %add3A_118 = arith.addi %while3A_101, %mul3A_117 : i32
        %mul3A_119 = arith.constant 2 : i32
        %mul3A_120 = arith.muli %add3A_118, %mul3A_119 : i32
        %add3A_121 = arith.constant 0 : i32
        %add3A_122 = arith.addi %mul3A_120, %add3A_121 : i32
        %add3A_123 = arith.constant 1 : i32
        %add3A_124 = arith.addi %add3A_122, %add3A_123 : i32
        %mul3A_125 = arith.constant 2 : i32
        %mul3A_126 = arith.muli %select_n3A, %mul3A_125 : i32
        %lt3A = arith.cmpi slt, %add3A_124, %mul3A_126 : i32
        %convert_element_type3A_127 = arith.extui %lt3A : i1 to i32
        %cond3A_128 = arith.constant 0 : i32
        %cond3A_129 = arith.cmpi ne, %convert_element_type3A_127, %cond3A_128 : i32
        scf.if %cond3A_129 {
          %add3A_162 = arith.constant 1 : i32
          %add3A_163 = arith.addi %add3A_122, %add3A_162 : i32
          %ge3A = arith.constant 2 : i32
          %ge3A_164 = arith.cmpi sge, %add3A_163, %ge3A : i32
          %convert_element_type3A_165 = arith.extui %ge3A_164 : i1 to i32
          %cond3A_166 = arith.constant 0 : i32
          %cond3A_167 = arith.cmpi ne, %convert_element_type3A_165, %cond3A_166 : i32
          scf.if %cond3A_167 {
            %dma_wait3A_179 = arith.constant 0 : i32
            %dma_wait3A_180 = arith.constant 0 : i32
            %dma_wait3A_181 = tpu.memref_slice %arg16[%dma_wait3A_179, %dma_wait3A_180] : memref<10368x128xf32, #tpu.memory_space<vmem_shared>> -> memref<10368x128xf32, #tpu.memory_space<vmem_shared>>
            tpu.wait_indirect_dma semaphore(%arg20 : memref<!tpu.dma_semaphore, #tpu.memory_space<semaphore_mem>>) src(%arg13 : memref<128x128xf32, #tpu.memory_space<vmem>>) dst(%dma_wait3A_181 : memref<10368x128xf32, #tpu.memory_space<vmem_shared>>)
          } else {
          }
          %add3A_168 = arith.constant 1 : i32
          %add3A_169 = arith.addi %add3A_122, %add3A_168 : i32
          %mul3A_170 = arith.constant 128 : i32
          %mul3A_171 = arith.muli %add3A_169, %mul3A_170 : i32
          "tpu.region"() ({
            %run_scoped3A = tpu.sem_alloc : memref<!tpu.dma_semaphore, #tpu.memory_space<semaphore_mem>>
            %dma_start3A_179 = tpu.memref_slice %arg3[%add3A_16, %mul3A_171] : memref<32x10240xi32, #tpu.memory_space<hbm>> -> memref<1x128xi32, #tpu.memory_space<hbm>>
            %dma_start3A_180 = tpu.memref_squeeze %dma_start3A_179 : memref<1x128xi32, #tpu.memory_space<hbm>> -> memref<128xi32, #tpu.memory_space<hbm>>
            %dma_start3A_181 = tpu.memref_slice %arg3[%add3A_16, %mul3A_171] : memref<32x10240xi32, #tpu.memory_space<hbm>> -> memref<1x128xi32, #tpu.memory_space<hbm>>
            %dma_start3A_182 = tpu.memref_squeeze %dma_start3A_181 : memref<1x128xi32, #tpu.memory_space<hbm>> -> memref<128xi32, #tpu.memory_space<hbm>>
            tpu.enqueue_dma source(%dma_start3A_182 : memref<128xi32, #tpu.memory_space<hbm>>) target(%arg9 : memref<128xi32, #tpu.memory_space<vmem>>) target_semaphore(%run_scoped3A : memref<!tpu.dma_semaphore, #tpu.memory_space<semaphore_mem>>)
            %dma_wait3A_183 = tpu.memref_slice %arg3[%add3A_16, %mul3A_171] : memref<32x10240xi32, #tpu.memory_space<hbm>> -> memref<1x128xi32, #tpu.memory_space<hbm>>
            %dma_wait3A_184 = tpu.memref_squeeze %dma_wait3A_183 : memref<1x128xi32, #tpu.memory_space<hbm>> -> memref<128xi32, #tpu.memory_space<hbm>>
            %dma_wait3A_185 = tpu.memref_slice %arg3[%add3A_16, %mul3A_171] : memref<32x10240xi32, #tpu.memory_space<hbm>> -> memref<1x128xi32, #tpu.memory_space<hbm>>
            %dma_wait3A_186 = tpu.memref_squeeze %dma_wait3A_185 : memref<1x128xi32, #tpu.memory_space<hbm>> -> memref<128xi32, #tpu.memory_space<hbm>>
            tpu.wait_dma2 semaphore(%run_scoped3A : memref<!tpu.dma_semaphore, #tpu.memory_space<semaphore_mem>>) src(%dma_wait3A_186 : memref<128xi32, #tpu.memory_space<hbm>>) dst(%arg9 : memref<128xi32, #tpu.memory_space<vmem>>)
            tpu.yield
          }) : () -> ()
          "tpu.region"() ({
            %run_scoped3A = tpu.sem_alloc : memref<!tpu.dma_semaphore, #tpu.memory_space<semaphore_mem>>
            %dma_start3A_179 = tpu.memref_slice %arg4[%add3A_16, %mul3A_171] : memref<32x10240xi32, #tpu.memory_space<hbm>> -> memref<1x128xi32, #tpu.memory_space<hbm>>
            %dma_start3A_180 = tpu.memref_squeeze %dma_start3A_179 : memref<1x128xi32, #tpu.memory_space<hbm>> -> memref<128xi32, #tpu.memory_space<hbm>>
            %dma_start3A_181 = tpu.memref_slice %arg4[%add3A_16, %mul3A_171] : memref<32x10240xi32, #tpu.memory_space<hbm>> -> memref<1x128xi32, #tpu.memory_space<hbm>>
            %dma_start3A_182 = tpu.memref_squeeze %dma_start3A_181 : memref<1x128xi32, #tpu.memory_space<hbm>> -> memref<128xi32, #tpu.memory_space<hbm>>
            tpu.enqueue_dma source(%dma_start3A_182 : memref<128xi32, #tpu.memory_space<hbm>>) target(%arg11 : memref<128xi32, #tpu.memory_space<vmem>>) target_semaphore(%run_scoped3A : memref<!tpu.dma_semaphore, #tpu.memory_space<semaphore_mem>>)
            %dma_wait3A_183 = tpu.memref_slice %arg4[%add3A_16, %mul3A_171] : memref<32x10240xi32, #tpu.memory_space<hbm>> -> memref<1x128xi32, #tpu.memory_space<hbm>>
            %dma_wait3A_184 = tpu.memref_squeeze %dma_wait3A_183 : memref<1x128xi32, #tpu.memory_space<hbm>> -> memref<128xi32, #tpu.memory_space<hbm>>
            %dma_wait3A_185 = tpu.memref_slice %arg4[%add3A_16, %mul3A_171] : memref<32x10240xi32, #tpu.memory_space<hbm>> -> memref<1x128xi32, #tpu.memory_space<hbm>>
            %dma_wait3A_186 = tpu.memref_squeeze %dma_wait3A_185 : memref<1x128xi32, #tpu.memory_space<hbm>> -> memref<128xi32, #tpu.memory_space<hbm>>
            tpu.wait_dma2 semaphore(%run_scoped3A : memref<!tpu.dma_semaphore, #tpu.memory_space<semaphore_mem>>) src(%dma_wait3A_186 : memref<128xi32, #tpu.memory_space<hbm>>) dst(%arg11 : memref<128xi32, #tpu.memory_space<vmem>>)
            tpu.yield
          }) : () -> ()
          %dma_start3A_172 = arith.constant 0 : i32
          %dma_start3A_173 = arith.constant 0 : i32
          %dma_start3A_174 = tpu.memref_slice %arg2[%arg0, %dma_start3A_172, %dma_start3A_173] : memref<2x10240x128xf32, #tpu.memory_space<hbm>> -> memref<1x10240x128xf32, #tpu.memory_space<hbm>>
          %dma_start3A_175 = tpu.memref_squeeze %dma_start3A_174 : memref<1x10240x128xf32, #tpu.memory_space<hbm>> -> memref<10240x128xf32, #tpu.memory_space<hbm>>
          %dma_start3A_176 = arith.constant 0 : i32
          %dma_start3A_177 = arith.constant 0 : i32
          %dma_start3A_178 = tpu.memref_slice %dma_start3A_175[%dma_start3A_176, %dma_start3A_177] : memref<10240x128xf32, #tpu.memory_space<hbm>> -> memref<10240x128xf32, #tpu.memory_space<hbm>>
          tpu.enqueue_indirect_dma source(%dma_start3A_178 : memref<10240x128xf32, #tpu.memory_space<hbm>>) target(%arg13 : memref<128x128xf32, #tpu.memory_space<vmem>>) offsets(%arg9 : memref<128xi32, #tpu.memory_space<vmem>>) semaphore(%arg18 : memref<!tpu.dma_semaphore, #tpu.memory_space<semaphore_mem>>)
        } else {
        }
        %dma_wait3A_130 = arith.constant 0 : i32
        %dma_wait3A_131 = arith.constant 0 : i32
        %dma_wait3A_132 = tpu.memref_slice %arg2[%arg0, %dma_wait3A_130, %dma_wait3A_131] : memref<2x10240x128xf32, #tpu.memory_space<hbm>> -> memref<1x10240x128xf32, #tpu.memory_space<hbm>>
        %dma_wait3A_133 = tpu.memref_squeeze %dma_wait3A_132 : memref<1x10240x128xf32, #tpu.memory_space<hbm>> -> memref<10240x128xf32, #tpu.memory_space<hbm>>
        %dma_wait3A_134 = arith.constant 0 : i32
        %dma_wait3A_135 = arith.constant 0 : i32
        %dma_wait3A_136 = tpu.memref_slice %dma_wait3A_133[%dma_wait3A_134, %dma_wait3A_135] : memref<10240x128xf32, #tpu.memory_space<hbm>> -> memref<10240x128xf32, #tpu.memory_space<hbm>>
        tpu.wait_indirect_dma semaphore(%arg17 : memref<!tpu.dma_semaphore, #tpu.memory_space<semaphore_mem>>) src(%dma_wait3A_136 : memref<10240x128xf32, #tpu.memory_space<hbm>>) dst(%arg12 : memref<128x128xf32, #tpu.memory_space<vmem>>)
        %dma_start3A_137 = arith.constant 0 : i32
        %dma_start3A_138 = arith.constant 0 : i32
        %dma_start3A_139 = tpu.memref_slice %arg16[%dma_start3A_137, %dma_start3A_138] : memref<10368x128xf32, #tpu.memory_space<vmem_shared>> -> memref<10368x128xf32, #tpu.memory_space<vmem_shared>>
        tpu.enqueue_indirect_dma source(%arg12 : memref<128x128xf32, #tpu.memory_space<vmem>>) target(%dma_start3A_139 : memref<10368x128xf32, #tpu.memory_space<vmem_shared>>) offsets(%arg10 : memref<128xi32, #tpu.memory_space<vmem>>) semaphore(%arg19 : memref<!tpu.dma_semaphore, #tpu.memory_space<semaphore_mem>>) {add = true}
        %mul3A_140 = arith.constant 2 : i32
        %mul3A_141 = arith.muli %add3A_118, %mul3A_140 : i32
        %add3A_142 = arith.constant 1 : i32
        %add3A_143 = arith.addi %mul3A_141, %add3A_142 : i32
        %add3A_144 = arith.constant 1 : i32
        %add3A_145 = arith.addi %add3A_143, %add3A_144 : i32
        %mul3A_146 = arith.constant 2 : i32
        %mul3A_147 = arith.muli %select_n3A, %mul3A_146 : i32
        %lt3A_148 = arith.cmpi slt, %add3A_145, %mul3A_147 : i32
        %convert_element_type3A_149 = arith.extui %lt3A_148 : i1 to i32
        %cond3A_150 = arith.constant 0 : i32
        %cond3A_151 = arith.cmpi ne, %convert_element_type3A_149, %cond3A_150 : i32
        scf.if %cond3A_151 {
          %add3A_162 = arith.constant 1 : i32
          %add3A_163 = arith.addi %add3A_143, %add3A_162 : i32
          %ge3A = arith.constant 2 : i32
          %ge3A_164 = arith.cmpi sge, %add3A_163, %ge3A : i32
          %convert_element_type3A_165 = arith.extui %ge3A_164 : i1 to i32
          %cond3A_166 = arith.constant 0 : i32
          %cond3A_167 = arith.cmpi ne, %convert_element_type3A_165, %cond3A_166 : i32
          scf.if %cond3A_167 {
            %dma_wait3A_179 = arith.constant 0 : i32
            %dma_wait3A_180 = arith.constant 0 : i32
            %dma_wait3A_181 = tpu.memref_slice %arg16[%dma_wait3A_179, %dma_wait3A_180] : memref<10368x128xf32, #tpu.memory_space<vmem_shared>> -> memref<10368x128xf32, #tpu.memory_space<vmem_shared>>
            tpu.wait_indirect_dma semaphore(%arg19 : memref<!tpu.dma_semaphore, #tpu.memory_space<semaphore_mem>>) src(%arg12 : memref<128x128xf32, #tpu.memory_space<vmem>>) dst(%dma_wait3A_181 : memref<10368x128xf32, #tpu.memory_space<vmem_shared>>)
          } else {
          }
          %add3A_168 = arith.constant 1 : i32
          %add3A_169 = arith.addi %add3A_143, %add3A_168 : i32
          %mul3A_170 = arith.constant 128 : i32
          %mul3A_171 = arith.muli %add3A_169, %mul3A_170 : i32
          "tpu.region"() ({
            %run_scoped3A = tpu.sem_alloc : memref<!tpu.dma_semaphore, #tpu.memory_space<semaphore_mem>>
            %dma_start3A_179 = tpu.memref_slice %arg3[%add3A_16, %mul3A_171] : memref<32x10240xi32, #tpu.memory_space<hbm>> -> memref<1x128xi32, #tpu.memory_space<hbm>>
            %dma_start3A_180 = tpu.memref_squeeze %dma_start3A_179 : memref<1x128xi32, #tpu.memory_space<hbm>> -> memref<128xi32, #tpu.memory_space<hbm>>
            %dma_start3A_181 = tpu.memref_slice %arg3[%add3A_16, %mul3A_171] : memref<32x10240xi32, #tpu.memory_space<hbm>> -> memref<1x128xi32, #tpu.memory_space<hbm>>
            %dma_start3A_182 = tpu.memref_squeeze %dma_start3A_181 : memref<1x128xi32, #tpu.memory_space<hbm>> -> memref<128xi32, #tpu.memory_space<hbm>>
            tpu.enqueue_dma source(%dma_start3A_182 : memref<128xi32, #tpu.memory_space<hbm>>) target(%arg8 : memref<128xi32, #tpu.memory_space<vmem>>) target_semaphore(%run_scoped3A : memref<!tpu.dma_semaphore, #tpu.memory_space<semaphore_mem>>)
            %dma_wait3A_183 = tpu.memref_slice %arg3[%add3A_16, %mul3A_171] : memref<32x10240xi32, #tpu.memory_space<hbm>> -> memref<1x128xi32, #tpu.memory_space<hbm>>
            %dma_wait3A_184 = tpu.memref_squeeze %dma_wait3A_183 : memref<1x128xi32, #tpu.memory_space<hbm>> -> memref<128xi32, #tpu.memory_space<hbm>>
            %dma_wait3A_185 = tpu.memref_slice %arg3[%add3A_16, %mul3A_171] : memref<32x10240xi32, #tpu.memory_space<hbm>> -> memref<1x128xi32, #tpu.memory_space<hbm>>
            %dma_wait3A_186 = tpu.memref_squeeze %dma_wait3A_185 : memref<1x128xi32, #tpu.memory_space<hbm>> -> memref<128xi32, #tpu.memory_space<hbm>>
            tpu.wait_dma2 semaphore(%run_scoped3A : memref<!tpu.dma_semaphore, #tpu.memory_space<semaphore_mem>>) src(%dma_wait3A_186 : memref<128xi32, #tpu.memory_space<hbm>>) dst(%arg8 : memref<128xi32, #tpu.memory_space<vmem>>)
            tpu.yield
          }) : () -> ()
          "tpu.region"() ({
            %run_scoped3A = tpu.sem_alloc : memref<!tpu.dma_semaphore, #tpu.memory_space<semaphore_mem>>
            %dma_start3A_179 = tpu.memref_slice %arg4[%add3A_16, %mul3A_171] : memref<32x10240xi32, #tpu.memory_space<hbm>> -> memref<1x128xi32, #tpu.memory_space<hbm>>
            %dma_start3A_180 = tpu.memref_squeeze %dma_start3A_179 : memref<1x128xi32, #tpu.memory_space<hbm>> -> memref<128xi32, #tpu.memory_space<hbm>>
            %dma_start3A_181 = tpu.memref_slice %arg4[%add3A_16, %mul3A_171] : memref<32x10240xi32, #tpu.memory_space<hbm>> -> memref<1x128xi32, #tpu.memory_space<hbm>>
            %dma_start3A_182 = tpu.memref_squeeze %dma_start3A_181 : memref<1x128xi32, #tpu.memory_space<hbm>> -> memref<128xi32, #tpu.memory_space<hbm>>
            tpu.enqueue_dma source(%dma_start3A_182 : memref<128xi32, #tpu.memory_space<hbm>>) target(%arg10 : memref<128xi32, #tpu.memory_space<vmem>>) target_semaphore(%run_scoped3A : memref<!tpu.dma_semaphore, #tpu.memory_space<semaphore_mem>>)
            %dma_wait3A_183 = tpu.memref_slice %arg4[%add3A_16, %mul3A_171] : memref<32x10240xi32, #tpu.memory_space<hbm>> -> memref<1x128xi32, #tpu.memory_space<hbm>>
            %dma_wait3A_184 = tpu.memref_squeeze %dma_wait3A_183 : memref<1x128xi32, #tpu.memory_space<hbm>> -> memref<128xi32, #tpu.memory_space<hbm>>
            %dma_wait3A_185 = tpu.memref_slice %arg4[%add3A_16, %mul3A_171] : memref<32x10240xi32, #tpu.memory_space<hbm>> -> memref<1x128xi32, #tpu.memory_space<hbm>>
            %dma_wait3A_186 = tpu.memref_squeeze %dma_wait3A_185 : memref<1x128xi32, #tpu.memory_space<hbm>> -> memref<128xi32, #tpu.memory_space<hbm>>
            tpu.wait_dma2 semaphore(%run_scoped3A : memref<!tpu.dma_semaphore, #tpu.memory_space<semaphore_mem>>) src(%dma_wait3A_186 : memref<128xi32, #tpu.memory_space<hbm>>) dst(%arg10 : memref<128xi32, #tpu.memory_space<vmem>>)
            tpu.yield
          }) : () -> ()
          %dma_start3A_172 = arith.constant 0 : i32
          %dma_start3A_173 = arith.constant 0 : i32
          %dma_start3A_174 = tpu.memref_slice %arg2[%arg0, %dma_start3A_172, %dma_start3A_173] : memref<2x10240x128xf32, #tpu.memory_space<hbm>> -> memref<1x10240x128xf32, #tpu.memory_space<hbm>>
          %dma_start3A_175 = tpu.memref_squeeze %dma_start3A_174 : memref<1x10240x128xf32, #tpu.memory_space<hbm>> -> memref<10240x128xf32, #tpu.memory_space<hbm>>
          %dma_start3A_176 = arith.constant 0 : i32
          %dma_start3A_177 = arith.constant 0 : i32
          %dma_start3A_178 = tpu.memref_slice %dma_start3A_175[%dma_start3A_176, %dma_start3A_177] : memref<10240x128xf32, #tpu.memory_space<hbm>> -> memref<10240x128xf32, #tpu.memory_space<hbm>>
          tpu.enqueue_indirect_dma source(%dma_start3A_178 : memref<10240x128xf32, #tpu.memory_space<hbm>>) target(%arg12 : memref<128x128xf32, #tpu.memory_space<vmem>>) offsets(%arg8 : memref<128xi32, #tpu.memory_space<vmem>>) semaphore(%arg17 : memref<!tpu.dma_semaphore, #tpu.memory_space<semaphore_mem>>)
        } else {
        }
        %dma_wait3A_152 = arith.constant 0 : i32
        %dma_wait3A_153 = arith.constant 0 : i32
        %dma_wait3A_154 = tpu.memref_slice %arg2[%arg0, %dma_wait3A_152, %dma_wait3A_153] : memref<2x10240x128xf32, #tpu.memory_space<hbm>> -> memref<1x10240x128xf32, #tpu.memory_space<hbm>>
        %dma_wait3A_155 = tpu.memref_squeeze %dma_wait3A_154 : memref<1x10240x128xf32, #tpu.memory_space<hbm>> -> memref<10240x128xf32, #tpu.memory_space<hbm>>
        %dma_wait3A_156 = arith.constant 0 : i32
        %dma_wait3A_157 = arith.constant 0 : i32
        %dma_wait3A_158 = tpu.memref_slice %dma_wait3A_155[%dma_wait3A_156, %dma_wait3A_157] : memref<10240x128xf32, #tpu.memory_space<hbm>> -> memref<10240x128xf32, #tpu.memory_space<hbm>>
        tpu.wait_indirect_dma semaphore(%arg18 : memref<!tpu.dma_semaphore, #tpu.memory_space<semaphore_mem>>) src(%dma_wait3A_158 : memref<10240x128xf32, #tpu.memory_space<hbm>>) dst(%arg13 : memref<128x128xf32, #tpu.memory_space<vmem>>)
        %dma_start3A_159 = arith.constant 0 : i32
        %dma_start3A_160 = arith.constant 0 : i32
        %dma_start3A_161 = tpu.memref_slice %arg16[%dma_start3A_159, %dma_start3A_160] : memref<10368x128xf32, #tpu.memory_space<vmem_shared>> -> memref<10368x128xf32, #tpu.memory_space<vmem_shared>>
        tpu.enqueue_indirect_dma source(%arg13 : memref<128x128xf32, #tpu.memory_space<vmem>>) target(%dma_start3A_161 : memref<10368x128xf32, #tpu.memory_space<vmem_shared>>) offsets(%arg11 : memref<128xi32, #tpu.memory_space<vmem>>) semaphore(%arg20 : memref<!tpu.dma_semaphore, #tpu.memory_space<semaphore_mem>>) {add = true}
      }
      %dma_wait3A = arith.constant 0 : i32
      %dma_wait3A_111 = arith.constant 0 : i32
      %dma_wait3A_112 = tpu.memref_slice %arg16[%dma_wait3A, %dma_wait3A_111] : memref<10368x128xf32, #tpu.memory_space<vmem_shared>> -> memref<10368x128xf32, #tpu.memory_space<vmem_shared>>
      tpu.wait_indirect_dma semaphore(%arg19 : memref<!tpu.dma_semaphore, #tpu.memory_space<semaphore_mem>>) src(%arg12 : memref<128x128xf32, #tpu.memory_space<vmem>>) dst(%dma_wait3A_112 : memref<10368x128xf32, #tpu.memory_space<vmem_shared>>)
      %dma_wait3A_113 = arith.constant 0 : i32
      %dma_wait3A_114 = arith.constant 0 : i32
      %dma_wait3A_115 = tpu.memref_slice %arg16[%dma_wait3A_113, %dma_wait3A_114] : memref<10368x128xf32, #tpu.memory_space<vmem_shared>> -> memref<10368x128xf32, #tpu.memory_space<vmem_shared>>
      tpu.wait_indirect_dma semaphore(%arg20 : memref<!tpu.dma_semaphore, #tpu.memory_space<semaphore_mem>>) src(%arg13 : memref<128x128xf32, #tpu.memory_space<vmem>>) dst(%dma_wait3A_115 : memref<10368x128xf32, #tpu.memory_space<vmem_shared>>)
    } else {
    }
    %mul3A_41 = arith.constant 2 : i32
    %mul3A_42 = arith.muli %arg1, %mul3A_41 : i32
    %add3A_43 = arith.constant 1 : i32
    %add3A_44 = arith.addi %mul3A_42, %add3A_43 : i32
    "tpu.region"() ({
      %run_scoped3A = tpu.sem_alloc : memref<!tpu.dma_semaphore, #tpu.memory_space<semaphore_mem>>
      %dma_start3A = arith.constant 0 : i32
      %dma_start3A_86 = tpu.memref_slice %arg5[%add3A_44, %dma_start3A] : memref<32x16xi32, #tpu.memory_space<hbm>> -> memref<1x16xi32, #tpu.memory_space<hbm>>
      %dma_start3A_87 = tpu.memref_squeeze %dma_start3A_86 : memref<1x16xi32, #tpu.memory_space<hbm>> -> memref<16xi32, #tpu.memory_space<hbm>>
      %dma_start3A_88 = arith.constant 0 : i32
      %dma_start3A_89 = tpu.memref_slice %arg5[%add3A_44, %dma_start3A_88] : memref<32x16xi32, #tpu.memory_space<hbm>> -> memref<1x16xi32, #tpu.memory_space<hbm>>
      %dma_start3A_90 = tpu.memref_squeeze %dma_start3A_89 : memref<1x16xi32, #tpu.memory_space<hbm>> -> memref<16xi32, #tpu.memory_space<hbm>>
      tpu.enqueue_dma source(%dma_start3A_90 : memref<16xi32, #tpu.memory_space<hbm>>) target(%arg15 : memref<16xi32, #tpu.memory_space<vmem>>) target_semaphore(%run_scoped3A : memref<!tpu.dma_semaphore, #tpu.memory_space<semaphore_mem>>)
      %dma_wait3A = arith.constant 0 : i32
      %dma_wait3A_91 = tpu.memref_slice %arg5[%add3A_44, %dma_wait3A] : memref<32x16xi32, #tpu.memory_space<hbm>> -> memref<1x16xi32, #tpu.memory_space<hbm>>
      %dma_wait3A_92 = tpu.memref_squeeze %dma_wait3A_91 : memref<1x16xi32, #tpu.memory_space<hbm>> -> memref<16xi32, #tpu.memory_space<hbm>>
      %dma_wait3A_93 = arith.constant 0 : i32
      %dma_wait3A_94 = tpu.memref_slice %arg5[%add3A_44, %dma_wait3A_93] : memref<32x16xi32, #tpu.memory_space<hbm>> -> memref<1x16xi32, #tpu.memory_space<hbm>>
      %dma_wait3A_95 = tpu.memref_squeeze %dma_wait3A_94 : memref<1x16xi32, #tpu.memory_space<hbm>> -> memref<16xi32, #tpu.memory_space<hbm>>
      tpu.wait_dma2 semaphore(%run_scoped3A : memref<!tpu.dma_semaphore, #tpu.memory_space<semaphore_mem>>) src(%dma_wait3A_95 : memref<16xi32, #tpu.memory_space<hbm>>) dst(%arg15 : memref<16xi32, #tpu.memory_space<vmem>>)
      tpu.yield
    }) : () -> ()
    %get3A_45 = arith.constant 0 : index
    %get3A_46 = tpu.vector_load %arg15[%get3A_45] {strides = array<i32>} : memref<16xi32, #tpu.memory_space<vmem>>, vector<16xi32>,
    %get3A_47 = vector.shape_cast %get3A_46 : vector<16xi32> to vector<16xi32>
    %slice3A_48 = vector.extract_strided_slice %get3A_47 {offsets = [0], sizes = [1], strides = [1]} : vector<16xi32> to vector<1xi32>
    %squeeze3A_49 = vector.extract %slice3A_48[0] : i32 from vector<1xi32>
    %add3A_50 = arith.constant 255 : i32
    %add3A_51 = arith.addi %squeeze3A_49, %add3A_50 : i32
    %jit3A_52 = arith.constant 256 : i32
    %div3A_53 = arith.divsi %add3A_51, %jit3A_52 : i32
    %sign3A_54 = arith.constant 0 : i32
    %sign3A_55 = arith.cmpi sgt, %add3A_51, %sign3A_54 : i32
    %sign3A_56 = arith.extui %sign3A_55 : i1 to i32
    %sign3A_57 = arith.constant 0 : i32
    %sign3A_58 = arith.cmpi slt, %add3A_51, %sign3A_57 : i32
    %sign3A_59 = arith.extui %sign3A_58 : i1 to i32
    %sign3A_60 = arith.subi %sign3A_56, %sign3A_59 : i32
    %sign3A_61 = arith.constant 0 : i32
    %sign3A_62 = arith.cmpi sgt, %jit3A_52, %sign3A_61 : i32
    %sign3A_63 = arith.extui %sign3A_62 : i1 to i32
    %sign3A_64 = arith.constant 0 : i32
    %sign3A_65 = arith.cmpi slt, %jit3A_52, %sign3A_64 : i32
    %sign3A_66 = arith.extui %sign3A_65 : i1 to i32
    %sign3A_67 = arith.subi %sign3A_63, %sign3A_66 : i32
    %ne3A_68 = arith.cmpi ne, %sign3A_60, %sign3A_67 : i32
    %rem3A_69 = arith.remsi %add3A_51, %jit3A_52 : i32
    %ne3A_70 = arith.constant 0 : i32
    %ne3A_71 = arith.cmpi ne, %rem3A_69, %ne3A_70 : i32
    %and3A_72 = arith.andi %ne3A_68, %ne3A_71 : i1
    %sub3A_73 = arith.constant 1 : i32
    %sub3A_74 = arith.subi %div3A_53, %sub3A_73 : i32
    %select_n3A_75 = arith.select %and3A_72, %sub3A_74, %div3A_53 : i32
    %gt3A_76 = arith.constant 0 : i32
    %gt3A_77 = arith.cmpi sgt, %select_n3A_75, %gt3A_76 : i32
    %convert_element_type3A_78 = arith.extui %gt3A_77 : i1 to i32
    %cond3A_79 = arith.constant 0 : i32
    %cond3A_80 = arith.cmpi ne, %convert_element_type3A_78, %cond3A_79 : i32
    scf.if %cond3A_80 {
      "tpu.region"() ({
        %run_scoped3A = tpu.sem_alloc : memref<!tpu.dma_semaphore, #tpu.memory_space<semaphore_mem>>
        %dma_start3A_116 = arith.constant 0 : i32
        %dma_start3A_117 = tpu.memref_slice %arg3[%add3A_44, %dma_start3A_116] : memref<32x10240xi32, #tpu.memory_space<hbm>> -> memref<1x128xi32, #tpu.memory_space<hbm>>
        %dma_start3A_118 = tpu.memref_squeeze %dma_start3A_117 : memref<1x128xi32, #tpu.memory_space<hbm>> -> memref<128xi32, #tpu.memory_space<hbm>>
        %dma_start3A_119 = arith.constant 0 : i32
        %dma_start3A_120 = tpu.memref_slice %arg3[%add3A_44, %dma_start3A_119] : memref<32x10240xi32, #tpu.memory_space<hbm>> -> memref<1x128xi32, #tpu.memory_space<hbm>>
        %dma_start3A_121 = tpu.memref_squeeze %dma_start3A_120 : memref<1x128xi32, #tpu.memory_space<hbm>> -> memref<128xi32, #tpu.memory_space<hbm>>
        tpu.enqueue_dma source(%dma_start3A_121 : memref<128xi32, #tpu.memory_space<hbm>>) target(%arg8 : memref<128xi32, #tpu.memory_space<vmem>>) target_semaphore(%run_scoped3A : memref<!tpu.dma_semaphore, #tpu.memory_space<semaphore_mem>>)
        %dma_wait3A_122 = arith.constant 0 : i32
        %dma_wait3A_123 = tpu.memref_slice %arg3[%add3A_44, %dma_wait3A_122] : memref<32x10240xi32, #tpu.memory_space<hbm>> -> memref<1x128xi32, #tpu.memory_space<hbm>>
        %dma_wait3A_124 = tpu.memref_squeeze %dma_wait3A_123 : memref<1x128xi32, #tpu.memory_space<hbm>> -> memref<128xi32, #tpu.memory_space<hbm>>
        %dma_wait3A_125 = arith.constant 0 : i32
        %dma_wait3A_126 = tpu.memref_slice %arg3[%add3A_44, %dma_wait3A_125] : memref<32x10240xi32, #tpu.memory_space<hbm>> -> memref<1x128xi32, #tpu.memory_space<hbm>>
        %dma_wait3A_127 = tpu.memref_squeeze %dma_wait3A_126 : memref<1x128xi32, #tpu.memory_space<hbm>> -> memref<128xi32, #tpu.memory_space<hbm>>
        tpu.wait_dma2 semaphore(%run_scoped3A : memref<!tpu.dma_semaphore, #tpu.memory_space<semaphore_mem>>) src(%dma_wait3A_127 : memref<128xi32, #tpu.memory_space<hbm>>) dst(%arg8 : memref<128xi32, #tpu.memory_space<vmem>>)
        tpu.yield
      }) : () -> ()
      "tpu.region"() ({
        %run_scoped3A = tpu.sem_alloc : memref<!tpu.dma_semaphore, #tpu.memory_space<semaphore_mem>>
        %dma_start3A_116 = arith.constant 0 : i32
        %dma_start3A_117 = tpu.memref_slice %arg4[%add3A_44, %dma_start3A_116] : memref<32x10240xi32, #tpu.memory_space<hbm>> -> memref<1x128xi32, #tpu.memory_space<hbm>>
        %dma_start3A_118 = tpu.memref_squeeze %dma_start3A_117 : memref<1x128xi32, #tpu.memory_space<hbm>> -> memref<128xi32, #tpu.memory_space<hbm>>
        %dma_start3A_119 = arith.constant 0 : i32
        %dma_start3A_120 = tpu.memref_slice %arg4[%add3A_44, %dma_start3A_119] : memref<32x10240xi32, #tpu.memory_space<hbm>> -> memref<1x128xi32, #tpu.memory_space<hbm>>
        %dma_start3A_121 = tpu.memref_squeeze %dma_start3A_120 : memref<1x128xi32, #tpu.memory_space<hbm>> -> memref<128xi32, #tpu.memory_space<hbm>>
        tpu.enqueue_dma source(%dma_start3A_121 : memref<128xi32, #tpu.memory_space<hbm>>) target(%arg10 : memref<128xi32, #tpu.memory_space<vmem>>) target_semaphore(%run_scoped3A : memref<!tpu.dma_semaphore, #tpu.memory_space<semaphore_mem>>)
        %dma_wait3A_122 = arith.constant 0 : i32
        %dma_wait3A_123 = tpu.memref_slice %arg4[%add3A_44, %dma_wait3A_122] : memref<32x10240xi32, #tpu.memory_space<hbm>> -> memref<1x128xi32, #tpu.memory_space<hbm>>
        %dma_wait3A_124 = tpu.memref_squeeze %dma_wait3A_123 : memref<1x128xi32, #tpu.memory_space<hbm>> -> memref<128xi32, #tpu.memory_space<hbm>>
        %dma_wait3A_125 = arith.constant 0 : i32
        %dma_wait3A_126 = tpu.memref_slice %arg4[%add3A_44, %dma_wait3A_125] : memref<32x10240xi32, #tpu.memory_space<hbm>> -> memref<1x128xi32, #tpu.memory_space<hbm>>
        %dma_wait3A_127 = tpu.memref_squeeze %dma_wait3A_126 : memref<1x128xi32, #tpu.memory_space<hbm>> -> memref<128xi32, #tpu.memory_space<hbm>>
        tpu.wait_dma2 semaphore(%run_scoped3A : memref<!tpu.dma_semaphore, #tpu.memory_space<semaphore_mem>>) src(%dma_wait3A_127 : memref<128xi32, #tpu.memory_space<hbm>>) dst(%arg10 : memref<128xi32, #tpu.memory_space<vmem>>)
        tpu.yield
      }) : () -> ()
      %dma_start3A = arith.constant 0 : i32
      %dma_start3A_86 = arith.constant 0 : i32
      %dma_start3A_87 = tpu.memref_slice %arg2[%arg0, %dma_start3A, %dma_start3A_86] : memref<2x10240x128xf32, #tpu.memory_space<hbm>> -> memref<1x10240x128xf32, #tpu.memory_space<hbm>>
      %dma_start3A_88 = tpu.memref_squeeze %dma_start3A_87 : memref<1x10240x128xf32, #tpu.memory_space<hbm>> -> memref<10240x128xf32, #tpu.memory_space<hbm>>
      %dma_start3A_89 = arith.constant 0 : i32
      %dma_start3A_90 = arith.constant 0 : i32
      %dma_start3A_91 = tpu.memref_slice %dma_start3A_88[%dma_start3A_89, %dma_start3A_90] : memref<10240x128xf32, #tpu.memory_space<hbm>> -> memref<10240x128xf32, #tpu.memory_space<hbm>>
      tpu.enqueue_indirect_dma source(%dma_start3A_91 : memref<10240x128xf32, #tpu.memory_space<hbm>>) target(%arg12 : memref<128x128xf32, #tpu.memory_space<vmem>>) offsets(%arg8 : memref<128xi32, #tpu.memory_space<vmem>>) semaphore(%arg17 : memref<!tpu.dma_semaphore, #tpu.memory_space<semaphore_mem>>)
      %sub3A_92 = arith.constant 0 : i32
      %sub3A_93 = arith.subi %select_n3A_75, %sub3A_92 : i32
      %sub3A_94 = arith.constant 1 : i32
      %sub3A_95 = arith.constant 1 : i32
      %sub3A_96 = arith.subi %sub3A_94, %sub3A_95 : i32
      %add3A_97 = arith.addi %sub3A_93, %sub3A_96 : i32
      %div3A_98 = arith.constant 1 : i32
      %div3A_99 = arith.divsi %add3A_97, %div3A_98 : i32
      %while3A_100 = arith.constant 1 : i32
      %while3A_101 = arith.constant 0 : i32
      %while3A_102 = arith.constant 0 : i32
      %while3A_103 = arith.subi %div3A_99, %while3A_102 : i32
      %while3A_104 = arith.addi %while3A_102, %while3A_103 : i32
      %while3A_105 = arith.constant 1 : i32
      %while3A_106 = arith.divsi %while3A_103, %while3A_105 : i32
      %while3A_107 = arith.muli %while3A_106, %while3A_105 : i32
      %while3A_108 = arith.addi %while3A_102, %while3A_107 : i32
      %while3A_109 = arith.constant 1 : i32
      scf.for %while3A_116 = %while3A_102 to %while3A_108 step %while3A_109  : i32 {
        %mul3A_117 = arith.muli %while3A_116, %while3A_100 : i32
        %add3A_118 = arith.addi %while3A_101, %mul3A_117 : i32
        %mul3A_119 = arith.constant 2 : i32
        %mul3A_120 = arith.muli %add3A_118, %mul3A_119 : i32
        %add3A_121 = arith.constant 0 : i32
        %add3A_122 = arith.addi %mul3A_120, %add3A_121 : i32
        %add3A_123 = arith.constant 1 : i32
        %add3A_124 = arith.addi %add3A_122, %add3A_123 : i32
        %mul3A_125 = arith.constant 2 : i32
        %mul3A_126 = arith.muli %select_n3A_75, %mul3A_125 : i32
        %lt3A = arith.cmpi slt, %add3A_124, %mul3A_126 : i32
        %convert_element_type3A_127 = arith.extui %lt3A : i1 to i32
        %cond3A_128 = arith.constant 0 : i32
        %cond3A_129 = arith.cmpi ne, %convert_element_type3A_127, %cond3A_128 : i32
        scf.if %cond3A_129 {
          %add3A_162 = arith.constant 1 : i32
          %add3A_163 = arith.addi %add3A_122, %add3A_162 : i32
          %ge3A = arith.constant 2 : i32
          %ge3A_164 = arith.cmpi sge, %add3A_163, %ge3A : i32
          %convert_element_type3A_165 = arith.extui %ge3A_164 : i1 to i32
          %cond3A_166 = arith.constant 0 : i32
          %cond3A_167 = arith.cmpi ne, %convert_element_type3A_165, %cond3A_166 : i32
          scf.if %cond3A_167 {
            %dma_wait3A_179 = arith.constant 0 : i32
            %dma_wait3A_180 = arith.constant 0 : i32
            %dma_wait3A_181 = tpu.memref_slice %arg16[%dma_wait3A_179, %dma_wait3A_180] : memref<10368x128xf32, #tpu.memory_space<vmem_shared>> -> memref<10368x128xf32, #tpu.memory_space<vmem_shared>>
            tpu.wait_indirect_dma semaphore(%arg20 : memref<!tpu.dma_semaphore, #tpu.memory_space<semaphore_mem>>) src(%arg13 : memref<128x128xf32, #tpu.memory_space<vmem>>) dst(%dma_wait3A_181 : memref<10368x128xf32, #tpu.memory_space<vmem_shared>>)
          } else {
          }
          %add3A_168 = arith.constant 1 : i32
          %add3A_169 = arith.addi %add3A_122, %add3A_168 : i32
          %mul3A_170 = arith.constant 128 : i32
          %mul3A_171 = arith.muli %add3A_169, %mul3A_170 : i32
          "tpu.region"() ({
            %run_scoped3A = tpu.sem_alloc : memref<!tpu.dma_semaphore, #tpu.memory_space<semaphore_mem>>
            %dma_start3A_179 = tpu.memref_slice %arg3[%add3A_44, %mul3A_171] : memref<32x10240xi32, #tpu.memory_space<hbm>> -> memref<1x128xi32, #tpu.memory_space<hbm>>
            %dma_start3A_180 = tpu.memref_squeeze %dma_start3A_179 : memref<1x128xi32, #tpu.memory_space<hbm>> -> memref<128xi32, #tpu.memory_space<hbm>>
            %dma_start3A_181 = tpu.memref_slice %arg3[%add3A_44, %mul3A_171] : memref<32x10240xi32, #tpu.memory_space<hbm>> -> memref<1x128xi32, #tpu.memory_space<hbm>>
            %dma_start3A_182 = tpu.memref_squeeze %dma_start3A_181 : memref<1x128xi32, #tpu.memory_space<hbm>> -> memref<128xi32, #tpu.memory_space<hbm>>
            tpu.enqueue_dma source(%dma_start3A_182 : memref<128xi32, #tpu.memory_space<hbm>>) target(%arg9 : memref<128xi32, #tpu.memory_space<vmem>>) target_semaphore(%run_scoped3A : memref<!tpu.dma_semaphore, #tpu.memory_space<semaphore_mem>>)
            %dma_wait3A_183 = tpu.memref_slice %arg3[%add3A_44, %mul3A_171] : memref<32x10240xi32, #tpu.memory_space<hbm>> -> memref<1x128xi32, #tpu.memory_space<hbm>>
            %dma_wait3A_184 = tpu.memref_squeeze %dma_wait3A_183 : memref<1x128xi32, #tpu.memory_space<hbm>> -> memref<128xi32, #tpu.memory_space<hbm>>
            %dma_wait3A_185 = tpu.memref_slice %arg3[%add3A_44, %mul3A_171] : memref<32x10240xi32, #tpu.memory_space<hbm>> -> memref<1x128xi32, #tpu.memory_space<hbm>>
            %dma_wait3A_186 = tpu.memref_squeeze %dma_wait3A_185 : memref<1x128xi32, #tpu.memory_space<hbm>> -> memref<128xi32, #tpu.memory_space<hbm>>
            tpu.wait_dma2 semaphore(%run_scoped3A : memref<!tpu.dma_semaphore, #tpu.memory_space<semaphore_mem>>) src(%dma_wait3A_186 : memref<128xi32, #tpu.memory_space<hbm>>) dst(%arg9 : memref<128xi32, #tpu.memory_space<vmem>>)
            tpu.yield
          }) : () -> ()
          "tpu.region"() ({
            %run_scoped3A = tpu.sem_alloc : memref<!tpu.dma_semaphore, #tpu.memory_space<semaphore_mem>>
            %dma_start3A_179 = tpu.memref_slice %arg4[%add3A_44, %mul3A_171] : memref<32x10240xi32, #tpu.memory_space<hbm>> -> memref<1x128xi32, #tpu.memory_space<hbm>>
            %dma_start3A_180 = tpu.memref_squeeze %dma_start3A_179 : memref<1x128xi32, #tpu.memory_space<hbm>> -> memref<128xi32, #tpu.memory_space<hbm>>
            %dma_start3A_181 = tpu.memref_slice %arg4[%add3A_44, %mul3A_171] : memref<32x10240xi32, #tpu.memory_space<hbm>> -> memref<1x128xi32, #tpu.memory_space<hbm>>
            %dma_start3A_182 = tpu.memref_squeeze %dma_start3A_181 : memref<1x128xi32, #tpu.memory_space<hbm>> -> memref<128xi32, #tpu.memory_space<hbm>>
            tpu.enqueue_dma source(%dma_start3A_182 : memref<128xi32, #tpu.memory_space<hbm>>) target(%arg11 : memref<128xi32, #tpu.memory_space<vmem>>) target_semaphore(%run_scoped3A : memref<!tpu.dma_semaphore, #tpu.memory_space<semaphore_mem>>)
            %dma_wait3A_183 = tpu.memref_slice %arg4[%add3A_44, %mul3A_171] : memref<32x10240xi32, #tpu.memory_space<hbm>> -> memref<1x128xi32, #tpu.memory_space<hbm>>
            %dma_wait3A_184 = tpu.memref_squeeze %dma_wait3A_183 : memref<1x128xi32, #tpu.memory_space<hbm>> -> memref<128xi32, #tpu.memory_space<hbm>>
            %dma_wait3A_185 = tpu.memref_slice %arg4[%add3A_44, %mul3A_171] : memref<32x10240xi32, #tpu.memory_space<hbm>> -> memref<1x128xi32, #tpu.memory_space<hbm>>
            %dma_wait3A_186 = tpu.memref_squeeze %dma_wait3A_185 : memref<1x128xi32, #tpu.memory_space<hbm>> -> memref<128xi32, #tpu.memory_space<hbm>>
            tpu.wait_dma2 semaphore(%run_scoped3A : memref<!tpu.dma_semaphore, #tpu.memory_space<semaphore_mem>>) src(%dma_wait3A_186 : memref<128xi32, #tpu.memory_space<hbm>>) dst(%arg11 : memref<128xi32, #tpu.memory_space<vmem>>)
            tpu.yield
          }) : () -> ()
          %dma_start3A_172 = arith.constant 0 : i32
          %dma_start3A_173 = arith.constant 0 : i32
          %dma_start3A_174 = tpu.memref_slice %arg2[%arg0, %dma_start3A_172, %dma_start3A_173] : memref<2x10240x128xf32, #tpu.memory_space<hbm>> -> memref<1x10240x128xf32, #tpu.memory_space<hbm>>
          %dma_start3A_175 = tpu.memref_squeeze %dma_start3A_174 : memref<1x10240x128xf32, #tpu.memory_space<hbm>> -> memref<10240x128xf32, #tpu.memory_space<hbm>>
          %dma_start3A_176 = arith.constant 0 : i32
          %dma_start3A_177 = arith.constant 0 : i32
          %dma_start3A_178 = tpu.memref_slice %dma_start3A_175[%dma_start3A_176, %dma_start3A_177] : memref<10240x128xf32, #tpu.memory_space<hbm>> -> memref<10240x128xf32, #tpu.memory_space<hbm>>
          tpu.enqueue_indirect_dma source(%dma_start3A_178 : memref<10240x128xf32, #tpu.memory_space<hbm>>) target(%arg13 : memref<128x128xf32, #tpu.memory_space<vmem>>) offsets(%arg9 : memref<128xi32, #tpu.memory_space<vmem>>) semaphore(%arg18 : memref<!tpu.dma_semaphore, #tpu.memory_space<semaphore_mem>>)
        } else {
        }
        %dma_wait3A_130 = arith.constant 0 : i32
        %dma_wait3A_131 = arith.constant 0 : i32
        %dma_wait3A_132 = tpu.memref_slice %arg2[%arg0, %dma_wait3A_130, %dma_wait3A_131] : memref<2x10240x128xf32, #tpu.memory_space<hbm>> -> memref<1x10240x128xf32, #tpu.memory_space<hbm>>
        %dma_wait3A_133 = tpu.memref_squeeze %dma_wait3A_132 : memref<1x10240x128xf32, #tpu.memory_space<hbm>> -> memref<10240x128xf32, #tpu.memory_space<hbm>>
        %dma_wait3A_134 = arith.constant 0 : i32
        %dma_wait3A_135 = arith.constant 0 : i32
        %dma_wait3A_136 = tpu.memref_slice %dma_wait3A_133[%dma_wait3A_134, %dma_wait3A_135] : memref<10240x128xf32, #tpu.memory_space<hbm>> -> memref<10240x128xf32, #tpu.memory_space<hbm>>
        tpu.wait_indirect_dma semaphore(%arg17 : memref<!tpu.dma_semaphore, #tpu.memory_space<semaphore_mem>>) src(%dma_wait3A_136 : memref<10240x128xf32, #tpu.memory_space<hbm>>) dst(%arg12 : memref<128x128xf32, #tpu.memory_space<vmem>>)
        %dma_start3A_137 = arith.constant 0 : i32
        %dma_start3A_138 = arith.constant 0 : i32
        %dma_start3A_139 = tpu.memref_slice %arg16[%dma_start3A_137, %dma_start3A_138] : memref<10368x128xf32, #tpu.memory_space<vmem_shared>> -> memref<10368x128xf32, #tpu.memory_space<vmem_shared>>
        tpu.enqueue_indirect_dma source(%arg12 : memref<128x128xf32, #tpu.memory_space<vmem>>) target(%dma_start3A_139 : memref<10368x128xf32, #tpu.memory_space<vmem_shared>>) offsets(%arg10 : memref<128xi32, #tpu.memory_space<vmem>>) semaphore(%arg19 : memref<!tpu.dma_semaphore, #tpu.memory_space<semaphore_mem>>) {add = true}
        %mul3A_140 = arith.constant 2 : i32
        %mul3A_141 = arith.muli %add3A_118, %mul3A_140 : i32
        %add3A_142 = arith.constant 1 : i32
        %add3A_143 = arith.addi %mul3A_141, %add3A_142 : i32
        %add3A_144 = arith.constant 1 : i32
        %add3A_145 = arith.addi %add3A_143, %add3A_144 : i32
        %mul3A_146 = arith.constant 2 : i32
        %mul3A_147 = arith.muli %select_n3A_75, %mul3A_146 : i32
        %lt3A_148 = arith.cmpi slt, %add3A_145, %mul3A_147 : i32
        %convert_element_type3A_149 = arith.extui %lt3A_148 : i1 to i32
        %cond3A_150 = arith.constant 0 : i32
        %cond3A_151 = arith.cmpi ne, %convert_element_type3A_149, %cond3A_150 : i32
        scf.if %cond3A_151 {
          %add3A_162 = arith.constant 1 : i32
          %add3A_163 = arith.addi %add3A_143, %add3A_162 : i32
          %ge3A = arith.constant 2 : i32
          %ge3A_164 = arith.cmpi sge, %add3A_163, %ge3A : i32
          %convert_element_type3A_165 = arith.extui %ge3A_164 : i1 to i32
          %cond3A_166 = arith.constant 0 : i32
          %cond3A_167 = arith.cmpi ne, %convert_element_type3A_165, %cond3A_166 : i32
          scf.if %cond3A_167 {
            %dma_wait3A_179 = arith.constant 0 : i32
            %dma_wait3A_180 = arith.constant 0 : i32
            %dma_wait3A_181 = tpu.memref_slice %arg16[%dma_wait3A_179, %dma_wait3A_180] : memref<10368x128xf32, #tpu.memory_space<vmem_shared>> -> memref<10368x128xf32, #tpu.memory_space<vmem_shared>>
            tpu.wait_indirect_dma semaphore(%arg19 : memref<!tpu.dma_semaphore, #tpu.memory_space<semaphore_mem>>) src(%arg12 : memref<128x128xf32, #tpu.memory_space<vmem>>) dst(%dma_wait3A_181 : memref<10368x128xf32, #tpu.memory_space<vmem_shared>>)
          } else {
          }
          %add3A_168 = arith.constant 1 : i32
          %add3A_169 = arith.addi %add3A_143, %add3A_168 : i32
          %mul3A_170 = arith.constant 128 : i32
          %mul3A_171 = arith.muli %add3A_169, %mul3A_170 : i32
          "tpu.region"() ({
            %run_scoped3A = tpu.sem_alloc : memref<!tpu.dma_semaphore, #tpu.memory_space<semaphore_mem>>
            %dma_start3A_179 = tpu.memref_slice %arg3[%add3A_44, %mul3A_171] : memref<32x10240xi32, #tpu.memory_space<hbm>> -> memref<1x128xi32, #tpu.memory_space<hbm>>
            %dma_start3A_180 = tpu.memref_squeeze %dma_start3A_179 : memref<1x128xi32, #tpu.memory_space<hbm>> -> memref<128xi32, #tpu.memory_space<hbm>>
            %dma_start3A_181 = tpu.memref_slice %arg3[%add3A_44, %mul3A_171] : memref<32x10240xi32, #tpu.memory_space<hbm>> -> memref<1x128xi32, #tpu.memory_space<hbm>>
            %dma_start3A_182 = tpu.memref_squeeze %dma_start3A_181 : memref<1x128xi32, #tpu.memory_space<hbm>> -> memref<128xi32, #tpu.memory_space<hbm>>
            tpu.enqueue_dma source(%dma_start3A_182 : memref<128xi32, #tpu.memory_space<hbm>>) target(%arg8 : memref<128xi32, #tpu.memory_space<vmem>>) target_semaphore(%run_scoped3A : memref<!tpu.dma_semaphore, #tpu.memory_space<semaphore_mem>>)
            %dma_wait3A_183 = tpu.memref_slice %arg3[%add3A_44, %mul3A_171] : memref<32x10240xi32, #tpu.memory_space<hbm>> -> memref<1x128xi32, #tpu.memory_space<hbm>>
            %dma_wait3A_184 = tpu.memref_squeeze %dma_wait3A_183 : memref<1x128xi32, #tpu.memory_space<hbm>> -> memref<128xi32, #tpu.memory_space<hbm>>
            %dma_wait3A_185 = tpu.memref_slice %arg3[%add3A_44, %mul3A_171] : memref<32x10240xi32, #tpu.memory_space<hbm>> -> memref<1x128xi32, #tpu.memory_space<hbm>>
            %dma_wait3A_186 = tpu.memref_squeeze %dma_wait3A_185 : memref<1x128xi32, #tpu.memory_space<hbm>> -> memref<128xi32, #tpu.memory_space<hbm>>
            tpu.wait_dma2 semaphore(%run_scoped3A : memref<!tpu.dma_semaphore, #tpu.memory_space<semaphore_mem>>) src(%dma_wait3A_186 : memref<128xi32, #tpu.memory_space<hbm>>) dst(%arg8 : memref<128xi32, #tpu.memory_space<vmem>>)
            tpu.yield
          }) : () -> ()
          "tpu.region"() ({
            %run_scoped3A = tpu.sem_alloc : memref<!tpu.dma_semaphore, #tpu.memory_space<semaphore_mem>>
            %dma_start3A_179 = tpu.memref_slice %arg4[%add3A_44, %mul3A_171] : memref<32x10240xi32, #tpu.memory_space<hbm>> -> memref<1x128xi32, #tpu.memory_space<hbm>>
            %dma_start3A_180 = tpu.memref_squeeze %dma_start3A_179 : memref<1x128xi32, #tpu.memory_space<hbm>> -> memref<128xi32, #tpu.memory_space<hbm>>
            %dma_start3A_181 = tpu.memref_slice %arg4[%add3A_44, %mul3A_171] : memref<32x10240xi32, #tpu.memory_space<hbm>> -> memref<1x128xi32, #tpu.memory_space<hbm>>
            %dma_start3A_182 = tpu.memref_squeeze %dma_start3A_181 : memref<1x128xi32, #tpu.memory_space<hbm>> -> memref<128xi32, #tpu.memory_space<hbm>>
            tpu.enqueue_dma source(%dma_start3A_182 : memref<128xi32, #tpu.memory_space<hbm>>) target(%arg10 : memref<128xi32, #tpu.memory_space<vmem>>) target_semaphore(%run_scoped3A : memref<!tpu.dma_semaphore, #tpu.memory_space<semaphore_mem>>)
            %dma_wait3A_183 = tpu.memref_slice %arg4[%add3A_44, %mul3A_171] : memref<32x10240xi32, #tpu.memory_space<hbm>> -> memref<1x128xi32, #tpu.memory_space<hbm>>
            %dma_wait3A_184 = tpu.memref_squeeze %dma_wait3A_183 : memref<1x128xi32, #tpu.memory_space<hbm>> -> memref<128xi32, #tpu.memory_space<hbm>>
            %dma_wait3A_185 = tpu.memref_slice %arg4[%add3A_44, %mul3A_171] : memref<32x10240xi32, #tpu.memory_space<hbm>> -> memref<1x128xi32, #tpu.memory_space<hbm>>
            %dma_wait3A_186 = tpu.memref_squeeze %dma_wait3A_185 : memref<1x128xi32, #tpu.memory_space<hbm>> -> memref<128xi32, #tpu.memory_space<hbm>>
            tpu.wait_dma2 semaphore(%run_scoped3A : memref<!tpu.dma_semaphore, #tpu.memory_space<semaphore_mem>>) src(%dma_wait3A_186 : memref<128xi32, #tpu.memory_space<hbm>>) dst(%arg10 : memref<128xi32, #tpu.memory_space<vmem>>)
            tpu.yield
          }) : () -> ()
          %dma_start3A_172 = arith.constant 0 : i32
          %dma_start3A_173 = arith.constant 0 : i32
          %dma_start3A_174 = tpu.memref_slice %arg2[%arg0, %dma_start3A_172, %dma_start3A_173] : memref<2x10240x128xf32, #tpu.memory_space<hbm>> -> memref<1x10240x128xf32, #tpu.memory_space<hbm>>
          %dma_start3A_175 = tpu.memref_squeeze %dma_start3A_174 : memref<1x10240x128xf32, #tpu.memory_space<hbm>> -> memref<10240x128xf32, #tpu.memory_space<hbm>>
          %dma_start3A_176 = arith.constant 0 : i32
          %dma_start3A_177 = arith.constant 0 : i32
          %dma_start3A_178 = tpu.memref_slice %dma_start3A_175[%dma_start3A_176, %dma_start3A_177] : memref<10240x128xf32, #tpu.memory_space<hbm>> -> memref<10240x128xf32, #tpu.memory_space<hbm>>
          tpu.enqueue_indirect_dma source(%dma_start3A_178 : memref<10240x128xf32, #tpu.memory_space<hbm>>) target(%arg12 : memref<128x128xf32, #tpu.memory_space<vmem>>) offsets(%arg8 : memref<128xi32, #tpu.memory_space<vmem>>) semaphore(%arg17 : memref<!tpu.dma_semaphore, #tpu.memory_space<semaphore_mem>>)
        } else {
        }
        %dma_wait3A_152 = arith.constant 0 : i32
        %dma_wait3A_153 = arith.constant 0 : i32
        %dma_wait3A_154 = tpu.memref_slice %arg2[%arg0, %dma_wait3A_152, %dma_wait3A_153] : memref<2x10240x128xf32, #tpu.memory_space<hbm>> -> memref<1x10240x128xf32, #tpu.memory_space<hbm>>
        %dma_wait3A_155 = tpu.memref_squeeze %dma_wait3A_154 : memref<1x10240x128xf32, #tpu.memory_space<hbm>> -> memref<10240x128xf32, #tpu.memory_space<hbm>>
        %dma_wait3A_156 = arith.constant 0 : i32
        %dma_wait3A_157 = arith.constant 0 : i32
        %dma_wait3A_158 = tpu.memref_slice %dma_wait3A_155[%dma_wait3A_156, %dma_wait3A_157] : memref<10240x128xf32, #tpu.memory_space<hbm>> -> memref<10240x128xf32, #tpu.memory_space<hbm>>
        tpu.wait_indirect_dma semaphore(%arg18 : memref<!tpu.dma_semaphore, #tpu.memory_space<semaphore_mem>>) src(%dma_wait3A_158 : memref<10240x128xf32, #tpu.memory_space<hbm>>) dst(%arg13 : memref<128x128xf32, #tpu.memory_space<vmem>>)
        %dma_start3A_159 = arith.constant 0 : i32
        %dma_start3A_160 = arith.constant 0 : i32
        %dma_start3A_161 = tpu.memref_slice %arg16[%dma_start3A_159, %dma_start3A_160] : memref<10368x128xf32, #tpu.memory_space<vmem_shared>> -> memref<10368x128xf32, #tpu.memory_space<vmem_shared>>
        tpu.enqueue_indirect_dma source(%arg13 : memref<128x128xf32, #tpu.memory_space<vmem>>) target(%dma_start3A_161 : memref<10368x128xf32, #tpu.memory_space<vmem_shared>>) offsets(%arg11 : memref<128xi32, #tpu.memory_space<vmem>>) semaphore(%arg20 : memref<!tpu.dma_semaphore, #tpu.memory_space<semaphore_mem>>) {add = true}
      }
      %while3A_110 = arith.constant 1 : i32
      scf.for %while3A_116 = %while3A_108 to %while3A_104 step %while3A_110  : i32 {
        %mul3A_117 = arith.muli %while3A_116, %while3A_100 : i32
        %add3A_118 = arith.addi %while3A_101, %mul3A_117 : i32
        %mul3A_119 = arith.constant 2 : i32
        %mul3A_120 = arith.muli %add3A_118, %mul3A_119 : i32
        %add3A_121 = arith.constant 0 : i32
        %add3A_122 = arith.addi %mul3A_120, %add3A_121 : i32
        %add3A_123 = arith.constant 1 : i32
        %add3A_124 = arith.addi %add3A_122, %add3A_123 : i32
        %mul3A_125 = arith.constant 2 : i32
        %mul3A_126 = arith.muli %select_n3A_75, %mul3A_125 : i32
        %lt3A = arith.cmpi slt, %add3A_124, %mul3A_126 : i32
        %convert_element_type3A_127 = arith.extui %lt3A : i1 to i32
        %cond3A_128 = arith.constant 0 : i32
        %cond3A_129 = arith.cmpi ne, %convert_element_type3A_127, %cond3A_128 : i32
        scf.if %cond3A_129 {
          %add3A_162 = arith.constant 1 : i32
          %add3A_163 = arith.addi %add3A_122, %add3A_162 : i32
          %ge3A = arith.constant 2 : i32
          %ge3A_164 = arith.cmpi sge, %add3A_163, %ge3A : i32
          %convert_element_type3A_165 = arith.extui %ge3A_164 : i1 to i32
          %cond3A_166 = arith.constant 0 : i32
          %cond3A_167 = arith.cmpi ne, %convert_element_type3A_165, %cond3A_166 : i32
          scf.if %cond3A_167 {
            %dma_wait3A_179 = arith.constant 0 : i32
            %dma_wait3A_180 = arith.constant 0 : i32
            %dma_wait3A_181 = tpu.memref_slice %arg16[%dma_wait3A_179, %dma_wait3A_180] : memref<10368x128xf32, #tpu.memory_space<vmem_shared>> -> memref<10368x128xf32, #tpu.memory_space<vmem_shared>>
            tpu.wait_indirect_dma semaphore(%arg20 : memref<!tpu.dma_semaphore, #tpu.memory_space<semaphore_mem>>) src(%arg13 : memref<128x128xf32, #tpu.memory_space<vmem>>) dst(%dma_wait3A_181 : memref<10368x128xf32, #tpu.memory_space<vmem_shared>>)
          } else {
          }
          %add3A_168 = arith.constant 1 : i32
          %add3A_169 = arith.addi %add3A_122, %add3A_168 : i32
          %mul3A_170 = arith.constant 128 : i32
          %mul3A_171 = arith.muli %add3A_169, %mul3A_170 : i32
          "tpu.region"() ({
            %run_scoped3A = tpu.sem_alloc : memref<!tpu.dma_semaphore, #tpu.memory_space<semaphore_mem>>
            %dma_start3A_179 = tpu.memref_slice %arg3[%add3A_44, %mul3A_171] : memref<32x10240xi32, #tpu.memory_space<hbm>> -> memref<1x128xi32, #tpu.memory_space<hbm>>
            %dma_start3A_180 = tpu.memref_squeeze %dma_start3A_179 : memref<1x128xi32, #tpu.memory_space<hbm>> -> memref<128xi32, #tpu.memory_space<hbm>>
            %dma_start3A_181 = tpu.memref_slice %arg3[%add3A_44, %mul3A_171] : memref<32x10240xi32, #tpu.memory_space<hbm>> -> memref<1x128xi32, #tpu.memory_space<hbm>>
            %dma_start3A_182 = tpu.memref_squeeze %dma_start3A_181 : memref<1x128xi32, #tpu.memory_space<hbm>> -> memref<128xi32, #tpu.memory_space<hbm>>
            tpu.enqueue_dma source(%dma_start3A_182 : memref<128xi32, #tpu.memory_space<hbm>>) target(%arg9 : memref<128xi32, #tpu.memory_space<vmem>>) target_semaphore(%run_scoped3A : memref<!tpu.dma_semaphore, #tpu.memory_space<semaphore_mem>>)
            %dma_wait3A_183 = tpu.memref_slice %arg3[%add3A_44, %mul3A_171] : memref<32x10240xi32, #tpu.memory_space<hbm>> -> memref<1x128xi32, #tpu.memory_space<hbm>>
            %dma_wait3A_184 = tpu.memref_squeeze %dma_wait3A_183 : memref<1x128xi32, #tpu.memory_space<hbm>> -> memref<128xi32, #tpu.memory_space<hbm>>
            %dma_wait3A_185 = tpu.memref_slice %arg3[%add3A_44, %mul3A_171] : memref<32x10240xi32, #tpu.memory_space<hbm>> -> memref<1x128xi32, #tpu.memory_space<hbm>>
            %dma_wait3A_186 = tpu.memref_squeeze %dma_wait3A_185 : memref<1x128xi32, #tpu.memory_space<hbm>> -> memref<128xi32, #tpu.memory_space<hbm>>
            tpu.wait_dma2 semaphore(%run_scoped3A : memref<!tpu.dma_semaphore, #tpu.memory_space<semaphore_mem>>) src(%dma_wait3A_186 : memref<128xi32, #tpu.memory_space<hbm>>) dst(%arg9 : memref<128xi32, #tpu.memory_space<vmem>>)
            tpu.yield
          }) : () -> ()
          "tpu.region"() ({
            %run_scoped3A = tpu.sem_alloc : memref<!tpu.dma_semaphore, #tpu.memory_space<semaphore_mem>>
            %dma_start3A_179 = tpu.memref_slice %arg4[%add3A_44, %mul3A_171] : memref<32x10240xi32, #tpu.memory_space<hbm>> -> memref<1x128xi32, #tpu.memory_space<hbm>>
            %dma_start3A_180 = tpu.memref_squeeze %dma_start3A_179 : memref<1x128xi32, #tpu.memory_space<hbm>> -> memref<128xi32, #tpu.memory_space<hbm>>
            %dma_start3A_181 = tpu.memref_slice %arg4[%add3A_44, %mul3A_171] : memref<32x10240xi32, #tpu.memory_space<hbm>> -> memref<1x128xi32, #tpu.memory_space<hbm>>
            %dma_start3A_182 = tpu.memref_squeeze %dma_start3A_181 : memref<1x128xi32, #tpu.memory_space<hbm>> -> memref<128xi32, #tpu.memory_space<hbm>>
            tpu.enqueue_dma source(%dma_start3A_182 : memref<128xi32, #tpu.memory_space<hbm>>) target(%arg11 : memref<128xi32, #tpu.memory_space<vmem>>) target_semaphore(%run_scoped3A : memref<!tpu.dma_semaphore, #tpu.memory_space<semaphore_mem>>)
            %dma_wait3A_183 = tpu.memref_slice %arg4[%add3A_44, %mul3A_171] : memref<32x10240xi32, #tpu.memory_space<hbm>> -> memref<1x128xi32, #tpu.memory_space<hbm>>
            %dma_wait3A_184 = tpu.memref_squeeze %dma_wait3A_183 : memref<1x128xi32, #tpu.memory_space<hbm>> -> memref<128xi32, #tpu.memory_space<hbm>>
            %dma_wait3A_185 = tpu.memref_slice %arg4[%add3A_44, %mul3A_171] : memref<32x10240xi32, #tpu.memory_space<hbm>> -> memref<1x128xi32, #tpu.memory_space<hbm>>
            %dma_wait3A_186 = tpu.memref_squeeze %dma_wait3A_185 : memref<1x128xi32, #tpu.memory_space<hbm>> -> memref<128xi32, #tpu.memory_space<hbm>>
            tpu.wait_dma2 semaphore(%run_scoped3A : memref<!tpu.dma_semaphore, #tpu.memory_space<semaphore_mem>>) src(%dma_wait3A_186 : memref<128xi32, #tpu.memory_space<hbm>>) dst(%arg11 : memref<128xi32, #tpu.memory_space<vmem>>)
            tpu.yield
          }) : () -> ()
          %dma_start3A_172 = arith.constant 0 : i32
          %dma_start3A_173 = arith.constant 0 : i32
          %dma_start3A_174 = tpu.memref_slice %arg2[%arg0, %dma_start3A_172, %dma_start3A_173] : memref<2x10240x128xf32, #tpu.memory_space<hbm>> -> memref<1x10240x128xf32, #tpu.memory_space<hbm>>
          %dma_start3A_175 = tpu.memref_squeeze %dma_start3A_174 : memref<1x10240x128xf32, #tpu.memory_space<hbm>> -> memref<10240x128xf32, #tpu.memory_space<hbm>>
          %dma_start3A_176 = arith.constant 0 : i32
          %dma_start3A_177 = arith.constant 0 : i32
          %dma_start3A_178 = tpu.memref_slice %dma_start3A_175[%dma_start3A_176, %dma_start3A_177] : memref<10240x128xf32, #tpu.memory_space<hbm>> -> memref<10240x128xf32, #tpu.memory_space<hbm>>
          tpu.enqueue_indirect_dma source(%dma_start3A_178 : memref<10240x128xf32, #tpu.memory_space<hbm>>) target(%arg13 : memref<128x128xf32, #tpu.memory_space<vmem>>) offsets(%arg9 : memref<128xi32, #tpu.memory_space<vmem>>) semaphore(%arg18 : memref<!tpu.dma_semaphore, #tpu.memory_space<semaphore_mem>>)
        } else {
        }
        %dma_wait3A_130 = arith.constant 0 : i32
        %dma_wait3A_131 = arith.constant 0 : i32
        %dma_wait3A_132 = tpu.memref_slice %arg2[%arg0, %dma_wait3A_130, %dma_wait3A_131] : memref<2x10240x128xf32, #tpu.memory_space<hbm>> -> memref<1x10240x128xf32, #tpu.memory_space<hbm>>
        %dma_wait3A_133 = tpu.memref_squeeze %dma_wait3A_132 : memref<1x10240x128xf32, #tpu.memory_space<hbm>> -> memref<10240x128xf32, #tpu.memory_space<hbm>>
        %dma_wait3A_134 = arith.constant 0 : i32
        %dma_wait3A_135 = arith.constant 0 : i32
        %dma_wait3A_136 = tpu.memref_slice %dma_wait3A_133[%dma_wait3A_134, %dma_wait3A_135] : memref<10240x128xf32, #tpu.memory_space<hbm>> -> memref<10240x128xf32, #tpu.memory_space<hbm>>
        tpu.wait_indirect_dma semaphore(%arg17 : memref<!tpu.dma_semaphore, #tpu.memory_space<semaphore_mem>>) src(%dma_wait3A_136 : memref<10240x128xf32, #tpu.memory_space<hbm>>) dst(%arg12 : memref<128x128xf32, #tpu.memory_space<vmem>>)
        %dma_start3A_137 = arith.constant 0 : i32
        %dma_start3A_138 = arith.constant 0 : i32
        %dma_start3A_139 = tpu.memref_slice %arg16[%dma_start3A_137, %dma_start3A_138] : memref<10368x128xf32, #tpu.memory_space<vmem_shared>> -> memref<10368x128xf32, #tpu.memory_space<vmem_shared>>
        tpu.enqueue_indirect_dma source(%arg12 : memref<128x128xf32, #tpu.memory_space<vmem>>) target(%dma_start3A_139 : memref<10368x128xf32, #tpu.memory_space<vmem_shared>>) offsets(%arg10 : memref<128xi32, #tpu.memory_space<vmem>>) semaphore(%arg19 : memref<!tpu.dma_semaphore, #tpu.memory_space<semaphore_mem>>) {add = true}
        %mul3A_140 = arith.constant 2 : i32
        %mul3A_141 = arith.muli %add3A_118, %mul3A_140 : i32
        %add3A_142 = arith.constant 1 : i32
        %add3A_143 = arith.addi %mul3A_141, %add3A_142 : i32
        %add3A_144 = arith.constant 1 : i32
        %add3A_145 = arith.addi %add3A_143, %add3A_144 : i32
        %mul3A_146 = arith.constant 2 : i32
        %mul3A_147 = arith.muli %select_n3A_75, %mul3A_146 : i32
        %lt3A_148 = arith.cmpi slt, %add3A_145, %mul3A_147 : i32
        %convert_element_type3A_149 = arith.extui %lt3A_148 : i1 to i32
        %cond3A_150 = arith.constant 0 : i32
        %cond3A_151 = arith.cmpi ne, %convert_element_type3A_149, %cond3A_150 : i32
        scf.if %cond3A_151 {
          %add3A_162 = arith.constant 1 : i32
          %add3A_163 = arith.addi %add3A_143, %add3A_162 : i32
          %ge3A = arith.constant 2 : i32
          %ge3A_164 = arith.cmpi sge, %add3A_163, %ge3A : i32
          %convert_element_type3A_165 = arith.extui %ge3A_164 : i1 to i32
          %cond3A_166 = arith.constant 0 : i32
          %cond3A_167 = arith.cmpi ne, %convert_element_type3A_165, %cond3A_166 : i32
          scf.if %cond3A_167 {
            %dma_wait3A_179 = arith.constant 0 : i32
            %dma_wait3A_180 = arith.constant 0 : i32
            %dma_wait3A_181 = tpu.memref_slice %arg16[%dma_wait3A_179, %dma_wait3A_180] : memref<10368x128xf32, #tpu.memory_space<vmem_shared>> -> memref<10368x128xf32, #tpu.memory_space<vmem_shared>>
            tpu.wait_indirect_dma semaphore(%arg19 : memref<!tpu.dma_semaphore, #tpu.memory_space<semaphore_mem>>) src(%arg12 : memref<128x128xf32, #tpu.memory_space<vmem>>) dst(%dma_wait3A_181 : memref<10368x128xf32, #tpu.memory_space<vmem_shared>>)
          } else {
          }
          %add3A_168 = arith.constant 1 : i32
          %add3A_169 = arith.addi %add3A_143, %add3A_168 : i32
          %mul3A_170 = arith.constant 128 : i32
          %mul3A_171 = arith.muli %add3A_169, %mul3A_170 : i32
          "tpu.region"() ({
            %run_scoped3A = tpu.sem_alloc : memref<!tpu.dma_semaphore, #tpu.memory_space<semaphore_mem>>
            %dma_start3A_179 = tpu.memref_slice %arg3[%add3A_44, %mul3A_171] : memref<32x10240xi32, #tpu.memory_space<hbm>> -> memref<1x128xi32, #tpu.memory_space<hbm>>
            %dma_start3A_180 = tpu.memref_squeeze %dma_start3A_179 : memref<1x128xi32, #tpu.memory_space<hbm>> -> memref<128xi32, #tpu.memory_space<hbm>>
            %dma_start3A_181 = tpu.memref_slice %arg3[%add3A_44, %mul3A_171] : memref<32x10240xi32, #tpu.memory_space<hbm>> -> memref<1x128xi32, #tpu.memory_space<hbm>>
            %dma_start3A_182 = tpu.memref_squeeze %dma_start3A_181 : memref<1x128xi32, #tpu.memory_space<hbm>> -> memref<128xi32, #tpu.memory_space<hbm>>
            tpu.enqueue_dma source(%dma_start3A_182 : memref<128xi32, #tpu.memory_space<hbm>>) target(%arg8 : memref<128xi32, #tpu.memory_space<vmem>>) target_semaphore(%run_scoped3A : memref<!tpu.dma_semaphore, #tpu.memory_space<semaphore_mem>>)
            %dma_wait3A_183 = tpu.memref_slice %arg3[%add3A_44, %mul3A_171] : memref<32x10240xi32, #tpu.memory_space<hbm>> -> memref<1x128xi32, #tpu.memory_space<hbm>>
            %dma_wait3A_184 = tpu.memref_squeeze %dma_wait3A_183 : memref<1x128xi32, #tpu.memory_space<hbm>> -> memref<128xi32, #tpu.memory_space<hbm>>
            %dma_wait3A_185 = tpu.memref_slice %arg3[%add3A_44, %mul3A_171] : memref<32x10240xi32, #tpu.memory_space<hbm>> -> memref<1x128xi32, #tpu.memory_space<hbm>>
            %dma_wait3A_186 = tpu.memref_squeeze %dma_wait3A_185 : memref<1x128xi32, #tpu.memory_space<hbm>> -> memref<128xi32, #tpu.memory_space<hbm>>
            tpu.wait_dma2 semaphore(%run_scoped3A : memref<!tpu.dma_semaphore, #tpu.memory_space<semaphore_mem>>) src(%dma_wait3A_186 : memref<128xi32, #tpu.memory_space<hbm>>) dst(%arg8 : memref<128xi32, #tpu.memory_space<vmem>>)
            tpu.yield
          }) : () -> ()
          "tpu.region"() ({
            %run_scoped3A = tpu.sem_alloc : memref<!tpu.dma_semaphore, #tpu.memory_space<semaphore_mem>>
            %dma_start3A_179 = tpu.memref_slice %arg4[%add3A_44, %mul3A_171] : memref<32x10240xi32, #tpu.memory_space<hbm>> -> memref<1x128xi32, #tpu.memory_space<hbm>>
            %dma_start3A_180 = tpu.memref_squeeze %dma_start3A_179 : memref<1x128xi32, #tpu.memory_space<hbm>> -> memref<128xi32, #tpu.memory_space<hbm>>
            %dma_start3A_181 = tpu.memref_slice %arg4[%add3A_44, %mul3A_171] : memref<32x10240xi32, #tpu.memory_space<hbm>> -> memref<1x128xi32, #tpu.memory_space<hbm>>
            %dma_start3A_182 = tpu.memref_squeeze %dma_start3A_181 : memref<1x128xi32, #tpu.memory_space<hbm>> -> memref<128xi32, #tpu.memory_space<hbm>>
            tpu.enqueue_dma source(%dma_start3A_182 : memref<128xi32, #tpu.memory_space<hbm>>) target(%arg10 : memref<128xi32, #tpu.memory_space<vmem>>) target_semaphore(%run_scoped3A : memref<!tpu.dma_semaphore, #tpu.memory_space<semaphore_mem>>)
            %dma_wait3A_183 = tpu.memref_slice %arg4[%add3A_44, %mul3A_171] : memref<32x10240xi32, #tpu.memory_space<hbm>> -> memref<1x128xi32, #tpu.memory_space<hbm>>
            %dma_wait3A_184 = tpu.memref_squeeze %dma_wait3A_183 : memref<1x128xi32, #tpu.memory_space<hbm>> -> memref<128xi32, #tpu.memory_space<hbm>>
            %dma_wait3A_185 = tpu.memref_slice %arg4[%add3A_44, %mul3A_171] : memref<32x10240xi32, #tpu.memory_space<hbm>> -> memref<1x128xi32, #tpu.memory_space<hbm>>
            %dma_wait3A_186 = tpu.memref_squeeze %dma_wait3A_185 : memref<1x128xi32, #tpu.memory_space<hbm>> -> memref<128xi32, #tpu.memory_space<hbm>>
            tpu.wait_dma2 semaphore(%run_scoped3A : memref<!tpu.dma_semaphore, #tpu.memory_space<semaphore_mem>>) src(%dma_wait3A_186 : memref<128xi32, #tpu.memory_space<hbm>>) dst(%arg10 : memref<128xi32, #tpu.memory_space<vmem>>)
            tpu.yield
          }) : () -> ()
          %dma_start3A_172 = arith.constant 0 : i32
          %dma_start3A_173 = arith.constant 0 : i32
          %dma_start3A_174 = tpu.memref_slice %arg2[%arg0, %dma_start3A_172, %dma_start3A_173] : memref<2x10240x128xf32, #tpu.memory_space<hbm>> -> memref<1x10240x128xf32, #tpu.memory_space<hbm>>
          %dma_start3A_175 = tpu.memref_squeeze %dma_start3A_174 : memref<1x10240x128xf32, #tpu.memory_space<hbm>> -> memref<10240x128xf32, #tpu.memory_space<hbm>>
          %dma_start3A_176 = arith.constant 0 : i32
          %dma_start3A_177 = arith.constant 0 : i32
          %dma_start3A_178 = tpu.memref_slice %dma_start3A_175[%dma_start3A_176, %dma_start3A_177] : memref<10240x128xf32, #tpu.memory_space<hbm>> -> memref<10240x128xf32, #tpu.memory_space<hbm>>
          tpu.enqueue_indirect_dma source(%dma_start3A_178 : memref<10240x128xf32, #tpu.memory_space<hbm>>) target(%arg12 : memref<128x128xf32, #tpu.memory_space<vmem>>) offsets(%arg8 : memref<128xi32, #tpu.memory_space<vmem>>) semaphore(%arg17 : memref<!tpu.dma_semaphore, #tpu.memory_space<semaphore_mem>>)
        } else {
        }
        %dma_wait3A_152 = arith.constant 0 : i32
        %dma_wait3A_153 = arith.constant 0 : i32
        %dma_wait3A_154 = tpu.memref_slice %arg2[%arg0, %dma_wait3A_152, %dma_wait3A_153] : memref<2x10240x128xf32, #tpu.memory_space<hbm>> -> memref<1x10240x128xf32, #tpu.memory_space<hbm>>
        %dma_wait3A_155 = tpu.memref_squeeze %dma_wait3A_154 : memref<1x10240x128xf32, #tpu.memory_space<hbm>> -> memref<10240x128xf32, #tpu.memory_space<hbm>>
        %dma_wait3A_156 = arith.constant 0 : i32
        %dma_wait3A_157 = arith.constant 0 : i32
        %dma_wait3A_158 = tpu.memref_slice %dma_wait3A_155[%dma_wait3A_156, %dma_wait3A_157] : memref<10240x128xf32, #tpu.memory_space<hbm>> -> memref<10240x128xf32, #tpu.memory_space<hbm>>
        tpu.wait_indirect_dma semaphore(%arg18 : memref<!tpu.dma_semaphore, #tpu.memory_space<semaphore_mem>>) src(%dma_wait3A_158 : memref<10240x128xf32, #tpu.memory_space<hbm>>) dst(%arg13 : memref<128x128xf32, #tpu.memory_space<vmem>>)
        %dma_start3A_159 = arith.constant 0 : i32
        %dma_start3A_160 = arith.constant 0 : i32
        %dma_start3A_161 = tpu.memref_slice %arg16[%dma_start3A_159, %dma_start3A_160] : memref<10368x128xf32, #tpu.memory_space<vmem_shared>> -> memref<10368x128xf32, #tpu.memory_space<vmem_shared>>
        tpu.enqueue_indirect_dma source(%arg13 : memref<128x128xf32, #tpu.memory_space<vmem>>) target(%dma_start3A_161 : memref<10368x128xf32, #tpu.memory_space<vmem_shared>>) offsets(%arg11 : memref<128xi32, #tpu.memory_space<vmem>>) semaphore(%arg20 : memref<!tpu.dma_semaphore, #tpu.memory_space<semaphore_mem>>) {add = true}
      }
      %dma_wait3A = arith.constant 0 : i32
      %dma_wait3A_111 = arith.constant 0 : i32
      %dma_wait3A_112 = tpu.memref_slice %arg16[%dma_wait3A, %dma_wait3A_111] : memref<10368x128xf32, #tpu.memory_space<vmem_shared>> -> memref<10368x128xf32, #tpu.memory_space<vmem_shared>>
      tpu.wait_indirect_dma semaphore(%arg19 : memref<!tpu.dma_semaphore, #tpu.memory_space<semaphore_mem>>) src(%arg12 : memref<128x128xf32, #tpu.memory_space<vmem>>) dst(%dma_wait3A_112 : memref<10368x128xf32, #tpu.memory_space<vmem_shared>>)
      %dma_wait3A_113 = arith.constant 0 : i32
      %dma_wait3A_114 = arith.constant 0 : i32
      %dma_wait3A_115 = tpu.memref_slice %arg16[%dma_wait3A_113, %dma_wait3A_114] : memref<10368x128xf32, #tpu.memory_space<vmem_shared>> -> memref<10368x128xf32, #tpu.memory_space<vmem_shared>>
      tpu.wait_indirect_dma semaphore(%arg20 : memref<!tpu.dma_semaphore, #tpu.memory_space<semaphore_mem>>) src(%arg13 : memref<128x128xf32, #tpu.memory_space<vmem>>) dst(%dma_wait3A_115 : memref<10368x128xf32, #tpu.memory_space<vmem_shared>>)
    } else {
    }
    %barrier3A_81 = arith.constant 0 : index
    tpu.barrier barrier_id(%barrier3A_81)
    %mul3A_82 = arith.constant 640 : i32
    %mul3A_83 = arith.muli %arg1, %mul3A_82 : i32
    %mul3A_84 = arith.constant 640 : i32
    %mul3A_85 = arith.muli %arg1, %mul3A_84 : i32
    "tpu.region"() ({
      %run_scoped3A = tpu.sem_alloc : memref<!tpu.dma_semaphore, #tpu.memory_space<semaphore_mem>>
      %dma_start3A = arith.constant 0 : i32
      %dma_start3A_86 = arith.constant 0 : i32
      %dma_start3A_87 = tpu.memref_slice %arg7[%arg0, %dma_start3A, %dma_start3A_86] : memref<2x10240x128xf32, #tpu.memory_space<hbm>> -> memref<1x10240x128xf32, #tpu.memory_space<hbm>>
      %dma_start3A_88 = tpu.memref_squeeze %dma_start3A_87 : memref<1x10240x128xf32, #tpu.memory_space<hbm>> -> memref<10240x128xf32, #tpu.memory_space<hbm>>
      %dma_start3A_89 = arith.constant 0 : i32
      %dma_start3A_90 = tpu.memref_slice %dma_start3A_88[%mul3A_85, %dma_start3A_89] : memref<10240x128xf32, #tpu.memory_space<hbm>> -> memref<640x128xf32, #tpu.memory_space<hbm>>
      %dma_start3A_91 = arith.constant 0 : i32
      %dma_start3A_92 = tpu.memref_slice %arg16[%mul3A_83, %dma_start3A_91] : memref<10368x128xf32, #tpu.memory_space<vmem_shared>> -> memref<640x128xf32, #tpu.memory_space<vmem_shared>>
      tpu.enqueue_dma source(%dma_start3A_92 : memref<640x128xf32, #tpu.memory_space<vmem_shared>>) target(%dma_start3A_90 : memref<640x128xf32, #tpu.memory_space<hbm>>) target_semaphore(%run_scoped3A : memref<!tpu.dma_semaphore, #tpu.memory_space<semaphore_mem>>)
      %dma_wait3A = arith.constant 0 : i32
      %dma_wait3A_93 = arith.constant 0 : i32
      %dma_wait3A_94 = tpu.memref_slice %arg7[%arg0, %dma_wait3A, %dma_wait3A_93] : memref<2x10240x128xf32, #tpu.memory_space<hbm>> -> memref<1x10240x128xf32, #tpu.memory_space<hbm>>
      %dma_wait3A_95 = tpu.memref_squeeze %dma_wait3A_94 : memref<1x10240x128xf32, #tpu.memory_space<hbm>> -> memref<10240x128xf32, #tpu.memory_space<hbm>>
      %dma_wait3A_96 = arith.constant 0 : i32
      %dma_wait3A_97 = tpu.memref_slice %dma_wait3A_95[%mul3A_85, %dma_wait3A_96] : memref<10240x128xf32, #tpu.memory_space<hbm>> -> memref<640x128xf32, #tpu.memory_space<hbm>>
      %dma_wait3A_98 = arith.constant 0 : i32
      %dma_wait3A_99 = tpu.memref_slice %arg16[%mul3A_83, %dma_wait3A_98] : memref<10368x128xf32, #tpu.memory_space<vmem_shared>> -> memref<640x128xf32, #tpu.memory_space<vmem_shared>>
      tpu.wait_dma2 semaphore(%run_scoped3A : memref<!tpu.dma_semaphore, #tpu.memory_space<semaphore_mem>>) src(%dma_wait3A_99 : memref<640x128xf32, #tpu.memory_space<vmem_shared>>) dst(%dma_wait3A_97 : memref<640x128xf32, #tpu.memory_space<hbm>>)
      tpu.yield
    }) : () -> ()
    return
  }
}

#map = affine_map<(d0, d1) -> (0)>
#map1 = affine_map<(d0, d1) -> (0, 0)>
module attributes {stable_mosaic.version = 14 : i64} {
  func.func @_k5_compact(%arg0: i32, %arg1: i32, %arg2: memref<327680xi32, #tpu.memory_space<hbm>>, %arg3: memref<327680xi32, #tpu.memory_space<hbm>>, %arg4: memref<10240xi32, #tpu.memory_space<hbm>>, %arg5: memref<32x10240xi32, #tpu.memory_space<hbm>>, %arg6: memref<32x10240xi32, #tpu.memory_space<hbm>>, %arg7: memref<32x16xi32, #tpu.memory_space<hbm>>, %arg8: memref<32x10368xf32, #tpu.memory_space<hbm>>, %arg9: memref<10256xi32, #tpu.memory_space<vmem>>, %arg10: memref<128xi32, #tpu.memory_space<vmem>>, %arg11: memref<128xi32, #tpu.memory_space<vmem>>, %arg12: memref<10240xi32, #tpu.memory_space<vmem>>, %arg13: memref<10240xi32, #tpu.memory_space<vmem>>, %arg14: memref<10368xf32, #tpu.memory_space<vmem>>, %arg15: memref<16xi32, #tpu.memory_space<vmem>>) attributes {dimension_semantics = [#tpu.dimension_semantics<core_parallel>, #tpu.dimension_semantics<subcore_parallel>], iteration_bounds = array<i64: 2, 16>, scalar_prefetch = 0 : i64, scratch_operands = 7 : i64, tpu.core_type = #tpu.core_type<sc_vector_subcore>, window_params = [{transform_indices = #map}, {transform_indices = #map}, {transform_indices = #map}, {transform_indices = #map1}, {transform_indices = #map1}, {transform_indices = #map1}, {transform_indices = #map1}]} {
    %mul3A = arith.constant 2 : i32
    %mul3A_0 = arith.muli %arg1, %mul3A : i32
    %add3A = arith.addi %mul3A_0, %arg0 : i32
    %iota3A = tpu.iota {dimensions = array<i32: 0>} : vector<16xi32>
    %broadcast_in_dim3A = arith.constant 0.000000e+00 : f32
    %broadcast_in_dim3A_1 = vector.broadcast %broadcast_in_dim3A : f32 to vector<16xf32>
    %scan3A = arith.constant 0 : i32
    %scan3A_2 = arith.constant 648 : i32
    %scan3A_3 = arith.addi %scan3A, %scan3A_2 : i32
    %scan3A_4 = arith.constant 1 : i32
    scf.for %scan3A_35 = %scan3A to %scan3A_3 step %scan3A_4  : i32 {
      %mul3A_36 = arith.constant 1 : i32
      %mul3A_37 = arith.muli %scan3A_35, %mul3A_36 : i32
      %add3A_38 = arith.constant 0 : i32
      %add3A_39 = arith.addi %add3A_38, %mul3A_37 : i32
      %mul3A_40 = arith.constant 16 : i32
      %mul3A_41 = arith.muli %add3A_39, %mul3A_40 : i32
      %swap3A_42 = arith.index_cast %mul3A_41 : i32 to index
      %swap3A_43 = tpu.vector_load %arg14[%swap3A_42] {strides = array<i32>} : memref<10368xf32, #tpu.memory_space<vmem>>, vector<16xf32>,
      tpu.vector_store %arg14[%swap3A_42], %broadcast_in_dim3A_1 {strides = array<i32>} : memref<10368xf32, #tpu.memory_space<vmem>>, vector<16xf32>,
    }
    %scan3A_5 = arith.constant 648 : i32
    "tpu.region"() ({
      %run_scoped3A = tpu.sem_alloc : memref<!tpu.dma_semaphore, #tpu.memory_space<semaphore_mem>>
      %dma_start3A = arith.constant 0 : i32
      %dma_start3A_35 = tpu.memref_slice %arg9[%dma_start3A] : memref<10256xi32, #tpu.memory_space<vmem>> -> memref<10240xi32, #tpu.memory_space<vmem>>
      %dma_start3A_36 = arith.constant 0 : i32
      %dma_start3A_37 = tpu.memref_slice %arg9[%dma_start3A_36] : memref<10256xi32, #tpu.memory_space<vmem>> -> memref<10240xi32, #tpu.memory_space<vmem>>
      tpu.enqueue_dma source(%arg4 : memref<10240xi32, #tpu.memory_space<hbm>>) target(%dma_start3A_37 : memref<10240xi32, #tpu.memory_space<vmem>>) target_semaphore(%run_scoped3A : memref<!tpu.dma_semaphore, #tpu.memory_space<semaphore_mem>>)
      %dma_wait3A = arith.constant 0 : i32
      %dma_wait3A_38 = tpu.memref_slice %arg9[%dma_wait3A] : memref<10256xi32, #tpu.memory_space<vmem>> -> memref<10240xi32, #tpu.memory_space<vmem>>
      %dma_wait3A_39 = arith.constant 0 : i32
      %dma_wait3A_40 = tpu.memref_slice %arg9[%dma_wait3A_39] : memref<10256xi32, #tpu.memory_space<vmem>> -> memref<10240xi32, #tpu.memory_space<vmem>>
      tpu.wait_dma2 semaphore(%run_scoped3A : memref<!tpu.dma_semaphore, #tpu.memory_space<semaphore_mem>>) src(%arg4 : memref<10240xi32, #tpu.memory_space<hbm>>) dst(%dma_wait3A_40 : memref<10240xi32, #tpu.memory_space<vmem>>)
      tpu.yield
    }) : () -> ()
    %broadcast_in_dim3A_6 = arith.constant 0 : i32
    %broadcast_in_dim3A_7 = vector.broadcast %broadcast_in_dim3A_6 : i32 to vector<16xi32>
    %swap3A = arith.constant 10240 : index
    %swap3A_8 = tpu.vector_load %arg9[%swap3A] {strides = array<i32>} : memref<10256xi32, #tpu.memory_space<vmem>>, vector<16xi32>,
    tpu.vector_store %arg9[%swap3A], %broadcast_in_dim3A_7 {strides = array<i32>} : memref<10256xi32, #tpu.memory_space<vmem>>, vector<16xi32>,
    %broadcast_in_dim3A_9 = arith.constant 0 : i32
    %broadcast_in_dim3A_10 = vector.broadcast %broadcast_in_dim3A_9 : i32 to vector<16xi32>
    %broadcast_in_dim3A_11 = arith.constant 10240 : i32
    %broadcast_in_dim3A_12 = vector.broadcast %broadcast_in_dim3A_11 : i32 to vector<16xi32>
    %broadcast_in_dim3A_13 = arith.constant 1.000000e+00 : f32
    %broadcast_in_dim3A_14 = vector.broadcast %broadcast_in_dim3A_13 : f32 to vector<16xf32>
    %scan3A_15 = arith.constant 0 : i32
    %scan3A_16 = arith.constant 640 : i32
    %scan3A_17 = arith.addi %scan3A_15, %scan3A_16 : i32
    %scan3A_18 = arith.constant 1 : i32
    scf.for %scan3A_35 = %scan3A_15 to %scan3A_17 step %scan3A_18  : i32 {
      %mul3A_36 = arith.constant 1 : i32
      %mul3A_37 = arith.muli %scan3A_35, %mul3A_36 : i32
      %add3A_38 = arith.constant 0 : i32
      %add3A_39 = arith.addi %add3A_38, %mul3A_37 : i32
      %mul3A_40 = arith.constant 16 : i32
      %mul3A_41 = arith.muli %add3A_39, %mul3A_40 : i32
      %swap3A_42 = arith.index_cast %mul3A_41 : i32 to index
      %swap3A_43 = tpu.vector_load %arg12[%swap3A_42] {strides = array<i32>} : memref<10240xi32, #tpu.memory_space<vmem>>, vector<16xi32>,
      tpu.vector_store %arg12[%swap3A_42], %broadcast_in_dim3A_10 {strides = array<i32>} : memref<10240xi32, #tpu.memory_space<vmem>>, vector<16xi32>,
      %mul3A_44 = arith.constant 16 : i32
      %mul3A_45 = arith.muli %add3A_39, %mul3A_44 : i32
      %swap3A_46 = arith.index_cast %mul3A_45 : i32 to index
      %swap3A_47 = tpu.vector_load %arg13[%swap3A_46] {strides = array<i32>} : memref<10240xi32, #tpu.memory_space<vmem>>, vector<16xi32>,
      tpu.vector_store %arg13[%swap3A_46], %broadcast_in_dim3A_12 {strides = array<i32>} : memref<10240xi32, #tpu.memory_space<vmem>>, vector<16xi32>,
    }
    %scan3A_19 = arith.constant 640 : i32
    %mul3A_20 = arith.constant 10240 : i32
    %mul3A_21 = arith.muli %add3A, %mul3A_20 : i32
    %scan3A_22 = arith.constant 0 : i32
    %scan3A_23 = arith.constant 0 : i32
    %scan3A_24 = arith.constant 80 : i32
    %scan3A_25 = arith.addi %scan3A_23, %scan3A_24 : i32
    %scan3A_26 = arith.constant 1 : i32
    %scan3A_27 = scf.for %scan3A_35 = %scan3A_23 to %scan3A_25 step %scan3A_26 iter_args(%scan3A_36 = %scan3A_22) -> (i32)  : i32 {
      %mul3A_37 = arith.constant 128 : i32
      %mul3A_38 = arith.muli %scan3A_35, %mul3A_37 : i32
      %add3A_39 = arith.addi %mul3A_21, %mul3A_38 : i32
      "tpu.region"() ({
        %run_scoped3A = tpu.sem_alloc : memref<!tpu.dma_semaphore, #tpu.memory_space<semaphore_mem>>
        %dma_start3A = tpu.memref_slice %arg2[%add3A_39] : memref<327680xi32, #tpu.memory_space<hbm>> -> memref<128xi32, #tpu.memory_space<hbm>>
        %dma_start3A_246 = tpu.memref_slice %arg2[%add3A_39] : memref<327680xi32, #tpu.memory_space<hbm>> -> memref<128xi32, #tpu.memory_space<hbm>>
        tpu.enqueue_dma source(%dma_start3A_246 : memref<128xi32, #tpu.memory_space<hbm>>) target(%arg10 : memref<128xi32, #tpu.memory_space<vmem>>) target_semaphore(%run_scoped3A : memref<!tpu.dma_semaphore, #tpu.memory_space<semaphore_mem>>)
        %dma_wait3A = tpu.memref_slice %arg2[%add3A_39] : memref<327680xi32, #tpu.memory_space<hbm>> -> memref<128xi32, #tpu.memory_space<hbm>>
        %dma_wait3A_247 = tpu.memref_slice %arg2[%add3A_39] : memref<327680xi32, #tpu.memory_space<hbm>> -> memref<128xi32, #tpu.memory_space<hbm>>
        tpu.wait_dma2 semaphore(%run_scoped3A : memref<!tpu.dma_semaphore, #tpu.memory_space<semaphore_mem>>) src(%dma_wait3A_247 : memref<128xi32, #tpu.memory_space<hbm>>) dst(%arg10 : memref<128xi32, #tpu.memory_space<vmem>>)
        tpu.yield
      }) : () -> ()
      %mul3A_40 = arith.constant 128 : i32
      %mul3A_41 = arith.muli %scan3A_35, %mul3A_40 : i32
      %add3A_42 = arith.addi %mul3A_21, %mul3A_41 : i32
      "tpu.region"() ({
        %run_scoped3A = tpu.sem_alloc : memref<!tpu.dma_semaphore, #tpu.memory_space<semaphore_mem>>
        %dma_start3A = tpu.memref_slice %arg3[%add3A_42] : memref<327680xi32, #tpu.memory_space<hbm>> -> memref<128xi32, #tpu.memory_space<hbm>>
        %dma_start3A_246 = tpu.memref_slice %arg3[%add3A_42] : memref<327680xi32, #tpu.memory_space<hbm>> -> memref<128xi32, #tpu.memory_space<hbm>>
        tpu.enqueue_dma source(%dma_start3A_246 : memref<128xi32, #tpu.memory_space<hbm>>) target(%arg11 : memref<128xi32, #tpu.memory_space<vmem>>) target_semaphore(%run_scoped3A : memref<!tpu.dma_semaphore, #tpu.memory_space<semaphore_mem>>)
        %dma_wait3A = tpu.memref_slice %arg3[%add3A_42] : memref<327680xi32, #tpu.memory_space<hbm>> -> memref<128xi32, #tpu.memory_space<hbm>>
        %dma_wait3A_247 = tpu.memref_slice %arg3[%add3A_42] : memref<327680xi32, #tpu.memory_space<hbm>> -> memref<128xi32, #tpu.memory_space<hbm>>
        tpu.wait_dma2 semaphore(%run_scoped3A : memref<!tpu.dma_semaphore, #tpu.memory_space<semaphore_mem>>) src(%dma_wait3A_247 : memref<128xi32, #tpu.memory_space<hbm>>) dst(%arg11 : memref<128xi32, #tpu.memory_space<vmem>>)
        tpu.yield
      }) : () -> ()
      %get3A = arith.constant 0 : index
      %get3A_43 = tpu.vector_load %arg10[%get3A] {strides = array<i32>} : memref<128xi32, #tpu.memory_space<vmem>>, vector<16xi32>,
      %get3A_44 = arith.constant 0 : index
      %get3A_45 = tpu.vector_load %arg11[%get3A_44] {strides = array<i32>} : memref<128xi32, #tpu.memory_space<vmem>>, vector<16xi32>,
      %gather3A = tpu.vector_load_idx %arg9[%get3A_43] : memref<10256xi32, #tpu.memory_space<vmem>>[vector<16xi32>], vector<16xi32>,
      %gather3A_46 = tpu.vector_load_idx %arg9[%get3A_45] : memref<10256xi32, #tpu.memory_space<vmem>>[vector<16xi32>], vector<16xi32>,
      %mul3A_47 = arith.muli %gather3A, %gather3A_46 : vector<16xi32>
      %eq3A_48 = arith.constant 1 : i32
      %eq3A_49 = vector.broadcast %eq3A_48 : i32 to vector<16xi32>
      %eq3A_50 = arith.cmpi eq, %mul3A_47, %eq3A_49 : vector<16xi32>
      %broadcast_in_dim3A_51 = arith.constant true
      %broadcast_in_dim3A_52 = vector.broadcast %broadcast_in_dim3A_51 : i1 to vector<16xi1>
      %masked_cumsum3A = tpu.scan <sum>, %mul3A_47 masked %broadcast_in_dim3A_52 : vector<16xi32>, vector<16xi1> -> vector<16xi32>
      %add3A_53 = vector.broadcast %scan3A_36 : i32 to vector<16xi32>
      %add3A_54 = arith.addi %add3A_53, %masked_cumsum3A : vector<16xi32>
      %sub3A = arith.constant 1 : i32
      %sub3A_55 = vector.broadcast %sub3A : i32 to vector<16xi32>
      %sub3A_56 = arith.subi %add3A_54, %sub3A_55 : vector<16xi32>
      tpu.vector_store_idx %arg12[%sub3A_56], %get3A_43 masked %eq3A_50 : memref<10240xi32, #tpu.memory_space<vmem>>[vector<16xi32>], vector<16xi32>, vector<16xi1>
      tpu.vector_store_idx %arg13[%sub3A_56], %get3A_45 masked %eq3A_50 : memref<10240xi32, #tpu.memory_space<vmem>>[vector<16xi32>], vector<16xi32>, vector<16xi1>
      %jit3A_57 = arith.constant 10240 : i32
      %broadcast_in_dim3A_58 = vector.broadcast %jit3A_57 : i32 to vector<16xi32>
      %select_n3A_59 = arith.select %eq3A_50, %get3A_45, %broadcast_in_dim3A_58 : vector<16xi1>, vector<16xi32>
      tpu.vector_store_idx %arg14[%select_n3A_59], %broadcast_in_dim3A_14 {add = true} : memref<10368xf32, #tpu.memory_space<vmem>>[vector<16xi32>], vector<16xf32>,
      %reduce_sum3A = arith.constant true
      %reduce_sum3A_60 = vector.broadcast %reduce_sum3A : i1 to vector<16xi1>
      %reduce_sum3A_61 = tpu.scan <sum>, %mul3A_47 masked %reduce_sum3A_60 : vector<16xi32>, vector<16xi1> -> vector<16xi32>
      %reduce_sum3A_62 = vector.extract %reduce_sum3A_61[15] : i32 from vector<16xi32>
      %add3A_63 = arith.addi %scan3A_36, %reduce_sum3A_62 : i32
      %get3A_64 = arith.constant 16 : index
      %get3A_65 = tpu.vector_load %arg10[%get3A_64] {strides = array<i32>} : memref<128xi32, #tpu.memory_space<vmem>>, vector<16xi32>,
      %get3A_66 = arith.constant 16 : index
      %get3A_67 = tpu.vector_load %arg11[%get3A_66] {strides = array<i32>} : memref<128xi32, #tpu.memory_space<vmem>>, vector<16xi32>,
      %gather3A_68 = tpu.vector_load_idx %arg9[%get3A_65] : memref<10256xi32, #tpu.memory_space<vmem>>[vector<16xi32>], vector<16xi32>,
      %gather3A_69 = tpu.vector_load_idx %arg9[%get3A_67] : memref<10256xi32, #tpu.memory_space<vmem>>[vector<16xi32>], vector<16xi32>,
      %mul3A_70 = arith.muli %gather3A_68, %gather3A_69 : vector<16xi32>
      %eq3A_71 = arith.constant 1 : i32
      %eq3A_72 = vector.broadcast %eq3A_71 : i32 to vector<16xi32>
      %eq3A_73 = arith.cmpi eq, %mul3A_70, %eq3A_72 : vector<16xi32>
      %broadcast_in_dim3A_74 = arith.constant true
      %broadcast_in_dim3A_75 = vector.broadcast %broadcast_in_dim3A_74 : i1 to vector<16xi1>
      %masked_cumsum3A_76 = tpu.scan <sum>, %mul3A_70 masked %broadcast_in_dim3A_75 : vector<16xi32>, vector<16xi1> -> vector<16xi32>
      %add3A_77 = vector.broadcast %add3A_63 : i32 to vector<16xi32>
      %add3A_78 = arith.addi %add3A_77, %masked_cumsum3A_76 : vector<16xi32>
      %sub3A_79 = arith.constant 1 : i32
      %sub3A_80 = vector.broadcast %sub3A_79 : i32 to vector<16xi32>
      %sub3A_81 = arith.subi %add3A_78, %sub3A_80 : vector<16xi32>
      tpu.vector_store_idx %arg12[%sub3A_81], %get3A_65 masked %eq3A_73 : memref<10240xi32, #tpu.memory_space<vmem>>[vector<16xi32>], vector<16xi32>, vector<16xi1>
      tpu.vector_store_idx %arg13[%sub3A_81], %get3A_67 masked %eq3A_73 : memref<10240xi32, #tpu.memory_space<vmem>>[vector<16xi32>], vector<16xi32>, vector<16xi1>
      %jit3A_82 = arith.constant 10240 : i32
      %broadcast_in_dim3A_83 = vector.broadcast %jit3A_82 : i32 to vector<16xi32>
      %select_n3A_84 = arith.select %eq3A_73, %get3A_67, %broadcast_in_dim3A_83 : vector<16xi1>, vector<16xi32>
      tpu.vector_store_idx %arg14[%select_n3A_84], %broadcast_in_dim3A_14 {add = true} : memref<10368xf32, #tpu.memory_space<vmem>>[vector<16xi32>], vector<16xf32>,
      %reduce_sum3A_85 = arith.constant true
      %reduce_sum3A_86 = vector.broadcast %reduce_sum3A_85 : i1 to vector<16xi1>
      %reduce_sum3A_87 = tpu.scan <sum>, %mul3A_70 masked %reduce_sum3A_86 : vector<16xi32>, vector<16xi1> -> vector<16xi32>
      %reduce_sum3A_88 = vector.extract %reduce_sum3A_87[15] : i32 from vector<16xi32>
      %add3A_89 = arith.addi %add3A_63, %reduce_sum3A_88 : i32
      %get3A_90 = arith.constant 32 : index
      %get3A_91 = tpu.vector_load %arg10[%get3A_90] {strides = array<i32>} : memref<128xi32, #tpu.memory_space<vmem>>, vector<16xi32>,
      %get3A_92 = arith.constant 32 : index
      %get3A_93 = tpu.vector_load %arg11[%get3A_92] {strides = array<i32>} : memref<128xi32, #tpu.memory_space<vmem>>, vector<16xi32>,
      %gather3A_94 = tpu.vector_load_idx %arg9[%get3A_91] : memref<10256xi32, #tpu.memory_space<vmem>>[vector<16xi32>], vector<16xi32>,
      %gather3A_95 = tpu.vector_load_idx %arg9[%get3A_93] : memref<10256xi32, #tpu.memory_space<vmem>>[vector<16xi32>], vector<16xi32>,
      %mul3A_96 = arith.muli %gather3A_94, %gather3A_95 : vector<16xi32>
      %eq3A_97 = arith.constant 1 : i32
      %eq3A_98 = vector.broadcast %eq3A_97 : i32 to vector<16xi32>
      %eq3A_99 = arith.cmpi eq, %mul3A_96, %eq3A_98 : vector<16xi32>
      %broadcast_in_dim3A_100 = arith.constant true
      %broadcast_in_dim3A_101 = vector.broadcast %broadcast_in_dim3A_100 : i1 to vector<16xi1>
      %masked_cumsum3A_102 = tpu.scan <sum>, %mul3A_96 masked %broadcast_in_dim3A_101 : vector<16xi32>, vector<16xi1> -> vector<16xi32>
      %add3A_103 = vector.broadcast %add3A_89 : i32 to vector<16xi32>
      %add3A_104 = arith.addi %add3A_103, %masked_cumsum3A_102 : vector<16xi32>
      %sub3A_105 = arith.constant 1 : i32
      %sub3A_106 = vector.broadcast %sub3A_105 : i32 to vector<16xi32>
      %sub3A_107 = arith.subi %add3A_104, %sub3A_106 : vector<16xi32>
      tpu.vector_store_idx %arg12[%sub3A_107], %get3A_91 masked %eq3A_99 : memref<10240xi32, #tpu.memory_space<vmem>>[vector<16xi32>], vector<16xi32>, vector<16xi1>
      tpu.vector_store_idx %arg13[%sub3A_107], %get3A_93 masked %eq3A_99 : memref<10240xi32, #tpu.memory_space<vmem>>[vector<16xi32>], vector<16xi32>, vector<16xi1>
      %jit3A_108 = arith.constant 10240 : i32
      %broadcast_in_dim3A_109 = vector.broadcast %jit3A_108 : i32 to vector<16xi32>
      %select_n3A_110 = arith.select %eq3A_99, %get3A_93, %broadcast_in_dim3A_109 : vector<16xi1>, vector<16xi32>
      tpu.vector_store_idx %arg14[%select_n3A_110], %broadcast_in_dim3A_14 {add = true} : memref<10368xf32, #tpu.memory_space<vmem>>[vector<16xi32>], vector<16xf32>,
      %reduce_sum3A_111 = arith.constant true
      %reduce_sum3A_112 = vector.broadcast %reduce_sum3A_111 : i1 to vector<16xi1>
      %reduce_sum3A_113 = tpu.scan <sum>, %mul3A_96 masked %reduce_sum3A_112 : vector<16xi32>, vector<16xi1> -> vector<16xi32>
      %reduce_sum3A_114 = vector.extract %reduce_sum3A_113[15] : i32 from vector<16xi32>
      %add3A_115 = arith.addi %add3A_89, %reduce_sum3A_114 : i32
      %get3A_116 = arith.constant 48 : index
      %get3A_117 = tpu.vector_load %arg10[%get3A_116] {strides = array<i32>} : memref<128xi32, #tpu.memory_space<vmem>>, vector<16xi32>,
      %get3A_118 = arith.constant 48 : index
      %get3A_119 = tpu.vector_load %arg11[%get3A_118] {strides = array<i32>} : memref<128xi32, #tpu.memory_space<vmem>>, vector<16xi32>,
      %gather3A_120 = tpu.vector_load_idx %arg9[%get3A_117] : memref<10256xi32, #tpu.memory_space<vmem>>[vector<16xi32>], vector<16xi32>,
      %gather3A_121 = tpu.vector_load_idx %arg9[%get3A_119] : memref<10256xi32, #tpu.memory_space<vmem>>[vector<16xi32>], vector<16xi32>,
      %mul3A_122 = arith.muli %gather3A_120, %gather3A_121 : vector<16xi32>
      %eq3A_123 = arith.constant 1 : i32
      %eq3A_124 = vector.broadcast %eq3A_123 : i32 to vector<16xi32>
      %eq3A_125 = arith.cmpi eq, %mul3A_122, %eq3A_124 : vector<16xi32>
      %broadcast_in_dim3A_126 = arith.constant true
      %broadcast_in_dim3A_127 = vector.broadcast %broadcast_in_dim3A_126 : i1 to vector<16xi1>
      %masked_cumsum3A_128 = tpu.scan <sum>, %mul3A_122 masked %broadcast_in_dim3A_127 : vector<16xi32>, vector<16xi1> -> vector<16xi32>
      %add3A_129 = vector.broadcast %add3A_115 : i32 to vector<16xi32>
      %add3A_130 = arith.addi %add3A_129, %masked_cumsum3A_128 : vector<16xi32>
      %sub3A_131 = arith.constant 1 : i32
      %sub3A_132 = vector.broadcast %sub3A_131 : i32 to vector<16xi32>
      %sub3A_133 = arith.subi %add3A_130, %sub3A_132 : vector<16xi32>
      tpu.vector_store_idx %arg12[%sub3A_133], %get3A_117 masked %eq3A_125 : memref<10240xi32, #tpu.memory_space<vmem>>[vector<16xi32>], vector<16xi32>, vector<16xi1>
      tpu.vector_store_idx %arg13[%sub3A_133], %get3A_119 masked %eq3A_125 : memref<10240xi32, #tpu.memory_space<vmem>>[vector<16xi32>], vector<16xi32>, vector<16xi1>
      %jit3A_134 = arith.constant 10240 : i32
      %broadcast_in_dim3A_135 = vector.broadcast %jit3A_134 : i32 to vector<16xi32>
      %select_n3A_136 = arith.select %eq3A_125, %get3A_119, %broadcast_in_dim3A_135 : vector<16xi1>, vector<16xi32>
      tpu.vector_store_idx %arg14[%select_n3A_136], %broadcast_in_dim3A_14 {add = true} : memref<10368xf32, #tpu.memory_space<vmem>>[vector<16xi32>], vector<16xf32>,
      %reduce_sum3A_137 = arith.constant true
      %reduce_sum3A_138 = vector.broadcast %reduce_sum3A_137 : i1 to vector<16xi1>
      %reduce_sum3A_139 = tpu.scan <sum>, %mul3A_122 masked %reduce_sum3A_138 : vector<16xi32>, vector<16xi1> -> vector<16xi32>
      %reduce_sum3A_140 = vector.extract %reduce_sum3A_139[15] : i32 from vector<16xi32>
      %add3A_141 = arith.addi %add3A_115, %reduce_sum3A_140 : i32
      %get3A_142 = arith.constant 64 : index
      %get3A_143 = tpu.vector_load %arg10[%get3A_142] {strides = array<i32>} : memref<128xi32, #tpu.memory_space<vmem>>, vector<16xi32>,
      %get3A_144 = arith.constant 64 : index
      %get3A_145 = tpu.vector_load %arg11[%get3A_144] {strides = array<i32>} : memref<128xi32, #tpu.memory_space<vmem>>, vector<16xi32>,
      %gather3A_146 = tpu.vector_load_idx %arg9[%get3A_143] : memref<10256xi32, #tpu.memory_space<vmem>>[vector<16xi32>], vector<16xi32>,
      %gather3A_147 = tpu.vector_load_idx %arg9[%get3A_145] : memref<10256xi32, #tpu.memory_space<vmem>>[vector<16xi32>], vector<16xi32>,
      %mul3A_148 = arith.muli %gather3A_146, %gather3A_147 : vector<16xi32>
      %eq3A_149 = arith.constant 1 : i32
      %eq3A_150 = vector.broadcast %eq3A_149 : i32 to vector<16xi32>
      %eq3A_151 = arith.cmpi eq, %mul3A_148, %eq3A_150 : vector<16xi32>
      %broadcast_in_dim3A_152 = arith.constant true
      %broadcast_in_dim3A_153 = vector.broadcast %broadcast_in_dim3A_152 : i1 to vector<16xi1>
      %masked_cumsum3A_154 = tpu.scan <sum>, %mul3A_148 masked %broadcast_in_dim3A_153 : vector<16xi32>, vector<16xi1> -> vector<16xi32>
      %add3A_155 = vector.broadcast %add3A_141 : i32 to vector<16xi32>
      %add3A_156 = arith.addi %add3A_155, %masked_cumsum3A_154 : vector<16xi32>
      %sub3A_157 = arith.constant 1 : i32
      %sub3A_158 = vector.broadcast %sub3A_157 : i32 to vector<16xi32>
      %sub3A_159 = arith.subi %add3A_156, %sub3A_158 : vector<16xi32>
      tpu.vector_store_idx %arg12[%sub3A_159], %get3A_143 masked %eq3A_151 : memref<10240xi32, #tpu.memory_space<vmem>>[vector<16xi32>], vector<16xi32>, vector<16xi1>
      tpu.vector_store_idx %arg13[%sub3A_159], %get3A_145 masked %eq3A_151 : memref<10240xi32, #tpu.memory_space<vmem>>[vector<16xi32>], vector<16xi32>, vector<16xi1>
      %jit3A_160 = arith.constant 10240 : i32
      %broadcast_in_dim3A_161 = vector.broadcast %jit3A_160 : i32 to vector<16xi32>
      %select_n3A_162 = arith.select %eq3A_151, %get3A_145, %broadcast_in_dim3A_161 : vector<16xi1>, vector<16xi32>
      tpu.vector_store_idx %arg14[%select_n3A_162], %broadcast_in_dim3A_14 {add = true} : memref<10368xf32, #tpu.memory_space<vmem>>[vector<16xi32>], vector<16xf32>,
      %reduce_sum3A_163 = arith.constant true
      %reduce_sum3A_164 = vector.broadcast %reduce_sum3A_163 : i1 to vector<16xi1>
      %reduce_sum3A_165 = tpu.scan <sum>, %mul3A_148 masked %reduce_sum3A_164 : vector<16xi32>, vector<16xi1> -> vector<16xi32>
      %reduce_sum3A_166 = vector.extract %reduce_sum3A_165[15] : i32 from vector<16xi32>
      %add3A_167 = arith.addi %add3A_141, %reduce_sum3A_166 : i32
      %get3A_168 = arith.constant 80 : index
      %get3A_169 = tpu.vector_load %arg10[%get3A_168] {strides = array<i32>} : memref<128xi32, #tpu.memory_space<vmem>>, vector<16xi32>,
      %get3A_170 = arith.constant 80 : index
      %get3A_171 = tpu.vector_load %arg11[%get3A_170] {strides = array<i32>} : memref<128xi32, #tpu.memory_space<vmem>>, vector<16xi32>,
      %gather3A_172 = tpu.vector_load_idx %arg9[%get3A_169] : memref<10256xi32, #tpu.memory_space<vmem>>[vector<16xi32>], vector<16xi32>,
      %gather3A_173 = tpu.vector_load_idx %arg9[%get3A_171] : memref<10256xi32, #tpu.memory_space<vmem>>[vector<16xi32>], vector<16xi32>,
      %mul3A_174 = arith.muli %gather3A_172, %gather3A_173 : vector<16xi32>
      %eq3A_175 = arith.constant 1 : i32
      %eq3A_176 = vector.broadcast %eq3A_175 : i32 to vector<16xi32>
      %eq3A_177 = arith.cmpi eq, %mul3A_174, %eq3A_176 : vector<16xi32>
      %broadcast_in_dim3A_178 = arith.constant true
      %broadcast_in_dim3A_179 = vector.broadcast %broadcast_in_dim3A_178 : i1 to vector<16xi1>
      %masked_cumsum3A_180 = tpu.scan <sum>, %mul3A_174 masked %broadcast_in_dim3A_179 : vector<16xi32>, vector<16xi1> -> vector<16xi32>
      %add3A_181 = vector.broadcast %add3A_167 : i32 to vector<16xi32>
      %add3A_182 = arith.addi %add3A_181, %masked_cumsum3A_180 : vector<16xi32>
      %sub3A_183 = arith.constant 1 : i32
      %sub3A_184 = vector.broadcast %sub3A_183 : i32 to vector<16xi32>
      %sub3A_185 = arith.subi %add3A_182, %sub3A_184 : vector<16xi32>
      tpu.vector_store_idx %arg12[%sub3A_185], %get3A_169 masked %eq3A_177 : memref<10240xi32, #tpu.memory_space<vmem>>[vector<16xi32>], vector<16xi32>, vector<16xi1>
      tpu.vector_store_idx %arg13[%sub3A_185], %get3A_171 masked %eq3A_177 : memref<10240xi32, #tpu.memory_space<vmem>>[vector<16xi32>], vector<16xi32>, vector<16xi1>
      %jit3A_186 = arith.constant 10240 : i32
      %broadcast_in_dim3A_187 = vector.broadcast %jit3A_186 : i32 to vector<16xi32>
      %select_n3A_188 = arith.select %eq3A_177, %get3A_171, %broadcast_in_dim3A_187 : vector<16xi1>, vector<16xi32>
      tpu.vector_store_idx %arg14[%select_n3A_188], %broadcast_in_dim3A_14 {add = true} : memref<10368xf32, #tpu.memory_space<vmem>>[vector<16xi32>], vector<16xf32>,
      %reduce_sum3A_189 = arith.constant true
      %reduce_sum3A_190 = vector.broadcast %reduce_sum3A_189 : i1 to vector<16xi1>
      %reduce_sum3A_191 = tpu.scan <sum>, %mul3A_174 masked %reduce_sum3A_190 : vector<16xi32>, vector<16xi1> -> vector<16xi32>
      %reduce_sum3A_192 = vector.extract %reduce_sum3A_191[15] : i32 from vector<16xi32>
      %add3A_193 = arith.addi %add3A_167, %reduce_sum3A_192 : i32
      %get3A_194 = arith.constant 96 : index
      %get3A_195 = tpu.vector_load %arg10[%get3A_194] {strides = array<i32>} : memref<128xi32, #tpu.memory_space<vmem>>, vector<16xi32>,
      %get3A_196 = arith.constant 96 : index
      %get3A_197 = tpu.vector_load %arg11[%get3A_196] {strides = array<i32>} : memref<128xi32, #tpu.memory_space<vmem>>, vector<16xi32>,
      %gather3A_198 = tpu.vector_load_idx %arg9[%get3A_195] : memref<10256xi32, #tpu.memory_space<vmem>>[vector<16xi32>], vector<16xi32>,
      %gather3A_199 = tpu.vector_load_idx %arg9[%get3A_197] : memref<10256xi32, #tpu.memory_space<vmem>>[vector<16xi32>], vector<16xi32>,
      %mul3A_200 = arith.muli %gather3A_198, %gather3A_199 : vector<16xi32>
      %eq3A_201 = arith.constant 1 : i32
      %eq3A_202 = vector.broadcast %eq3A_201 : i32 to vector<16xi32>
      %eq3A_203 = arith.cmpi eq, %mul3A_200, %eq3A_202 : vector<16xi32>
      %broadcast_in_dim3A_204 = arith.constant true
      %broadcast_in_dim3A_205 = vector.broadcast %broadcast_in_dim3A_204 : i1 to vector<16xi1>
      %masked_cumsum3A_206 = tpu.scan <sum>, %mul3A_200 masked %broadcast_in_dim3A_205 : vector<16xi32>, vector<16xi1> -> vector<16xi32>
      %add3A_207 = vector.broadcast %add3A_193 : i32 to vector<16xi32>
      %add3A_208 = arith.addi %add3A_207, %masked_cumsum3A_206 : vector<16xi32>
      %sub3A_209 = arith.constant 1 : i32
      %sub3A_210 = vector.broadcast %sub3A_209 : i32 to vector<16xi32>
      %sub3A_211 = arith.subi %add3A_208, %sub3A_210 : vector<16xi32>
      tpu.vector_store_idx %arg12[%sub3A_211], %get3A_195 masked %eq3A_203 : memref<10240xi32, #tpu.memory_space<vmem>>[vector<16xi32>], vector<16xi32>, vector<16xi1>
      tpu.vector_store_idx %arg13[%sub3A_211], %get3A_197 masked %eq3A_203 : memref<10240xi32, #tpu.memory_space<vmem>>[vector<16xi32>], vector<16xi32>, vector<16xi1>
      %jit3A_212 = arith.constant 10240 : i32
      %broadcast_in_dim3A_213 = vector.broadcast %jit3A_212 : i32 to vector<16xi32>
      %select_n3A_214 = arith.select %eq3A_203, %get3A_197, %broadcast_in_dim3A_213 : vector<16xi1>, vector<16xi32>
      tpu.vector_store_idx %arg14[%select_n3A_214], %broadcast_in_dim3A_14 {add = true} : memref<10368xf32, #tpu.memory_space<vmem>>[vector<16xi32>], vector<16xf32>,
      %reduce_sum3A_215 = arith.constant true
      %reduce_sum3A_216 = vector.broadcast %reduce_sum3A_215 : i1 to vector<16xi1>
      %reduce_sum3A_217 = tpu.scan <sum>, %mul3A_200 masked %reduce_sum3A_216 : vector<16xi32>, vector<16xi1> -> vector<16xi32>
      %reduce_sum3A_218 = vector.extract %reduce_sum3A_217[15] : i32 from vector<16xi32>
      %add3A_219 = arith.addi %add3A_193, %reduce_sum3A_218 : i32
      %get3A_220 = arith.constant 112 : index
      %get3A_221 = tpu.vector_load %arg10[%get3A_220] {strides = array<i32>} : memref<128xi32, #tpu.memory_space<vmem>>, vector<16xi32>,
      %get3A_222 = arith.constant 112 : index
      %get3A_223 = tpu.vector_load %arg11[%get3A_222] {strides = array<i32>} : memref<128xi32, #tpu.memory_space<vmem>>, vector<16xi32>,
      %gather3A_224 = tpu.vector_load_idx %arg9[%get3A_221] : memref<10256xi32, #tpu.memory_space<vmem>>[vector<16xi32>], vector<16xi32>,
      %gather3A_225 = tpu.vector_load_idx %arg9[%get3A_223] : memref<10256xi32, #tpu.memory_space<vmem>>[vector<16xi32>], vector<16xi32>,
      %mul3A_226 = arith.muli %gather3A_224, %gather3A_225 : vector<16xi32>
      %eq3A_227 = arith.constant 1 : i32
      %eq3A_228 = vector.broadcast %eq3A_227 : i32 to vector<16xi32>
      %eq3A_229 = arith.cmpi eq, %mul3A_226, %eq3A_228 : vector<16xi32>
      %broadcast_in_dim3A_230 = arith.constant true
      %broadcast_in_dim3A_231 = vector.broadcast %broadcast_in_dim3A_230 : i1 to vector<16xi1>
      %masked_cumsum3A_232 = tpu.scan <sum>, %mul3A_226 masked %broadcast_in_dim3A_231 : vector<16xi32>, vector<16xi1> -> vector<16xi32>
      %add3A_233 = vector.broadcast %add3A_219 : i32 to vector<16xi32>
      %add3A_234 = arith.addi %add3A_233, %masked_cumsum3A_232 : vector<16xi32>
      %sub3A_235 = arith.constant 1 : i32
      %sub3A_236 = vector.broadcast %sub3A_235 : i32 to vector<16xi32>
      %sub3A_237 = arith.subi %add3A_234, %sub3A_236 : vector<16xi32>
      tpu.vector_store_idx %arg12[%sub3A_237], %get3A_221 masked %eq3A_229 : memref<10240xi32, #tpu.memory_space<vmem>>[vector<16xi32>], vector<16xi32>, vector<16xi1>
      tpu.vector_store_idx %arg13[%sub3A_237], %get3A_223 masked %eq3A_229 : memref<10240xi32, #tpu.memory_space<vmem>>[vector<16xi32>], vector<16xi32>, vector<16xi1>
      %jit3A_238 = arith.constant 10240 : i32
      %broadcast_in_dim3A_239 = vector.broadcast %jit3A_238 : i32 to vector<16xi32>
      %select_n3A_240 = arith.select %eq3A_229, %get3A_223, %broadcast_in_dim3A_239 : vector<16xi1>, vector<16xi32>
      tpu.vector_store_idx %arg14[%select_n3A_240], %broadcast_in_dim3A_14 {add = true} : memref<10368xf32, #tpu.memory_space<vmem>>[vector<16xi32>], vector<16xf32>,
      %reduce_sum3A_241 = arith.constant true
      %reduce_sum3A_242 = vector.broadcast %reduce_sum3A_241 : i1 to vector<16xi1>
      %reduce_sum3A_243 = tpu.scan <sum>, %mul3A_226 masked %reduce_sum3A_242 : vector<16xi32>, vector<16xi1> -> vector<16xi32>
      %reduce_sum3A_244 = vector.extract %reduce_sum3A_243[15] : i32 from vector<16xi32>
      %add3A_245 = arith.addi %add3A_219, %reduce_sum3A_244 : i32
      scf.yield %add3A_245 : i32
    }
    %scan3A_28 = arith.constant 80 : i32
    %eq3A = arith.constant 0 : i32
    %eq3A_29 = vector.broadcast %eq3A : i32 to vector<16xi32>
    %eq3A_30 = arith.cmpi eq, %iota3A, %eq3A_29 : vector<16xi32>
    %jit3A = arith.constant 0 : i32
    %broadcast_in_dim3A_31 = vector.broadcast %scan3A_27 : i32 to vector<16xi32>
    %broadcast_in_dim3A_32 = vector.broadcast %jit3A : i32 to vector<16xi32>
    %select_n3A = arith.select %eq3A_30, %broadcast_in_dim3A_31, %broadcast_in_dim3A_32 : vector<16xi1>, vector<16xi32>
    %swap3A_33 = arith.constant 0 : index
    %swap3A_34 = tpu.vector_load %arg15[%swap3A_33] {strides = array<i32>} : memref<16xi32, #tpu.memory_space<vmem>>, vector<16xi32>,
    tpu.vector_store %arg15[%swap3A_33], %select_n3A {strides = array<i32>} : memref<16xi32, #tpu.memory_space<vmem>>, vector<16xi32>,
    "tpu.region"() ({
      %run_scoped3A = tpu.sem_alloc : memref<!tpu.dma_semaphore, #tpu.memory_space<semaphore_mem>>
      %dma_start3A = arith.constant 0 : i32
      %dma_start3A_35 = tpu.memref_slice %arg5[%add3A, %dma_start3A] : memref<32x10240xi32, #tpu.memory_space<hbm>> -> memref<1x10240xi32, #tpu.memory_space<hbm>>
      %dma_start3A_36 = tpu.memref_squeeze %dma_start3A_35 : memref<1x10240xi32, #tpu.memory_space<hbm>> -> memref<10240xi32, #tpu.memory_space<hbm>>
      %dma_start3A_37 = arith.constant 0 : i32
      %dma_start3A_38 = tpu.memref_slice %arg5[%add3A, %dma_start3A_37] : memref<32x10240xi32, #tpu.memory_space<hbm>> -> memref<1x10240xi32, #tpu.memory_space<hbm>>
      %dma_start3A_39 = tpu.memref_squeeze %dma_start3A_38 : memref<1x10240xi32, #tpu.memory_space<hbm>> -> memref<10240xi32, #tpu.memory_space<hbm>>
      tpu.enqueue_dma source(%arg12 : memref<10240xi32, #tpu.memory_space<vmem>>) target(%dma_start3A_39 : memref<10240xi32, #tpu.memory_space<hbm>>) target_semaphore(%run_scoped3A : memref<!tpu.dma_semaphore, #tpu.memory_space<semaphore_mem>>)
      %dma_wait3A = arith.constant 0 : i32
      %dma_wait3A_40 = tpu.memref_slice %arg5[%add3A, %dma_wait3A] : memref<32x10240xi32, #tpu.memory_space<hbm>> -> memref<1x10240xi32, #tpu.memory_space<hbm>>
      %dma_wait3A_41 = tpu.memref_squeeze %dma_wait3A_40 : memref<1x10240xi32, #tpu.memory_space<hbm>> -> memref<10240xi32, #tpu.memory_space<hbm>>
      %dma_wait3A_42 = arith.constant 0 : i32
      %dma_wait3A_43 = tpu.memref_slice %arg5[%add3A, %dma_wait3A_42] : memref<32x10240xi32, #tpu.memory_space<hbm>> -> memref<1x10240xi32, #tpu.memory_space<hbm>>
      %dma_wait3A_44 = tpu.memref_squeeze %dma_wait3A_43 : memref<1x10240xi32, #tpu.memory_space<hbm>> -> memref<10240xi32, #tpu.memory_space<hbm>>
      tpu.wait_dma2 semaphore(%run_scoped3A : memref<!tpu.dma_semaphore, #tpu.memory_space<semaphore_mem>>) src(%arg12 : memref<10240xi32, #tpu.memory_space<vmem>>) dst(%dma_wait3A_44 : memref<10240xi32, #tpu.memory_space<hbm>>)
      tpu.yield
    }) : () -> ()
    "tpu.region"() ({
      %run_scoped3A = tpu.sem_alloc : memref<!tpu.dma_semaphore, #tpu.memory_space<semaphore_mem>>
      %dma_start3A = arith.constant 0 : i32
      %dma_start3A_35 = tpu.memref_slice %arg6[%add3A, %dma_start3A] : memref<32x10240xi32, #tpu.memory_space<hbm>> -> memref<1x10240xi32, #tpu.memory_space<hbm>>
      %dma_start3A_36 = tpu.memref_squeeze %dma_start3A_35 : memref<1x10240xi32, #tpu.memory_space<hbm>> -> memref<10240xi32, #tpu.memory_space<hbm>>
      %dma_start3A_37 = arith.constant 0 : i32
      %dma_start3A_38 = tpu.memref_slice %arg6[%add3A, %dma_start3A_37] : memref<32x10240xi32, #tpu.memory_space<hbm>> -> memref<1x10240xi32, #tpu.memory_space<hbm>>
      %dma_start3A_39 = tpu.memref_squeeze %dma_start3A_38 : memref<1x10240xi32, #tpu.memory_space<hbm>> -> memref<10240xi32, #tpu.memory_space<hbm>>
      tpu.enqueue_dma source(%arg13 : memref<10240xi32, #tpu.memory_space<vmem>>) target(%dma_start3A_39 : memref<10240xi32, #tpu.memory_space<hbm>>) target_semaphore(%run_scoped3A : memref<!tpu.dma_semaphore, #tpu.memory_space<semaphore_mem>>)
      %dma_wait3A = arith.constant 0 : i32
      %dma_wait3A_40 = tpu.memref_slice %arg6[%add3A, %dma_wait3A] : memref<32x10240xi32, #tpu.memory_space<hbm>> -> memref<1x10240xi32, #tpu.memory_space<hbm>>
      %dma_wait3A_41 = tpu.memref_squeeze %dma_wait3A_40 : memref<1x10240xi32, #tpu.memory_space<hbm>> -> memref<10240xi32, #tpu.memory_space<hbm>>
      %dma_wait3A_42 = arith.constant 0 : i32
      %dma_wait3A_43 = tpu.memref_slice %arg6[%add3A, %dma_wait3A_42] : memref<32x10240xi32, #tpu.memory_space<hbm>> -> memref<1x10240xi32, #tpu.memory_space<hbm>>
      %dma_wait3A_44 = tpu.memref_squeeze %dma_wait3A_43 : memref<1x10240xi32, #tpu.memory_space<hbm>> -> memref<10240xi32, #tpu.memory_space<hbm>>
      tpu.wait_dma2 semaphore(%run_scoped3A : memref<!tpu.dma_semaphore, #tpu.memory_space<semaphore_mem>>) src(%arg13 : memref<10240xi32, #tpu.memory_space<vmem>>) dst(%dma_wait3A_44 : memref<10240xi32, #tpu.memory_space<hbm>>)
      tpu.yield
    }) : () -> ()
    "tpu.region"() ({
      %run_scoped3A = tpu.sem_alloc : memref<!tpu.dma_semaphore, #tpu.memory_space<semaphore_mem>>
      %dma_start3A = arith.constant 0 : i32
      %dma_start3A_35 = tpu.memref_slice %arg7[%add3A, %dma_start3A] : memref<32x16xi32, #tpu.memory_space<hbm>> -> memref<1x16xi32, #tpu.memory_space<hbm>>
      %dma_start3A_36 = tpu.memref_squeeze %dma_start3A_35 : memref<1x16xi32, #tpu.memory_space<hbm>> -> memref<16xi32, #tpu.memory_space<hbm>>
      %dma_start3A_37 = arith.constant 0 : i32
      %dma_start3A_38 = tpu.memref_slice %arg7[%add3A, %dma_start3A_37] : memref<32x16xi32, #tpu.memory_space<hbm>> -> memref<1x16xi32, #tpu.memory_space<hbm>>
      %dma_start3A_39 = tpu.memref_squeeze %dma_start3A_38 : memref<1x16xi32, #tpu.memory_space<hbm>> -> memref<16xi32, #tpu.memory_space<hbm>>
      tpu.enqueue_dma source(%arg15 : memref<16xi32, #tpu.memory_space<vmem>>) target(%dma_start3A_39 : memref<16xi32, #tpu.memory_space<hbm>>) target_semaphore(%run_scoped3A : memref<!tpu.dma_semaphore, #tpu.memory_space<semaphore_mem>>)
      %dma_wait3A = arith.constant 0 : i32
      %dma_wait3A_40 = tpu.memref_slice %arg7[%add3A, %dma_wait3A] : memref<32x16xi32, #tpu.memory_space<hbm>> -> memref<1x16xi32, #tpu.memory_space<hbm>>
      %dma_wait3A_41 = tpu.memref_squeeze %dma_wait3A_40 : memref<1x16xi32, #tpu.memory_space<hbm>> -> memref<16xi32, #tpu.memory_space<hbm>>
      %dma_wait3A_42 = arith.constant 0 : i32
      %dma_wait3A_43 = tpu.memref_slice %arg7[%add3A, %dma_wait3A_42] : memref<32x16xi32, #tpu.memory_space<hbm>> -> memref<1x16xi32, #tpu.memory_space<hbm>>
      %dma_wait3A_44 = tpu.memref_squeeze %dma_wait3A_43 : memref<1x16xi32, #tpu.memory_space<hbm>> -> memref<16xi32, #tpu.memory_space<hbm>>
      tpu.wait_dma2 semaphore(%run_scoped3A : memref<!tpu.dma_semaphore, #tpu.memory_space<semaphore_mem>>) src(%arg15 : memref<16xi32, #tpu.memory_space<vmem>>) dst(%dma_wait3A_44 : memref<16xi32, #tpu.memory_space<hbm>>)
      tpu.yield
    }) : () -> ()
    "tpu.region"() ({
      %run_scoped3A = tpu.sem_alloc : memref<!tpu.dma_semaphore, #tpu.memory_space<semaphore_mem>>
      %dma_start3A = arith.constant 0 : i32
      %dma_start3A_35 = tpu.memref_slice %arg8[%add3A, %dma_start3A] : memref<32x10368xf32, #tpu.memory_space<hbm>> -> memref<1x10368xf32, #tpu.memory_space<hbm>>
      %dma_start3A_36 = tpu.memref_squeeze %dma_start3A_35 : memref<1x10368xf32, #tpu.memory_space<hbm>> -> memref<10368xf32, #tpu.memory_space<hbm>>
      %dma_start3A_37 = arith.constant 0 : i32
      %dma_start3A_38 = tpu.memref_slice %arg8[%add3A, %dma_start3A_37] : memref<32x10368xf32, #tpu.memory_space<hbm>> -> memref<1x10368xf32, #tpu.memory_space<hbm>>
      %dma_start3A_39 = tpu.memref_squeeze %dma_start3A_38 : memref<1x10368xf32, #tpu.memory_space<hbm>> -> memref<10368xf32, #tpu.memory_space<hbm>>
      tpu.enqueue_dma source(%arg14 : memref<10368xf32, #tpu.memory_space<vmem>>) target(%dma_start3A_39 : memref<10368xf32, #tpu.memory_space<hbm>>) target_semaphore(%run_scoped3A : memref<!tpu.dma_semaphore, #tpu.memory_space<semaphore_mem>>)
      %dma_wait3A = arith.constant 0 : i32
      %dma_wait3A_40 = tpu.memref_slice %arg8[%add3A, %dma_wait3A] : memref<32x10368xf32, #tpu.memory_space<hbm>> -> memref<1x10368xf32, #tpu.memory_space<hbm>>
      %dma_wait3A_41 = tpu.memref_squeeze %dma_wait3A_40 : memref<1x10368xf32, #tpu.memory_space<hbm>> -> memref<10368xf32, #tpu.memory_space<hbm>>
      %dma_wait3A_42 = arith.constant 0 : i32
      %dma_wait3A_43 = tpu.memref_slice %arg8[%add3A, %dma_wait3A_42] : memref<32x10368xf32, #tpu.memory_space<hbm>> -> memref<1x10368xf32, #tpu.memory_space<hbm>>
      %dma_wait3A_44 = tpu.memref_squeeze %dma_wait3A_43 : memref<1x10368xf32, #tpu.memory_space<hbm>> -> memref<10368xf32, #tpu.memory_space<hbm>>
      tpu.wait_dma2 semaphore(%run_scoped3A : memref<!tpu.dma_semaphore, #tpu.memory_space<semaphore_mem>>) src(%arg14 : memref<10368xf32, #tpu.memory_space<vmem>>) dst(%dma_wait3A_44 : memref<10368xf32, #tpu.memory_space<hbm>>)
      tpu.yield
    }) : () -> ()
    return
  }
}

#map = affine_map<(d0, d1) -> (0, 0)>
#map1 = affine_map<(d0, d1) -> (0)>
#map2 = affine_map<(d0, d1) -> (0, 0, 0)>
module attributes {stable_mosaic.version = 14 : i64} {
  func.func @_k3_agg1(%arg0: i32, %arg1: i32, %arg2: memref<10240x128xf32, #tpu.memory_space<hbm>>, %arg3: memref<327680xi32, #tpu.memory_space<hbm>>, %arg4: memref<327680xi32, #tpu.memory_space<hbm>>, %arg5: memref<16x128xf32, #tpu.memory_space<hbm>>, %arg6: memref<2x10240x128xf32, #tpu.memory_space<hbm>>, %arg7: memref<128xi32, #tpu.memory_space<vmem>>, %arg8: memref<128xi32, #tpu.memory_space<vmem>>, %arg9: memref<128xi32, #tpu.memory_space<vmem>>, %arg10: memref<128xi32, #tpu.memory_space<vmem>>, %arg11: memref<1280xi32, #tpu.memory_space<vmem>>, %arg12: memref<1280xi32, #tpu.memory_space<vmem>>, %arg13: memref<128x128xf32, #tpu.memory_space<vmem>>, %arg14: memref<128x128xf32, #tpu.memory_space<vmem>>, %arg15: memref<16x128xf32, #tpu.memory_space<vmem>>, %arg16: memref<10368x128xf32, #tpu.memory_space<vmem_shared>>, %arg17: memref<!tpu.dma_semaphore, #tpu.memory_space<semaphore_mem>>, %arg18: memref<!tpu.dma_semaphore, #tpu.memory_space<semaphore_mem>>, %arg19: memref<!tpu.dma_semaphore, #tpu.memory_space<semaphore_mem>>, %arg20: memref<!tpu.dma_semaphore, #tpu.memory_space<semaphore_mem>>) attributes {dimension_semantics = [#tpu.dimension_semantics<core_parallel>, #tpu.dimension_semantics<subcore_parallel>], iteration_bounds = array<i64: 2, 16>, scalar_prefetch = 0 : i64, scratch_operands = 14 : i64, tpu.core_type = #tpu.core_type<sc_vector_subcore>, window_params = [{transform_indices = #map}, {transform_indices = #map1}, {transform_indices = #map1}, {transform_indices = #map}, {transform_indices = #map2}]} {
    %mul3A = arith.constant 2 : i32
    %mul3A_0 = arith.muli %arg1, %mul3A : i32
    %add3A = arith.addi %mul3A_0, %arg0 : i32
    "tpu.region"() ({
      %run_scoped3A = tpu.sem_alloc : memref<!tpu.dma_semaphore, #tpu.memory_space<semaphore_mem>>
      tpu.enqueue_dma source(%arg5 : memref<16x128xf32, #tpu.memory_space<hbm>>) target(%arg15 : memref<16x128xf32, #tpu.memory_space<vmem>>) target_semaphore(%run_scoped3A : memref<!tpu.dma_semaphore, #tpu.memory_space<semaphore_mem>>)
      tpu.wait_dma2 semaphore(%run_scoped3A : memref<!tpu.dma_semaphore, #tpu.memory_space<semaphore_mem>>) src(%arg5 : memref<16x128xf32, #tpu.memory_space<hbm>>) dst(%arg15 : memref<16x128xf32, #tpu.memory_space<vmem>>)
      tpu.yield
    }) : () -> ()
    %sub3A = arith.constant 648 : i32
    %sub3A_1 = arith.subi %sub3A, %arg1 : i32
    %sub3A_2 = arith.constant 16 : i32
    %sub3A_3 = arith.constant 1 : i32
    %sub3A_4 = arith.subi %sub3A_2, %sub3A_3 : i32
    %add3A_5 = arith.addi %sub3A_1, %sub3A_4 : i32
    %div3A = arith.constant 16 : i32
    %div3A_6 = arith.divsi %add3A_5, %div3A : i32
    %while3A = arith.constant 16 : i32
    %while3A_7 = arith.constant 0 : i32
    %while3A_8 = arith.subi %div3A_6, %while3A_7 : i32
    %while3A_9 = arith.addi %while3A_7, %while3A_8 : i32
    %while3A_10 = arith.constant 1 : i32
    %while3A_11 = arith.divsi %while3A_8, %while3A_10 : i32
    %while3A_12 = arith.muli %while3A_11, %while3A_10 : i32
    %while3A_13 = arith.addi %while3A_7, %while3A_12 : i32
    %while3A_14 = arith.constant 1 : i32
    scf.for %while3A_144 = %while3A_7 to %while3A_13 step %while3A_14  : i32 {
      %mul3A_145 = arith.muli %while3A_144, %while3A : i32
      %add3A_146 = arith.addi %arg1, %mul3A_145 : i32
      %mul3A_147 = arith.constant 16 : i32
      %mul3A_148 = arith.muli %add3A_146, %mul3A_147 : i32
      "tpu.region"() ({
        %run_scoped3A = tpu.sem_alloc : memref<!tpu.dma_semaphore, #tpu.memory_space<semaphore_mem>>
        %dma_start3A_149 = arith.constant 0 : i32
        %dma_start3A_150 = tpu.memref_slice %arg16[%mul3A_148, %dma_start3A_149] : memref<10368x128xf32, #tpu.memory_space<vmem_shared>> -> memref<16x128xf32, #tpu.memory_space<vmem_shared>>
        %dma_start3A_151 = arith.constant 0 : i32
        %dma_start3A_152 = tpu.memref_slice %arg16[%mul3A_148, %dma_start3A_151] : memref<10368x128xf32, #tpu.memory_space<vmem_shared>> -> memref<16x128xf32, #tpu.memory_space<vmem_shared>>
        tpu.enqueue_dma source(%arg15 : memref<16x128xf32, #tpu.memory_space<vmem>>) target(%dma_start3A_152 : memref<16x128xf32, #tpu.memory_space<vmem_shared>>) target_semaphore(%run_scoped3A : memref<!tpu.dma_semaphore, #tpu.memory_space<semaphore_mem>>)
        %dma_wait3A_153 = arith.constant 0 : i32
        %dma_wait3A_154 = tpu.memref_slice %arg16[%mul3A_148, %dma_wait3A_153] : memref<10368x128xf32, #tpu.memory_space<vmem_shared>> -> memref<16x128xf32, #tpu.memory_space<vmem_shared>>
        %dma_wait3A_155 = arith.constant 0 : i32
        %dma_wait3A_156 = tpu.memref_slice %arg16[%mul3A_148, %dma_wait3A_155] : memref<10368x128xf32, #tpu.memory_space<vmem_shared>> -> memref<16x128xf32, #tpu.memory_space<vmem_shared>>
        tpu.wait_dma2 semaphore(%run_scoped3A : memref<!tpu.dma_semaphore, #tpu.memory_space<semaphore_mem>>) src(%arg15 : memref<16x128xf32, #tpu.memory_space<vmem>>) dst(%dma_wait3A_156 : memref<16x128xf32, #tpu.memory_space<vmem_shared>>)
        tpu.yield
      }) : () -> ()
    }
    %while3A_15 = arith.constant 1 : i32
    scf.for %while3A_144 = %while3A_13 to %while3A_9 step %while3A_15  : i32 {
      %mul3A_145 = arith.muli %while3A_144, %while3A : i32
      %add3A_146 = arith.addi %arg1, %mul3A_145 : i32
      %mul3A_147 = arith.constant 16 : i32
      %mul3A_148 = arith.muli %add3A_146, %mul3A_147 : i32
      "tpu.region"() ({
        %run_scoped3A = tpu.sem_alloc : memref<!tpu.dma_semaphore, #tpu.memory_space<semaphore_mem>>
        %dma_start3A_149 = arith.constant 0 : i32
        %dma_start3A_150 = tpu.memref_slice %arg16[%mul3A_148, %dma_start3A_149] : memref<10368x128xf32, #tpu.memory_space<vmem_shared>> -> memref<16x128xf32, #tpu.memory_space<vmem_shared>>
        %dma_start3A_151 = arith.constant 0 : i32
        %dma_start3A_152 = tpu.memref_slice %arg16[%mul3A_148, %dma_start3A_151] : memref<10368x128xf32, #tpu.memory_space<vmem_shared>> -> memref<16x128xf32, #tpu.memory_space<vmem_shared>>
        tpu.enqueue_dma source(%arg15 : memref<16x128xf32, #tpu.memory_space<vmem>>) target(%dma_start3A_152 : memref<16x128xf32, #tpu.memory_space<vmem_shared>>) target_semaphore(%run_scoped3A : memref<!tpu.dma_semaphore, #tpu.memory_space<semaphore_mem>>)
        %dma_wait3A_153 = arith.constant 0 : i32
        %dma_wait3A_154 = tpu.memref_slice %arg16[%mul3A_148, %dma_wait3A_153] : memref<10368x128xf32, #tpu.memory_space<vmem_shared>> -> memref<16x128xf32, #tpu.memory_space<vmem_shared>>
        %dma_wait3A_155 = arith.constant 0 : i32
        %dma_wait3A_156 = tpu.memref_slice %arg16[%mul3A_148, %dma_wait3A_155] : memref<10368x128xf32, #tpu.memory_space<vmem_shared>> -> memref<16x128xf32, #tpu.memory_space<vmem_shared>>
        tpu.wait_dma2 semaphore(%run_scoped3A : memref<!tpu.dma_semaphore, #tpu.memory_space<semaphore_mem>>) src(%arg15 : memref<16x128xf32, #tpu.memory_space<vmem>>) dst(%dma_wait3A_156 : memref<16x128xf32, #tpu.memory_space<vmem_shared>>)
        tpu.yield
      }) : () -> ()
    }
    %barrier3A = arith.constant 0 : index
    tpu.barrier barrier_id(%barrier3A)
    %mul3A_16 = arith.constant 10240 : i32
    %mul3A_17 = arith.muli %add3A, %mul3A_16 : i32
    "tpu.region"() ({
      %run_scoped3A = tpu.sem_alloc : memref<!tpu.dma_semaphore, #tpu.memory_space<semaphore_mem>>
      %dma_start3A_144 = tpu.memref_slice %arg3[%mul3A_17] : memref<327680xi32, #tpu.memory_space<hbm>> -> memref<1280xi32, #tpu.memory_space<hbm>>
      %dma_start3A_145 = tpu.memref_slice %arg3[%mul3A_17] : memref<327680xi32, #tpu.memory_space<hbm>> -> memref<1280xi32, #tpu.memory_space<hbm>>
      tpu.enqueue_dma source(%dma_start3A_145 : memref<1280xi32, #tpu.memory_space<hbm>>) target(%arg11 : memref<1280xi32, #tpu.memory_space<vmem>>) target_semaphore(%run_scoped3A : memref<!tpu.dma_semaphore, #tpu.memory_space<semaphore_mem>>)
      %dma_wait3A_146 = tpu.memref_slice %arg3[%mul3A_17] : memref<327680xi32, #tpu.memory_space<hbm>> -> memref<1280xi32, #tpu.memory_space<hbm>>
      %dma_wait3A_147 = tpu.memref_slice %arg3[%mul3A_17] : memref<327680xi32, #tpu.memory_space<hbm>> -> memref<1280xi32, #tpu.memory_space<hbm>>
      tpu.wait_dma2 semaphore(%run_scoped3A : memref<!tpu.dma_semaphore, #tpu.memory_space<semaphore_mem>>) src(%dma_wait3A_147 : memref<1280xi32, #tpu.memory_space<hbm>>) dst(%arg11 : memref<1280xi32, #tpu.memory_space<vmem>>)
      tpu.yield
    }) : () -> ()
    "tpu.region"() ({
      %run_scoped3A = tpu.sem_alloc : memref<!tpu.dma_semaphore, #tpu.memory_space<semaphore_mem>>
      %dma_start3A_144 = tpu.memref_slice %arg4[%mul3A_17] : memref<327680xi32, #tpu.memory_space<hbm>> -> memref<1280xi32, #tpu.memory_space<hbm>>
      %dma_start3A_145 = tpu.memref_slice %arg4[%mul3A_17] : memref<327680xi32, #tpu.memory_space<hbm>> -> memref<1280xi32, #tpu.memory_space<hbm>>
      tpu.enqueue_dma source(%dma_start3A_145 : memref<1280xi32, #tpu.memory_space<hbm>>) target(%arg12 : memref<1280xi32, #tpu.memory_space<vmem>>) target_semaphore(%run_scoped3A : memref<!tpu.dma_semaphore, #tpu.memory_space<semaphore_mem>>)
      %dma_wait3A_146 = tpu.memref_slice %arg4[%mul3A_17] : memref<327680xi32, #tpu.memory_space<hbm>> -> memref<1280xi32, #tpu.memory_space<hbm>>
      %dma_wait3A_147 = tpu.memref_slice %arg4[%mul3A_17] : memref<327680xi32, #tpu.memory_space<hbm>> -> memref<1280xi32, #tpu.memory_space<hbm>>
      tpu.wait_dma2 semaphore(%run_scoped3A : memref<!tpu.dma_semaphore, #tpu.memory_space<semaphore_mem>>) src(%dma_wait3A_147 : memref<1280xi32, #tpu.memory_space<hbm>>) dst(%arg12 : memref<1280xi32, #tpu.memory_space<vmem>>)
      tpu.yield
    }) : () -> ()
    %get3A = arith.constant 0 : index
    %get3A_18 = tpu.vector_load %arg11[%get3A] {strides = array<i32>} : memref<1280xi32, #tpu.memory_space<vmem>>, vector<16xi32>,
    %get3A_19 = vector.shape_cast %get3A_18 : vector<16xi32> to vector<16xi32>
    %swap3A = arith.constant 0 : index
    %swap3A_20 = tpu.vector_load %arg7[%swap3A] {strides = array<i32>} : memref<128xi32, #tpu.memory_space<vmem>>, vector<16xi32>,
    %swap3A_21 = vector.shape_cast %swap3A_20 : vector<16xi32> to vector<16xi32>
    %swap3A_22 = vector.shape_cast %get3A_19 : vector<16xi32> to vector<16xi32>
    tpu.vector_store %arg7[%swap3A], %swap3A_22 {strides = array<i32>} : memref<128xi32, #tpu.memory_space<vmem>>, vector<16xi32>,
    %get3A_23 = arith.constant 16 : index
    %get3A_24 = tpu.vector_load %arg11[%get3A_23] {strides = array<i32>} : memref<1280xi32, #tpu.memory_space<vmem>>, vector<16xi32>,
    %get3A_25 = vector.shape_cast %get3A_24 : vector<16xi32> to vector<16xi32>
    %swap3A_26 = arith.constant 16 : index
    %swap3A_27 = tpu.vector_load %arg7[%swap3A_26] {strides = array<i32>} : memref<128xi32, #tpu.memory_space<vmem>>, vector<16xi32>,
    %swap3A_28 = vector.shape_cast %swap3A_27 : vector<16xi32> to vector<16xi32>
    %swap3A_29 = vector.shape_cast %get3A_25 : vector<16xi32> to vector<16xi32>
    tpu.vector_store %arg7[%swap3A_26], %swap3A_29 {strides = array<i32>} : memref<128xi32, #tpu.memory_space<vmem>>, vector<16xi32>,
    %get3A_30 = arith.constant 32 : index
    %get3A_31 = tpu.vector_load %arg11[%get3A_30] {strides = array<i32>} : memref<1280xi32, #tpu.memory_space<vmem>>, vector<16xi32>,
    %get3A_32 = vector.shape_cast %get3A_31 : vector<16xi32> to vector<16xi32>
    %swap3A_33 = arith.constant 32 : index
    %swap3A_34 = tpu.vector_load %arg7[%swap3A_33] {strides = array<i32>} : memref<128xi32, #tpu.memory_space<vmem>>, vector<16xi32>,
    %swap3A_35 = vector.shape_cast %swap3A_34 : vector<16xi32> to vector<16xi32>
    %swap3A_36 = vector.shape_cast %get3A_32 : vector<16xi32> to vector<16xi32>
    tpu.vector_store %arg7[%swap3A_33], %swap3A_36 {strides = array<i32>} : memref<128xi32, #tpu.memory_space<vmem>>, vector<16xi32>,
    %get3A_37 = arith.constant 48 : index
    %get3A_38 = tpu.vector_load %arg11[%get3A_37] {strides = array<i32>} : memref<1280xi32, #tpu.memory_space<vmem>>, vector<16xi32>,
    %get3A_39 = vector.shape_cast %get3A_38 : vector<16xi32> to vector<16xi32>
    %swap3A_40 = arith.constant 48 : index
    %swap3A_41 = tpu.vector_load %arg7[%swap3A_40] {strides = array<i32>} : memref<128xi32, #tpu.memory_space<vmem>>, vector<16xi32>,
    %swap3A_42 = vector.shape_cast %swap3A_41 : vector<16xi32> to vector<16xi32>
    %swap3A_43 = vector.shape_cast %get3A_39 : vector<16xi32> to vector<16xi32>
    tpu.vector_store %arg7[%swap3A_40], %swap3A_43 {strides = array<i32>} : memref<128xi32, #tpu.memory_space<vmem>>, vector<16xi32>,
    %get3A_44 = arith.constant 64 : index
    %get3A_45 = tpu.vector_load %arg11[%get3A_44] {strides = array<i32>} : memref<1280xi32, #tpu.memory_space<vmem>>, vector<16xi32>,
    %get3A_46 = vector.shape_cast %get3A_45 : vector<16xi32> to vector<16xi32>
    %swap3A_47 = arith.constant 64 : index
    %swap3A_48 = tpu.vector_load %arg7[%swap3A_47] {strides = array<i32>} : memref<128xi32, #tpu.memory_space<vmem>>, vector<16xi32>,
    %swap3A_49 = vector.shape_cast %swap3A_48 : vector<16xi32> to vector<16xi32>
    %swap3A_50 = vector.shape_cast %get3A_46 : vector<16xi32> to vector<16xi32>
    tpu.vector_store %arg7[%swap3A_47], %swap3A_50 {strides = array<i32>} : memref<128xi32, #tpu.memory_space<vmem>>, vector<16xi32>,
    %get3A_51 = arith.constant 80 : index
    %get3A_52 = tpu.vector_load %arg11[%get3A_51] {strides = array<i32>} : memref<1280xi32, #tpu.memory_space<vmem>>, vector<16xi32>,
    %get3A_53 = vector.shape_cast %get3A_52 : vector<16xi32> to vector<16xi32>
    %swap3A_54 = arith.constant 80 : index
    %swap3A_55 = tpu.vector_load %arg7[%swap3A_54] {strides = array<i32>} : memref<128xi32, #tpu.memory_space<vmem>>, vector<16xi32>,
    %swap3A_56 = vector.shape_cast %swap3A_55 : vector<16xi32> to vector<16xi32>
    %swap3A_57 = vector.shape_cast %get3A_53 : vector<16xi32> to vector<16xi32>
    tpu.vector_store %arg7[%swap3A_54], %swap3A_57 {strides = array<i32>} : memref<128xi32, #tpu.memory_space<vmem>>, vector<16xi32>,
    %get3A_58 = arith.constant 96 : index
    %get3A_59 = tpu.vector_load %arg11[%get3A_58] {strides = array<i32>} : memref<1280xi32, #tpu.memory_space<vmem>>, vector<16xi32>,
    %get3A_60 = vector.shape_cast %get3A_59 : vector<16xi32> to vector<16xi32>
    %swap3A_61 = arith.constant 96 : index
    %swap3A_62 = tpu.vector_load %arg7[%swap3A_61] {strides = array<i32>} : memref<128xi32, #tpu.memory_space<vmem>>, vector<16xi32>,
    %swap3A_63 = vector.shape_cast %swap3A_62 : vector<16xi32> to vector<16xi32>
    %swap3A_64 = vector.shape_cast %get3A_60 : vector<16xi32> to vector<16xi32>
    tpu.vector_store %arg7[%swap3A_61], %swap3A_64 {strides = array<i32>} : memref<128xi32, #tpu.memory_space<vmem>>, vector<16xi32>,
    %get3A_65 = arith.constant 112 : index
    %get3A_66 = tpu.vector_load %arg11[%get3A_65] {strides = array<i32>} : memref<1280xi32, #tpu.memory_space<vmem>>, vector<16xi32>,
    %get3A_67 = vector.shape_cast %get3A_66 : vector<16xi32> to vector<16xi32>
    %swap3A_68 = arith.constant 112 : index
    %swap3A_69 = tpu.vector_load %arg7[%swap3A_68] {strides = array<i32>} : memref<128xi32, #tpu.memory_space<vmem>>, vector<16xi32>,
    %swap3A_70 = vector.shape_cast %swap3A_69 : vector<16xi32> to vector<16xi32>
    %swap3A_71 = vector.shape_cast %get3A_67 : vector<16xi32> to vector<16xi32>
    tpu.vector_store %arg7[%swap3A_68], %swap3A_71 {strides = array<i32>} : memref<128xi32, #tpu.memory_space<vmem>>, vector<16xi32>,
    %get3A_72 = arith.constant 0 : index
    %get3A_73 = tpu.vector_load %arg12[%get3A_72] {strides = array<i32>} : memref<1280xi32, #tpu.memory_space<vmem>>, vector<16xi32>,
    %get3A_74 = vector.shape_cast %get3A_73 : vector<16xi32> to vector<16xi32>
    %swap3A_75 = arith.constant 0 : index
    %swap3A_76 = tpu.vector_load %arg9[%swap3A_75] {strides = array<i32>} : memref<128xi32, #tpu.memory_space<vmem>>, vector<16xi32>,
    %swap3A_77 = vector.shape_cast %swap3A_76 : vector<16xi32> to vector<16xi32>
    %swap3A_78 = vector.shape_cast %get3A_74 : vector<16xi32> to vector<16xi32>
    tpu.vector_store %arg9[%swap3A_75], %swap3A_78 {strides = array<i32>} : memref<128xi32, #tpu.memory_space<vmem>>, vector<16xi32>,
    %get3A_79 = arith.constant 16 : index
    %get3A_80 = tpu.vector_load %arg12[%get3A_79] {strides = array<i32>} : memref<1280xi32, #tpu.memory_space<vmem>>, vector<16xi32>,
    %get3A_81 = vector.shape_cast %get3A_80 : vector<16xi32> to vector<16xi32>
    %swap3A_82 = arith.constant 16 : index
    %swap3A_83 = tpu.vector_load %arg9[%swap3A_82] {strides = array<i32>} : memref<128xi32, #tpu.memory_space<vmem>>, vector<16xi32>,
    %swap3A_84 = vector.shape_cast %swap3A_83 : vector<16xi32> to vector<16xi32>
    %swap3A_85 = vector.shape_cast %get3A_81 : vector<16xi32> to vector<16xi32>
    tpu.vector_store %arg9[%swap3A_82], %swap3A_85 {strides = array<i32>} : memref<128xi32, #tpu.memory_space<vmem>>, vector<16xi32>,
    %get3A_86 = arith.constant 32 : index
    %get3A_87 = tpu.vector_load %arg12[%get3A_86] {strides = array<i32>} : memref<1280xi32, #tpu.memory_space<vmem>>, vector<16xi32>,
    %get3A_88 = vector.shape_cast %get3A_87 : vector<16xi32> to vector<16xi32>
    %swap3A_89 = arith.constant 32 : index
    %swap3A_90 = tpu.vector_load %arg9[%swap3A_89] {strides = array<i32>} : memref<128xi32, #tpu.memory_space<vmem>>, vector<16xi32>,
    %swap3A_91 = vector.shape_cast %swap3A_90 : vector<16xi32> to vector<16xi32>
    %swap3A_92 = vector.shape_cast %get3A_88 : vector<16xi32> to vector<16xi32>
    tpu.vector_store %arg9[%swap3A_89], %swap3A_92 {strides = array<i32>} : memref<128xi32, #tpu.memory_space<vmem>>, vector<16xi32>,
    %get3A_93 = arith.constant 48 : index
    %get3A_94 = tpu.vector_load %arg12[%get3A_93] {strides = array<i32>} : memref<1280xi32, #tpu.memory_space<vmem>>, vector<16xi32>,
    %get3A_95 = vector.shape_cast %get3A_94 : vector<16xi32> to vector<16xi32>
    %swap3A_96 = arith.constant 48 : index
    %swap3A_97 = tpu.vector_load %arg9[%swap3A_96] {strides = array<i32>} : memref<128xi32, #tpu.memory_space<vmem>>, vector<16xi32>,
    %swap3A_98 = vector.shape_cast %swap3A_97 : vector<16xi32> to vector<16xi32>
    %swap3A_99 = vector.shape_cast %get3A_95 : vector<16xi32> to vector<16xi32>
    tpu.vector_store %arg9[%swap3A_96], %swap3A_99 {strides = array<i32>} : memref<128xi32, #tpu.memory_space<vmem>>, vector<16xi32>,
    %get3A_100 = arith.constant 64 : index
    %get3A_101 = tpu.vector_load %arg12[%get3A_100] {strides = array<i32>} : memref<1280xi32, #tpu.memory_space<vmem>>, vector<16xi32>,
    %get3A_102 = vector.shape_cast %get3A_101 : vector<16xi32> to vector<16xi32>
    %swap3A_103 = arith.constant 64 : index
    %swap3A_104 = tpu.vector_load %arg9[%swap3A_103] {strides = array<i32>} : memref<128xi32, #tpu.memory_space<vmem>>, vector<16xi32>,
    %swap3A_105 = vector.shape_cast %swap3A_104 : vector<16xi32> to vector<16xi32>
    %swap3A_106 = vector.shape_cast %get3A_102 : vector<16xi32> to vector<16xi32>
    tpu.vector_store %arg9[%swap3A_103], %swap3A_106 {strides = array<i32>} : memref<128xi32, #tpu.memory_space<vmem>>, vector<16xi32>,
    %get3A_107 = arith.constant 80 : index
    %get3A_108 = tpu.vector_load %arg12[%get3A_107] {strides = array<i32>} : memref<1280xi32, #tpu.memory_space<vmem>>, vector<16xi32>,
    %get3A_109 = vector.shape_cast %get3A_108 : vector<16xi32> to vector<16xi32>
    %swap3A_110 = arith.constant 80 : index
    %swap3A_111 = tpu.vector_load %arg9[%swap3A_110] {strides = array<i32>} : memref<128xi32, #tpu.memory_space<vmem>>, vector<16xi32>,
    %swap3A_112 = vector.shape_cast %swap3A_111 : vector<16xi32> to vector<16xi32>
    %swap3A_113 = vector.shape_cast %get3A_109 : vector<16xi32> to vector<16xi32>
    tpu.vector_store %arg9[%swap3A_110], %swap3A_113 {strides = array<i32>} : memref<128xi32, #tpu.memory_space<vmem>>, vector<16xi32>,
    %get3A_114 = arith.constant 96 : index
    %get3A_115 = tpu.vector_load %arg12[%get3A_114] {strides = array<i32>} : memref<1280xi32, #tpu.memory_space<vmem>>, vector<16xi32>,
    %get3A_116 = vector.shape_cast %get3A_115 : vector<16xi32> to vector<16xi32>
    %swap3A_117 = arith.constant 96 : index
    %swap3A_118 = tpu.vector_load %arg9[%swap3A_117] {strides = array<i32>} : memref<128xi32, #tpu.memory_space<vmem>>, vector<16xi32>,
    %swap3A_119 = vector.shape_cast %swap3A_118 : vector<16xi32> to vector<16xi32>
    %swap3A_120 = vector.shape_cast %get3A_116 : vector<16xi32> to vector<16xi32>
    tpu.vector_store %arg9[%swap3A_117], %swap3A_120 {strides = array<i32>} : memref<128xi32, #tpu.memory_space<vmem>>, vector<16xi32>,
    %get3A_121 = arith.constant 112 : index
    %get3A_122 = tpu.vector_load %arg12[%get3A_121] {strides = array<i32>} : memref<1280xi32, #tpu.memory_space<vmem>>, vector<16xi32>,
    %get3A_123 = vector.shape_cast %get3A_122 : vector<16xi32> to vector<16xi32>
    %swap3A_124 = arith.constant 112 : index
    %swap3A_125 = tpu.vector_load %arg9[%swap3A_124] {strides = array<i32>} : memref<128xi32, #tpu.memory_space<vmem>>, vector<16xi32>,
    %swap3A_126 = vector.shape_cast %swap3A_125 : vector<16xi32> to vector<16xi32>
    %swap3A_127 = vector.shape_cast %get3A_123 : vector<16xi32> to vector<16xi32>
    tpu.vector_store %arg9[%swap3A_124], %swap3A_127 {strides = array<i32>} : memref<128xi32, #tpu.memory_space<vmem>>, vector<16xi32>,
    %dma_start3A = arith.constant 0 : i32
    %dma_start3A_128 = arith.constant 0 : i32
    %dma_start3A_129 = tpu.memref_slice %arg2[%dma_start3A, %dma_start3A_128] : memref<10240x128xf32, #tpu.memory_space<hbm>> -> memref<10240x128xf32, #tpu.memory_space<hbm>>
    tpu.enqueue_indirect_dma source(%dma_start3A_129 : memref<10240x128xf32, #tpu.memory_space<hbm>>) target(%arg13 : memref<128x128xf32, #tpu.memory_space<vmem>>) offsets(%arg7 : memref<128xi32, #tpu.memory_space<vmem>>) semaphore(%arg17 : memref<!tpu.dma_semaphore, #tpu.memory_space<semaphore_mem>>)
    %scan3A = arith.constant 0 : i32
    %scan3A_130 = arith.constant 40 : i32
    %scan3A_131 = arith.addi %scan3A, %scan3A_130 : i32
    %scan3A_132 = arith.constant 1 : i32
    scf.for %scan3A_144 = %scan3A to %scan3A_131 step %scan3A_132  : i32 {
      %mul3A_145 = arith.constant 2 : i32
      %mul3A_146 = arith.muli %scan3A_144, %mul3A_145 : i32
      %add3A_147 = arith.constant 0 : i32
      %add3A_148 = arith.addi %add3A_147, %mul3A_146 : i32
      %add3A_149 = arith.constant 0 : i32
      %add3A_150 = arith.addi %add3A_148, %add3A_149 : i32
      %add3A_151 = arith.constant 1 : i32
      %add3A_152 = arith.addi %add3A_150, %add3A_151 : i32
      %lt3A = arith.constant 80 : i32
      %lt3A_153 = arith.cmpi slt, %add3A_152, %lt3A : i32
      %convert_element_type3A = arith.extui %lt3A_153 : i1 to i32
      %cond3A = arith.constant 0 : i32
      %cond3A_154 = arith.cmpi ne, %convert_element_type3A, %cond3A : i32
      scf.if %cond3A_154 {
        %add3A_176 = arith.constant 1 : i32
        %add3A_177 = arith.addi %add3A_150, %add3A_176 : i32
        %ge3A = arith.constant 2 : i32
        %ge3A_178 = arith.cmpi sge, %add3A_177, %ge3A : i32
        %convert_element_type3A_179 = arith.extui %ge3A_178 : i1 to i32
        %cond3A_180 = arith.constant 0 : i32
        %cond3A_181 = arith.cmpi ne, %convert_element_type3A_179, %cond3A_180 : i32
        scf.if %cond3A_181 {
          %dma_wait3A_364 = arith.constant 0 : i32
          %dma_wait3A_365 = arith.constant 0 : i32
          %dma_wait3A_366 = tpu.memref_slice %arg16[%dma_wait3A_364, %dma_wait3A_365] : memref<10368x128xf32, #tpu.memory_space<vmem_shared>> -> memref<10368x128xf32, #tpu.memory_space<vmem_shared>>
          tpu.wait_indirect_dma semaphore(%arg20 : memref<!tpu.dma_semaphore, #tpu.memory_space<semaphore_mem>>) src(%arg14 : memref<128x128xf32, #tpu.memory_space<vmem>>) dst(%dma_wait3A_366 : memref<10368x128xf32, #tpu.memory_space<vmem_shared>>)
        } else {
        }
        %add3A_182 = arith.constant 1 : i32
        %add3A_183 = arith.addi %add3A_150, %add3A_182 : i32
        %jit3A = arith.constant 10 : i32
        %eq3A = arith.constant 0 : i32
        %eq3A_184 = arith.cmpi eq, %jit3A, %eq3A : i32
        %jit3A_185 = arith.constant 1 : i32
        %select_n3A = arith.select %eq3A_184, %jit3A_185, %jit3A : i32
        %rem3A = arith.remsi %add3A_183, %select_n3A : i32
        %ne3A = arith.constant 0 : i32
        %ne3A_186 = arith.cmpi ne, %rem3A, %ne3A : i32
        %lt3A_187 = arith.constant 0 : i32
        %lt3A_188 = arith.cmpi slt, %rem3A, %lt3A_187 : i32
        %lt3A_189 = arith.constant 0 : i32
        %lt3A_190 = arith.cmpi slt, %select_n3A, %lt3A_189 : i32
        %ne3A_191 = arith.xori %lt3A_188, %lt3A_190 : i1
        %and3A = arith.andi %ne3A_191, %ne3A_186 : i1
        %add3A_192 = arith.addi %rem3A, %select_n3A : i32
        %select_n3A_193 = arith.select %and3A, %add3A_192, %rem3A : i32
        %eq3A_194 = arith.constant 0 : i32
        %eq3A_195 = arith.cmpi eq, %select_n3A_193, %eq3A_194 : i32
        %convert_element_type3A_196 = arith.extui %eq3A_195 : i1 to i32
        %cond3A_197 = arith.constant 0 : i32
        %cond3A_198 = arith.cmpi ne, %convert_element_type3A_196, %cond3A_197 : i32
        scf.if %cond3A_198 {
          %mul3A_364 = arith.constant 128 : i32
          %mul3A_365 = arith.muli %add3A_183, %mul3A_364 : i32
          %add3A_366 = arith.addi %mul3A_17, %mul3A_365 : i32
          "tpu.region"() ({
            %run_scoped3A = tpu.sem_alloc : memref<!tpu.dma_semaphore, #tpu.memory_space<semaphore_mem>>
            %dma_start3A_367 = tpu.memref_slice %arg3[%add3A_366] : memref<327680xi32, #tpu.memory_space<hbm>> -> memref<1280xi32, #tpu.memory_space<hbm>>
            %dma_start3A_368 = tpu.memref_slice %arg3[%add3A_366] : memref<327680xi32, #tpu.memory_space<hbm>> -> memref<1280xi32, #tpu.memory_space<hbm>>
            tpu.enqueue_dma source(%dma_start3A_368 : memref<1280xi32, #tpu.memory_space<hbm>>) target(%arg11 : memref<1280xi32, #tpu.memory_space<vmem>>) target_semaphore(%run_scoped3A : memref<!tpu.dma_semaphore, #tpu.memory_space<semaphore_mem>>)
            %dma_wait3A_369 = tpu.memref_slice %arg3[%add3A_366] : memref<327680xi32, #tpu.memory_space<hbm>> -> memref<1280xi32, #tpu.memory_space<hbm>>
            %dma_wait3A_370 = tpu.memref_slice %arg3[%add3A_366] : memref<327680xi32, #tpu.memory_space<hbm>> -> memref<1280xi32, #tpu.memory_space<hbm>>
            tpu.wait_dma2 semaphore(%run_scoped3A : memref<!tpu.dma_semaphore, #tpu.memory_space<semaphore_mem>>) src(%dma_wait3A_370 : memref<1280xi32, #tpu.memory_space<hbm>>) dst(%arg11 : memref<1280xi32, #tpu.memory_space<vmem>>)
            tpu.yield
          }) : () -> ()
          "tpu.region"() ({
            %run_scoped3A = tpu.sem_alloc : memref<!tpu.dma_semaphore, #tpu.memory_space<semaphore_mem>>
            %dma_start3A_367 = tpu.memref_slice %arg4[%add3A_366] : memref<327680xi32, #tpu.memory_space<hbm>> -> memref<1280xi32, #tpu.memory_space<hbm>>
            %dma_start3A_368 = tpu.memref_slice %arg4[%add3A_366] : memref<327680xi32, #tpu.memory_space<hbm>> -> memref<1280xi32, #tpu.memory_space<hbm>>
            tpu.enqueue_dma source(%dma_start3A_368 : memref<1280xi32, #tpu.memory_space<hbm>>) target(%arg12 : memref<1280xi32, #tpu.memory_space<vmem>>) target_semaphore(%run_scoped3A : memref<!tpu.dma_semaphore, #tpu.memory_space<semaphore_mem>>)
            %dma_wait3A_369 = tpu.memref_slice %arg4[%add3A_366] : memref<327680xi32, #tpu.memory_space<hbm>> -> memref<1280xi32, #tpu.memory_space<hbm>>
            %dma_wait3A_370 = tpu.memref_slice %arg4[%add3A_366] : memref<327680xi32, #tpu.memory_space<hbm>> -> memref<1280xi32, #tpu.memory_space<hbm>>
            tpu.wait_dma2 semaphore(%run_scoped3A : memref<!tpu.dma_semaphore, #tpu.memory_space<semaphore_mem>>) src(%dma_wait3A_370 : memref<1280xi32, #tpu.memory_space<hbm>>) dst(%arg12 : memref<1280xi32, #tpu.memory_space<vmem>>)
            tpu.yield
          }) : () -> ()
        } else {
        }
        %jit3A_199 = arith.constant 10 : i32
        %eq3A_200 = arith.constant 0 : i32
        %eq3A_201 = arith.cmpi eq, %jit3A_199, %eq3A_200 : i32
        %jit3A_202 = arith.constant 1 : i32
        %select_n3A_203 = arith.select %eq3A_201, %jit3A_202, %jit3A_199 : i32
        %rem3A_204 = arith.remsi %add3A_183, %select_n3A_203 : i32
        %ne3A_205 = arith.constant 0 : i32
        %ne3A_206 = arith.cmpi ne, %rem3A_204, %ne3A_205 : i32
        %lt3A_207 = arith.constant 0 : i32
        %lt3A_208 = arith.cmpi slt, %rem3A_204, %lt3A_207 : i32
        %lt3A_209 = arith.constant 0 : i32
        %lt3A_210 = arith.cmpi slt, %select_n3A_203, %lt3A_209 : i32
        %ne3A_211 = arith.xori %lt3A_208, %lt3A_210 : i1
        %and3A_212 = arith.andi %ne3A_211, %ne3A_206 : i1
        %add3A_213 = arith.addi %rem3A_204, %select_n3A_203 : i32
        %select_n3A_214 = arith.select %and3A_212, %add3A_213, %rem3A_204 : i32
        %mul3A_215 = arith.constant 128 : i32
        %mul3A_216 = arith.muli %select_n3A_214, %mul3A_215 : i32
        %add3A_217 = arith.constant 0 : i32
        %add3A_218 = arith.addi %mul3A_216, %add3A_217 : i32
        %get3A_219 = arith.index_cast %add3A_218 : i32 to index
        %get3A_220 = tpu.vector_load %arg11[%get3A_219] {strides = array<i32>} : memref<1280xi32, #tpu.memory_space<vmem>>, vector<16xi32>,
        %get3A_221 = vector.shape_cast %get3A_220 : vector<16xi32> to vector<16xi32>
        %swap3A_222 = arith.constant 0 : index
        %swap3A_223 = tpu.vector_load %arg8[%swap3A_222] {strides = array<i32>} : memref<128xi32, #tpu.memory_space<vmem>>, vector<16xi32>,
        %swap3A_224 = vector.shape_cast %swap3A_223 : vector<16xi32> to vector<16xi32>
        %swap3A_225 = vector.shape_cast %get3A_221 : vector<16xi32> to vector<16xi32>
        tpu.vector_store %arg8[%swap3A_222], %swap3A_225 {strides = array<i32>} : memref<128xi32, #tpu.memory_space<vmem>>, vector<16xi32>,
        %add3A_226 = arith.constant 16 : i32
        %add3A_227 = arith.addi %mul3A_216, %add3A_226 : i32
        %get3A_228 = arith.index_cast %add3A_227 : i32 to index
        %get3A_229 = tpu.vector_load %arg11[%get3A_228] {strides = array<i32>} : memref<1280xi32, #tpu.memory_space<vmem>>, vector<16xi32>,
        %get3A_230 = vector.shape_cast %get3A_229 : vector<16xi32> to vector<16xi32>
        %swap3A_231 = arith.constant 16 : index
        %swap3A_232 = tpu.vector_load %arg8[%swap3A_231] {strides = array<i32>} : memref<128xi32, #tpu.memory_space<vmem>>, vector<16xi32>,
        %swap3A_233 = vector.shape_cast %swap3A_232 : vector<16xi32> to vector<16xi32>
        %swap3A_234 = vector.shape_cast %get3A_230 : vector<16xi32> to vector<16xi32>
        tpu.vector_store %arg8[%swap3A_231], %swap3A_234 {strides = array<i32>} : memref<128xi32, #tpu.memory_space<vmem>>, vector<16xi32>,
        %add3A_235 = arith.constant 32 : i32
        %add3A_236 = arith.addi %mul3A_216, %add3A_235 : i32
        %get3A_237 = arith.index_cast %add3A_236 : i32 to index
        %get3A_238 = tpu.vector_load %arg11[%get3A_237] {strides = array<i32>} : memref<1280xi32, #tpu.memory_space<vmem>>, vector<16xi32>,
        %get3A_239 = vector.shape_cast %get3A_238 : vector<16xi32> to vector<16xi32>
        %swap3A_240 = arith.constant 32 : index
        %swap3A_241 = tpu.vector_load %arg8[%swap3A_240] {strides = array<i32>} : memref<128xi32, #tpu.memory_space<vmem>>, vector<16xi32>,
        %swap3A_242 = vector.shape_cast %swap3A_241 : vector<16xi32> to vector<16xi32>
        %swap3A_243 = vector.shape_cast %get3A_239 : vector<16xi32> to vector<16xi32>
        tpu.vector_store %arg8[%swap3A_240], %swap3A_243 {strides = array<i32>} : memref<128xi32, #tpu.memory_space<vmem>>, vector<16xi32>,
        %add3A_244 = arith.constant 48 : i32
        %add3A_245 = arith.addi %mul3A_216, %add3A_244 : i32
        %get3A_246 = arith.index_cast %add3A_245 : i32 to index
        %get3A_247 = tpu.vector_load %arg11[%get3A_246] {strides = array<i32>} : memref<1280xi32, #tpu.memory_space<vmem>>, vector<16xi32>,
        %get3A_248 = vector.shape_cast %get3A_247 : vector<16xi32> to vector<16xi32>
        %swap3A_249 = arith.constant 48 : index
        %swap3A_250 = tpu.vector_load %arg8[%swap3A_249] {strides = array<i32>} : memref<128xi32, #tpu.memory_space<vmem>>, vector<16xi32>,
        %swap3A_251 = vector.shape_cast %swap3A_250 : vector<16xi32> to vector<16xi32>
        %swap3A_252 = vector.shape_cast %get3A_248 : vector<16xi32> to vector<16xi32>
        tpu.vector_store %arg8[%swap3A_249], %swap3A_252 {strides = array<i32>} : memref<128xi32, #tpu.memory_space<vmem>>, vector<16xi32>,
        %add3A_253 = arith.constant 64 : i32
        %add3A_254 = arith.addi %mul3A_216, %add3A_253 : i32
        %get3A_255 = arith.index_cast %add3A_254 : i32 to index
        %get3A_256 = tpu.vector_load %arg11[%get3A_255] {strides = array<i32>} : memref<1280xi32, #tpu.memory_space<vmem>>, vector<16xi32>,
        %get3A_257 = vector.shape_cast %get3A_256 : vector<16xi32> to vector<16xi32>
        %swap3A_258 = arith.constant 64 : index
        %swap3A_259 = tpu.vector_load %arg8[%swap3A_258] {strides = array<i32>} : memref<128xi32, #tpu.memory_space<vmem>>, vector<16xi32>,
        %swap3A_260 = vector.shape_cast %swap3A_259 : vector<16xi32> to vector<16xi32>
        %swap3A_261 = vector.shape_cast %get3A_257 : vector<16xi32> to vector<16xi32>
        tpu.vector_store %arg8[%swap3A_258], %swap3A_261 {strides = array<i32>} : memref<128xi32, #tpu.memory_space<vmem>>, vector<16xi32>,
        %add3A_262 = arith.constant 80 : i32
        %add3A_263 = arith.addi %mul3A_216, %add3A_262 : i32
        %get3A_264 = arith.index_cast %add3A_263 : i32 to index
        %get3A_265 = tpu.vector_load %arg11[%get3A_264] {strides = array<i32>} : memref<1280xi32, #tpu.memory_space<vmem>>, vector<16xi32>,
        %get3A_266 = vector.shape_cast %get3A_265 : vector<16xi32> to vector<16xi32>
        %swap3A_267 = arith.constant 80 : index
        %swap3A_268 = tpu.vector_load %arg8[%swap3A_267] {strides = array<i32>} : memref<128xi32, #tpu.memory_space<vmem>>, vector<16xi32>,
        %swap3A_269 = vector.shape_cast %swap3A_268 : vector<16xi32> to vector<16xi32>
        %swap3A_270 = vector.shape_cast %get3A_266 : vector<16xi32> to vector<16xi32>
        tpu.vector_store %arg8[%swap3A_267], %swap3A_270 {strides = array<i32>} : memref<128xi32, #tpu.memory_space<vmem>>, vector<16xi32>,
        %add3A_271 = arith.constant 96 : i32
        %add3A_272 = arith.addi %mul3A_216, %add3A_271 : i32
        %get3A_273 = arith.index_cast %add3A_272 : i32 to index
        %get3A_274 = tpu.vector_load %arg11[%get3A_273] {strides = array<i32>} : memref<1280xi32, #tpu.memory_space<vmem>>, vector<16xi32>,
        %get3A_275 = vector.shape_cast %get3A_274 : vector<16xi32> to vector<16xi32>
        %swap3A_276 = arith.constant 96 : index
        %swap3A_277 = tpu.vector_load %arg8[%swap3A_276] {strides = array<i32>} : memref<128xi32, #tpu.memory_space<vmem>>, vector<16xi32>,
        %swap3A_278 = vector.shape_cast %swap3A_277 : vector<16xi32> to vector<16xi32>
        %swap3A_279 = vector.shape_cast %get3A_275 : vector<16xi32> to vector<16xi32>
        tpu.vector_store %arg8[%swap3A_276], %swap3A_279 {strides = array<i32>} : memref<128xi32, #tpu.memory_space<vmem>>, vector<16xi32>,
        %add3A_280 = arith.constant 112 : i32
        %add3A_281 = arith.addi %mul3A_216, %add3A_280 : i32
        %get3A_282 = arith.index_cast %add3A_281 : i32 to index
        %get3A_283 = tpu.vector_load %arg11[%get3A_282] {strides = array<i32>} : memref<1280xi32, #tpu.memory_space<vmem>>, vector<16xi32>,
        %get3A_284 = vector.shape_cast %get3A_283 : vector<16xi32> to vector<16xi32>
        %swap3A_285 = arith.constant 112 : index
        %swap3A_286 = tpu.vector_load %arg8[%swap3A_285] {strides = array<i32>} : memref<128xi32, #tpu.memory_space<vmem>>, vector<16xi32>,
        %swap3A_287 = vector.shape_cast %swap3A_286 : vector<16xi32> to vector<16xi32>
        %swap3A_288 = vector.shape_cast %get3A_284 : vector<16xi32> to vector<16xi32>
        tpu.vector_store %arg8[%swap3A_285], %swap3A_288 {strides = array<i32>} : memref<128xi32, #tpu.memory_space<vmem>>, vector<16xi32>,
        %add3A_289 = arith.constant 0 : i32
        %add3A_290 = arith.addi %mul3A_216, %add3A_289 : i32
        %get3A_291 = arith.index_cast %add3A_290 : i32 to index
        %get3A_292 = tpu.vector_load %arg12[%get3A_291] {strides = array<i32>} : memref<1280xi32, #tpu.memory_space<vmem>>, vector<16xi32>,
        %get3A_293 = vector.shape_cast %get3A_292 : vector<16xi32> to vector<16xi32>
        %swap3A_294 = arith.constant 0 : index
        %swap3A_295 = tpu.vector_load %arg10[%swap3A_294] {strides = array<i32>} : memref<128xi32, #tpu.memory_space<vmem>>, vector<16xi32>,
        %swap3A_296 = vector.shape_cast %swap3A_295 : vector<16xi32> to vector<16xi32>
        %swap3A_297 = vector.shape_cast %get3A_293 : vector<16xi32> to vector<16xi32>
        tpu.vector_store %arg10[%swap3A_294], %swap3A_297 {strides = array<i32>} : memref<128xi32, #tpu.memory_space<vmem>>, vector<16xi32>,
        %add3A_298 = arith.constant 16 : i32
        %add3A_299 = arith.addi %mul3A_216, %add3A_298 : i32
        %get3A_300 = arith.index_cast %add3A_299 : i32 to index
        %get3A_301 = tpu.vector_load %arg12[%get3A_300] {strides = array<i32>} : memref<1280xi32, #tpu.memory_space<vmem>>, vector<16xi32>,
        %get3A_302 = vector.shape_cast %get3A_301 : vector<16xi32> to vector<16xi32>
        %swap3A_303 = arith.constant 16 : index
        %swap3A_304 = tpu.vector_load %arg10[%swap3A_303] {strides = array<i32>} : memref<128xi32, #tpu.memory_space<vmem>>, vector<16xi32>,
        %swap3A_305 = vector.shape_cast %swap3A_304 : vector<16xi32> to vector<16xi32>
        %swap3A_306 = vector.shape_cast %get3A_302 : vector<16xi32> to vector<16xi32>
        tpu.vector_store %arg10[%swap3A_303], %swap3A_306 {strides = array<i32>} : memref<128xi32, #tpu.memory_space<vmem>>, vector<16xi32>,
        %add3A_307 = arith.constant 32 : i32
        %add3A_308 = arith.addi %mul3A_216, %add3A_307 : i32
        %get3A_309 = arith.index_cast %add3A_308 : i32 to index
        %get3A_310 = tpu.vector_load %arg12[%get3A_309] {strides = array<i32>} : memref<1280xi32, #tpu.memory_space<vmem>>, vector<16xi32>,
        %get3A_311 = vector.shape_cast %get3A_310 : vector<16xi32> to vector<16xi32>
        %swap3A_312 = arith.constant 32 : index
        %swap3A_313 = tpu.vector_load %arg10[%swap3A_312] {strides = array<i32>} : memref<128xi32, #tpu.memory_space<vmem>>, vector<16xi32>,
        %swap3A_314 = vector.shape_cast %swap3A_313 : vector<16xi32> to vector<16xi32>
        %swap3A_315 = vector.shape_cast %get3A_311 : vector<16xi32> to vector<16xi32>
        tpu.vector_store %arg10[%swap3A_312], %swap3A_315 {strides = array<i32>} : memref<128xi32, #tpu.memory_space<vmem>>, vector<16xi32>,
        %add3A_316 = arith.constant 48 : i32
        %add3A_317 = arith.addi %mul3A_216, %add3A_316 : i32
        %get3A_318 = arith.index_cast %add3A_317 : i32 to index
        %get3A_319 = tpu.vector_load %arg12[%get3A_318] {strides = array<i32>} : memref<1280xi32, #tpu.memory_space<vmem>>, vector<16xi32>,
        %get3A_320 = vector.shape_cast %get3A_319 : vector<16xi32> to vector<16xi32>
        %swap3A_321 = arith.constant 48 : index
        %swap3A_322 = tpu.vector_load %arg10[%swap3A_321] {strides = array<i32>} : memref<128xi32, #tpu.memory_space<vmem>>, vector<16xi32>,
        %swap3A_323 = vector.shape_cast %swap3A_322 : vector<16xi32> to vector<16xi32>
        %swap3A_324 = vector.shape_cast %get3A_320 : vector<16xi32> to vector<16xi32>
        tpu.vector_store %arg10[%swap3A_321], %swap3A_324 {strides = array<i32>} : memref<128xi32, #tpu.memory_space<vmem>>, vector<16xi32>,
        %add3A_325 = arith.constant 64 : i32
        %add3A_326 = arith.addi %mul3A_216, %add3A_325 : i32
        %get3A_327 = arith.index_cast %add3A_326 : i32 to index
        %get3A_328 = tpu.vector_load %arg12[%get3A_327] {strides = array<i32>} : memref<1280xi32, #tpu.memory_space<vmem>>, vector<16xi32>,
        %get3A_329 = vector.shape_cast %get3A_328 : vector<16xi32> to vector<16xi32>
        %swap3A_330 = arith.constant 64 : index
        %swap3A_331 = tpu.vector_load %arg10[%swap3A_330] {strides = array<i32>} : memref<128xi32, #tpu.memory_space<vmem>>, vector<16xi32>,
        %swap3A_332 = vector.shape_cast %swap3A_331 : vector<16xi32> to vector<16xi32>
        %swap3A_333 = vector.shape_cast %get3A_329 : vector<16xi32> to vector<16xi32>
        tpu.vector_store %arg10[%swap3A_330], %swap3A_333 {strides = array<i32>} : memref<128xi32, #tpu.memory_space<vmem>>, vector<16xi32>,
        %add3A_334 = arith.constant 80 : i32
        %add3A_335 = arith.addi %mul3A_216, %add3A_334 : i32
        %get3A_336 = arith.index_cast %add3A_335 : i32 to index
        %get3A_337 = tpu.vector_load %arg12[%get3A_336] {strides = array<i32>} : memref<1280xi32, #tpu.memory_space<vmem>>, vector<16xi32>,
        %get3A_338 = vector.shape_cast %get3A_337 : vector<16xi32> to vector<16xi32>
        %swap3A_339 = arith.constant 80 : index
        %swap3A_340 = tpu.vector_load %arg10[%swap3A_339] {strides = array<i32>} : memref<128xi32, #tpu.memory_space<vmem>>, vector<16xi32>,
        %swap3A_341 = vector.shape_cast %swap3A_340 : vector<16xi32> to vector<16xi32>
        %swap3A_342 = vector.shape_cast %get3A_338 : vector<16xi32> to vector<16xi32>
        tpu.vector_store %arg10[%swap3A_339], %swap3A_342 {strides = array<i32>} : memref<128xi32, #tpu.memory_space<vmem>>, vector<16xi32>,
        %add3A_343 = arith.constant 96 : i32
        %add3A_344 = arith.addi %mul3A_216, %add3A_343 : i32
        %get3A_345 = arith.index_cast %add3A_344 : i32 to index
        %get3A_346 = tpu.vector_load %arg12[%get3A_345] {strides = array<i32>} : memref<1280xi32, #tpu.memory_space<vmem>>, vector<16xi32>,
        %get3A_347 = vector.shape_cast %get3A_346 : vector<16xi32> to vector<16xi32>
        %swap3A_348 = arith.constant 96 : index
        %swap3A_349 = tpu.vector_load %arg10[%swap3A_348] {strides = array<i32>} : memref<128xi32, #tpu.memory_space<vmem>>, vector<16xi32>,
        %swap3A_350 = vector.shape_cast %swap3A_349 : vector<16xi32> to vector<16xi32>
        %swap3A_351 = vector.shape_cast %get3A_347 : vector<16xi32> to vector<16xi32>
        tpu.vector_store %arg10[%swap3A_348], %swap3A_351 {strides = array<i32>} : memref<128xi32, #tpu.memory_space<vmem>>, vector<16xi32>,
        %add3A_352 = arith.constant 112 : i32
        %add3A_353 = arith.addi %mul3A_216, %add3A_352 : i32
        %get3A_354 = arith.index_cast %add3A_353 : i32 to index
        %get3A_355 = tpu.vector_load %arg12[%get3A_354] {strides = array<i32>} : memref<1280xi32, #tpu.memory_space<vmem>>, vector<16xi32>,
        %get3A_356 = vector.shape_cast %get3A_355 : vector<16xi32> to vector<16xi32>
        %swap3A_357 = arith.constant 112 : index
        %swap3A_358 = tpu.vector_load %arg10[%swap3A_357] {strides = array<i32>} : memref<128xi32, #tpu.memory_space<vmem>>, vector<16xi32>,
        %swap3A_359 = vector.shape_cast %swap3A_358 : vector<16xi32> to vector<16xi32>
        %swap3A_360 = vector.shape_cast %get3A_356 : vector<16xi32> to vector<16xi32>
        tpu.vector_store %arg10[%swap3A_357], %swap3A_360 {strides = array<i32>} : memref<128xi32, #tpu.memory_space<vmem>>, vector<16xi32>,
        %dma_start3A_361 = arith.constant 0 : i32
        %dma_start3A_362 = arith.constant 0 : i32
        %dma_start3A_363 = tpu.memref_slice %arg2[%dma_start3A_361, %dma_start3A_362] : memref<10240x128xf32, #tpu.memory_space<hbm>> -> memref<10240x128xf32, #tpu.memory_space<hbm>>
        tpu.enqueue_indirect_dma source(%dma_start3A_363 : memref<10240x128xf32, #tpu.memory_space<hbm>>) target(%arg14 : memref<128x128xf32, #tpu.memory_space<vmem>>) offsets(%arg8 : memref<128xi32, #tpu.memory_space<vmem>>) semaphore(%arg18 : memref<!tpu.dma_semaphore, #tpu.memory_space<semaphore_mem>>)
      } else {
      }
      %dma_wait3A_155 = arith.constant 0 : i32
      %dma_wait3A_156 = arith.constant 0 : i32
      %dma_wait3A_157 = tpu.memref_slice %arg2[%dma_wait3A_155, %dma_wait3A_156] : memref<10240x128xf32, #tpu.memory_space<hbm>> -> memref<10240x128xf32, #tpu.memory_space<hbm>>
      tpu.wait_indirect_dma semaphore(%arg17 : memref<!tpu.dma_semaphore, #tpu.memory_space<semaphore_mem>>) src(%dma_wait3A_157 : memref<10240x128xf32, #tpu.memory_space<hbm>>) dst(%arg13 : memref<128x128xf32, #tpu.memory_space<vmem>>)
      %dma_start3A_158 = arith.constant 0 : i32
      %dma_start3A_159 = arith.constant 0 : i32
      %dma_start3A_160 = tpu.memref_slice %arg16[%dma_start3A_158, %dma_start3A_159] : memref<10368x128xf32, #tpu.memory_space<vmem_shared>> -> memref<10368x128xf32, #tpu.memory_space<vmem_shared>>
      tpu.enqueue_indirect_dma source(%arg13 : memref<128x128xf32, #tpu.memory_space<vmem>>) target(%dma_start3A_160 : memref<10368x128xf32, #tpu.memory_space<vmem_shared>>) offsets(%arg9 : memref<128xi32, #tpu.memory_space<vmem>>) semaphore(%arg19 : memref<!tpu.dma_semaphore, #tpu.memory_space<semaphore_mem>>) {add = true}
      %add3A_161 = arith.constant 1 : i32
      %add3A_162 = arith.addi %add3A_148, %add3A_161 : i32
      %add3A_163 = arith.constant 1 : i32
      %add3A_164 = arith.addi %add3A_162, %add3A_163 : i32
      %lt3A_165 = arith.constant 80 : i32
      %lt3A_166 = arith.cmpi slt, %add3A_164, %lt3A_165 : i32
      %convert_element_type3A_167 = arith.extui %lt3A_166 : i1 to i32
      %cond3A_168 = arith.constant 0 : i32
      %cond3A_169 = arith.cmpi ne, %convert_element_type3A_167, %cond3A_168 : i32
      scf.if %cond3A_169 {
        %add3A_176 = arith.constant 1 : i32
        %add3A_177 = arith.addi %add3A_162, %add3A_176 : i32
        %ge3A = arith.constant 2 : i32
        %ge3A_178 = arith.cmpi sge, %add3A_177, %ge3A : i32
        %convert_element_type3A_179 = arith.extui %ge3A_178 : i1 to i32
        %cond3A_180 = arith.constant 0 : i32
        %cond3A_181 = arith.cmpi ne, %convert_element_type3A_179, %cond3A_180 : i32
        scf.if %cond3A_181 {
          %dma_wait3A_364 = arith.constant 0 : i32
          %dma_wait3A_365 = arith.constant 0 : i32
          %dma_wait3A_366 = tpu.memref_slice %arg16[%dma_wait3A_364, %dma_wait3A_365] : memref<10368x128xf32, #tpu.memory_space<vmem_shared>> -> memref<10368x128xf32, #tpu.memory_space<vmem_shared>>
          tpu.wait_indirect_dma semaphore(%arg19 : memref<!tpu.dma_semaphore, #tpu.memory_space<semaphore_mem>>) src(%arg13 : memref<128x128xf32, #tpu.memory_space<vmem>>) dst(%dma_wait3A_366 : memref<10368x128xf32, #tpu.memory_space<vmem_shared>>)
        } else {
        }
        %add3A_182 = arith.constant 1 : i32
        %add3A_183 = arith.addi %add3A_162, %add3A_182 : i32
        %jit3A = arith.constant 10 : i32
        %eq3A = arith.constant 0 : i32
        %eq3A_184 = arith.cmpi eq, %jit3A, %eq3A : i32
        %jit3A_185 = arith.constant 1 : i32
        %select_n3A = arith.select %eq3A_184, %jit3A_185, %jit3A : i32
        %rem3A = arith.remsi %add3A_183, %select_n3A : i32
        %ne3A = arith.constant 0 : i32
        %ne3A_186 = arith.cmpi ne, %rem3A, %ne3A : i32
        %lt3A_187 = arith.constant 0 : i32
        %lt3A_188 = arith.cmpi slt, %rem3A, %lt3A_187 : i32
        %lt3A_189 = arith.constant 0 : i32
        %lt3A_190 = arith.cmpi slt, %select_n3A, %lt3A_189 : i32
        %ne3A_191 = arith.xori %lt3A_188, %lt3A_190 : i1
        %and3A = arith.andi %ne3A_191, %ne3A_186 : i1
        %add3A_192 = arith.addi %rem3A, %select_n3A : i32
        %select_n3A_193 = arith.select %and3A, %add3A_192, %rem3A : i32
        %eq3A_194 = arith.constant 0 : i32
        %eq3A_195 = arith.cmpi eq, %select_n3A_193, %eq3A_194 : i32
        %convert_element_type3A_196 = arith.extui %eq3A_195 : i1 to i32
        %cond3A_197 = arith.constant 0 : i32
        %cond3A_198 = arith.cmpi ne, %convert_element_type3A_196, %cond3A_197 : i32
        scf.if %cond3A_198 {
          %mul3A_364 = arith.constant 128 : i32
          %mul3A_365 = arith.muli %add3A_183, %mul3A_364 : i32
          %add3A_366 = arith.addi %mul3A_17, %mul3A_365 : i32
          "tpu.region"() ({
            %run_scoped3A = tpu.sem_alloc : memref<!tpu.dma_semaphore, #tpu.memory_space<semaphore_mem>>
            %dma_start3A_367 = tpu.memref_slice %arg3[%add3A_366] : memref<327680xi32, #tpu.memory_space<hbm>> -> memref<1280xi32, #tpu.memory_space<hbm>>
            %dma_start3A_368 = tpu.memref_slice %arg3[%add3A_366] : memref<327680xi32, #tpu.memory_space<hbm>> -> memref<1280xi32, #tpu.memory_space<hbm>>
            tpu.enqueue_dma source(%dma_start3A_368 : memref<1280xi32, #tpu.memory_space<hbm>>) target(%arg11 : memref<1280xi32, #tpu.memory_space<vmem>>) target_semaphore(%run_scoped3A : memref<!tpu.dma_semaphore, #tpu.memory_space<semaphore_mem>>)
            %dma_wait3A_369 = tpu.memref_slice %arg3[%add3A_366] : memref<327680xi32, #tpu.memory_space<hbm>> -> memref<1280xi32, #tpu.memory_space<hbm>>
            %dma_wait3A_370 = tpu.memref_slice %arg3[%add3A_366] : memref<327680xi32, #tpu.memory_space<hbm>> -> memref<1280xi32, #tpu.memory_space<hbm>>
            tpu.wait_dma2 semaphore(%run_scoped3A : memref<!tpu.dma_semaphore, #tpu.memory_space<semaphore_mem>>) src(%dma_wait3A_370 : memref<1280xi32, #tpu.memory_space<hbm>>) dst(%arg11 : memref<1280xi32, #tpu.memory_space<vmem>>)
            tpu.yield
          }) : () -> ()
          "tpu.region"() ({
            %run_scoped3A = tpu.sem_alloc : memref<!tpu.dma_semaphore, #tpu.memory_space<semaphore_mem>>
            %dma_start3A_367 = tpu.memref_slice %arg4[%add3A_366] : memref<327680xi32, #tpu.memory_space<hbm>> -> memref<1280xi32, #tpu.memory_space<hbm>>
            %dma_start3A_368 = tpu.memref_slice %arg4[%add3A_366] : memref<327680xi32, #tpu.memory_space<hbm>> -> memref<1280xi32, #tpu.memory_space<hbm>>
            tpu.enqueue_dma source(%dma_start3A_368 : memref<1280xi32, #tpu.memory_space<hbm>>) target(%arg12 : memref<1280xi32, #tpu.memory_space<vmem>>) target_semaphore(%run_scoped3A : memref<!tpu.dma_semaphore, #tpu.memory_space<semaphore_mem>>)
            %dma_wait3A_369 = tpu.memref_slice %arg4[%add3A_366] : memref<327680xi32, #tpu.memory_space<hbm>> -> memref<1280xi32, #tpu.memory_space<hbm>>
            %dma_wait3A_370 = tpu.memref_slice %arg4[%add3A_366] : memref<327680xi32, #tpu.memory_space<hbm>> -> memref<1280xi32, #tpu.memory_space<hbm>>
            tpu.wait_dma2 semaphore(%run_scoped3A : memref<!tpu.dma_semaphore, #tpu.memory_space<semaphore_mem>>) src(%dma_wait3A_370 : memref<1280xi32, #tpu.memory_space<hbm>>) dst(%arg12 : memref<1280xi32, #tpu.memory_space<vmem>>)
            tpu.yield
          }) : () -> ()
        } else {
        }
        %jit3A_199 = arith.constant 10 : i32
        %eq3A_200 = arith.constant 0 : i32
        %eq3A_201 = arith.cmpi eq, %jit3A_199, %eq3A_200 : i32
        %jit3A_202 = arith.constant 1 : i32
        %select_n3A_203 = arith.select %eq3A_201, %jit3A_202, %jit3A_199 : i32
        %rem3A_204 = arith.remsi %add3A_183, %select_n3A_203 : i32
        %ne3A_205 = arith.constant 0 : i32
        %ne3A_206 = arith.cmpi ne, %rem3A_204, %ne3A_205 : i32
        %lt3A_207 = arith.constant 0 : i32
        %lt3A_208 = arith.cmpi slt, %rem3A_204, %lt3A_207 : i32
        %lt3A_209 = arith.constant 0 : i32
        %lt3A_210 = arith.cmpi slt, %select_n3A_203, %lt3A_209 : i32
        %ne3A_211 = arith.xori %lt3A_208, %lt3A_210 : i1
        %and3A_212 = arith.andi %ne3A_211, %ne3A_206 : i1
        %add3A_213 = arith.addi %rem3A_204, %select_n3A_203 : i32
        %select_n3A_214 = arith.select %and3A_212, %add3A_213, %rem3A_204 : i32
        %mul3A_215 = arith.constant 128 : i32
        %mul3A_216 = arith.muli %select_n3A_214, %mul3A_215 : i32
        %add3A_217 = arith.constant 0 : i32
        %add3A_218 = arith.addi %mul3A_216, %add3A_217 : i32
        %get3A_219 = arith.index_cast %add3A_218 : i32 to index
        %get3A_220 = tpu.vector_load %arg11[%get3A_219] {strides = array<i32>} : memref<1280xi32, #tpu.memory_space<vmem>>, vector<16xi32>,
        %get3A_221 = vector.shape_cast %get3A_220 : vector<16xi32> to vector<16xi32>
        %swap3A_222 = arith.constant 0 : index
        %swap3A_223 = tpu.vector_load %arg7[%swap3A_222] {strides = array<i32>} : memref<128xi32, #tpu.memory_space<vmem>>, vector<16xi32>,
        %swap3A_224 = vector.shape_cast %swap3A_223 : vector<16xi32> to vector<16xi32>
        %swap3A_225 = vector.shape_cast %get3A_221 : vector<16xi32> to vector<16xi32>
        tpu.vector_store %arg7[%swap3A_222], %swap3A_225 {strides = array<i32>} : memref<128xi32, #tpu.memory_space<vmem>>, vector<16xi32>,
        %add3A_226 = arith.constant 16 : i32
        %add3A_227 = arith.addi %mul3A_216, %add3A_226 : i32
        %get3A_228 = arith.index_cast %add3A_227 : i32 to index
        %get3A_229 = tpu.vector_load %arg11[%get3A_228] {strides = array<i32>} : memref<1280xi32, #tpu.memory_space<vmem>>, vector<16xi32>,
        %get3A_230 = vector.shape_cast %get3A_229 : vector<16xi32> to vector<16xi32>
        %swap3A_231 = arith.constant 16 : index
        %swap3A_232 = tpu.vector_load %arg7[%swap3A_231] {strides = array<i32>} : memref<128xi32, #tpu.memory_space<vmem>>, vector<16xi32>,
        %swap3A_233 = vector.shape_cast %swap3A_232 : vector<16xi32> to vector<16xi32>
        %swap3A_234 = vector.shape_cast %get3A_230 : vector<16xi32> to vector<16xi32>
        tpu.vector_store %arg7[%swap3A_231], %swap3A_234 {strides = array<i32>} : memref<128xi32, #tpu.memory_space<vmem>>, vector<16xi32>,
        %add3A_235 = arith.constant 32 : i32
        %add3A_236 = arith.addi %mul3A_216, %add3A_235 : i32
        %get3A_237 = arith.index_cast %add3A_236 : i32 to index
        %get3A_238 = tpu.vector_load %arg11[%get3A_237] {strides = array<i32>} : memref<1280xi32, #tpu.memory_space<vmem>>, vector<16xi32>,
        %get3A_239 = vector.shape_cast %get3A_238 : vector<16xi32> to vector<16xi32>
        %swap3A_240 = arith.constant 32 : index
        %swap3A_241 = tpu.vector_load %arg7[%swap3A_240] {strides = array<i32>} : memref<128xi32, #tpu.memory_space<vmem>>, vector<16xi32>,
        %swap3A_242 = vector.shape_cast %swap3A_241 : vector<16xi32> to vector<16xi32>
        %swap3A_243 = vector.shape_cast %get3A_239 : vector<16xi32> to vector<16xi32>
        tpu.vector_store %arg7[%swap3A_240], %swap3A_243 {strides = array<i32>} : memref<128xi32, #tpu.memory_space<vmem>>, vector<16xi32>,
        %add3A_244 = arith.constant 48 : i32
        %add3A_245 = arith.addi %mul3A_216, %add3A_244 : i32
        %get3A_246 = arith.index_cast %add3A_245 : i32 to index
        %get3A_247 = tpu.vector_load %arg11[%get3A_246] {strides = array<i32>} : memref<1280xi32, #tpu.memory_space<vmem>>, vector<16xi32>,
        %get3A_248 = vector.shape_cast %get3A_247 : vector<16xi32> to vector<16xi32>
        %swap3A_249 = arith.constant 48 : index
        %swap3A_250 = tpu.vector_load %arg7[%swap3A_249] {strides = array<i32>} : memref<128xi32, #tpu.memory_space<vmem>>, vector<16xi32>,
        %swap3A_251 = vector.shape_cast %swap3A_250 : vector<16xi32> to vector<16xi32>
        %swap3A_252 = vector.shape_cast %get3A_248 : vector<16xi32> to vector<16xi32>
        tpu.vector_store %arg7[%swap3A_249], %swap3A_252 {strides = array<i32>} : memref<128xi32, #tpu.memory_space<vmem>>, vector<16xi32>,
        %add3A_253 = arith.constant 64 : i32
        %add3A_254 = arith.addi %mul3A_216, %add3A_253 : i32
        %get3A_255 = arith.index_cast %add3A_254 : i32 to index
        %get3A_256 = tpu.vector_load %arg11[%get3A_255] {strides = array<i32>} : memref<1280xi32, #tpu.memory_space<vmem>>, vector<16xi32>,
        %get3A_257 = vector.shape_cast %get3A_256 : vector<16xi32> to vector<16xi32>
        %swap3A_258 = arith.constant 64 : index
        %swap3A_259 = tpu.vector_load %arg7[%swap3A_258] {strides = array<i32>} : memref<128xi32, #tpu.memory_space<vmem>>, vector<16xi32>,
        %swap3A_260 = vector.shape_cast %swap3A_259 : vector<16xi32> to vector<16xi32>
        %swap3A_261 = vector.shape_cast %get3A_257 : vector<16xi32> to vector<16xi32>
        tpu.vector_store %arg7[%swap3A_258], %swap3A_261 {strides = array<i32>} : memref<128xi32, #tpu.memory_space<vmem>>, vector<16xi32>,
        %add3A_262 = arith.constant 80 : i32
        %add3A_263 = arith.addi %mul3A_216, %add3A_262 : i32
        %get3A_264 = arith.index_cast %add3A_263 : i32 to index
        %get3A_265 = tpu.vector_load %arg11[%get3A_264] {strides = array<i32>} : memref<1280xi32, #tpu.memory_space<vmem>>, vector<16xi32>,
        %get3A_266 = vector.shape_cast %get3A_265 : vector<16xi32> to vector<16xi32>
        %swap3A_267 = arith.constant 80 : index
        %swap3A_268 = tpu.vector_load %arg7[%swap3A_267] {strides = array<i32>} : memref<128xi32, #tpu.memory_space<vmem>>, vector<16xi32>,
        %swap3A_269 = vector.shape_cast %swap3A_268 : vector<16xi32> to vector<16xi32>
        %swap3A_270 = vector.shape_cast %get3A_266 : vector<16xi32> to vector<16xi32>
        tpu.vector_store %arg7[%swap3A_267], %swap3A_270 {strides = array<i32>} : memref<128xi32, #tpu.memory_space<vmem>>, vector<16xi32>,
        %add3A_271 = arith.constant 96 : i32
        %add3A_272 = arith.addi %mul3A_216, %add3A_271 : i32
        %get3A_273 = arith.index_cast %add3A_272 : i32 to index
        %get3A_274 = tpu.vector_load %arg11[%get3A_273] {strides = array<i32>} : memref<1280xi32, #tpu.memory_space<vmem>>, vector<16xi32>,
        %get3A_275 = vector.shape_cast %get3A_274 : vector<16xi32> to vector<16xi32>
        %swap3A_276 = arith.constant 96 : index
        %swap3A_277 = tpu.vector_load %arg7[%swap3A_276] {strides = array<i32>} : memref<128xi32, #tpu.memory_space<vmem>>, vector<16xi32>,
        %swap3A_278 = vector.shape_cast %swap3A_277 : vector<16xi32> to vector<16xi32>
        %swap3A_279 = vector.shape_cast %get3A_275 : vector<16xi32> to vector<16xi32>
        tpu.vector_store %arg7[%swap3A_276], %swap3A_279 {strides = array<i32>} : memref<128xi32, #tpu.memory_space<vmem>>, vector<16xi32>,
        %add3A_280 = arith.constant 112 : i32
        %add3A_281 = arith.addi %mul3A_216, %add3A_280 : i32
        %get3A_282 = arith.index_cast %add3A_281 : i32 to index
        %get3A_283 = tpu.vector_load %arg11[%get3A_282] {strides = array<i32>} : memref<1280xi32, #tpu.memory_space<vmem>>, vector<16xi32>,
        %get3A_284 = vector.shape_cast %get3A_283 : vector<16xi32> to vector<16xi32>
        %swap3A_285 = arith.constant 112 : index
        %swap3A_286 = tpu.vector_load %arg7[%swap3A_285] {strides = array<i32>} : memref<128xi32, #tpu.memory_space<vmem>>, vector<16xi32>,
        %swap3A_287 = vector.shape_cast %swap3A_286 : vector<16xi32> to vector<16xi32>
        %swap3A_288 = vector.shape_cast %get3A_284 : vector<16xi32> to vector<16xi32>
        tpu.vector_store %arg7[%swap3A_285], %swap3A_288 {strides = array<i32>} : memref<128xi32, #tpu.memory_space<vmem>>, vector<16xi32>,
        %add3A_289 = arith.constant 0 : i32
        %add3A_290 = arith.addi %mul3A_216, %add3A_289 : i32
        %get3A_291 = arith.index_cast %add3A_290 : i32 to index
        %get3A_292 = tpu.vector_load %arg12[%get3A_291] {strides = array<i32>} : memref<1280xi32, #tpu.memory_space<vmem>>, vector<16xi32>,
        %get3A_293 = vector.shape_cast %get3A_292 : vector<16xi32> to vector<16xi32>
        %swap3A_294 = arith.constant 0 : index
        %swap3A_295 = tpu.vector_load %arg9[%swap3A_294] {strides = array<i32>} : memref<128xi32, #tpu.memory_space<vmem>>, vector<16xi32>,
        %swap3A_296 = vector.shape_cast %swap3A_295 : vector<16xi32> to vector<16xi32>
        %swap3A_297 = vector.shape_cast %get3A_293 : vector<16xi32> to vector<16xi32>
        tpu.vector_store %arg9[%swap3A_294], %swap3A_297 {strides = array<i32>} : memref<128xi32, #tpu.memory_space<vmem>>, vector<16xi32>,
        %add3A_298 = arith.constant 16 : i32
        %add3A_299 = arith.addi %mul3A_216, %add3A_298 : i32
        %get3A_300 = arith.index_cast %add3A_299 : i32 to index
        %get3A_301 = tpu.vector_load %arg12[%get3A_300] {strides = array<i32>} : memref<1280xi32, #tpu.memory_space<vmem>>, vector<16xi32>,
        %get3A_302 = vector.shape_cast %get3A_301 : vector<16xi32> to vector<16xi32>
        %swap3A_303 = arith.constant 16 : index
        %swap3A_304 = tpu.vector_load %arg9[%swap3A_303] {strides = array<i32>} : memref<128xi32, #tpu.memory_space<vmem>>, vector<16xi32>,
        %swap3A_305 = vector.shape_cast %swap3A_304 : vector<16xi32> to vector<16xi32>
        %swap3A_306 = vector.shape_cast %get3A_302 : vector<16xi32> to vector<16xi32>
        tpu.vector_store %arg9[%swap3A_303], %swap3A_306 {strides = array<i32>} : memref<128xi32, #tpu.memory_space<vmem>>, vector<16xi32>,
        %add3A_307 = arith.constant 32 : i32
        %add3A_308 = arith.addi %mul3A_216, %add3A_307 : i32
        %get3A_309 = arith.index_cast %add3A_308 : i32 to index
        %get3A_310 = tpu.vector_load %arg12[%get3A_309] {strides = array<i32>} : memref<1280xi32, #tpu.memory_space<vmem>>, vector<16xi32>,
        %get3A_311 = vector.shape_cast %get3A_310 : vector<16xi32> to vector<16xi32>
        %swap3A_312 = arith.constant 32 : index
        %swap3A_313 = tpu.vector_load %arg9[%swap3A_312] {strides = array<i32>} : memref<128xi32, #tpu.memory_space<vmem>>, vector<16xi32>,
        %swap3A_314 = vector.shape_cast %swap3A_313 : vector<16xi32> to vector<16xi32>
        %swap3A_315 = vector.shape_cast %get3A_311 : vector<16xi32> to vector<16xi32>
        tpu.vector_store %arg9[%swap3A_312], %swap3A_315 {strides = array<i32>} : memref<128xi32, #tpu.memory_space<vmem>>, vector<16xi32>,
        %add3A_316 = arith.constant 48 : i32
        %add3A_317 = arith.addi %mul3A_216, %add3A_316 : i32
        %get3A_318 = arith.index_cast %add3A_317 : i32 to index
        %get3A_319 = tpu.vector_load %arg12[%get3A_318] {strides = array<i32>} : memref<1280xi32, #tpu.memory_space<vmem>>, vector<16xi32>,
        %get3A_320 = vector.shape_cast %get3A_319 : vector<16xi32> to vector<16xi32>
        %swap3A_321 = arith.constant 48 : index
        %swap3A_322 = tpu.vector_load %arg9[%swap3A_321] {strides = array<i32>} : memref<128xi32, #tpu.memory_space<vmem>>, vector<16xi32>,
        %swap3A_323 = vector.shape_cast %swap3A_322 : vector<16xi32> to vector<16xi32>
        %swap3A_324 = vector.shape_cast %get3A_320 : vector<16xi32> to vector<16xi32>
        tpu.vector_store %arg9[%swap3A_321], %swap3A_324 {strides = array<i32>} : memref<128xi32, #tpu.memory_space<vmem>>, vector<16xi32>,
        %add3A_325 = arith.constant 64 : i32
        %add3A_326 = arith.addi %mul3A_216, %add3A_325 : i32
        %get3A_327 = arith.index_cast %add3A_326 : i32 to index
        %get3A_328 = tpu.vector_load %arg12[%get3A_327] {strides = array<i32>} : memref<1280xi32, #tpu.memory_space<vmem>>, vector<16xi32>,
        %get3A_329 = vector.shape_cast %get3A_328 : vector<16xi32> to vector<16xi32>
        %swap3A_330 = arith.constant 64 : index
        %swap3A_331 = tpu.vector_load %arg9[%swap3A_330] {strides = array<i32>} : memref<128xi32, #tpu.memory_space<vmem>>, vector<16xi32>,
        %swap3A_332 = vector.shape_cast %swap3A_331 : vector<16xi32> to vector<16xi32>
        %swap3A_333 = vector.shape_cast %get3A_329 : vector<16xi32> to vector<16xi32>
        tpu.vector_store %arg9[%swap3A_330], %swap3A_333 {strides = array<i32>} : memref<128xi32, #tpu.memory_space<vmem>>, vector<16xi32>,
        %add3A_334 = arith.constant 80 : i32
        %add3A_335 = arith.addi %mul3A_216, %add3A_334 : i32
        %get3A_336 = arith.index_cast %add3A_335 : i32 to index
        %get3A_337 = tpu.vector_load %arg12[%get3A_336] {strides = array<i32>} : memref<1280xi32, #tpu.memory_space<vmem>>, vector<16xi32>,
        %get3A_338 = vector.shape_cast %get3A_337 : vector<16xi32> to vector<16xi32>
        %swap3A_339 = arith.constant 80 : index
        %swap3A_340 = tpu.vector_load %arg9[%swap3A_339] {strides = array<i32>} : memref<128xi32, #tpu.memory_space<vmem>>, vector<16xi32>,
        %swap3A_341 = vector.shape_cast %swap3A_340 : vector<16xi32> to vector<16xi32>
        %swap3A_342 = vector.shape_cast %get3A_338 : vector<16xi32> to vector<16xi32>
        tpu.vector_store %arg9[%swap3A_339], %swap3A_342 {strides = array<i32>} : memref<128xi32, #tpu.memory_space<vmem>>, vector<16xi32>,
        %add3A_343 = arith.constant 96 : i32
        %add3A_344 = arith.addi %mul3A_216, %add3A_343 : i32
        %get3A_345 = arith.index_cast %add3A_344 : i32 to index
        %get3A_346 = tpu.vector_load %arg12[%get3A_345] {strides = array<i32>} : memref<1280xi32, #tpu.memory_space<vmem>>, vector<16xi32>,
        %get3A_347 = vector.shape_cast %get3A_346 : vector<16xi32> to vector<16xi32>
        %swap3A_348 = arith.constant 96 : index
        %swap3A_349 = tpu.vector_load %arg9[%swap3A_348] {strides = array<i32>} : memref<128xi32, #tpu.memory_space<vmem>>, vector<16xi32>,
        %swap3A_350 = vector.shape_cast %swap3A_349 : vector<16xi32> to vector<16xi32>
        %swap3A_351 = vector.shape_cast %get3A_347 : vector<16xi32> to vector<16xi32>
        tpu.vector_store %arg9[%swap3A_348], %swap3A_351 {strides = array<i32>} : memref<128xi32, #tpu.memory_space<vmem>>, vector<16xi32>,
        %add3A_352 = arith.constant 112 : i32
        %add3A_353 = arith.addi %mul3A_216, %add3A_352 : i32
        %get3A_354 = arith.index_cast %add3A_353 : i32 to index
        %get3A_355 = tpu.vector_load %arg12[%get3A_354] {strides = array<i32>} : memref<1280xi32, #tpu.memory_space<vmem>>, vector<16xi32>,
        %get3A_356 = vector.shape_cast %get3A_355 : vector<16xi32> to vector<16xi32>
        %swap3A_357 = arith.constant 112 : index
        %swap3A_358 = tpu.vector_load %arg9[%swap3A_357] {strides = array<i32>} : memref<128xi32, #tpu.memory_space<vmem>>, vector<16xi32>,
        %swap3A_359 = vector.shape_cast %swap3A_358 : vector<16xi32> to vector<16xi32>
        %swap3A_360 = vector.shape_cast %get3A_356 : vector<16xi32> to vector<16xi32>
        tpu.vector_store %arg9[%swap3A_357], %swap3A_360 {strides = array<i32>} : memref<128xi32, #tpu.memory_space<vmem>>, vector<16xi32>,
        %dma_start3A_361 = arith.constant 0 : i32
        %dma_start3A_362 = arith.constant 0 : i32
        %dma_start3A_363 = tpu.memref_slice %arg2[%dma_start3A_361, %dma_start3A_362] : memref<10240x128xf32, #tpu.memory_space<hbm>> -> memref<10240x128xf32, #tpu.memory_space<hbm>>
        tpu.enqueue_indirect_dma source(%dma_start3A_363 : memref<10240x128xf32, #tpu.memory_space<hbm>>) target(%arg13 : memref<128x128xf32, #tpu.memory_space<vmem>>) offsets(%arg7 : memref<128xi32, #tpu.memory_space<vmem>>) semaphore(%arg17 : memref<!tpu.dma_semaphore, #tpu.memory_space<semaphore_mem>>)
      } else {
      }
      %dma_wait3A_170 = arith.constant 0 : i32
      %dma_wait3A_171 = arith.constant 0 : i32
      %dma_wait3A_172 = tpu.memref_slice %arg2[%dma_wait3A_170, %dma_wait3A_171] : memref<10240x128xf32, #tpu.memory_space<hbm>> -> memref<10240x128xf32, #tpu.memory_space<hbm>>
      tpu.wait_indirect_dma semaphore(%arg18 : memref<!tpu.dma_semaphore, #tpu.memory_space<semaphore_mem>>) src(%dma_wait3A_172 : memref<10240x128xf32, #tpu.memory_space<hbm>>) dst(%arg14 : memref<128x128xf32, #tpu.memory_space<vmem>>)
      %dma_start3A_173 = arith.constant 0 : i32
      %dma_start3A_174 = arith.constant 0 : i32
      %dma_start3A_175 = tpu.memref_slice %arg16[%dma_start3A_173, %dma_start3A_174] : memref<10368x128xf32, #tpu.memory_space<vmem_shared>> -> memref<10368x128xf32, #tpu.memory_space<vmem_shared>>
      tpu.enqueue_indirect_dma source(%arg14 : memref<128x128xf32, #tpu.memory_space<vmem>>) target(%dma_start3A_175 : memref<10368x128xf32, #tpu.memory_space<vmem_shared>>) offsets(%arg10 : memref<128xi32, #tpu.memory_space<vmem>>) semaphore(%arg20 : memref<!tpu.dma_semaphore, #tpu.memory_space<semaphore_mem>>) {add = true}
    }
    %scan3A_133 = arith.constant 40 : i32
    %dma_wait3A = arith.constant 0 : i32
    %dma_wait3A_134 = arith.constant 0 : i32
    %dma_wait3A_135 = tpu.memref_slice %arg16[%dma_wait3A, %dma_wait3A_134] : memref<10368x128xf32, #tpu.memory_space<vmem_shared>> -> memref<10368x128xf32, #tpu.memory_space<vmem_shared>>
    tpu.wait_indirect_dma semaphore(%arg19 : memref<!tpu.dma_semaphore, #tpu.memory_space<semaphore_mem>>) src(%arg13 : memref<128x128xf32, #tpu.memory_space<vmem>>) dst(%dma_wait3A_135 : memref<10368x128xf32, #tpu.memory_space<vmem_shared>>)
    %dma_wait3A_136 = arith.constant 0 : i32
    %dma_wait3A_137 = arith.constant 0 : i32
    %dma_wait3A_138 = tpu.memref_slice %arg16[%dma_wait3A_136, %dma_wait3A_137] : memref<10368x128xf32, #tpu.memory_space<vmem_shared>> -> memref<10368x128xf32, #tpu.memory_space<vmem_shared>>
    tpu.wait_indirect_dma semaphore(%arg20 : memref<!tpu.dma_semaphore, #tpu.memory_space<semaphore_mem>>) src(%arg14 : memref<128x128xf32, #tpu.memory_space<vmem>>) dst(%dma_wait3A_138 : memref<10368x128xf32, #tpu.memory_space<vmem_shared>>)
    %barrier3A_139 = arith.constant 0 : index
    tpu.barrier barrier_id(%barrier3A_139)
    %mul3A_140 = arith.constant 640 : i32
    %mul3A_141 = arith.muli %arg1, %mul3A_140 : i32
    %mul3A_142 = arith.constant 640 : i32
    %mul3A_143 = arith.muli %arg1, %mul3A_142 : i32
    "tpu.region"() ({
      %run_scoped3A = tpu.sem_alloc : memref<!tpu.dma_semaphore, #tpu.memory_space<semaphore_mem>>
      %dma_start3A_144 = arith.constant 0 : i32
      %dma_start3A_145 = arith.constant 0 : i32
      %dma_start3A_146 = tpu.memref_slice %arg6[%arg0, %dma_start3A_144, %dma_start3A_145] : memref<2x10240x128xf32, #tpu.memory_space<hbm>> -> memref<1x10240x128xf32, #tpu.memory_space<hbm>>
      %dma_start3A_147 = tpu.memref_squeeze %dma_start3A_146 : memref<1x10240x128xf32, #tpu.memory_space<hbm>> -> memref<10240x128xf32, #tpu.memory_space<hbm>>
      %dma_start3A_148 = arith.constant 0 : i32
      %dma_start3A_149 = tpu.memref_slice %dma_start3A_147[%mul3A_143, %dma_start3A_148] : memref<10240x128xf32, #tpu.memory_space<hbm>> -> memref<640x128xf32, #tpu.memory_space<hbm>>
      %dma_start3A_150 = arith.constant 0 : i32
      %dma_start3A_151 = tpu.memref_slice %arg16[%mul3A_141, %dma_start3A_150] : memref<10368x128xf32, #tpu.memory_space<vmem_shared>> -> memref<640x128xf32, #tpu.memory_space<vmem_shared>>
      tpu.enqueue_dma source(%dma_start3A_151 : memref<640x128xf32, #tpu.memory_space<vmem_shared>>) target(%dma_start3A_149 : memref<640x128xf32, #tpu.memory_space<hbm>>) target_semaphore(%run_scoped3A : memref<!tpu.dma_semaphore, #tpu.memory_space<semaphore_mem>>)
      %dma_wait3A_152 = arith.constant 0 : i32
      %dma_wait3A_153 = arith.constant 0 : i32
      %dma_wait3A_154 = tpu.memref_slice %arg6[%arg0, %dma_wait3A_152, %dma_wait3A_153] : memref<2x10240x128xf32, #tpu.memory_space<hbm>> -> memref<1x10240x128xf32, #tpu.memory_space<hbm>>
      %dma_wait3A_155 = tpu.memref_squeeze %dma_wait3A_154 : memref<1x10240x128xf32, #tpu.memory_space<hbm>> -> memref<10240x128xf32, #tpu.memory_space<hbm>>
      %dma_wait3A_156 = arith.constant 0 : i32
      %dma_wait3A_157 = tpu.memref_slice %dma_wait3A_155[%mul3A_143, %dma_wait3A_156] : memref<10240x128xf32, #tpu.memory_space<hbm>> -> memref<640x128xf32, #tpu.memory_space<hbm>>
      %dma_wait3A_158 = arith.constant 0 : i32
      %dma_wait3A_159 = tpu.memref_slice %arg16[%mul3A_141, %dma_wait3A_158] : memref<10368x128xf32, #tpu.memory_space<vmem_shared>> -> memref<640x128xf32, #tpu.memory_space<vmem_shared>>
      tpu.wait_dma2 semaphore(%run_scoped3A : memref<!tpu.dma_semaphore, #tpu.memory_space<semaphore_mem>>) src(%dma_wait3A_159 : memref<640x128xf32, #tpu.memory_space<vmem_shared>>) dst(%dma_wait3A_157 : memref<640x128xf32, #tpu.memory_space<hbm>>)
      tpu.yield
    }) : () -> ()
    return
  }
}

module attributes {stable_mosaic.version = 14 : i64} {
  func.func @_k2_body(%arg0: i32, %arg1: memref<32x1280xf32, #tpu.memory_space<vmem>>, %arg2: memref<1280x128xf32, #tpu.memory_space<vmem>>, %arg3: memref<1280x128xf32, #tpu.memory_space<vmem>>) attributes {dimension_semantics = [#tpu.dimension_semantics<arbitrary>], iteration_bounds = array<i64: 8>, scalar_prefetch = 0 : i64, scratch_operands = 0 : i64, tpu.core_type = #tpu.core_type<tc>, window_params = [{transform_indices = @transform_0, window_bounds = array<i64: 32, 1280>}, {transform_indices = @transform_1, window_bounds = array<i64: 1280, 128>}, {transform_indices = @transform_2, window_bounds = array<i64: 1280, 128>}]} {
    %get3A = arith.constant 0 : index
    %get3A_0 = arith.constant 0 : index
    %get3A_1 = vector.load %arg1[%get3A, %get3A_0] : memref<32x1280xf32, #tpu.memory_space<vmem>>, vector<32x1280xf32>
    %broadcast_in_dim3A = arith.constant 1.000000e+00 : f32
    %broadcast_in_dim3A_2 = vector.broadcast %broadcast_in_dim3A : f32 to vector<32x1xf32>
    %dot_general3A = arith.constant dense<0.000000e+00> : vector<1280x1xf32>
    %dot_general3A_3 = tpu.matmul %get3A_1, %broadcast_in_dim3A_2, %dot_general3A {dimension_numbers = #tpu.dot_dimension_numbers<[0], [0], [1], [1], [0, 1, 1, 1], [], []>, precision = #tpu.contract_precision<fp32>, transpose_lhs_hint = false} : vector<32x1280xf32>, vector<32x1xf32>, vector<1280x1xf32> -> vector<1280x1xf32>
    %add3A = arith.constant 1.000000e+00 : f32
    %add3A_4 = vector.broadcast %add3A : f32 to vector<1280x1xf32>
    %add3A_5 = arith.addf %dot_general3A_3, %add3A_4 : vector<1280x1xf32>
    %max3A = arith.constant 1.000000e+00 : f32
    %max3A_6 = vector.broadcast %max3A : f32 to vector<1280x1xf32>
    %max3A_7 = arith.maximumf %add3A_5, %max3A_6 : vector<1280x1xf32>
    %rsqrt3A = math.rsqrt %max3A_7 : vector<1280x1xf32>
    %get3A_8 = arith.constant 0 : index
    %get3A_9 = arith.constant 0 : index
    %get3A_10 = vector.load %arg2[%get3A_8, %get3A_9] : memref<1280x128xf32, #tpu.memory_space<vmem>>, vector<1280x128xf32>
    %mul3A = vector.broadcast %rsqrt3A : vector<1280x1xf32> to vector<1280x128xf32>
    %mul3A_11 = arith.mulf %mul3A, %get3A_10 : vector<1280x128xf32>
    %swap3A = arith.constant 0 : index
    %swap3A_12 = arith.constant 0 : index
    %swap3A_13 = vector.load %arg3[%swap3A, %swap3A_12] : memref<1280x128xf32, #tpu.memory_space<vmem>>, vector<1280x128xf32>
    tpu.vector_store %arg3[%swap3A, %swap3A_12], %mul3A_11 {strides = array<i32>} : memref<1280x128xf32, #tpu.memory_space<vmem>>, vector<1280x128xf32>,
    return
  }
  func.func @transform_0(%arg0: i32) -> (i32, i32) {
    %c0_i32 = arith.constant 0 : i32
    %c0_i32_0 = arith.constant 0 : i32
    return %c0_i32, %arg0 : i32, i32
  }
  func.func @transform_1(%arg0: i32) -> (i32, i32) {
    %c0_i32 = arith.constant 0 : i32
    %c0_i32_0 = arith.constant 0 : i32
    return %arg0, %c0_i32 : i32, i32
  }
  func.func @transform_2(%arg0: i32) -> (i32, i32) {
    %c0_i32 = arith.constant 0 : i32
    %c0_i32_0 = arith.constant 0 : i32
    return %arg0, %c0_i32 : i32, i32
  }
}

module attributes {stable_mosaic.version = 14 : i64} {
  func.func @_k4a_body(%arg0: i32, %arg1: memref<1280x128xf32, #tpu.memory_space<vmem>>, %arg2: memref<2x1280x128xf32, #tpu.memory_space<vmem>>, %arg3: memref<32x1280xf32, #tpu.memory_space<vmem>>, %arg4: memref<128x256xf32, #tpu.memory_space<vmem>>, %arg5: memref<256xf32, #tpu.memory_space<vmem>>, %arg6: memref<256x1xf32, #tpu.memory_space<vmem>>, %arg7: memref<1280x256xf32, #tpu.memory_space<vmem>>, %arg8: memref<1280x1xf32, #tpu.memory_space<vmem>>) attributes {dimension_semantics = [#tpu.dimension_semantics<arbitrary>], iteration_bounds = array<i64: 8>, scalar_prefetch = 0 : i64, scratch_operands = 0 : i64, tpu.core_type = #tpu.core_type<tc>, window_params = [{transform_indices = @transform_0, window_bounds = array<i64: 1280, 128>}, {transform_indices = @transform_1, window_bounds = array<i64: 2, 1280, 128>}, {transform_indices = @transform_2, window_bounds = array<i64: 32, 1280>}, {pipeline_mode = #tpu.pipeline_mode<synchronous>, transform_indices = @transform_3, window_bounds = array<i64: 128, 256>}, {pipeline_mode = #tpu.pipeline_mode<synchronous>, transform_indices = @transform_4, window_bounds = array<i64: 256>}, {pipeline_mode = #tpu.pipeline_mode<synchronous>, transform_indices = @transform_5, window_bounds = array<i64: 256, 1>}, {transform_indices = @transform_6, window_bounds = array<i64: 1280, 256>}, {transform_indices = @transform_7, window_bounds = array<i64: 1280, 1>}]} {
    %get3A = arith.constant 0 : index
    %get3A_0 = arith.constant 0 : index
    %get3A_1 = vector.load %arg3[%get3A, %get3A_0] : memref<32x1280xf32, #tpu.memory_space<vmem>>, vector<32x1280xf32>
    %broadcast_in_dim3A = arith.constant 1.000000e+00 : f32
    %broadcast_in_dim3A_2 = vector.broadcast %broadcast_in_dim3A : f32 to vector<32x1xf32>
    %dot_general3A = arith.constant dense<0.000000e+00> : vector<1280x1xf32>
    %dot_general3A_3 = tpu.matmul %get3A_1, %broadcast_in_dim3A_2, %dot_general3A {dimension_numbers = #tpu.dot_dimension_numbers<[0], [0], [1], [1], [0, 1, 1, 1], [], []>, precision = #tpu.contract_precision<fp32>, transpose_lhs_hint = false} : vector<32x1280xf32>, vector<32x1xf32>, vector<1280x1xf32> -> vector<1280x1xf32>
    %add3A = arith.constant 1.000000e+00 : f32
    %add3A_4 = vector.broadcast %add3A : f32 to vector<1280x1xf32>
    %add3A_5 = arith.addf %dot_general3A_3, %add3A_4 : vector<1280x1xf32>
    %max3A = arith.constant 1.000000e+00 : f32
    %max3A_6 = vector.broadcast %max3A : f32 to vector<1280x1xf32>
    %max3A_7 = arith.maximumf %add3A_5, %max3A_6 : vector<1280x1xf32>
    %rsqrt3A = math.rsqrt %max3A_7 : vector<1280x1xf32>
    %get3A_8 = arith.constant 0 : index
    %get3A_9 = arith.constant 0 : index
    %get3A_10 = arith.constant 0 : index
    %get3A_11 = vector.load %arg2[%get3A_8, %get3A_9, %get3A_10] : memref<2x1280x128xf32, #tpu.memory_space<vmem>>, vector<1x1280x128xf32>
    %get3A_12 = vector.shape_cast %get3A_11 : vector<1x1280x128xf32> to vector<1280x128xf32>
    %get3A_13 = arith.constant 1 : index
    %get3A_14 = arith.constant 0 : index
    %get3A_15 = arith.constant 0 : index
    %get3A_16 = vector.load %arg2[%get3A_13, %get3A_14, %get3A_15] : memref<2x1280x128xf32, #tpu.memory_space<vmem>>, vector<1x1280x128xf32>
    %get3A_17 = vector.shape_cast %get3A_16 : vector<1x1280x128xf32> to vector<1280x128xf32>
    %add3A_18 = arith.addf %get3A_12, %get3A_17 : vector<1280x128xf32>
    %mul3A = vector.broadcast %rsqrt3A : vector<1280x1xf32> to vector<1280x128xf32>
    %mul3A_19 = arith.mulf %mul3A, %add3A_18 : vector<1280x128xf32>
    %mul3A_20 = arith.mulf %rsqrt3A, %rsqrt3A : vector<1280x1xf32>
    %get3A_21 = arith.constant 0 : index
    %get3A_22 = arith.constant 0 : index
    %get3A_23 = vector.load %arg1[%get3A_21, %get3A_22] : memref<1280x128xf32, #tpu.memory_space<vmem>>, vector<1280x128xf32>
    %mul3A_24 = vector.broadcast %mul3A_20 : vector<1280x1xf32> to vector<1280x128xf32>
    %mul3A_25 = arith.mulf %mul3A_24, %get3A_23 : vector<1280x128xf32>
    %add3A_26 = arith.addf %mul3A_19, %mul3A_25 : vector<1280x128xf32>
    %get3A_27 = arith.constant 0 : index
    %get3A_28 = arith.constant 0 : index
    %get3A_29 = vector.load %arg4[%get3A_27, %get3A_28] : memref<128x256xf32, #tpu.memory_space<vmem>>, vector<128x256xf32>
    %dot_general3A_30 = arith.constant dense<0.000000e+00> : vector<1280x256xf32>
    %dot_general3A_31 = tpu.matmul %add3A_26, %get3A_29, %dot_general3A_30 {dimension_numbers = #tpu.dot_dimension_numbers<[1], [0], [0], [1], [0, 0, 1, 1], [], []>, precision = #tpu.contract_precision<fp32>, transpose_lhs_hint = false} : vector<1280x128xf32>, vector<128x256xf32>, vector<1280x256xf32> -> vector<1280x256xf32>
    %get3A_32 = arith.constant 0 : index
    %get3A_33 = vector.load %arg5[%get3A_32] : memref<256xf32, #tpu.memory_space<vmem>>, vector<256xf32>
    %broadcast_in_dim3A_34 = vector.shape_cast %get3A_33 : vector<256xf32> to vector<1x256xf32>
    %add3A_35 = vector.broadcast %broadcast_in_dim3A_34 : vector<1x256xf32> to vector<1280x256xf32>
    %add3A_36 = arith.addf %dot_general3A_31, %add3A_35 : vector<1280x256xf32>
    %max3A_37 = arith.constant 0.000000e+00 : f32
    %max3A_38 = vector.broadcast %max3A_37 : f32 to vector<1280x256xf32>
    %max3A_39 = arith.maximumf %add3A_36, %max3A_38 : vector<1280x256xf32>
    %swap3A = arith.constant 0 : index
    %swap3A_40 = arith.constant 0 : index
    %swap3A_41 = vector.load %arg7[%swap3A, %swap3A_40] : memref<1280x256xf32, #tpu.memory_space<vmem>>, vector<1280x256xf32>
    tpu.vector_store %arg7[%swap3A, %swap3A_40], %max3A_39 {strides = array<i32>} : memref<1280x256xf32, #tpu.memory_space<vmem>>, vector<1280x256xf32>,
    %get3A_42 = arith.constant 0 : index
    %get3A_43 = arith.constant 0 : index
    %get3A_44 = vector.load %arg6[%get3A_42, %get3A_43] : memref<256x1xf32, #tpu.memory_space<vmem>>, vector<256x1xf32>
    %mul3A_45 = arith.mulf %get3A_44, %get3A_44 : vector<256x1xf32>
    %reduce_sum3A = vector.shape_cast %mul3A_45 : vector<256x1xf32> to vector<1x256x1xf32>
    %reduce_sum3A_46 = arith.constant dense<0.000000e+00> : vector<1xf32>
    %reduce_sum3A_47 = vector.multi_reduction <add>, %reduce_sum3A, %reduce_sum3A_46 [1, 2] : vector<1x256x1xf32> to vector<1xf32>
    %reduce_sum3A_48 = vector.shape_cast %reduce_sum3A_47 : vector<1xf32> to vector<1x1x1xf32>
    %reduce_sum3A_49 = vector.extract %reduce_sum3A_48[0, 0, 0] : f32 from vector<1x1x1xf32>
    %sqrt3A = math.sqrt %reduce_sum3A_49 : f32
    %dot_general3A_50 = arith.constant dense<0.000000e+00> : vector<1280x1xf32>
    %dot_general3A_51 = tpu.matmul %max3A_39, %get3A_44, %dot_general3A_50 {dimension_numbers = #tpu.dot_dimension_numbers<[1], [0], [0], [1], [0, 0, 1, 1], [], []>, precision = #tpu.contract_precision<fp32>, transpose_lhs_hint = false} : vector<1280x256xf32>, vector<256x1xf32>, vector<1280x1xf32> -> vector<1280x1xf32>
    %div3A = vector.broadcast %sqrt3A : f32 to vector<1280x1xf32>
    %div3A_52 = arith.divf %dot_general3A_51, %div3A : vector<1280x1xf32>
    %mul3A_53 = arith.constant 1280 : i32
    %mul3A_54 = arith.muli %arg0, %mul3A_53 : i32
    %iota3A = tpu.iota {dimensions = array<i32: 0>} : vector<1280x1xi32>
    %add3A_55 = vector.broadcast %mul3A_54 : i32 to vector<1280x1xi32>
    %add3A_56 = arith.addi %add3A_55, %iota3A : vector<1280x1xi32>
    %lt3A = arith.constant 10000 : i32
    %lt3A_57 = vector.broadcast %lt3A : i32 to vector<1280x1xi32>
    %lt3A_58 = arith.cmpi slt, %add3A_56, %lt3A_57 : vector<1280x1xi32>
    %jit3A = arith.constant 0xFF800000 : f32
    %broadcast_in_dim3A_59 = vector.broadcast %jit3A : f32 to vector<1280x1xf32>
    %select_n3A = arith.select %lt3A_58, %div3A_52, %broadcast_in_dim3A_59 : vector<1280x1xi1>, vector<1280x1xf32>
    %swap3A_60 = arith.constant 0 : index
    %swap3A_61 = arith.constant 0 : index
    %swap3A_62 = vector.load %arg8[%swap3A_60, %swap3A_61] : memref<1280x1xf32, #tpu.memory_space<vmem>>, vector<1280x1xf32>
    tpu.vector_store %arg8[%swap3A_60, %swap3A_61], %select_n3A {strides = array<i32>} : memref<1280x1xf32, #tpu.memory_space<vmem>>, vector<1280x1xf32>,
    return
  }
  func.func @transform_0(%arg0: i32) -> (i32, i32) {
    %c0_i32 = arith.constant 0 : i32
    %c0_i32_0 = arith.constant 0 : i32
    return %arg0, %c0_i32 : i32, i32
  }
  func.func @transform_1(%arg0: i32) -> (i32, i32, i32) {
    %c0_i32 = arith.constant 0 : i32
    %c0_i32_0 = arith.constant 0 : i32
    %c0_i32_1 = arith.constant 0 : i32
    return %c0_i32, %arg0, %c0_i32_0 : i32, i32, i32
  }
  func.func @transform_2(%arg0: i32) -> (i32, i32) {
    %c0_i32 = arith.constant 0 : i32
    %c0_i32_0 = arith.constant 0 : i32
    return %c0_i32, %arg0 : i32, i32
  }
  func.func @transform_3(%arg0: i32) -> (i32, i32) {
    %c0_i32 = arith.constant 0 : i32
    %c0_i32_0 = arith.constant 0 : i32
    %c0_i32_1 = arith.constant 0 : i32
    return %c0_i32, %c0_i32_0 : i32, i32
  }
  func.func @transform_4(%arg0: i32) -> i32 {
    %c0_i32 = arith.constant 0 : i32
    %c0_i32_0 = arith.constant 0 : i32
    return %c0_i32 : i32
  }
  func.func @transform_5(%arg0: i32) -> (i32, i32) {
    %c0_i32 = arith.constant 0 : i32
    %c0_i32_0 = arith.constant 0 : i32
    %c0_i32_1 = arith.constant 0 : i32
    return %c0_i32, %c0_i32_0 : i32, i32
  }
  func.func @transform_6(%arg0: i32) -> (i32, i32) {
    %c0_i32 = arith.constant 0 : i32
    %c0_i32_0 = arith.constant 0 : i32
    return %arg0, %c0_i32 : i32, i32
  }
  func.func @transform_7(%arg0: i32) -> (i32, i32) {
    %c0_i32 = arith.constant 0 : i32
    %c0_i32_0 = arith.constant 0 : i32
    return %arg0, %c0_i32 : i32, i32
  }
}

module attributes {stable_mosaic.version = 14 : i64} {
  func.func @_k4b_body(%arg0: memref<80x128xf32, #tpu.memory_space<vmem>>, %arg1: memref<80x128xf32, #tpu.memory_space<vmem>>, %arg2: memref<80x128xf32, #tpu.memory_space<vmem>>) attributes {dimension_semantics = [], scalar_prefetch = 0 : i64, scratch_operands = 0 : i64, tpu.core_type = #tpu.core_type<tc>} {
    %get3A = arith.constant 0 : index
    %get3A_0 = arith.constant 0 : index
    %get3A_1 = vector.load %arg0[%get3A, %get3A_0] : memref<80x128xf32, #tpu.memory_space<vmem>>, vector<80x128xf32>
    %bitcast_convert_type3A = tpu.bitcast %get3A_1 : vector<80x128xf32> -> vector<80x128xi32>
    %lt3A = arith.constant 0 : i32
    %lt3A_2 = vector.broadcast %lt3A : i32 to vector<80x128xi32>
    %lt3A_3 = arith.cmpi slt, %bitcast_convert_type3A, %lt3A_2 : vector<80x128xi32>
    %jit3A = arith.constant 2147483647 : i32
    %jit3A_4 = arith.constant 0 : i32
    %broadcast_in_dim3A = vector.broadcast %jit3A : i32 to vector<80x128xi32>
    %broadcast_in_dim3A_5 = vector.broadcast %jit3A_4 : i32 to vector<80x128xi32>
    %select_n3A = arith.select %lt3A_3, %broadcast_in_dim3A, %broadcast_in_dim3A_5 : vector<80x128xi1>, vector<80x128xi32>
    %xor3A = arith.xori %bitcast_convert_type3A, %select_n3A : vector<80x128xi32>
    %scan3A = arith.constant -2147483648 : i32
    %scan3A_6 = arith.constant 0 : i32
    %scan3A_7 = arith.constant 31 : i32
    %scan3A_8 = arith.addi %scan3A_6, %scan3A_7 : i32
    %scan3A_9 = arith.constant 1 : i32
    %scan3A_10 = scf.for %scan3A_49 = %scan3A_6 to %scan3A_8 step %scan3A_9 iter_args(%scan3A_50 = %scan3A) -> (i32)  : i32 {
      %sub3A_51 = arith.constant 30 : i32
      %sub3A_52 = arith.subi %sub3A_51, %scan3A_49 : i32
      %shift_left3A = arith.constant 1 : i32
      %shift_left3A_53 = arith.shli %shift_left3A, %sub3A_52 : i32
      %add3A_54 = arith.addi %scan3A_50, %shift_left3A_53 : i32
      %ge3A = vector.broadcast %add3A_54 : i32 to vector<80x128xi32>
      %ge3A_55 = arith.cmpi sge, %xor3A, %ge3A : vector<80x128xi32>
      %convert_element_type3A_56 = arith.extui %ge3A_55 : vector<80x128xi1> to vector<80x128xi32>
      %reduce_sum3A_57 = vector.shape_cast %convert_element_type3A_56 : vector<80x128xi32> to vector<1x80x128xi32>
      %reduce_sum3A_58 = arith.constant dense<0> : vector<1xi32>
      %reduce_sum3A_59 = vector.multi_reduction <add>, %reduce_sum3A_57, %reduce_sum3A_58 [1, 2] : vector<1x80x128xi32> to vector<1xi32>
      %reduce_sum3A_60 = vector.shape_cast %reduce_sum3A_59 : vector<1xi32> to vector<1x1x1xi32>
      %reduce_sum3A_61 = vector.extract %reduce_sum3A_60[0, 0, 0] : i32 from vector<1x1x1xi32>
      %ge3A_62 = arith.constant 5000 : i32
      %ge3A_63 = arith.cmpi sge, %reduce_sum3A_61, %ge3A_62 : i32
      %select_n3A_64 = arith.select %ge3A_63, %add3A_54, %scan3A_50 : i32
      scf.yield %select_n3A_64 : i32
    }
    %scan3A_11 = arith.constant 31 : i32
    %gt3A = vector.broadcast %scan3A_10 : i32 to vector<80x128xi32>
    %gt3A_12 = arith.cmpi sgt, %xor3A, %gt3A : vector<80x128xi32>
    %convert_element_type3A = arith.extui %gt3A_12 : vector<80x128xi1> to vector<80x128xi32>
    %reduce_sum3A = vector.shape_cast %convert_element_type3A : vector<80x128xi32> to vector<1x80x128xi32>
    %reduce_sum3A_13 = arith.constant dense<0> : vector<1xi32>
    %reduce_sum3A_14 = vector.multi_reduction <add>, %reduce_sum3A, %reduce_sum3A_13 [1, 2] : vector<1x80x128xi32> to vector<1xi32>
    %reduce_sum3A_15 = vector.shape_cast %reduce_sum3A_14 : vector<1xi32> to vector<1x1x1xi32>
    %reduce_sum3A_16 = vector.extract %reduce_sum3A_15[0, 0, 0] : i32 from vector<1x1x1xi32>
    %sub3A = arith.constant 5000 : i32
    %sub3A_17 = arith.subi %sub3A, %reduce_sum3A_16 : i32
    %convert_element_type3A_18 = arith.sitofp %sub3A_17 : i32 to f32
    %eq3A = vector.broadcast %scan3A_10 : i32 to vector<80x128xi32>
    %eq3A_19 = arith.cmpi eq, %xor3A, %eq3A : vector<80x128xi32>
    %convert_element_type3A_20 = arith.extui %eq3A_19 : vector<80x128xi1> to vector<80x128xi32>
    %convert_element_type3A_21 = arith.sitofp %convert_element_type3A_20 : vector<80x128xi32> to vector<80x128xf32>
    %iota3A = tpu.iota {dimensions = array<i32: 0>} : vector<128x128xi32>
    %iota3A_22 = tpu.iota {dimensions = array<i32: 1>} : vector<128x128xi32>
    %lt3A_23 = arith.cmpi slt, %iota3A, %iota3A_22 : vector<128x128xi32>
    %convert_element_type3A_24 = arith.extui %lt3A_23 : vector<128x128xi1> to vector<128x128xi32>
    %convert_element_type3A_25 = arith.sitofp %convert_element_type3A_24 : vector<128x128xi32> to vector<128x128xf32>
    %dot_general3A = arith.constant dense<0.000000e+00> : vector<80x128xf32>
    %dot_general3A_26 = tpu.matmul %convert_element_type3A_21, %convert_element_type3A_25, %dot_general3A {dimension_numbers = #tpu.dot_dimension_numbers<[1], [0], [0], [1], [0, 0, 1, 1], [], []>, precision = #tpu.contract_precision<fp32>, transpose_lhs_hint = false} : vector<80x128xf32>, vector<128x128xf32>, vector<80x128xf32> -> vector<80x128xf32>
    %reduce_sum3A_27 = arith.constant dense<0.000000e+00> : vector<80xf32>
    %reduce_sum3A_28 = vector.multi_reduction <add>, %convert_element_type3A_21, %reduce_sum3A_27 [1] : vector<80x128xf32> to vector<80xf32>
    %broadcast_in_dim3A_29 = vector.shape_cast %reduce_sum3A_28 : vector<80xf32> to vector<80x1xf32>
    %iota3A_30 = tpu.iota {dimensions = array<i32: 0>} : vector<80x80xi32>
    %iota3A_31 = tpu.iota {dimensions = array<i32: 1>} : vector<80x80xi32>
    %lt3A_32 = arith.cmpi slt, %iota3A_30, %iota3A_31 : vector<80x80xi32>
    %convert_element_type3A_33 = arith.extui %lt3A_32 : vector<80x80xi1> to vector<80x80xi32>
    %convert_element_type3A_34 = arith.sitofp %convert_element_type3A_33 : vector<80x80xi32> to vector<80x80xf32>
    %dot_general3A_35 = arith.constant dense<0.000000e+00> : vector<80x1xf32>
    %dot_general3A_36 = tpu.matmul %convert_element_type3A_34, %broadcast_in_dim3A_29, %dot_general3A_35 {dimension_numbers = #tpu.dot_dimension_numbers<[1], [0], [0], [1], [0, 0, 1, 1], [], []>, precision = #tpu.contract_precision<fp32>, transpose_lhs_hint = false} : vector<80x80xf32>, vector<80x1xf32>, vector<80x1xf32> -> vector<80x1xf32>
    %add3A = vector.broadcast %dot_general3A_36 : vector<80x1xf32> to vector<80x128xf32>
    %add3A_37 = arith.addf %dot_general3A_26, %add3A : vector<80x128xf32>
    %gt3A_38 = vector.broadcast %scan3A_10 : i32 to vector<80x128xi32>
    %gt3A_39 = arith.cmpi sgt, %xor3A, %gt3A_38 : vector<80x128xi32>
    %lt3A_40 = vector.broadcast %convert_element_type3A_18 : f32 to vector<80x128xf32>
    %lt3A_41 = arith.cmpf olt, %add3A_37, %lt3A_40 : vector<80x128xf32>
    %and3A = arith.andi %eq3A_19, %lt3A_41 : vector<80x128xi1>
    %or3A = arith.ori %gt3A_39, %and3A : vector<80x128xi1>
    %convert_element_type3A_42 = arith.extui %or3A : vector<80x128xi1> to vector<80x128xi32>
    %convert_element_type3A_43 = arith.sitofp %convert_element_type3A_42 : vector<80x128xi32> to vector<80x128xf32>
    %swap3A = arith.constant 0 : index
    %swap3A_44 = arith.constant 0 : index
    %swap3A_45 = vector.load %arg1[%swap3A, %swap3A_44] : memref<80x128xf32, #tpu.memory_space<vmem>>, vector<80x128xf32>
    tpu.vector_store %arg1[%swap3A, %swap3A_44], %convert_element_type3A_43 {strides = array<i32>} : memref<80x128xf32, #tpu.memory_space<vmem>>, vector<80x128xf32>,
    %tanh3A = math.tanh %get3A_1 : vector<80x128xf32>
    %mul3A = arith.mulf %convert_element_type3A_43, %tanh3A : vector<80x128xf32>
    %swap3A_46 = arith.constant 0 : index
    %swap3A_47 = arith.constant 0 : index
    %swap3A_48 = vector.load %arg2[%swap3A_46, %swap3A_47] : memref<80x128xf32, #tpu.memory_space<vmem>>, vector<80x128xf32>
    tpu.vector_store %arg2[%swap3A_46, %swap3A_47], %mul3A {strides = array<i32>} : memref<80x128xf32, #tpu.memory_space<vmem>>, vector<80x128xf32>,
    return
  }
}

module attributes {stable_mosaic.version = 14 : i64} {
  func.func @_k4c_body(%arg0: i32, %arg1: memref<1280x256xf32, #tpu.memory_space<vmem>>, %arg2: memref<1280x1xf32, #tpu.memory_space<vmem>>, %arg3: memref<256x256xf32, #tpu.memory_space<vmem>>, %arg4: memref<1280x256xf32, #tpu.memory_space<vmem>>) attributes {dimension_semantics = [#tpu.dimension_semantics<arbitrary>], iteration_bounds = array<i64: 8>, scalar_prefetch = 0 : i64, scratch_operands = 0 : i64, tpu.core_type = #tpu.core_type<tc>, window_params = [{transform_indices = @transform_0, window_bounds = array<i64: 1280, 256>}, {transform_indices = @transform_1, window_bounds = array<i64: 1280, 1>}, {pipeline_mode = #tpu.pipeline_mode<synchronous>, transform_indices = @transform_2, window_bounds = array<i64: 256, 256>}, {transform_indices = @transform_3, window_bounds = array<i64: 1280, 256>}]} {
    %get3A = arith.constant 0 : index
    %get3A_0 = arith.constant 0 : index
    %get3A_1 = vector.load %arg2[%get3A, %get3A_0] : memref<1280x1xf32, #tpu.memory_space<vmem>>, vector<1280x1xf32>
    %get3A_2 = arith.constant 0 : index
    %get3A_3 = arith.constant 0 : index
    %get3A_4 = vector.load %arg1[%get3A_2, %get3A_3] : memref<1280x256xf32, #tpu.memory_space<vmem>>, vector<1280x256xf32>
    %mul3A = vector.broadcast %get3A_1 : vector<1280x1xf32> to vector<1280x256xf32>
    %mul3A_5 = arith.mulf %mul3A, %get3A_4 : vector<1280x256xf32>
    %get3A_6 = arith.constant 0 : index
    %get3A_7 = arith.constant 0 : index
    %get3A_8 = vector.load %arg3[%get3A_6, %get3A_7] : memref<256x256xf32, #tpu.memory_space<vmem>>, vector<256x256xf32>
    %dot_general3A = arith.constant dense<0.000000e+00> : vector<1280x256xf32>
    %dot_general3A_9 = tpu.matmul %mul3A_5, %get3A_8, %dot_general3A {dimension_numbers = #tpu.dot_dimension_numbers<[1], [0], [0], [1], [0, 0, 1, 1], [], []>, precision = #tpu.contract_precision<fp32>, transpose_lhs_hint = false} : vector<1280x256xf32>, vector<256x256xf32>, vector<1280x256xf32> -> vector<1280x256xf32>
    %swap3A = arith.constant 0 : index
    %swap3A_10 = arith.constant 0 : index
    %swap3A_11 = vector.load %arg4[%swap3A, %swap3A_10] : memref<1280x256xf32, #tpu.memory_space<vmem>>, vector<1280x256xf32>
    tpu.vector_store %arg4[%swap3A, %swap3A_10], %dot_general3A_9 {strides = array<i32>} : memref<1280x256xf32, #tpu.memory_space<vmem>>, vector<1280x256xf32>,
    return
  }
  func.func @transform_0(%arg0: i32) -> (i32, i32) {
    %c0_i32 = arith.constant 0 : i32
    %c0_i32_0 = arith.constant 0 : i32
    return %arg0, %c0_i32 : i32, i32
  }
  func.func @transform_1(%arg0: i32) -> (i32, i32) {
    %c0_i32 = arith.constant 0 : i32
    %c0_i32_0 = arith.constant 0 : i32
    return %arg0, %c0_i32 : i32, i32
  }
  func.func @transform_2(%arg0: i32) -> (i32, i32) {
    %c0_i32 = arith.constant 0 : i32
    %c0_i32_0 = arith.constant 0 : i32
    %c0_i32_1 = arith.constant 0 : i32
    return %c0_i32, %c0_i32_0 : i32, i32
  }
  func.func @transform_3(%arg0: i32) -> (i32, i32) {
    %c0_i32 = arith.constant 0 : i32
    %c0_i32_0 = arith.constant 0 : i32
    return %arg0, %c0_i32 : i32, i32
  }
}

module attributes {stable_mosaic.version = 14 : i64} {
  func.func @_k6_body(%arg0: i32, %arg1: memref<1280x256xf32, #tpu.memory_space<vmem>>, %arg2: memref<32x1280xf32, #tpu.memory_space<vmem>>, %arg3: memref<1280x1xf32, #tpu.memory_space<vmem>>, %arg4: memref<2x1280x128xf32, #tpu.memory_space<vmem>>) attributes {dimension_semantics = [#tpu.dimension_semantics<arbitrary>], iteration_bounds = array<i64: 8>, scalar_prefetch = 0 : i64, scratch_operands = 0 : i64, tpu.core_type = #tpu.core_type<tc>, window_params = [{transform_indices = @transform_0, window_bounds = array<i64: 1280, 256>}, {transform_indices = @transform_1, window_bounds = array<i64: 32, 1280>}, {transform_indices = @transform_2, window_bounds = array<i64: 1280, 1>}, {transform_indices = @transform_3, window_bounds = array<i64: 2, 1280, 128>}]} {
    %get3A = arith.constant 0 : index
    %get3A_0 = arith.constant 0 : index
    %get3A_1 = vector.load %arg2[%get3A, %get3A_0] : memref<32x1280xf32, #tpu.memory_space<vmem>>, vector<32x1280xf32>
    %get3A_2 = arith.constant 0 : index
    %get3A_3 = arith.constant 0 : index
    %get3A_4 = vector.load %arg3[%get3A_2, %get3A_3] : memref<1280x1xf32, #tpu.memory_space<vmem>>, vector<1280x1xf32>
    %broadcast_in_dim3A = arith.constant 1.000000e+00 : f32
    %broadcast_in_dim3A_5 = vector.broadcast %broadcast_in_dim3A : f32 to vector<32x1xf32>
    %dot_general3A = arith.constant dense<0.000000e+00> : vector<1280x1xf32>
    %dot_general3A_6 = tpu.matmul %get3A_1, %broadcast_in_dim3A_5, %dot_general3A {dimension_numbers = #tpu.dot_dimension_numbers<[0], [0], [1], [1], [0, 1, 1, 1], [], []>, precision = #tpu.contract_precision<fp32>, transpose_lhs_hint = false} : vector<32x1280xf32>, vector<32x1xf32>, vector<1280x1xf32> -> vector<1280x1xf32>
    %add3A = arith.addf %dot_general3A_6, %get3A_4 : vector<1280x1xf32>
    %max3A = arith.constant 1.000000e+00 : f32
    %max3A_7 = vector.broadcast %max3A : f32 to vector<1280x1xf32>
    %max3A_8 = arith.maximumf %add3A, %max3A_7 : vector<1280x1xf32>
    %rsqrt3A = math.rsqrt %max3A_8 : vector<1280x1xf32>
    %mul3A = arith.mulf %get3A_4, %rsqrt3A : vector<1280x1xf32>
    %get3A_9 = arith.constant 0 : index
    %get3A_10 = arith.constant 0 : index
    %get3A_11 = vector.load %arg1[%get3A_9, %get3A_10] : memref<1280x256xf32, #tpu.memory_space<vmem>>, vector<1280x256xf32>
    %slice3A = vector.extract_strided_slice %get3A_11 {offsets = [0, 0], sizes = [1280, 128], strides = [1, 1]} : vector<1280x256xf32> to vector<1280x128xf32>
    %mul3A_12 = vector.broadcast %mul3A : vector<1280x1xf32> to vector<1280x128xf32>
    %mul3A_13 = arith.mulf %mul3A_12, %slice3A : vector<1280x128xf32>
    %swap3A = arith.constant 0 : index
    %swap3A_14 = arith.constant 0 : index
    %swap3A_15 = arith.constant 0 : index
    %swap3A_16 = vector.load %arg4[%swap3A, %swap3A_14, %swap3A_15] : memref<2x1280x128xf32, #tpu.memory_space<vmem>>, vector<1x1280x128xf32>
    %swap3A_17 = vector.shape_cast %swap3A_16 : vector<1x1280x128xf32> to vector<1280x128xf32>
    %swap3A_18 = vector.shape_cast %mul3A_13 : vector<1280x128xf32> to vector<1x1280x128xf32>
    tpu.vector_store %arg4[%swap3A, %swap3A_14, %swap3A_15], %swap3A_18 {strides = array<i32>} : memref<2x1280x128xf32, #tpu.memory_space<vmem>>, vector<1x1280x128xf32>,
    %slice3A_19 = vector.extract_strided_slice %get3A_11 {offsets = [0, 128], sizes = [1280, 128], strides = [1, 1]} : vector<1280x256xf32> to vector<1280x128xf32>
    %mul3A_20 = vector.broadcast %mul3A : vector<1280x1xf32> to vector<1280x128xf32>
    %mul3A_21 = arith.mulf %mul3A_20, %slice3A_19 : vector<1280x128xf32>
    %swap3A_22 = arith.constant 1 : index
    %swap3A_23 = arith.constant 0 : index
    %swap3A_24 = arith.constant 0 : index
    %swap3A_25 = vector.load %arg4[%swap3A_22, %swap3A_23, %swap3A_24] : memref<2x1280x128xf32, #tpu.memory_space<vmem>>, vector<1x1280x128xf32>
    %swap3A_26 = vector.shape_cast %swap3A_25 : vector<1x1280x128xf32> to vector<1280x128xf32>
    %swap3A_27 = vector.shape_cast %mul3A_21 : vector<1280x128xf32> to vector<1x1280x128xf32>
    tpu.vector_store %arg4[%swap3A_22, %swap3A_23, %swap3A_24], %swap3A_27 {strides = array<i32>} : memref<2x1280x128xf32, #tpu.memory_space<vmem>>, vector<1x1280x128xf32>,
    return
  }
  func.func @transform_0(%arg0: i32) -> (i32, i32) {
    %c0_i32 = arith.constant 0 : i32
    %c0_i32_0 = arith.constant 0 : i32
    return %arg0, %c0_i32 : i32, i32
  }
  func.func @transform_1(%arg0: i32) -> (i32, i32) {
    %c0_i32 = arith.constant 0 : i32
    %c0_i32_0 = arith.constant 0 : i32
    return %c0_i32, %arg0 : i32, i32
  }
  func.func @transform_2(%arg0: i32) -> (i32, i32) {
    %c0_i32 = arith.constant 0 : i32
    %c0_i32_0 = arith.constant 0 : i32
    return %arg0, %c0_i32 : i32, i32
  }
  func.func @transform_3(%arg0: i32) -> (i32, i32, i32) {
    %c0_i32 = arith.constant 0 : i32
    %c0_i32_0 = arith.constant 0 : i32
    %c0_i32_1 = arith.constant 0 : i32
    return %c0_i32, %arg0, %c0_i32_0 : i32, i32, i32
  }
}

module attributes {stable_mosaic.version = 14 : i64} {
  func.func @_k8_body(%arg0: i32, %arg1: memref<2x1280x128xf32, #tpu.memory_space<vmem>>, %arg2: memref<1280x256xf32, #tpu.memory_space<vmem>>, %arg3: memref<32x1280xf32, #tpu.memory_space<vmem>>, %arg4: memref<1280x1xf32, #tpu.memory_space<vmem>>, %arg5: memref<1280x1xi32, #tpu.memory_space<vmem>>, %arg6: memref<256xf32, #tpu.memory_space<vmem>>, %arg7: memref<256x1xf32, #tpu.memory_space<vmem>>, %arg8: memref<1x1xf32, #tpu.memory_space<vmem>>, %arg9: memref<128x1xf32, #tpu.memory_space<vmem>>, %arg10: memref<128x256xf32, #tpu.memory_space<vmem>>, %arg11: memref<128x1xf32, #tpu.memory_space<vmem>>) attributes {dimension_semantics = [#tpu.dimension_semantics<arbitrary>], iteration_bounds = array<i64: 8>, scalar_prefetch = 0 : i64, scratch_operands = 2 : i64, tpu.core_type = #tpu.core_type<tc>, window_params = [{transform_indices = @transform_0, window_bounds = array<i64: 2, 1280, 128>}, {transform_indices = @transform_1, window_bounds = array<i64: 1280, 256>}, {transform_indices = @transform_2, window_bounds = array<i64: 32, 1280>}, {transform_indices = @transform_3, window_bounds = array<i64: 1280, 1>}, {transform_indices = @transform_4, window_bounds = array<i64: 1280, 1>}, {pipeline_mode = #tpu.pipeline_mode<synchronous>, transform_indices = @transform_5, window_bounds = array<i64: 256>}, {pipeline_mode = #tpu.pipeline_mode<synchronous>, transform_indices = @transform_6, window_bounds = array<i64: 256, 1>}, {pipeline_mode = #tpu.pipeline_mode<synchronous>, transform_indices = @transform_7, window_bounds = array<i64: 1, 1>}, {pipeline_mode = #tpu.pipeline_mode<synchronous>, transform_indices = @transform_8, window_bounds = array<i64: 128, 1>}]} {
    %eq3A = arith.constant 0 : i32
    %eq3A_0 = arith.cmpi eq, %arg0, %eq3A : i32
    %convert_element_type3A = arith.extui %eq3A_0 : i1 to i32
    %cond3A = arith.constant 0 : i32
    %cond3A_1 = arith.cmpi ne, %convert_element_type3A, %cond3A : i32
    scf.if %cond3A_1 {
      %broadcast_in_dim3A_70 = arith.constant 0.000000e+00 : f32
      %broadcast_in_dim3A_71 = vector.broadcast %broadcast_in_dim3A_70 : f32 to vector<128x256xf32>
      %swap3A_72 = arith.constant 0 : index
      %swap3A_73 = arith.constant 0 : index
      %swap3A_74 = vector.load %arg10[%swap3A_72, %swap3A_73] : memref<128x256xf32, #tpu.memory_space<vmem>>, vector<128x256xf32>
      tpu.vector_store %arg10[%swap3A_72, %swap3A_73], %broadcast_in_dim3A_71 {strides = array<i32>} : memref<128x256xf32, #tpu.memory_space<vmem>>, vector<128x256xf32>,
      %broadcast_in_dim3A_75 = arith.constant 0.000000e+00 : f32
      %broadcast_in_dim3A_76 = vector.broadcast %broadcast_in_dim3A_75 : f32 to vector<128x1xf32>
      %swap3A_77 = arith.constant 0 : index
      %swap3A_78 = arith.constant 0 : index
      %swap3A_79 = vector.load %arg11[%swap3A_77, %swap3A_78] : memref<128x1xf32, #tpu.memory_space<vmem>>, vector<128x1xf32>
      tpu.vector_store %arg11[%swap3A_77, %swap3A_78], %broadcast_in_dim3A_76 {strides = array<i32>} : memref<128x1xf32, #tpu.memory_space<vmem>>, vector<128x1xf32>,
    } else {
    }
    %get3A = arith.constant 0 : index
    %get3A_2 = arith.constant 0 : index
    %get3A_3 = vector.load %arg4[%get3A, %get3A_2] : memref<1280x1xf32, #tpu.memory_space<vmem>>, vector<1280x1xf32>
    %get3A_4 = arith.constant 0 : index
    %get3A_5 = arith.constant 0 : index
    %get3A_6 = vector.load %arg3[%get3A_4, %get3A_5] : memref<32x1280xf32, #tpu.memory_space<vmem>>, vector<32x1280xf32>
    %broadcast_in_dim3A = arith.constant 1.000000e+00 : f32
    %broadcast_in_dim3A_7 = vector.broadcast %broadcast_in_dim3A : f32 to vector<32x1xf32>
    %dot_general3A = arith.constant dense<0.000000e+00> : vector<1280x1xf32>
    %dot_general3A_8 = tpu.matmul %get3A_6, %broadcast_in_dim3A_7, %dot_general3A {dimension_numbers = #tpu.dot_dimension_numbers<[0], [0], [1], [1], [0, 1, 1, 1], [], []>, precision = #tpu.contract_precision<fp32>, transpose_lhs_hint = false} : vector<32x1280xf32>, vector<32x1xf32>, vector<1280x1xf32> -> vector<1280x1xf32>
    %add3A = arith.addf %dot_general3A_8, %get3A_3 : vector<1280x1xf32>
    %max3A = arith.constant 1.000000e+00 : f32
    %max3A_9 = vector.broadcast %max3A : f32 to vector<1280x1xf32>
    %max3A_10 = arith.maximumf %add3A, %max3A_9 : vector<1280x1xf32>
    %rsqrt3A = math.rsqrt %max3A_10 : vector<1280x1xf32>
    %mul3A = arith.mulf %get3A_3, %rsqrt3A : vector<1280x1xf32>
    %get3A_11 = arith.constant 0 : index
    %get3A_12 = arith.constant 0 : index
    %get3A_13 = arith.constant 0 : index
    %get3A_14 = vector.load %arg1[%get3A_11, %get3A_12, %get3A_13] : memref<2x1280x128xf32, #tpu.memory_space<vmem>>, vector<1x1280x128xf32>
    %get3A_15 = vector.shape_cast %get3A_14 : vector<1x1280x128xf32> to vector<1280x128xf32>
    %get3A_16 = arith.constant 1 : index
    %get3A_17 = arith.constant 0 : index
    %get3A_18 = arith.constant 0 : index
    %get3A_19 = vector.load %arg1[%get3A_16, %get3A_17, %get3A_18] : memref<2x1280x128xf32, #tpu.memory_space<vmem>>, vector<1x1280x128xf32>
    %get3A_20 = vector.shape_cast %get3A_19 : vector<1x1280x128xf32> to vector<1280x128xf32>
    %concatenate3A = tpu.concatenate %get3A_15, %get3A_20 in 1 : vector<1280x128xf32>, vector<1280x128xf32> -> vector<1280x256xf32>
    %mul3A_21 = vector.broadcast %mul3A : vector<1280x1xf32> to vector<1280x256xf32>
    %mul3A_22 = arith.mulf %mul3A_21, %concatenate3A : vector<1280x256xf32>
    %mul3A_23 = arith.mulf %mul3A, %mul3A : vector<1280x1xf32>
    %get3A_24 = arith.constant 0 : index
    %get3A_25 = arith.constant 0 : index
    %get3A_26 = vector.load %arg2[%get3A_24, %get3A_25] : memref<1280x256xf32, #tpu.memory_space<vmem>>, vector<1280x256xf32>
    %mul3A_27 = vector.broadcast %mul3A_23 : vector<1280x1xf32> to vector<1280x256xf32>
    %mul3A_28 = arith.mulf %mul3A_27, %get3A_26 : vector<1280x256xf32>
    %add3A_29 = arith.addf %mul3A_22, %mul3A_28 : vector<1280x256xf32>
    %get3A_30 = arith.constant 0 : index
    %get3A_31 = vector.load %arg6[%get3A_30] : memref<256xf32, #tpu.memory_space<vmem>>, vector<256xf32>
    %broadcast_in_dim3A_32 = vector.shape_cast %get3A_31 : vector<256xf32> to vector<1x256xf32>
    %add3A_33 = vector.broadcast %broadcast_in_dim3A_32 : vector<1x256xf32> to vector<1280x256xf32>
    %add3A_34 = arith.addf %add3A_29, %add3A_33 : vector<1280x256xf32>
    %max3A_35 = arith.constant 0.000000e+00 : f32
    %max3A_36 = vector.broadcast %max3A_35 : f32 to vector<1280x256xf32>
    %max3A_37 = arith.maximumf %add3A_34, %max3A_36 : vector<1280x256xf32>
    %get3A_38 = arith.constant 0 : index
    %get3A_39 = arith.constant 0 : index
    %get3A_40 = vector.load %arg5[%get3A_38, %get3A_39] : memref<1280x1xi32, #tpu.memory_space<vmem>>, vector<1280x1xi32>
    %iota3A = tpu.iota {dimensions = array<i32: 1>} : vector<1x128xi32>
    %eq3A_41 = vector.broadcast %get3A_40 : vector<1280x1xi32> to vector<1280x128xi32>
    %eq3A_42 = vector.broadcast %iota3A : vector<1x128xi32> to vector<1280x128xi32>
    %eq3A_43 = arith.cmpi eq, %eq3A_41, %eq3A_42 : vector<1280x128xi32>
    %convert_element_type3A_44 = arith.extui %eq3A_43 : vector<1280x128xi1> to vector<1280x128xi32>
    %convert_element_type3A_45 = arith.sitofp %convert_element_type3A_44 : vector<1280x128xi32> to vector<1280x128xf32>
    %mul3A_46 = vector.broadcast %get3A_3 : vector<1280x1xf32> to vector<1280x256xf32>
    %mul3A_47 = arith.mulf %mul3A_46, %max3A_37 : vector<1280x256xf32>
    %get3A_48 = arith.constant 0 : index
    %get3A_49 = arith.constant 0 : index
    %get3A_50 = vector.load %arg10[%get3A_48, %get3A_49] : memref<128x256xf32, #tpu.memory_space<vmem>>, vector<128x256xf32>
    %dot_general3A_51 = arith.constant dense<0.000000e+00> : vector<128x256xf32>
    %dot_general3A_52 = tpu.matmul %convert_element_type3A_45, %mul3A_47, %dot_general3A_51 {dimension_numbers = #tpu.dot_dimension_numbers<[0], [0], [1], [1], [0, 1, 1, 1], [], []>, precision = #tpu.contract_precision<fp32>, transpose_lhs_hint = false} : vector<1280x128xf32>, vector<1280x256xf32>, vector<128x256xf32> -> vector<128x256xf32>
    %add3A_53 = arith.addf %get3A_50, %dot_general3A_52 : vector<128x256xf32>
    %swap3A = arith.constant 0 : index
    %swap3A_54 = arith.constant 0 : index
    %swap3A_55 = vector.load %arg10[%swap3A, %swap3A_54] : memref<128x256xf32, #tpu.memory_space<vmem>>, vector<128x256xf32>
    tpu.vector_store %arg10[%swap3A, %swap3A_54], %add3A_53 {strides = array<i32>} : memref<128x256xf32, #tpu.memory_space<vmem>>, vector<128x256xf32>,
    %get3A_56 = arith.constant 0 : index
    %get3A_57 = arith.constant 0 : index
    %get3A_58 = vector.load %arg11[%get3A_56, %get3A_57] : memref<128x1xf32, #tpu.memory_space<vmem>>, vector<128x1xf32>
    %dot_general3A_59 = arith.constant dense<0.000000e+00> : vector<128x1xf32>
    %dot_general3A_60 = tpu.matmul %convert_element_type3A_45, %get3A_3, %dot_general3A_59 {dimension_numbers = #tpu.dot_dimension_numbers<[0], [0], [1], [1], [0, 1, 1, 1], [], []>, precision = #tpu.contract_precision<fp32>, transpose_lhs_hint = false} : vector<1280x128xf32>, vector<1280x1xf32>, vector<128x1xf32> -> vector<128x1xf32>
    %add3A_61 = arith.addf %get3A_58, %dot_general3A_60 : vector<128x1xf32>
    %swap3A_62 = arith.constant 0 : index
    %swap3A_63 = arith.constant 0 : index
    %swap3A_64 = vector.load %arg11[%swap3A_62, %swap3A_63] : memref<128x1xf32, #tpu.memory_space<vmem>>, vector<128x1xf32>
    tpu.vector_store %arg11[%swap3A_62, %swap3A_63], %add3A_61 {strides = array<i32>} : memref<128x1xf32, #tpu.memory_space<vmem>>, vector<128x1xf32>,
    %eq3A_65 = arith.constant 7 : i32
    %eq3A_66 = arith.cmpi eq, %arg0, %eq3A_65 : i32
    %convert_element_type3A_67 = arith.extui %eq3A_66 : i1 to i32
    %cond3A_68 = arith.constant 0 : i32
    %cond3A_69 = arith.cmpi ne, %convert_element_type3A_67, %cond3A_68 : i32
    scf.if %cond3A_69 {
      %get3A_70 = arith.constant 0 : index
      %get3A_71 = arith.constant 0 : index
      %get3A_72 = vector.load %arg10[%get3A_70, %get3A_71] : memref<128x256xf32, #tpu.memory_space<vmem>>, vector<128x256xf32>
      %get3A_73 = arith.constant 0 : index
      %get3A_74 = arith.constant 0 : index
      %get3A_75 = vector.load %arg11[%get3A_73, %get3A_74] : memref<128x1xf32, #tpu.memory_space<vmem>>, vector<128x1xf32>
      %max3A_76 = arith.constant 1.000000e+00 : f32
      %max3A_77 = vector.broadcast %max3A_76 : f32 to vector<128x1xf32>
      %max3A_78 = arith.maximumf %get3A_75, %max3A_77 : vector<128x1xf32>
      %div3A = vector.broadcast %max3A_78 : vector<128x1xf32> to vector<128x256xf32>
      %div3A_79 = arith.divf %get3A_72, %div3A : vector<128x256xf32>
      %get3A_80 = arith.constant 0 : index
      %get3A_81 = arith.constant 0 : index
      %get3A_82 = vector.load %arg7[%get3A_80, %get3A_81] : memref<256x1xf32, #tpu.memory_space<vmem>>, vector<256x1xf32>
      %dot_general3A_83 = arith.constant dense<0.000000e+00> : vector<128x1xf32>
      %dot_general3A_84 = tpu.matmul %div3A_79, %get3A_82, %dot_general3A_83 {dimension_numbers = #tpu.dot_dimension_numbers<[1], [0], [0], [1], [0, 0, 1, 1], [], []>, precision = #tpu.contract_precision<fp32>, transpose_lhs_hint = false} : vector<128x256xf32>, vector<256x1xf32>, vector<128x1xf32> -> vector<128x1xf32>
      %get3A_85 = arith.constant 0 : index
      %get3A_86 = arith.constant 0 : index
      %get3A_87 = vector.load %arg8[%get3A_85, %get3A_86] : memref<1x1xf32, #tpu.memory_space<vmem>>, vector<1x1xf32>
      %add3A_88 = vector.broadcast %get3A_87 : vector<1x1xf32> to vector<128x1xf32>
      %add3A_89 = arith.addf %dot_general3A_84, %add3A_88 : vector<128x1xf32>
      %logistic3A = arith.negf %add3A_89 : vector<128x1xf32>
      %logistic3A_90 = math.exp %logistic3A : vector<128x1xf32>
      %logistic3A_91 = arith.constant 1.000000e+00 : f32
      %logistic3A_92 = vector.broadcast %logistic3A_91 : f32 to vector<128x1xf32>
      %logistic3A_93 = arith.addf %logistic3A_92, %logistic3A_90 : vector<128x1xf32>
      %logistic3A_94 = arith.divf %logistic3A_92, %logistic3A_93 : vector<128x1xf32>
      %swap3A_95 = arith.constant 0 : index
      %swap3A_96 = arith.constant 0 : index
      %swap3A_97 = vector.load %arg9[%swap3A_95, %swap3A_96] : memref<128x1xf32, #tpu.memory_space<vmem>>, vector<128x1xf32>
      tpu.vector_store %arg9[%swap3A_95, %swap3A_96], %logistic3A_94 {strides = array<i32>} : memref<128x1xf32, #tpu.memory_space<vmem>>, vector<128x1xf32>,
    } else {
    }
    return
  }
  func.func @transform_0(%arg0: i32) -> (i32, i32, i32) {
    %c0_i32 = arith.constant 0 : i32
    %c0_i32_0 = arith.constant 0 : i32
    %c0_i32_1 = arith.constant 0 : i32
    return %c0_i32, %arg0, %c0_i32_0 : i32, i32, i32
  }
  func.func @transform_1(%arg0: i32) -> (i32, i32) {
    %c0_i32 = arith.constant 0 : i32
    %c0_i32_0 = arith.constant 0 : i32
    return %arg0, %c0_i32 : i32, i32
  }
  func.func @transform_2(%arg0: i32) -> (i32, i32) {
    %c0_i32 = arith.constant 0 : i32
    %c0_i32_0 = arith.constant 0 : i32
    return %c0_i32, %arg0 : i32, i32
  }
  func.func @transform_3(%arg0: i32) -> (i32, i32) {
    %c0_i32 = arith.constant 0 : i32
    %c0_i32_0 = arith.constant 0 : i32
    return %arg0, %c0_i32 : i32, i32
  }
  func.func @transform_4(%arg0: i32) -> (i32, i32) {
    %c0_i32 = arith.constant 0 : i32
    %c0_i32_0 = arith.constant 0 : i32
    return %arg0, %c0_i32 : i32, i32
  }
  func.func @transform_5(%arg0: i32) -> i32 {
    %c0_i32 = arith.constant 0 : i32
    %c0_i32_0 = arith.constant 0 : i32
    return %c0_i32 : i32
  }
  func.func @transform_6(%arg0: i32) -> (i32, i32) {
    %c0_i32 = arith.constant 0 : i32
    %c0_i32_0 = arith.constant 0 : i32
    %c0_i32_1 = arith.constant 0 : i32
    return %c0_i32, %c0_i32_0 : i32, i32
  }
  func.func @transform_7(%arg0: i32) -> (i32, i32) {
    %c0_i32 = arith.constant 0 : i32
    %c0_i32_0 = arith.constant 0 : i32
    %c0_i32_1 = arith.constant 0 : i32
    return %c0_i32, %c0_i32_0 : i32, i32
  }
  func.func @transform_8(%arg0: i32) -> (i32, i32) {
    %c0_i32 = arith.constant 0 : i32
    %c0_i32_0 = arith.constant 0 : i32
    %c0_i32_1 = arith.constant 0 : i32
    return %c0_i32, %c0_i32_0 : i32, i32
  }
}

</mosaic_0001>

<sc_bundles>
// kernel: kernel.12.cloned.1.call-start
scs
__scs_entry_jumppad:
0x0: {  	(pc) =	sbr.rel $0x88, $3  }
0x1: {  	(tag) =	ssettag $0x0;
	lr =	simm.s32 $0x1  }
0x2: {  	[smem:$0x3F97] =	sst lr;
	_ =	strace $0xD0000000  }
0x3: {  	_ = 	snop  }
0x4: {  	_ = 	snop  }
0x5: {  	_ = 	snop  }
0x6: {  	_ = 	snop  }
0x7: {  	_ = 	snop  }
__scs_overlays_trampoline_lowered:
0x8: {  	[smem:$0x3FA6] =	sst s0  }
0x9: {  	[smem:$0x3FA7] =	sst s1  }
0xa: {  	[smem:$0x3FA8] =	sst s2  }
0xb: {  	[smem:$0x3FA9] =	sst s3  }
0xc: {  	[smem:$0x3FAA] =	sst s4  }
0xd: {  	[smem:$0x3FAB] =	sst s5  }
0xe: {  	[smem:$0x3FAC] =	sst s6  }
0xf: {  	[smem:$0x3FAD] =	sst s7  }
0x10: {  	[smem:$0x3FAE] =	sst s8  }
0x11: {  	[smem:$0x3FAF] =	sst s9;
	s0 =	simm.s32 @!p0 $0x0  }
0x12: {  	s1 =	sld [smem:$0x3F95];
	s0 =	simm.s32 @p0 $0x1  }
0x13: {  	[smem:$0x3FB0] =	sst s0;
	s0 =	simm.s32 @!p1 $0x0  }
0x14: {  	s2 =	sld [smem:$0x3F94];
	s0 =	simm.s32 @p1 $0x1  }
0x15: {  	[smem:$0x3FB1] =	sst s0;
	s0 =	simm.s32 @!p2 $0x0  }
0x16: {  	s3 =	sld [smem:$0x3FDB];
	s0 =	simm.s32 @p2 $0x1  }
0x17: {  	s4 =	simm.s32 $0x1BF5;
	[smem:$0x3FB3] =	sst s0  }
0x18: {  	s0 =	sld [smem:$0x3F96];
	_ =	swait.ge [sflag:s4], $0x0  }
0x19: {  	s7 =	sld [smem:$0x3F97]  }
0x1a: {  	s8 =	sadd.s32 $0xFFFFE003, lr  }
0x1b: {  	s9 =	sadd.s32 $0xFFFFFEF7, lr;
	s5 =	simm.s32 $0xFFFFFFFF;
	p2 =	slt.u32 s8, $0xFFFFF086  }
0x1c: {  	p1 =	slt.u32 s9, $0xF7A;
	s5 =	simm.s32 @!p2 $0x0  }
0x1d: {  	s5 =	simm.s32 @p1 $0x1;
	p0 =	seq.s32 s7, s2  }
0x1e: {  	s7 =	smul.u32 @!p0 $0xF7A, s2;
	p2 =	seq.s32 @!p0 s5, $0x0  }
0x1f: {  	s9 =	smul.u32 $0xF7A, s1;
	s8 =	simm.s32 @!p0 $0x1BF5;
	p2 =	por !p2, p0  }
0x20: {  	[sflag:s8] =	ssyncset.s32 @!p0 $0xFFFFF086;
	s6 =	sadd.s32 @!p0 s3, s7;
	s7 =	simm.s32 @!p0 $0x108  }
0x21: {  	s3 =	sadd.s32 s3, s9;
	s6 =	sadd.s32 @!p0 $0x88, s6;
	s7 =	simm.s32 @p2 $0x1082  }
0x22: {  	[simem:s7], [sflag:s8] =	dma.local @!p0 [hbm:s6], $0xF7A  }
0x23: {  	s9 =	sor.u32 $0xD0000000, s2;
	s6 =	simm.s32 $0x108;
	_ =	swait.ge @!p0 [sflag:s8], $0x0  }
0x24: {  	s3 =	sadd.s32 $0x88, s3;
	s6 =	simm.s32 @!p1 $0x1082;
	[sflag:s4] =	ssyncset.s32 $0xFFFFF086  }
0x25: {  	[simem:s6], [sflag:s4] =	dma.local [hbm:s3], $0xF7A  }
0x26: {  	[smem:$0x3F97] =	sst s1;
	(tag) =	ssettag s2;
	_ =	strace s9  }
0x27: {  	s1 =	sld [smem:$0x3FA7]  }
0x28: {  	s2 =	sld [smem:$0x3FA8]  }
0x29: {  	s4 =	sld [smem:$0x3FAA]  }
0x2a: {  	p0 =	seq.s32 s5, $0x0;
	s5 =	sld [smem:$0x3FAB]  }
0x2b: {  	s6 =	sld [smem:$0x3FAC]  }
0x2c: {  	s7 =	sld [smem:$0x3FAD]  }
0x2d: {  	s3 =	simm.s32 $0x108;
	s8 =	sld [smem:$0x3FAE]  }
0x2e: {  	s3 =	simm.s32 @!p0 $0x1082;
	s9 =	sld [smem:$0x3FAF]  }
0x2f: {  	lr =	sadd.s32 s0, s3;
	s0 =	sld [smem:$0x3FA6]  }
0x30: {  	s3 =	sld [smem:$0x3FA9]  }
0x31: {  	[smem:$0x3FB2] =	sst s10  }
0x32: {  	s10 =	sld [smem:$0x3FB0];
	_ =	sdelay $0x3  }
0x33: {  	p0 =	seq.s32 s10, $0x1;
	s10 =	sld [smem:$0x3FB2];
	_ =	sdelay $0x3  }
0x34: {  	[smem:$0x3FB2] =	sst s10  }
0x35: {  	s10 =	sld [smem:$0x3FB1];
	_ =	sdelay $0x3  }
0x36: {  	p1 =	seq.s32 s10, $0x1;
	s10 =	sld [smem:$0x3FB2];
	_ =	sdelay $0x3  }
0x37: {  	[smem:$0x3FB2] =	sst s10  }
0x38: {  	s10 =	sld [smem:$0x3FB3]  }
0x39: {  	_ = 	snop;
	(pc) =	sbr.ind lr, $3  }
0x3a: {  	_ = 	snop  }
0x3b: {  	_ = 	snop  }
0x3c: {  	p2 =	seq.s32 s10, $0x1;
	s10 =	sld [smem:$0x3FB2]  }
0x3d: {  	_ =	shalt  }
0x3e: {  	_ =	shalt  }
0x3f: {  	_ =	shalt  }
0x40: {  	_ =	shalt  }
0x41: {  	_ =	shalt  }
0x42: {  	_ =	shalt  }
0x43: {  	_ =	shalt  }
0x44: {  	_ =	shalt  }
0x45: {  	_ =	shalt  }
0x46: {  	_ =	shalt  }
0x47: {  	_ =	shalt  }
0x48: {  	_ =	shalt  }
0x49: {  	_ =	shalt  }
0x4a: {  	_ =	shalt  }
0x4b: {  	_ =	shalt  }
0x4c: {  	_ =	shalt  }
0x4d: {  	_ =	shalt  }
0x4e: {  	_ =	shalt  }
0x4f: {  	_ =	shalt  }
0x50: {  	_ =	shalt  }
0x51: {  	_ =	shalt  }
0x52: {  	_ =	shalt  }
0x53: {  	_ =	shalt  }
0x54: {  	_ =	shalt  }
0x55: {  	_ =	shalt  }
0x56: {  	_ =	shalt  }
0x57: {  	_ =	shalt  }
0x58: {  	_ =	shalt  }
0x59: {  	_ =	shalt  }
0x5a: {  	_ =	shalt  }
0x5b: {  	_ =	shalt  }
0x5c: {  	_ =	shalt  }
0x5d: {  	_ =	shalt  }
0x5e: {  	_ =	shalt  }
0x5f: {  	_ =	shalt  }
0x60: {  	_ =	shalt  }
0x61: {  	_ =	shalt  }
0x62: {  	_ =	shalt  }
0x63: {  	_ =	shalt  }
0x64: {  	_ =	shalt  }
0x65: {  	_ =	shalt  }
0x66: {  	_ =	shalt  }
0x67: {  	_ =	shalt  }
0x68: {  	_ =	shalt  }
0x69: {  	_ =	shalt  }
0x6a: {  	_ =	shalt  }
0x6b: {  	_ =	shalt  }
0x6c: {  	_ =	shalt  }
0x6d: {  	_ =	shalt  }
0x6e: {  	_ =	shalt  }
0x6f: {  	_ =	shalt  }
0x70: {  	_ =	shalt  }
0x71: {  	_ =	shalt  }
0x72: {  	_ =	shalt  }
0x73: {  	_ =	shalt  }
0x74: {  	_ =	shalt  }
0x75: {  	_ =	shalt  }
0x76: {  	_ =	shalt  }
0x77: {  	_ =	shalt  }
0x78: {  	_ =	shalt  }
0x79: {  	_ =	shalt  }
0x7a: {  	_ =	shalt  }
0x7b: {  	_ =	shalt  }
0x7c: {  	_ =	shalt  }
0x7d: {  	_ =	shalt  }
0x7e: {  	_ =	shalt  }
0x7f: {  	_ =	shalt  }
0x80: {  	_ =	shalt  }
0x81: {  	_ =	shalt  }
0x82: {  	_ =	shalt  }
0x83: {  	_ =	shalt  }
0x84: {  	_ =	shalt  }
0x85: {  	_ =	shalt  }
0x86: {  	_ =	shalt  }
0x87: {  	_ =	shalt  }
.Lfunc_end0:
.L_simem_size_0:
called_computation_lowered:
.L_overlay_start_0:
0x88: {  	s2 =	sld [smem:$0x3FD9]  }
0x89: {  	s3 =	sld [smem:$0x3FFE];
	_ =	sdelay $0x1  }
0x8a: {  	s1 =	srdreg.scid  }
0x8b: {  	s0 =	sand.u32 $0x1, s1  }
0x8c: {  	s16 =	sshll.u32 s0, $0xA;
	s2 =	sadd.s32 s3, s2  }
0x8d: {  	s2 =	sadd.s32 s2, s16  }
0x8e: {  	[smem:$0x3FBE] =	sst s2  }
0x8f: {  	_ = 	snop  }
0x90: {  	(tm) =	ssettm $0x1  }
0x91: {  	s17 =	sld [smem:$0x3FFB];
	_ =	sdelay $0x3  }
0x92: {  	_ =	strace s17  }
0x93: {  	s2 =	sld [smem:$0x3FFC];
	_ =	sdelay $0x3  }
0x94: {  	_ =	strace s2  }
0x95: {  	s2 =	sld [smem:$0x3FFD];
	_ =	sdelay $0x3  }
0x96: {  	_ =	strace s2  }
0x97: {  	_ =	strace $0x8FFFFFFF  }
0x98: {  	s18 =	sld [smem:$0x3FDB];
	_ =	sdelay $0x1  }
0x99: {  	s19 =	simm.s32 $_scs_section_size  }
0x9a: {  	s4 =	simm.s32 $_size__tile_overlayer_lowered;
	s5 =	simm.s32 $_tile_overlayer_lowered  }
0x9b: {  	s22 =	simm.s32 $0x1BFF;
	s21 =	sshll.u32 s5, $0x1;
	s2 =	sadd.s32 s19, s18  }
0x9c: {  	s6 =	simm.s32 $0x0;
	s20 =	sshll.u32 s4, $0x1;
	s4 =	sadd.s32 s21, s2  }
0x9d: {  	[timem:s6], [sflag:s22] =	dma.local [hbm:s4], s20  }
0x9e: {  	_ =	swait.ge [sflag:s22], s20  }
0x9f: {  	s3 =	ssub.s32 $0x0, s20;
	[sflag:s22] =	ssyncset.done $0x0  }
0xa0: {  	[sflag:s22] =	ssyncadd.s32 s3;
	_ =	sdelay $0x1  }
0xa1: {  	s23 =	simm.s32 $0x1B8B  }
0xa2: {  	_ =	swait.ge [sflag:s23], $0x1  }
0xa3: {  	[sflag:s23] =	ssyncset.done $0x0  }
0xa4: {  	s25 =	simm.s32 $0x1B8E;
	s24 =	sld [smem:$0x3FFE];
	[sflag:s23] =	ssyncadd.s32 $0xFFFFFFFF  }
0xa5: {  	s26 =	simm.s32 $execute0_lowered;
	[smem:$0x3FD2] =	sst s25  }
0xa6: {  	s4 =	sshll.u32 s26, $0x1;
	_ =	strace $0x80000046;
	[dreg:$0x1] =	wrdreg $0xFFFFFFFF  }
0xa7: {  	s28 =	simm.s32 $_size_execute0_lowered;
	s2 =	sadd.s32 s2, s4;
	[dreg:$0x0] =	wrdreg $0x0  }
0xa8: {  	s4 =	sshll.u32 s28, $0x1;
	[dreg:$0x2] =	wrdreg s2  }
0xa9: {  	[dreg:$0x3] =	wrdreg s4  }
0xaa: {  	[dreg:$0x4] =	wrdreg $0xC0  }
0xab: {  	_ =	task [dreg:s6], $0x5FFFF  }
0xac: {  	[dreg:$0x1] =	wrdreg $0xFFFFFFFF  }
0xad: {  	[dreg:$0x0] =	wrdreg $0x60  }
0xae: {  	[dreg:$0x2] =	wrdreg s24  }
0xaf: {  	[dreg:$0x3] =	wrdreg $0x9  }
0xb0: {  	_ =	task.clear_ibuf [dreg:s6], $0x4FFFF;
	_ =	strace $0x90000046  }
0xb1: {  	s29 =	simm.s32 $0x9;
	_ =	strace $0x80000048  }
0xb2: {  	_ =	swait.ge [sflag:s29], $0x1  }
0xb3: {  	[sflag:s29] =	ssyncadd.s32 $0xFFFFFFFF  }
0xb4: {  	_ =	strace $0x90000048  }
0xb5: {  	_ =	sfence  }
0xb6: {  	s30 =	sld [smem:$0x0];
	_ =	sdelay $0x2  }
0xb7: {  	s31 =	sshll.u32 s1, $0xD;
	s1 =	sshrl.u32 s1, $0x2  }
0xb8: {  	s3 =	sand.u32 $0x4000, s31;
	s1 =	sadd.s32 s1, s30  }
0xb9: {  	s0 =	sor.u32 s3, s0;
	s1 =	sshll.u32 s1, $0x11  }
0xba: {  	s0 =	sor.u32 s1, s0  }
0xbb: {  	s0 =	sadd.s32 $0x8F2B, s0  }
0xbc: {  	[sflag:s0] =	ssyncadd.remote.s32 $0x1  }
0xbd: {  	_ =	sfence.sel $0xFFFF  }
0xbe: {  	[dreg:$0x0] =	wrdreg $0xFFFFFFFF;
	(pc) =	sbr.abs _section_cstart, $3  }
0xbf: {  	[dreg:$0x1] =	wrdreg $0xFFFFFFFF  }
0xc0: {  	_ =	task.clear_ibuf [dreg:s6], $0x2FFFF;
	_ =	strace $0x9FFFFFFF  }
0xc1: {  	(tm) =	ssettm $0x7FFFFFFF  }
tec
execute0_lowered:
.L_overlay_start_1:
0x0: {  	(tag) =	ssettag $0x1  }
0x1: {  	s3 =	rddreg [dreg:$0x0]  }
0x2: {  	s0 =	rddreg [dreg:$0x1]  }
0x3: {  	s4 =	srdreg.scid;
	s2 =	simm.s32 $0x0;
	s1 =	stileid.u32  }
0x4: {  	s10 =	simm.s32 $0x0;
	s4 =	sand.u32 $0x1, s4;
	s5 =	sshrl.u32 s1, $0x2  }
0x5: {  	s6 =	sshll.u32 s1, $0x8;
	[smem:$0x7FF] =	sst s2;
	s28 =	smul.u32 $0xA00, s1  }
0x6: {  	s7 =	sshll.u32 s4, $0x7;
	s5 =	smul.u32 $0x14400, s5;
	_ =	strace $0x80000047  }
0x7: {  	s29 =	ssub.s32 $0x2, s4;
	s9 =	smul.u32 $0x500, s4;
	s6 =	sor.u32 s7, s6  }
0x8: {  	s8 =	sshrl.u32 s29, $0x1;
	s7 =	sadd.s32 s28, s3;
	s6 =	sand.u32 $0x380, s6  }
0x9: {  	s30 =	ssub.s32 s29, s8;
	s31 =	sadd.s32 s9, s7;
	s5 =	sor.u32 s5, s6  }
0xa: {  	s7 =	simm.s32 $0x1;
	s8 =	simm.s32 $0x80;
	s5 =	sshrl.u32 s5, $0x3  }
0xb: {  	s9 =	simm.s32 $0x400;
	s4 =	smax.u32 s30, $0x1;
	s3 =	sadd.s32 s5, s3  }
0xc: {  	v0 =	vimm.f32 $0.0e+00;
	v1 =	vimm.f32 $1.000000000e+00;
	s6 =	simm.s32 $0x2880;
	s5 =	sadd.s32 $0x2800, s31;
	s3 =	sadd.s32 $0xC800, s3  }
.LBB2_1:
0xd: {  	s11 =	simm.s32 $0x0  }
.LBB2_2:
0xe: {  	p0 =	sne.s32 s11, $0xA1C0  }
.Ltmp0:
0xf: {  	_ = 	snop;
	(pc) =	sbr.rel @p0 .LBB2_2-.Ltmp0, $3  }
0x10: {  	_ =	sdelay $0x1  }
0x11: {  	s12 =	sshra.s32 s11, $0x2  }
0x12: {  	s11 =	sadd.s32 $0x40, s11;
	[tilespmem:s12+$0x0] =	vst v0  }
0x13: {  	s11 =	simm.s32 $0x0  }
.LBB2_4:
0x14: {  	s12 =	sadd.s32 s11, s5  }
0x15: {  	[tilespmem:s6], [sflag:$0x1] =	stream.linear.gather [hbm4b:s12+s2], $0x80, $0x38;
	[tilespmem:$0x2900] =	vst v63  }
0x16: {  	_ =	swait.ge [sflag:s7], $0x80  }
0x17: {  	[sflag:s7] =	ssyncset.done $0x0  }
0x18: {  	[sflag:s7] =	ssyncadd.s32 $0xFFFFFF80  }
0x19: {  	v2 =	vld [tilespmem:$0x2880];
	_ =	sdelay $0x7  }
0x1a: {  	[tilespmem:v2+s2+$0x0] =	vst.idx.add.f32.msk $0xffff, v1  }
0x1b: {  	v2 =	vld [tilespmem:$0x2890];
	_ =	sdelay $0x7  }
0x1c: {  	[tilespmem:v2+s2+$0x0] =	vst.idx.add.f32.msk $0xffff, v1  }
0x1d: {  	v2 =	vld [tilespmem:$0x28A0];
	_ =	sdelay $0x7  }
0x1e: {  	[tilespmem:v2+s2+$0x0] =	vst.idx.add.f32.msk $0xffff, v1  }
0x1f: {  	v2 =	vld [tilespmem:$0x28B0];
	_ =	sdelay $0x7  }
0x20: {  	[tilespmem:v2+s2+$0x0] =	vst.idx.add.f32.msk $0xffff, v1  }
0x21: {  	v2 =	vld [tilespmem:$0x28C0];
	_ =	sdelay $0x7  }
0x22: {  	[tilespmem:v2+s2+$0x0] =	vst.idx.add.f32.msk $0xffff, v1  }
0x23: {  	v2 =	vld [tilespmem:$0x28D0];
	_ =	sdelay $0x7  }
0x24: {  	[tilespmem:v2+s2+$0x0] =	vst.idx.add.f32.msk $0xffff, v1  }
0x25: {  	v2 =	vld [tilespmem:$0x28E0];
	_ =	sdelay $0x7  }
0x26: {  	[tilespmem:v2+s2+$0x0] =	vst.idx.add.f32.msk $0xffff, v1  }
0x27: {  	v2 =	vld [tilespmem:$0x28F0];
	_ =	sdelay $0x2  }
0x28: {  	p0 =	sne.s32 s11, $0x4F0  }
.Ltmp1:
0x29: {  	_ = 	snop;
	(pc) =	sbr.rel @p0 .LBB2_4-.Ltmp1, $2  }
0x2a: {  	_ =	sdelay $0x2  }
0x2b: {  	s11 =	sadd.s32 $0x10, s11;
	[tilespmem:v2+s2+$0x0] =	vst.idx.add.f32.msk $0xffff, v1  }
0x2c: {  	s10 =	sadd.s32 $0x1, s10  }
0x2d: {  	p0 =	sne.s32 s10, s4  }
.Ltmp2:
0x2e: {  	_ = 	snop;
	(pc) =	sbr.rel @p0 .LBB2_1-.Ltmp2, $4  }
0x2f: {  	[hbm4b:s3+s8] =	stream.strided.scatter [tilespmem:s2], [sflag:$0x1], $0x2880, s9, s8, $0x38;
	[tilespmem:$0x2900] =	vst v63  }
0x30: {  	_ =	swait.ge [sflag:s7], $0x2880  }
0x31: {  	[sflag:s7] =	ssyncset.done $0x0  }
0x32: {  	[sflag:s7] =	ssyncadd.s32 $0xFFFFD780  }
0x33: {  	_ =	sfence.sel $0x180000  }
0x34: {  	[bflag:$0x0] =	sbarrier.arrive $0xFFFF  }
0x35: {  	p0 =	sne.s32 s1, $0x0;
	_ =	strace $0x90000047  }
0x36: {  	s0 =	sadd.s32 @!p0 $0x100000, s0;
	[bflag:$0x2] =	sbarrier.arrive $0xFFFF  }
0x37: {  	[sflag:s0] =	ssyncadd.tile.s32 @!p0 $0x1;
	_ =	shalt  }
.Lfunc_end2:
_tile_overlayer_lowered:
.L_overlay_start_2:
0x38: {  	(tag) =	ssettag $0x2  }
0x39: {  	s0 =	rddreg [dreg:$0x0];
	s2 =	stileid.u32  }
0x3a: {  	s1 =	rddreg [dreg:$0x1];
	p0 =	sne.s32 s2, $0x0  }
0x3b: {  	s3 =	rddreg [dreg:$0x2];
	[bflag:$0x3] =	sbarrier.arrive $0xFFFF;
	s2 =	simm.s32 @!p0 $0x1C01  }
0x3c: {  	[timem:s3], [sflag:s2] =	dma.local @!p0 [hbm:s0], s1  }
0x3d: {  	s0 =	simm.s32 @!p0 $0x1  }
0x3e: {  	_ =	swait.ge @!p0 [sflag:s0], s1  }
0x3f: {  	s1 =	ssub.s32 @!p0 $0x0, s1;
	[sflag:s0] =	ssyncset.done @!p0 $0x0  }
0x40: {  	[sflag:s0] =	ssyncadd.s32 @!p0 s1  }
0x41: {  	[bflag:$0x3] =	sbarrier.arrive $0xFFFF  }
0x42: {  	_ =	shalt  }

// kernel: kernel.15.cloned.1.call-start
scs
__scs_entry_jumppad:
0x0: {  	(pc) =	sbr.rel $0x88, $3  }
0x1: {  	(tag) =	ssettag $0x0;
	lr =	simm.s32 $0x1  }
0x2: {  	[smem:$0x3F97] =	sst lr;
	_ =	strace $0xD0000000  }
0x3: {  	_ = 	snop  }
0x4: {  	_ = 	snop  }
0x5: {  	_ = 	snop  }
0x6: {  	_ = 	snop  }
0x7: {  	_ = 	snop  }
__scs_overlays_trampoline_lowered:
0x8: {  	[smem:$0x3FA6] =	sst s0  }
0x9: {  	[smem:$0x3FA7] =	sst s1  }
0xa: {  	[smem:$0x3FA8] =	sst s2  }
0xb: {  	[smem:$0x3FA9] =	sst s3  }
0xc: {  	[smem:$0x3FAA] =	sst s4  }
0xd: {  	[smem:$0x3FAB] =	sst s5  }
0xe: {  	[smem:$0x3FAC] =	sst s6  }
0xf: {  	[smem:$0x3FAD] =	sst s7  }
0x10: {  	[smem:$0x3FAE] =	sst s8  }
0x11: {  	[smem:$0x3FAF] =	sst s9;
	s0 =	simm.s32 @!p0 $0x0  }
0x12: {  	s1 =	sld [smem:$0x3F95];
	s0 =	simm.s32 @p0 $0x1  }
0x13: {  	[smem:$0x3FB0] =	sst s0;
	s0 =	simm.s32 @!p1 $0x0  }
0x14: {  	s2 =	sld [smem:$0x3F94];
	s0 =	simm.s32 @p1 $0x1  }
0x15: {  	[smem:$0x3FB1] =	sst s0;
	s0 =	simm.s32 @!p2 $0x0  }
0x16: {  	s3 =	sld [smem:$0x3FDB];
	s0 =	simm.s32 @p2 $0x1  }
0x17: {  	s4 =	simm.s32 $0x1BF5;
	[smem:$0x3FB3] =	sst s0  }
0x18: {  	s0 =	sld [smem:$0x3F96];
	_ =	swait.ge [sflag:s4], $0x0  }
0x19: {  	s7 =	sld [smem:$0x3F97]  }
0x1a: {  	s8 =	sadd.s32 $0xFFFFE003, lr  }
0x1b: {  	s9 =	sadd.s32 $0xFFFFFEF7, lr;
	s5 =	simm.s32 $0xFFFFFFFF;
	p2 =	slt.u32 s8, $0xFFFFF086  }
0x1c: {  	p1 =	slt.u32 s9, $0xF7A;
	s5 =	simm.s32 @!p2 $0x0  }
0x1d: {  	s5 =	simm.s32 @p1 $0x1;
	p0 =	seq.s32 s7, s2  }
0x1e: {  	s7 =	smul.u32 @!p0 $0xF7A, s2;
	p2 =	seq.s32 @!p0 s5, $0x0  }
0x1f: {  	s9 =	smul.u32 $0xF7A, s1;
	s8 =	simm.s32 @!p0 $0x1BF5;
	p2 =	por !p2, p0  }
0x20: {  	[sflag:s8] =	ssyncset.s32 @!p0 $0xFFFFF086;
	s6 =	sadd.s32 @!p0 s3, s7;
	s7 =	simm.s32 @!p0 $0x108  }
0x21: {  	s3 =	sadd.s32 s3, s9;
	s6 =	sadd.s32 @!p0 $0x88, s6;
	s7 =	simm.s32 @p2 $0x1082  }
0x22: {  	[simem:s7], [sflag:s8] =	dma.local @!p0 [hbm:s6], $0xF7A  }
0x23: {  	s9 =	sor.u32 $0xD0000000, s2;
	s6 =	simm.s32 $0x108;
	_ =	swait.ge @!p0 [sflag:s8], $0x0  }
0x24: {  	s3 =	sadd.s32 $0x88, s3;
	s6 =	simm.s32 @!p1 $0x1082;
	[sflag:s4] =	ssyncset.s32 $0xFFFFF086  }
0x25: {  	[simem:s6], [sflag:s4] =	dma.local [hbm:s3], $0xF7A  }
0x26: {  	[smem:$0x3F97] =	sst s1;
	(tag) =	ssettag s2;
	_ =	strace s9  }
0x27: {  	s1 =	sld [smem:$0x3FA7]  }
0x28: {  	s2 =	sld [smem:$0x3FA8]  }
0x29: {  	s4 =	sld [smem:$0x3FAA]  }
0x2a: {  	p0 =	seq.s32 s5, $0x0;
	s5 =	sld [smem:$0x3FAB]  }
0x2b: {  	s6 =	sld [smem:$0x3FAC]  }
0x2c: {  	s7 =	sld [smem:$0x3FAD]  }
0x2d: {  	s3 =	simm.s32 $0x108;
	s8 =	sld [smem:$0x3FAE]  }
0x2e: {  	s3 =	simm.s32 @!p0 $0x1082;
	s9 =	sld [smem:$0x3FAF]  }
0x2f: {  	lr =	sadd.s32 s0, s3;
	s0 =	sld [smem:$0x3FA6]  }
0x30: {  	s3 =	sld [smem:$0x3FA9]  }
0x31: {  	[smem:$0x3FB2] =	sst s10  }
0x32: {  	s10 =	sld [smem:$0x3FB0];
	_ =	sdelay $0x3  }
0x33: {  	p0 =	seq.s32 s10, $0x1;
	s10 =	sld [smem:$0x3FB2];
	_ =	sdelay $0x3  }
0x34: {  	[smem:$0x3FB2] =	sst s10  }
0x35: {  	s10 =	sld [smem:$0x3FB1];
	_ =	sdelay $0x3  }
0x36: {  	p1 =	seq.s32 s10, $0x1;
	s10 =	sld [smem:$0x3FB2];
	_ =	sdelay $0x3  }
0x37: {  	[smem:$0x3FB2] =	sst s10  }
0x38: {  	s10 =	sld [smem:$0x3FB3]  }
0x39: {  	_ = 	snop;
	(pc) =	sbr.ind lr, $3  }
0x3a: {  	_ = 	snop  }
0x3b: {  	_ = 	snop  }
0x3c: {  	p2 =	seq.s32 s10, $0x1;
	s10 =	sld [smem:$0x3FB2]  }
0x3d: {  	_ =	shalt  }
0x3e: {  	_ =	shalt  }
0x3f: {  	_ =	shalt  }
0x40: {  	_ =	shalt  }
0x41: {  	_ =	shalt  }
0x42: {  	_ =	shalt  }
0x43: {  	_ =	shalt  }
0x44: {  	_ =	shalt  }
0x45: {  	_ =	shalt  }
0x46: {  	_ =	shalt  }
0x47: {  	_ =	shalt  }
0x48: {  	_ =	shalt  }
0x49: {  	_ =	shalt  }
0x4a: {  	_ =	shalt  }
0x4b: {  	_ =	shalt  }
0x4c: {  	_ =	shalt  }
0x4d: {  	_ =	shalt  }
0x4e: {  	_ =	shalt  }
0x4f: {  	_ =	shalt  }
0x50: {  	_ =	shalt  }
0x51: {  	_ =	shalt  }
0x52: {  	_ =	shalt  }
0x53: {  	_ =	shalt  }
0x54: {  	_ =	shalt  }
0x55: {  	_ =	shalt  }
0x56: {  	_ =	shalt  }
0x57: {  	_ =	shalt  }
0x58: {  	_ =	shalt  }
0x59: {  	_ =	shalt  }
0x5a: {  	_ =	shalt  }
0x5b: {  	_ =	shalt  }
0x5c: {  	_ =	shalt  }
0x5d: {  	_ =	shalt  }
0x5e: {  	_ =	shalt  }
0x5f: {  	_ =	shalt  }
0x60: {  	_ =	shalt  }
0x61: {  	_ =	shalt  }
0x62: {  	_ =	shalt  }
0x63: {  	_ =	shalt  }
0x64: {  	_ =	shalt  }
0x65: {  	_ =	shalt  }
0x66: {  	_ =	shalt  }
0x67: {  	_ =	shalt  }
0x68: {  	_ =	shalt  }
0x69: {  	_ =	shalt  }
0x6a: {  	_ =	shalt  }
0x6b: {  	_ =	shalt  }
0x6c: {  	_ =	shalt  }
0x6d: {  	_ =	shalt  }
0x6e: {  	_ =	shalt  }
0x6f: {  	_ =	shalt  }
0x70: {  	_ =	shalt  }
0x71: {  	_ =	shalt  }
0x72: {  	_ =	shalt  }
0x73: {  	_ =	shalt  }
0x74: {  	_ =	shalt  }
0x75: {  	_ =	shalt  }
0x76: {  	_ =	shalt  }
0x77: {  	_ =	shalt  }
0x78: {  	_ =	shalt  }
0x79: {  	_ =	shalt  }
0x7a: {  	_ =	shalt  }
0x7b: {  	_ =	shalt  }
0x7c: {  	_ =	shalt  }
0x7d: {  	_ =	shalt  }
0x7e: {  	_ =	shalt  }
0x7f: {  	_ =	shalt  }
0x80: {  	_ =	shalt  }
0x81: {  	_ =	shalt  }
0x82: {  	_ =	shalt  }
0x83: {  	_ =	shalt  }
0x84: {  	_ =	shalt  }
0x85: {  	_ =	shalt  }
0x86: {  	_ =	shalt  }
0x87: {  	_ =	shalt  }
.Lfunc_end0:
.L_simem_size_0:
called_computation.1_lowered:
.L_overlay_start_0:
0x88: {  	s2 =	sld [smem:$0x3FD9]  }
0x89: {  	s3 =	sld [smem:$0x3FFE];
	_ =	sdelay $0x1  }
0x8a: {  	s1 =	srdreg.scid  }
0x8b: {  	s0 =	sand.u32 $0x1, s1  }
0x8c: {  	s16 =	sshll.u32 s0, $0xA;
	s2 =	sadd.s32 s3, s2  }
0x8d: {  	s2 =	sadd.s32 s2, s16  }
0x8e: {  	[smem:$0x3FBE] =	sst s2  }
0x8f: {  	_ = 	snop  }
0x90: {  	(tm) =	ssettm $0x1  }
0x91: {  	s17 =	sld [smem:$0x3FFB];
	_ =	sdelay $0x3  }
0x92: {  	_ =	strace s17  }
0x93: {  	s2 =	sld [smem:$0x3FFC];
	_ =	sdelay $0x3  }
0x94: {  	_ =	strace s2  }
0x95: {  	s2 =	sld [smem:$0x3FFD];
	_ =	sdelay $0x3  }
0x96: {  	_ =	strace s2  }
0x97: {  	_ =	strace $0x8FFFFFFF  }
0x98: {  	s18 =	sld [smem:$0x3FDB];
	_ =	sdelay $0x1  }
0x99: {  	s19 =	simm.s32 $_scs_section_size  }
0x9a: {  	s4 =	simm.s32 $_size__tile_overlayer_lowered;
	s5 =	simm.s32 $_tile_overlayer_lowered  }
0x9b: {  	s22 =	simm.s32 $0x1BFF;
	s21 =	sshll.u32 s5, $0x1;
	s2 =	sadd.s32 s19, s18  }
0x9c: {  	s6 =	simm.s32 $0x0;
	s20 =	sshll.u32 s4, $0x1;
	s4 =	sadd.s32 s21, s2  }
0x9d: {  	[timem:s6], [sflag:s22] =	dma.local [hbm:s4], s20  }
0x9e: {  	_ =	swait.ge [sflag:s22], s20  }
0x9f: {  	s3 =	ssub.s32 $0x0, s20;
	[sflag:s22] =	ssyncset.done $0x0  }
0xa0: {  	[sflag:s22] =	ssyncadd.s32 s3;
	_ =	sdelay $0x1  }
0xa1: {  	s23 =	simm.s32 $0x1B8B  }
0xa2: {  	_ =	swait.ge [sflag:s23], $0x1  }
0xa3: {  	[sflag:s23] =	ssyncset.done $0x0  }
0xa4: {  	s25 =	simm.s32 $0x1B8E;
	s24 =	sld [smem:$0x3FFE];
	[sflag:s23] =	ssyncadd.s32 $0xFFFFFFFF  }
0xa5: {  	s26 =	simm.s32 $execute0_lowered;
	[smem:$0x3FD2] =	sst s25  }
0xa6: {  	s4 =	sshll.u32 s26, $0x1;
	_ =	strace $0x80000049;
	[dreg:$0x1] =	wrdreg $0xFFFFFFFF  }
0xa7: {  	s28 =	simm.s32 $_size_execute0_lowered;
	s2 =	sadd.s32 s2, s4;
	[dreg:$0x0] =	wrdreg $0x0  }
0xa8: {  	s4 =	sshll.u32 s28, $0x1;
	[dreg:$0x2] =	wrdreg s2  }
0xa9: {  	[dreg:$0x3] =	wrdreg s4  }
0xaa: {  	[dreg:$0x4] =	wrdreg $0xC0  }
0xab: {  	_ =	task [dreg:s6], $0x5FFFF  }
0xac: {  	[dreg:$0x1] =	wrdreg $0xFFFFFFFF  }
0xad: {  	[dreg:$0x0] =	wrdreg $0x60  }
0xae: {  	[dreg:$0x2] =	wrdreg s24  }
0xaf: {  	[dreg:$0x3] =	wrdreg $0x94000  }
0xb0: {  	[dreg:$0x4] =	wrdreg $0x9  }
0xb1: {  	_ =	task.clear_ibuf [dreg:s6], $0x5FFFF;
	_ =	strace $0x90000049  }
0xb2: {  	s29 =	simm.s32 $0x9;
	_ =	strace $0x8000004B  }
0xb3: {  	_ =	swait.ge [sflag:s29], $0x1  }
0xb4: {  	[sflag:s29] =	ssyncadd.s32 $0xFFFFFFFF  }
0xb5: {  	_ =	strace $0x9000004B  }
0xb6: {  	_ =	sfence  }
0xb7: {  	s30 =	sld [smem:$0x0];
	_ =	sdelay $0x2  }
0xb8: {  	s31 =	sshll.u32 s1, $0xD;
	s1 =	sshrl.u32 s1, $0x2  }
0xb9: {  	s3 =	sand.u32 $0x4000, s31;
	s1 =	sadd.s32 s1, s30  }
0xba: {  	s0 =	sor.u32 s3, s0;
	s1 =	sshll.u32 s1, $0x11  }
0xbb: {  	s0 =	sor.u32 s1, s0  }
0xbc: {  	s0 =	sadd.s32 $0x8F2B, s0  }
0xbd: {  	[sflag:s0] =	ssyncadd.remote.s32 $0x1  }
0xbe: {  	_ =	sfence.sel $0xFFFF  }
0xbf: {  	[dreg:$0x0] =	wrdreg $0xFFFFFFFF;
	(pc) =	sbr.abs _section_cstart, $3  }
0xc0: {  	[dreg:$0x1] =	wrdreg $0xFFFFFFFF  }
0xc1: {  	_ =	task.clear_ibuf [dreg:s6], $0x2FFFF;
	_ =	strace $0x9FFFFFFF  }
0xc2: {  	(tm) =	ssettm $0x7FFFFFFF  }
0xc3: {  	_ =	shalt  }
tec
execute0_lowered:
.L_overlay_start_1:
0x0: {  	(tag) =	ssettag $0x1  }
0x1: {  	s0 =	rddreg [dreg:$0x0]  }
0x2: {  	s1 =	rddreg [dreg:$0x1];
	s2 =	simm.s32 $0x0  }
0x3: {  	s23 =	srdreg.scid;
	s5 =	stileid.u32;
	s14 =	simm.s32 $0x5  }
0x4: {  	s17 =	simm.s32 $0x80;
	s18 =	simm.s32 $0xC00;
	s19 =	simm.s32 $0x4C00  }
0x5: {  	s20 =	simm.s32 $0x1;
	s30 =	simm.s32 $0x100;
	s21 =	simm.s32 $0x2  }
0x6: {  	s31 =	simm.s32 $0x180;
	s22 =	simm.s32 $0x3;
	[smem:$0x7FF] =	sst s2  }
0x7: {  	s4 =	sadd.s32 $0x20A00, s0;
	s3 =	sadd.s32 $0x16A00, s0;
	s2 =	sand.u32 $0x1, s23  }
0x8: {  	s11 =	sadd.s32 $0x2800, s0;
	s7 =	sshll.u32 s5, $0x1;
	s12 =	smul.u32 $0x5000, s5  }
0x9: {  	s8 =	sadd.s32 $0xC800, s0;
	s26 =	ssub.s32 $0x297, s5;
	s13 =	smul.u32 $0x50000, s5  }
0xa: {  	s28 =	sshll.u32 s5, $0xB;
	s16 =	smul.u32 $0x2800, s5;
	_ =	strace $0x8000004A  }
0xb: {  	s6 =	smul.u32 $0x28000, s2;
	[dreg:$0x5] =	wrdreg s8;
	s24 =	ssub.s32 $0x2, s2  }
0xc: {  	s7 =	sor.u32 s2, s7;
	s2 =	smul.u32 $0x2800, s2;
	[dreg:$0x3] =	wrdreg s30  }
0xd: {  	[dreg:$0x4] =	wrdreg s31;
	s25 =	sshrl.u32 s24, $0x1;
	s9 =	smul.u32 $0x2800, s7  }
0xe: {  	s7 =	sadd.s32 s28, s1;
	s29 =	sshrl.u32 s13, $0x2;
	s13 =	simm.s32 $0x8C00  }
0xf: {  	s0 =	sadd.s32 s6, s0;
	s10 =	ssub.s32 s24, s25;
	s6 =	sshrl.u32 s26, $0x4  }
0x10: {  	s2 =	sadd.s32 s2, s12;
	s15 =	sadd.s32 s29, s1;
	s24 =	simm.s32 $0x4  }
0x11: {  	s26 =	simm.s32 $0x0;
	s9 =	sshrl.u32 s9, $0x3;
	s0 =	sadd.s32 $0x48A00, s0  }
0x12: {  	s2 =	sor.u32 $0x100, s2;
	s10 =	smax.u32 s10, $0x1;
	s25 =	sshrl.u32 s15, $0x3  }
0x13: {  	s8 =	sadd.s32 s3, s9;
	s9 =	sadd.s32 s11, s9;
	s2 =	sshrl.u32 s2, $0x3  }
0x14: {  	s23 =	sadd.s32 s16, s0;
	s11 =	sadd.s32 s2, s11;
	s12 =	sadd.s32 s2, s3  }
.LBB2_1:
0x15: {  	s0 =	simm.s32 $0x0;
	s2 =	rddreg [dreg:$0x5]  }
0x16: {  	[tilespmem:s13], [sflag:$0x5] =	stream.linear.gather [hbm4b:s2+s0], $0x800, $0x38;
	[tilespmem:$0x1D800] =	vst v63  }
0x17: {  	p0 =	sne.s32 s6, $0x1;
	_ =	swait.ge [sflag:s14], $0x800  }
.Ltmp0:
0x18: {  	[sflag:s14] =	ssyncset.done $0x0;
	(pc) =	sbr.rel @!p0 .LBB2_3-.Ltmp0, $4  }
0x19: {  	[sflag:s14] =	ssyncadd.s32 $0xFFFFF800  }
0x1a: {  	[spmem:s7] =	stream.linear.scatter [tilespmem:s13], [sflag:$0x5], $0x800, $0x38;
	[tilespmem:$0x1D800] =	vst v63  }
0x1b: {  	_ =	swait.ge [sflag:s14], $0x800  }
0x1c: {  	s0 =	sadd.s32 $0xFFFFFFFF, s6;
	s2 =	smov.u32 s7;
	[sflag:s14] =	ssyncset.done $0x0  }
.LBB2_2:
0x1d: {  	p0 =	sne.s32 s0, $0x1;
	[sflag:s14] =	ssyncadd.s32 $0xFFFFF800;
	s2 =	sadd.s32 $0x8000, s2  }
.Ltmp1:
0x1e: {  	s0 =	sadd.s32 $0xFFFFFFFF, s0;
	(pc) =	sbr.rel @p0 .LBB2_2-.Ltmp1, $4  }
0x1f: {  	_ = 	snop  }
0x20: {  	[spmem:s2] =	stream.linear.scatter [tilespmem:s13], [sflag:$0x5], $0x800, $0x38;
	[tilespmem:$0x1D800] =	vst v63  }
0x21: {  	_ =	swait.ge [sflag:s14], $0x800  }
0x22: {  	[sflag:s14] =	ssyncset.done $0x0  }
.LBB2_3:
0x23: {  	[sflag:s14] =	ssyncadd.s32 $0xFFFFF800  }
0x24: {  	s0 =	simm.s32 $0x0;
	s2 =	simm.s32 $0x200;
	[bflag:$0x0] =	sbarrier.arrive $0xFFFF  }
0x25: {  	[tilespmem:s2], [sflag:$0x5] =	stream.linear.gather [hbm4b:s8+s0], $0x500, $0x38;
	[tilespmem:$0x1D800] =	vst v63  }
0x26: {  	_ =	swait.ge [sflag:s14], $0x500  }
0x27: {  	[sflag:s14] =	ssyncset.done $0x0  }
0x28: {  	s15 =	simm.s32 $0x700;
	[sflag:s14] =	ssyncadd.s32 $0xFFFFFB00  }
0x29: {  	[tilespmem:s15], [sflag:$0x5] =	stream.linear.gather [hbm4b:s9+s0], $0x500, $0x38;
	[tilespmem:$0x1D800] =	vst v63  }
0x2a: {  	_ =	swait.ge [sflag:s14], $0x500  }
0x2b: {  	[sflag:s14] =	ssyncset.done $0x0  }
0x2c: {  	[sflag:s14] =	ssyncadd.s32 $0xFFFFFB00  }
0x2d: {  	v0 =	vld [tilespmem:$0x200]  }
0x2e: {  	v1 =	vld [tilespmem:$0x210]  }
0x2f: {  	v2 =	vld [tilespmem:$0x220]  }
0x30: {  	v3 =	vld [tilespmem:$0x230]  }
0x31: {  	v4 =	vld [tilespmem:$0x240]  }
0x32: {  	v52 =	vld [tilespmem:$0x250];
	[tilespmem:$0x0] =	vst v0  }
0x33: {  	v53 =	vld [tilespmem:$0x260];
	[tilespmem:$0x10] =	vst v1  }
0x34: {  	v54 =	vld [tilespmem:$0x270];
	[tilespmem:$0x20] =	vst v2  }
0x35: {  	v55 =	vld [tilespmem:$0x700];
	[tilespmem:$0x30] =	vst v3  }
0x36: {  	v56 =	vld [tilespmem:$0x710];
	[tilespmem:$0x40] =	vst v4  }
0x37: {  	v57 =	vld [tilespmem:$0x720];
	[tilespmem:$0x50] =	vst v52  }
0x38: {  	v58 =	vld [tilespmem:$0x730];
	[tilespmem:$0x60] =	vst v53  }
0x39: {  	v59 =	vld [tilespmem:$0x740];
	[tilespmem:$0x70] =	vst v54  }
0x3a: {  	v60 =	vld [tilespmem:$0x750];
	[tilespmem:$0x100] =	vst v55  }
0x3b: {  	v61 =	vld [tilespmem:$0x760];
	[tilespmem:$0x110] =	vst v56  }
0x3c: {  	v62 =	vld [tilespmem:$0x770];
	[tilespmem:$0x120] =	vst v57  }
0x3d: {  	s16 =	sor.u32 $0x1, s0;
	[tilespmem:$0x130] =	vst v58  }
0x3e: {  	s3 =	sand.u32 $0xFF, s16;
	[tilespmem:$0x140] =	vst v59  }
0x3f: {  	s3 =	smul.u32 $0xCD, s3;
	[tilespmem:$0x150] =	vst v60  }
0x40: {  	[tilespmem:$0x160] =	vst v61  }
0x41: {  	s5 =	sshrl.u32 s3, $0xB;
	[tilespmem:$0x170] =	vst v62  }
0x42: {  	[tilespmem:s18], [sflag:$0x1] =	stream.indirect.gather [hbm4b:s4+s17], $0x80, s0, s17, $0xb8;
	[tilespmem:$0x1D800] =	vst v63  }
0x43: {  	p0 =	por $0x1, $0x1;
	s0 =	smul.u32 $0xA, s5  }
0x44: {  	s3 =	simm.s32 @!p0 $0x4  }
0x45: {  	_ =	swait.ge @!p0 [sflag:s3], $0x4000;
	s0 =	ssub.s32 s16, s0  }
0x46: {  	[sflag:s3] =	ssyncset.done @!p0 $0x0;
	s0 =	sand.u32 $0xFF, s0  }
0x47: {  	[sflag:s3] =	ssyncadd.s32 @!p0 $0xFFFFC000;
	s15 =	sshll.u32 s0, $0x7  }
0x48: {  	v63 =	vld [tilespmem:s15+$0x200];
	_ =	sdelay $0x4  }
0x49: {  	[tilespmem:$0x80] =	vst v63  }
0x4a: {  	v0 =	vld [tilespmem:s15+$0x210];
	_ =	sdelay $0x4  }
0x4b: {  	[tilespmem:$0x90] =	vst v0  }
0x4c: {  	v0 =	vld [tilespmem:s15+$0x220];
	_ =	sdelay $0x4  }
0x4d: {  	[tilespmem:$0xA0] =	vst v0  }
0x4e: {  	v0 =	vld [tilespmem:s15+$0x230];
	_ =	sdelay $0x4  }
0x4f: {  	[tilespmem:$0xB0] =	vst v0  }
0x50: {  	v0 =	vld [tilespmem:s15+$0x240];
	_ =	sdelay $0x4  }
0x51: {  	[tilespmem:$0xC0] =	vst v0  }
0x52: {  	v0 =	vld [tilespmem:s15+$0x250];
	_ =	sdelay $0x4  }
0x53: {  	[tilespmem:$0xD0] =	vst v0  }
0x54: {  	v0 =	vld [tilespmem:s15+$0x260];
	_ =	sdelay $0x4  }
0x55: {  	[tilespmem:$0xE0] =	vst v0  }
0x56: {  	v0 =	vld [tilespmem:s15+$0x270];
	_ =	sdelay $0x4  }
0x57: {  	[tilespmem:$0xF0] =	vst v0  }
0x58: {  	v0 =	vld [tilespmem:s15+$0x700];
	_ =	sdelay $0x4  }
0x59: {  	[tilespmem:$0x180] =	vst v0  }
0x5a: {  	v0 =	vld [tilespmem:s15+$0x710];
	_ =	sdelay $0x4  }
0x5b: {  	[tilespmem:$0x190] =	vst v0  }
0x5c: {  	v0 =	vld [tilespmem:s15+$0x720];
	_ =	sdelay $0x4  }
0x5d: {  	[tilespmem:$0x1A0] =	vst v0  }
0x5e: {  	v0 =	vld [tilespmem:s15+$0x730];
	_ =	sdelay $0x4  }
0x5f: {  	[tilespmem:$0x1B0] =	vst v0  }
0x60: {  	v0 =	vld [tilespmem:s15+$0x740];
	_ =	sdelay $0x4  }
0x61: {  	[tilespmem:$0x1C0] =	vst v0  }
0x62: {  	v0 =	vld [tilespmem:s15+$0x750];
	_ =	sdelay $0x4  }
0x63: {  	[tilespmem:$0x1D0] =	vst v0  }
0x64: {  	v0 =	vld [tilespmem:s15+$0x760];
	_ =	sdelay $0x2  }
0x65: {  	p0 =	por $0x0, $0x0;
	s0 =	simm.s32 $0x2  }
0x66: {  	s2 =	smul.u32 @!p0 $0xCD, s0  }
0x67: {  	[tilespmem:$0x1E0] =	vst v0  }
0x68: {  	s2 =	sshrl.u32 @!p0 s2, $0xB;
	v0 =	vld [tilespmem:s15+$0x770]  }
0x69: {  	s2 =	sand.u32 @!p0 $0x1F, s2  }
0x6a: {  	s2 =	smul.u32 @!p0 $0xA, s2;
	_ =	sdelay $0x1  }
0x6b: {  	s2 =	ssub.s32 @!p0 $0x2, s2  }
0x6c: {  	s2 =	sand.u32 @!p0 $0xFF, s2;
	[tilespmem:$0x1F0] =	vst v0  }
0x6d: {  	[tilespmem:s19], [sflag:$0x2] =	stream.indirect.gather [hbm4b:s4+s17], $0x80, s17, s17, $0xb8;
	[tilespmem:$0x1D800] =	vst v63  }
0x6e: {  	p1 =	sne.s32 @!p0 s2, $0x0;
	_ =	swait.ge [sflag:s20], $0x4000  }
0x6f: {  	p0 =	por p0, p0;
	p1 =	por p1, p1;
	[sflag:s20] =	ssyncset.done $0x0  }
0x70: {  	s15 =	simm.s32 @!p0 $0x3;
	s16 =	rddreg [dreg:$0x3];
	[sflag:s20] =	ssyncadd.s32 $0xFFFFC000  }
0x71: {  	[spmem:s1] =	stream.indirect.scatter.add.f32 [tilespmem:s18], [sflag:$0x3], $0x80, s16, s17, $0xb8;
	[tilespmem:$0x1D800] =	vst v63  }
0x72: {  	p1 =	por p1, p0;
	_ =	swait.ge @!p0 [sflag:s15], $0x4000  }
0x73: {  	s3 =	simm.s32 @!p1 $0x0;
	[sflag:s15] =	ssyncset.done @!p0 $0x0  }
0x74: {  	s16 =	simm.s32 @!p1 $0x200;
	[sflag:s15] =	ssyncadd.s32 @!p0 $0xFFFFC000;
	s15 =	simm.s32 @!p1 $0x5  }
0x75: {  	[tilespmem:s16], [sflag:$0x5] =	stream.linear.gather @!p1 [hbm4b:s12+s3], $0x500, $0x38;
	[tilespmem:$0x1D800] =	vst v63  }
0x76: {  	_ =	swait.ge @!p1 [sflag:s15], $0x500  }
0x77: {  	[sflag:s15] =	ssyncset.done @!p1 $0x0  }
0x78: {  	s16 =	simm.s32 @!p1 $0x700;
	[sflag:s15] =	ssyncadd.s32 @!p1 $0xFFFFFB00  }
0x79: {  	[tilespmem:s16], [sflag:$0x5] =	stream.linear.gather @!p1 [hbm4b:s11+s3], $0x500, $0x38;
	[tilespmem:$0x1D800] =	vst v63  }
0x7a: {  	_ =	swait.ge @!p1 [sflag:s15], $0x500  }
0x7b: {  	[sflag:s15] =	ssyncset.done @!p1 $0x0  }
0x7c: {  	s2 =	sshll.u32 @!p0 s2, $0x7;
	[sflag:s15] =	ssyncadd.s32 @!p1 $0xFFFFFB00  }
0x7d: {  	v0 =	vld @!p0 [tilespmem:s2+$0x200];
	_ =	sdelay $0x4  }
0x7e: {  	[tilespmem:$0x0] =	vst @!p0 v0  }
0x7f: {  	v0 =	vld @!p0 [tilespmem:s2+$0x210];
	_ =	sdelay $0x4  }
0x80: {  	[tilespmem:$0x10] =	vst @!p0 v0  }
0x81: {  	v0 =	vld @!p0 [tilespmem:s2+$0x220];
	_ =	sdelay $0x4  }
0x82: {  	[tilespmem:$0x20] =	vst @!p0 v0  }
0x83: {  	v0 =	vld @!p0 [tilespmem:s2+$0x230];
	_ =	sdelay $0x4  }
0x84: {  	[tilespmem:$0x30] =	vst @!p0 v0  }
0x85: {  	v0 =	vld @!p0 [tilespmem:s2+$0x240];
	_ =	sdelay $0x4  }
0x86: {  	[tilespmem:$0x40] =	vst @!p0 v0  }
0x87: {  	v0 =	vld @!p0 [tilespmem:s2+$0x250];
	_ =	sdelay $0x4  }
0x88: {  	[tilespmem:$0x50] =	vst @!p0 v0  }
0x89: {  	v0 =	vld @!p0 [tilespmem:s2+$0x260];
	_ =	sdelay $0x4  }
0x8a: {  	[tilespmem:$0x60] =	vst @!p0 v0  }
0x8b: {  	v0 =	vld @!p0 [tilespmem:s2+$0x270];
	_ =	sdelay $0x4  }
0x8c: {  	[tilespmem:$0x70] =	vst @!p0 v0  }
0x8d: {  	v0 =	vld @!p0 [tilespmem:s2+$0x700];
	_ =	sdelay $0x4  }
0x8e: {  	[tilespmem:$0x100] =	vst @!p0 v0  }
0x8f: {  	v0 =	vld @!p0 [tilespmem:s2+$0x710];
	_ =	sdelay $0x4  }
0x90: {  	[tilespmem:$0x110] =	vst @!p0 v0  }
0x91: {  	v0 =	vld @!p0 [tilespmem:s2+$0x720];
	_ =	sdelay $0x4  }
0x92: {  	[tilespmem:$0x120] =	vst @!p0 v0  }
0x93: {  	v0 =	vld @!p0 [tilespmem:s2+$0x730];
	_ =	sdelay $0x4  }
0x94: {  	[tilespmem:$0x130] =	vst @!p0 v0  }
0x95: {  	v0 =	vld @!p0 [tilespmem:s2+$0x740];
	_ =	sdelay $0x4  }
0x96: {  	[tilespmem:$0x140] =	vst @!p0 v0  }
0x97: {  	v0 =	vld @!p0 [tilespmem:s2+$0x750];
	_ =	sdelay $0x4  }
0x98: {  	[tilespmem:$0x150] =	vst @!p0 v0  }
0x99: {  	v0 =	vld @!p0 [tilespmem:s2+$0x760]  }
0x9a: {  	s31 =	simm.s32 $0x4;
	p1 =	por $0x0, $0x0  }
0x9b: {  	s3 =	smul.u32 @!p1 $0xCD, s31;
	_ =	sdelay $0x1  }
0x9c: {  	s3 =	sshrl.u32 @!p1 s3, $0xB  }
0x9d: {  	s3 =	sand.u32 @!p1 $0x1F, s3;
	[tilespmem:$0x160] =	vst @!p0 v0  }
0x9e: {  	s3 =	smul.u32 @!p1 $0xA, s3;
	v0 =	vld @!p0 [tilespmem:s2+$0x770]  }
0x9f: {  	s30 =	sadd.s32 $0x20, s12;
	s2 =	sor.u32 $0x1, s0  }
0xa0: {  	s29 =	sadd.s32 $0x20, s11;
	s3 =	ssub.s32 @!p1 $0x4, s3;
	s0 =	sand.u32 $0xFF, s2  }
0xa1: {  	p4 =	por $0x0, $0x0;
	s28 =	sand.u32 @!p1 $0xFF, s3;
	s0 =	smul.u32 $0xCD, s0  }
0xa2: {  	s16 =	simm.s32 @!p0 $0x0;
	s3 =	simm.s32 @!p0 $0xC00;
	p2 =	sne.s32 @!p1 s28, $0x0  }
0xa3: {  	p2 =	por p2, p2;
	s15 =	sshrl.u32 s0, $0xB;
	s0 =	simm.s32 @!p0 $0x80;
	[tilespmem:$0x170] =	vst @!p0 v0  }
.LBB2_4:
0xa4: {  	[tilespmem:s3], [sflag:$0x1] =	stream.indirect.gather @!p0 [hbm4b:s4+s0], $0x80, s16, s0, $0xb8;
	[tilespmem:$0x1D800] =	vst v63  }
0xa5: {  	_ =	swait.ge [sflag:s21], $0x4000  }
0xa6: {  	s5 =	simm.s32 @!p4 $0x4;
	[sflag:s21] =	ssyncset.done $0x0  }
0xa7: {  	s15 =	smul.u32 $0xA, s15;
	s16 =	rddreg [dreg:$0x4];
	[sflag:s21] =	ssyncadd.s32 $0xFFFFC000  }
0xa8: {  	[spmem:s1] =	stream.indirect.scatter.add.f32 [tilespmem:s19], [sflag:$0x4], $0x80, s16, s17, $0xb8;
	[tilespmem:$0x1D800] =	vst v63  }
0xa9: {  	s2 =	ssub.s32 s2, s15;
	_ =	swait.ge @!p4 [sflag:s5], $0x4000  }
0xaa: {  	s2 =	sand.u32 $0xFF, s2;
	[sflag:s5] =	ssyncset.done @!p4 $0x0  }
0xab: {  	[sflag:s5] =	ssyncadd.s32 @!p4 $0xFFFFC000;
	s5 =	sshll.u32 s2, $0x7  }
0xac: {  	v0 =	vld [tilespmem:s5+$0x200];
	_ =	sdelay $0x4  }
0xad: {  	[tilespmem:$0x80] =	vst v0  }
0xae: {  	v0 =	vld [tilespmem:s5+$0x210];
	_ =	sdelay $0x4  }
0xaf: {  	[tilespmem:$0x90] =	vst v0  }
0xb0: {  	v0 =	vld [tilespmem:s5+$0x220];
	_ =	sdelay $0x4  }
0xb1: {  	[tilespmem:$0xA0] =	vst v0  }
0xb2: {  	v0 =	vld [tilespmem:s5+$0x230];
	_ =	sdelay $0x4  }
0xb3: {  	[tilespmem:$0xB0] =	vst v0  }
0xb4: {  	v0 =	vld [tilespmem:s5+$0x240];
	_ =	sdelay $0x4  }
0xb5: {  	[tilespmem:$0xC0] =	vst v0  }
0xb6: {  	v0 =	vld [tilespmem:s5+$0x250];
	_ =	sdelay $0x4  }
0xb7: {  	[tilespmem:$0xD0] =	vst v0  }
0xb8: {  	v0 =	vld [tilespmem:s5+$0x260];
	_ =	sdelay $0x4  }
0xb9: {  	[tilespmem:$0xE0] =	vst v0  }
0xba: {  	v0 =	vld [tilespmem:s5+$0x270];
	_ =	sdelay $0x4  }
0xbb: {  	[tilespmem:$0xF0] =	vst v0  }
0xbc: {  	v0 =	vld [tilespmem:s5+$0x700];
	_ =	sdelay $0x4  }
0xbd: {  	[tilespmem:$0x180] =	vst v0  }
0xbe: {  	v0 =	vld [tilespmem:s5+$0x710];
	_ =	sdelay $0x4  }
0xbf: {  	[tilespmem:$0x190] =	vst v0  }
0xc0: {  	v0 =	vld [tilespmem:s5+$0x720];
	_ =	sdelay $0x4  }
0xc1: {  	[tilespmem:$0x1A0] =	vst v0  }
0xc2: {  	v0 =	vld [tilespmem:s5+$0x730];
	_ =	sdelay $0x4  }
0xc3: {  	[tilespmem:$0x1B0] =	vst v0  }
0xc4: {  	v0 =	vld [tilespmem:s5+$0x740];
	_ =	sdelay $0x4  }
0xc5: {  	[tilespmem:$0x1C0] =	vst v0  }
0xc6: {  	v0 =	vld [tilespmem:s5+$0x750];
	_ =	sdelay $0x4  }
0xc7: {  	[tilespmem:$0x1D0] =	vst v0  }
0xc8: {  	v0 =	vld [tilespmem:s5+$0x760];
	_ =	sdelay $0x4  }
0xc9: {  	[tilespmem:$0x1E0] =	vst v0  }
0xca: {  	v0 =	vld [tilespmem:s5+$0x770]  }
0xcb: {  	s0 =	smov.u32 s31  }
0xcc: {  	p0 =	por p1, p1;
	s31 =	sadd.s32 $0x2, s31;
	p1 =	seq.s32 s0, $0x4E  }
0xcd: {  	s3 =	smul.u32 @!p1 $0xCD, s31;
	_ =	sdelay $0x1  }
0xce: {  	s3 =	sshrl.u32 @!p1 s3, $0xB;
	[tilespmem:$0x1F0] =	vst v0  }
0xcf: {  	[tilespmem:s19], [sflag:$0x2] =	stream.indirect.gather [hbm4b:s4+s17], $0x80, s17, s17, $0xb8;
	[tilespmem:$0x1D800] =	vst v63  }
0xd0: {  	s3 =	sand.u32 @!p1 $0x1F, s3;
	_ =	swait.ge [sflag:s20], $0x4000  }
0xd1: {  	s3 =	smul.u32 @!p1 $0xA, s3;
	[sflag:s20] =	ssyncset.done $0x0  }
0xd2: {  	s5 =	simm.s32 @!p0 $0x3;
	s16 =	rddreg [dreg:$0x3];
	[sflag:s20] =	ssyncadd.s32 $0xFFFFC000  }
0xd3: {  	[spmem:s1] =	stream.indirect.scatter.add.f32 [tilespmem:s18], [sflag:$0x3], $0x80, s16, s17, $0xb8;
	[tilespmem:$0x1D800] =	vst v63  }
0xd4: {  	p5 =	por p2, p0;
	_ =	swait.ge @!p0 [sflag:s5], $0x4000  }
0xd5: {  	s15 =	simm.s32 @!p5 $0x200;
	s2 =	ssub.s32 @!p1 s31, s3;
	[sflag:s5] =	ssyncset.done @!p0 $0x0  }
0xd6: {  	s3 =	simm.s32 @!p5 $0x0;
	[sflag:s5] =	ssyncadd.s32 @!p0 $0xFFFFC000;
	s5 =	simm.s32 @!p5 $0x5  }
0xd7: {  	[tilespmem:s15], [sflag:$0x5] =	stream.linear.gather @!p5 [hbm4b:s30+s3], $0x500, $0x38;
	[tilespmem:$0x1D800] =	vst v63  }
0xd8: {  	_ =	swait.ge @!p5 [sflag:s5], $0x500  }
0xd9: {  	[sflag:s5] =	ssyncset.done @!p5 $0x0  }
0xda: {  	s15 =	simm.s32 @!p5 $0x700;
	[sflag:s5] =	ssyncadd.s32 @!p5 $0xFFFFFB00  }
0xdb: {  	[tilespmem:s15], [sflag:$0x5] =	stream.linear.gather @!p5 [hbm4b:s29+s3], $0x500, $0x38;
	[tilespmem:$0x1D800] =	vst v63  }
0xdc: {  	_ =	swait.ge @!p5 [sflag:s5], $0x500  }
0xdd: {  	[sflag:s5] =	ssyncset.done @!p5 $0x0  }
0xde: {  	s15 =	sshll.u32 @!p0 s28, $0x7;
	[sflag:s5] =	ssyncadd.s32 @!p5 $0xFFFFFB00  }
0xdf: {  	v0 =	vld @!p0 [tilespmem:s15+$0x200];
	_ =	sdelay $0x4  }
0xe0: {  	[tilespmem:$0x0] =	vst @!p0 v0  }
0xe1: {  	v0 =	vld @!p0 [tilespmem:s15+$0x210];
	_ =	sdelay $0x4  }
0xe2: {  	[tilespmem:$0x10] =	vst @!p0 v0  }
0xe3: {  	v0 =	vld @!p0 [tilespmem:s15+$0x220];
	_ =	sdelay $0x4  }
0xe4: {  	[tilespmem:$0x20] =	vst @!p0 v0  }
0xe5: {  	v0 =	vld @!p0 [tilespmem:s15+$0x230];
	_ =	sdelay $0x4  }
0xe6: {  	[tilespmem:$0x30] =	vst @!p0 v0  }
0xe7: {  	v0 =	vld @!p0 [tilespmem:s15+$0x240];
	_ =	sdelay $0x4  }
0xe8: {  	[tilespmem:$0x40] =	vst @!p0 v0  }
0xe9: {  	v0 =	vld @!p0 [tilespmem:s15+$0x250];
	_ =	sdelay $0x4  }
0xea: {  	[tilespmem:$0x50] =	vst @!p0 v0  }
0xeb: {  	v0 =	vld @!p0 [tilespmem:s15+$0x260];
	_ =	sdelay $0x4  }
0xec: {  	[tilespmem:$0x60] =	vst @!p0 v0  }
0xed: {  	v0 =	vld @!p0 [tilespmem:s15+$0x270];
	_ =	sdelay $0x4  }
0xee: {  	[tilespmem:$0x70] =	vst @!p0 v0  }
0xef: {  	v0 =	vld @!p0 [tilespmem:s15+$0x700];
	_ =	sdelay $0x4  }
0xf0: {  	[tilespmem:$0x100] =	vst @!p0 v0  }
0xf1: {  	v0 =	vld @!p0 [tilespmem:s15+$0x710];
	_ =	sdelay $0x4  }
0xf2: {  	[tilespmem:$0x110] =	vst @!p0 v0  }
0xf3: {  	v0 =	vld @!p0 [tilespmem:s15+$0x720];
	_ =	sdelay $0x4  }
0xf4: {  	[tilespmem:$0x120] =	vst @!p0 v0  }
0xf5: {  	v0 =	vld @!p0 [tilespmem:s15+$0x730];
	_ =	sdelay $0x4  }
0xf6: {  	[tilespmem:$0x130] =	vst @!p0 v0  }
0xf7: {  	v0 =	vld @!p0 [tilespmem:s15+$0x740];
	_ =	sdelay $0x4  }
0xf8: {  	[tilespmem:$0x140] =	vst @!p0 v0  }
0xf9: {  	v0 =	vld @!p0 [tilespmem:s15+$0x750];
	_ =	sdelay $0x4  }
0xfa: {  	[tilespmem:$0x150] =	vst @!p0 v0  }
0xfb: {  	v0 =	vld @!p0 [tilespmem:s15+$0x760];
	_ =	sdelay $0x4  }
0xfc: {  	s2 =	sand.u32 @!p1 $0xFF, s2;
	[tilespmem:$0x160] =	vst @!p0 v0  }
0xfd: {  	p3 =	sne.s32 s31, $0x50;
	p4 =	sne.s32 @!p1 s2, $0x0;
	v0 =	vld @!p0 [tilespmem:s15+$0x770]  }
.Ltmp2:
0xfe: {  	s28 =	smov.u32 s2;
	s2 =	sor.u32 $0x1, s0;
	(pc) =	sbr.rel @p3 .LBB2_4-.Ltmp2, $4  }
0xff: {  	s5 =	sand.u32 $0xFF, s2  }
0x100: {  	p2 =	por p4, p4;
	p4 =	seq.s32 s0, $0x0;
	s15 =	smul.u32 $0xCD, s5  }
0x101: {  	s16 =	simm.s32 @!p0 $0x0;
	s30 =	sadd.s32 $0x20, s30;
	s3 =	simm.s32 @!p0 $0xC00  }
0x102: {  	s29 =	sadd.s32 $0x20, s29;
	s0 =	simm.s32 @!p0 $0x80;
	s15 =	sshrl.u32 s15, $0xB;
	[tilespmem:$0x170] =	vst @!p0 v0  }
0x103: {  	[tilespmem:s3], [sflag:$0x1] =	stream.indirect.gather @!p0 [hbm4b:s4+s0], $0x80, s16, s0, $0xb8;
	[tilespmem:$0x1D800] =	vst v63  }
0x104: {  	_ =	swait.ge [sflag:s21], $0x4000  }
0x105: {  	s3 =	simm.s32 @!p4 $0x4;
	[sflag:s21] =	ssyncset.done $0x0  }
0x106: {  	s5 =	smul.u32 $0xA, s15;
	s31 =	rddreg [dreg:$0x4];
	[sflag:s21] =	ssyncadd.s32 $0xFFFFC000  }
0x107: {  	[spmem:s1] =	stream.indirect.scatter.add.f32 [tilespmem:s19], [sflag:$0x4], $0x80, s31, s17, $0xb8;
	[tilespmem:$0x1D800] =	vst v63  }
0x108: {  	s15 =	ssub.s32 s2, s5;
	_ =	swait.ge @!p4 [sflag:s3], $0x4000  }
0x109: {  	s0 =	sand.u32 $0xFF, s15;
	[sflag:s3] =	ssyncset.done @!p4 $0x0  }
0x10a: {  	s0 =	sshll.u32 s0, $0x7;
	[sflag:s3] =	ssyncadd.s32 @!p4 $0xFFFFC000  }
0x10b: {  	v0 =	vld [tilespmem:s0+$0x200];
	_ =	sdelay $0x4  }
0x10c: {  	[tilespmem:$0x80] =	vst v0  }
0x10d: {  	v0 =	vld [tilespmem:s0+$0x210];
	_ =	sdelay $0x4  }
0x10e: {  	[tilespmem:$0x90] =	vst v0  }
0x10f: {  	v0 =	vld [tilespmem:s0+$0x220];
	_ =	sdelay $0x4  }
0x110: {  	[tilespmem:$0xA0] =	vst v0  }
0x111: {  	v0 =	vld [tilespmem:s0+$0x230];
	_ =	sdelay $0x4  }
0x112: {  	[tilespmem:$0xB0] =	vst v0  }
0x113: {  	v0 =	vld [tilespmem:s0+$0x240];
	_ =	sdelay $0x4  }
0x114: {  	[tilespmem:$0xC0] =	vst v0  }
0x115: {  	v0 =	vld [tilespmem:s0+$0x250];
	_ =	sdelay $0x4  }
0x116: {  	[tilespmem:$0xD0] =	vst v0  }
0x117: {  	v0 =	vld [tilespmem:s0+$0x260];
	_ =	sdelay $0x4  }
0x118: {  	[tilespmem:$0xE0] =	vst v0  }
0x119: {  	v0 =	vld [tilespmem:s0+$0x270];
	_ =	sdelay $0x4  }
0x11a: {  	[tilespmem:$0xF0] =	vst v0  }
0x11b: {  	v0 =	vld [tilespmem:s0+$0x700];
	_ =	sdelay $0x4  }
0x11c: {  	[tilespmem:$0x180] =	vst v0  }
0x11d: {  	v0 =	vld [tilespmem:s0+$0x710];
	_ =	sdelay $0x4  }
0x11e: {  	[tilespmem:$0x190] =	vst v0  }
0x11f: {  	v0 =	vld [tilespmem:s0+$0x720];
	_ =	sdelay $0x4  }
0x120: {  	[tilespmem:$0x1A0] =	vst v0  }
0x121: {  	v0 =	vld [tilespmem:s0+$0x730];
	_ =	sdelay $0x4  }
0x122: {  	[tilespmem:$0x1B0] =	vst v0  }
0x123: {  	v0 =	vld [tilespmem:s0+$0x740];
	_ =	sdelay $0x4  }
0x124: {  	[tilespmem:$0x1C0] =	vst v0  }
0x125: {  	v0 =	vld [tilespmem:s0+$0x750];
	_ =	sdelay $0x4  }
0x126: {  	[tilespmem:$0x1D0] =	vst v0  }
0x127: {  	v0 =	vld [tilespmem:s0+$0x760];
	_ =	sdelay $0x4  }
0x128: {  	[tilespmem:$0x1E0] =	vst v0  }
0x129: {  	v0 =	vld [tilespmem:s0+$0x770];
	_ =	sdelay $0x4  }
0x12a: {  	[tilespmem:$0x1F0] =	vst v0  }
0x12b: {  	[tilespmem:s19], [sflag:$0x2] =	stream.indirect.gather [hbm4b:s4+s17], $0x80, s17, s17, $0xb8;
	[tilespmem:$0x1D800] =	vst v63  }
0x12c: {  	_ =	swait.ge [sflag:s20], $0x4000  }
0x12d: {  	p0 =	por p1, p1;
	[sflag:s20] =	ssyncset.done $0x0  }
0x12e: {  	s2 =	simm.s32 @!p0 $0x3;
	s16 =	rddreg [dreg:$0x3];
	[sflag:s20] =	ssyncadd.s32 $0xFFFFC000  }
0x12f: {  	[spmem:s1] =	stream.indirect.scatter.add.f32 [tilespmem:s18], [sflag:$0x3], $0x80, s16, s17, $0xb8;
	[tilespmem:$0x1D800] =	vst v63  }
0x130: {  	p1 =	por p2, p0;
	_ =	swait.ge @!p0 [sflag:s2], $0x4000  }
0x131: {  	s3 =	simm.s32 @!p1 $0x200;
	[sflag:s2] =	ssyncset.done @!p0 $0x0  }
0x132: {  	s0 =	simm.s32 @!p1 $0x0;
	[sflag:s2] =	ssyncadd.s32 @!p0 $0xFFFFC000;
	s2 =	simm.s32 @!p1 $0x5  }
0x133: {  	[tilespmem:s3], [sflag:$0x5] =	stream.linear.gather @!p1 [hbm4b:s30+s0], $0x500, $0x38;
	[tilespmem:$0x1D800] =	vst v63  }
0x134: {  	_ =	swait.ge @!p1 [sflag:s2], $0x500  }
0x135: {  	[sflag:s2] =	ssyncset.done @!p1 $0x0  }
0x136: {  	s3 =	simm.s32 @!p1 $0x700;
	[sflag:s2] =	ssyncadd.s32 @!p1 $0xFFFFFB00  }
0x137: {  	[tilespmem:s3], [sflag:$0x5] =	stream.linear.gather @!p1 [hbm4b:s29+s0], $0x500, $0x38;
	[tilespmem:$0x1D800] =	vst v63  }
0x138: {  	_ =	swait.ge @!p1 [sflag:s2], $0x500  }
0x139: {  	[sflag:s2] =	ssyncset.done @!p1 $0x0  }
0x13a: {  	s0 =	sshll.u32 @!p0 s28, $0x7;
	[sflag:s2] =	ssyncadd.s32 @!p1 $0xFFFFFB00  }
0x13b: {  	v0 =	vld @!p0 [tilespmem:s0+$0x200];
	_ =	sdelay $0x4  }
0x13c: {  	[tilespmem:$0x0] =	vst @!p0 v0  }
0x13d: {  	v0 =	vld @!p0 [tilespmem:s0+$0x210];
	_ =	sdelay $0x4  }
0x13e: {  	[tilespmem:$0x10] =	vst @!p0 v0  }
0x13f: {  	v0 =	vld @!p0 [tilespmem:s0+$0x220];
	_ =	sdelay $0x4  }
0x140: {  	[tilespmem:$0x20] =	vst @!p0 v0  }
0x141: {  	v0 =	vld @!p0 [tilespmem:s0+$0x230];
	_ =	sdelay $0x4  }
0x142: {  	[tilespmem:$0x30] =	vst @!p0 v0  }
0x143: {  	v0 =	vld @!p0 [tilespmem:s0+$0x240];
	_ =	sdelay $0x4  }
0x144: {  	[tilespmem:$0x40] =	vst @!p0 v0  }
0x145: {  	v0 =	vld @!p0 [tilespmem:s0+$0x250];
	_ =	sdelay $0x4  }
0x146: {  	[tilespmem:$0x50] =	vst @!p0 v0  }
0x147: {  	v0 =	vld @!p0 [tilespmem:s0+$0x260];
	_ =	sdelay $0x4  }
0x148: {  	[tilespmem:$0x60] =	vst @!p0 v0  }
0x149: {  	v0 =	vld @!p0 [tilespmem:s0+$0x270];
	_ =	sdelay $0x4  }
0x14a: {  	[tilespmem:$0x70] =	vst @!p0 v0  }
0x14b: {  	v0 =	vld @!p0 [tilespmem:s0+$0x700];
	_ =	sdelay $0x4  }
0x14c: {  	[tilespmem:$0x100] =	vst @!p0 v0  }
0x14d: {  	v0 =	vld @!p0 [tilespmem:s0+$0x710];
	_ =	sdelay $0x4  }
0x14e: {  	[tilespmem:$0x110] =	vst @!p0 v0  }
0x14f: {  	v0 =	vld @!p0 [tilespmem:s0+$0x720];
	_ =	sdelay $0x4  }
0x150: {  	[tilespmem:$0x120] =	vst @!p0 v0  }
0x151: {  	v0 =	vld @!p0 [tilespmem:s0+$0x730];
	_ =	sdelay $0x4  }
0x152: {  	[tilespmem:$0x130] =	vst @!p0 v0  }
0x153: {  	v0 =	vld @!p0 [tilespmem:s0+$0x740];
	_ =	sdelay $0x4  }
0x154: {  	[tilespmem:$0x140] =	vst @!p0 v0  }
0x155: {  	v0 =	vld @!p0 [tilespmem:s0+$0x750];
	_ =	sdelay $0x4  }
0x156: {  	[tilespmem:$0x150] =	vst @!p0 v0  }
0x157: {  	v0 =	vld @!p0 [tilespmem:s0+$0x760];
	_ =	sdelay $0x4  }
0x158: {  	[tilespmem:$0x160] =	vst @!p0 v0  }
0x159: {  	v0 =	vld @!p0 [tilespmem:s0+$0x770];
	_ =	sdelay $0x4  }
0x15a: {  	s3 =	simm.s32 @!p0 $0x80;
	s2 =	simm.s32 @!p0 $0xC00;
	s0 =	simm.s32 @!p0 $0x0;
	[tilespmem:$0x170] =	vst @!p0 v0  }
0x15b: {  	[tilespmem:s2], [sflag:$0x1] =	stream.indirect.gather @!p0 [hbm4b:s4+s3], $0x80, s0, s3, $0xb8;
	[tilespmem:$0x1D800] =	vst v63  }
0x15c: {  	_ =	swait.ge [sflag:s21], $0x4000  }
0x15d: {  	[sflag:s21] =	ssyncset.done $0x0  }
0x15e: {  	s30 =	rddreg [dreg:$0x4];
	[sflag:s21] =	ssyncadd.s32 $0xFFFFC000  }
0x15f: {  	[spmem:s1] =	stream.indirect.scatter.add.f32 [tilespmem:s19], [sflag:$0x4], $0x80, s30, s17, $0xb8;
	[tilespmem:$0x1D800] =	vst v63  }
0x160: {  	_ =	swait.ge [sflag:s22], $0x4000  }
0x161: {  	[sflag:s22] =	ssyncset.done $0x0  }
0x162: {  	[sflag:s22] =	ssyncadd.s32 $0xFFFFC000  }
0x163: {  	_ =	swait.ge [sflag:s24], $0x4000  }
0x164: {  	s26 =	sadd.s32 $0x1, s26;
	s31 =	stileid.u32;
	[sflag:s24] =	ssyncset.done $0x0  }
0x165: {  	s0 =	sshll.u32 s31, $0x6;
	p0 =	sne.s32 s26, s10;
	[sflag:s24] =	ssyncadd.s32 $0xFFFFC000  }
.Ltmp3:
0x166: {  	s0 =	sor.u32 $0x1C05, s0;
	[bflag:$0x0] =	sbarrier.arrive $0xFFFF;
	(pc) =	sbr.rel @p0 .LBB2_1-.Ltmp3, $4  }
0x167: {  	[hbm:s23], [sflag:s0] =	dma.local [spmem:s25], $0x2800  }
0x168: {  	_ =	swait.ge [sflag:s14], $0x2800  }
0x169: {  	[sflag:s14] =	ssyncset.done $0x0  }
0x16a: {  	[sflag:s14] =	ssyncadd.s32 $0xFFFFD800  }
0x16b: {  	_ =	sfence.sel $0x180000  }
0x16c: {  	[bflag:$0x0] =	sbarrier.arrive $0xFFFF  }
0x16d: {  	_ =	strace $0x9000004A  }
0x16e: {  	s0 =	stileid.u32;
	[bflag:$0x2] =	sbarrier.arrive $0xFFFF  }
0x16f: {  	p0 =	sne.s32 s0, $0x0;
	s0 =	rddreg [dreg:$0x2]  }
0x170: {  	s0 =	sadd.s32 @!p0 $0x100000, s0  }
0x171: {  	[sflag:s0] =	ssyncadd.tile.s32 @!p0 $0x1;
	_ =	shalt  }
.Lfunc_end2:
_tile_overlayer_lowered:
.L_overlay_start_2:
0x172: {  	(tag) =	ssettag $0x2  }
0x173: {  	s0 =	rddreg [dreg:$0x0];
	s2 =	stileid.u32  }
0x174: {  	s1 =	rddreg [dreg:$0x1];
	p0 =	sne.s32 s2, $0x0  }
0x175: {  	s3 =	rddreg [dreg:$0x2];
	[bflag:$0x3] =	sbarrier.arrive $0xFFFF;
	s2 =	simm.s32 @!p0 $0x1C05  }
0x176: {  	[timem:s3], [sflag:s2] =	dma.local @!p0 [hbm:s0], s1  }
0x177: {  	s0 =	simm.s32 @!p0 $0x5  }
0x178: {  	_ =	swait.ge @!p0 [sflag:s0], s1  }
0x179: {  	s1 =	ssub.s32 @!p0 $0x0, s1;
	[sflag:s0] =	ssyncset.done @!p0 $0x0  }
0x17a: {  	[sflag:s0] =	ssyncadd.s32 @!p0 s1  }
0x17b: {  	[bflag:$0x3] =	sbarrier.arrive $0xFFFF  }
0x17c: {  	_ =	shalt  }

// kernel: kernel.18.cloned.1.call-start
scs
__scs_entry_jumppad:
0x0: {  	(pc) =	sbr.rel $0x88, $3  }
0x1: {  	(tag) =	ssettag $0x0;
	lr =	simm.s32 $0x1  }
0x2: {  	[smem:$0x3F97] =	sst lr;
	_ =	strace $0xD0000000  }
0x3: {  	_ = 	snop  }
0x4: {  	_ = 	snop  }
0x5: {  	_ = 	snop  }
0x6: {  	_ = 	snop  }
0x7: {  	_ = 	snop  }
__scs_overlays_trampoline_lowered:
0x8: {  	[smem:$0x3FA6] =	sst s0  }
0x9: {  	[smem:$0x3FA7] =	sst s1  }
0xa: {  	[smem:$0x3FA8] =	sst s2  }
0xb: {  	[smem:$0x3FA9] =	sst s3  }
0xc: {  	[smem:$0x3FAA] =	sst s4  }
0xd: {  	[smem:$0x3FAB] =	sst s5  }
0xe: {  	[smem:$0x3FAC] =	sst s6  }
0xf: {  	[smem:$0x3FAD] =	sst s7  }
0x10: {  	[smem:$0x3FAE] =	sst s8  }
0x11: {  	[smem:$0x3FAF] =	sst s9;
	s0 =	simm.s32 @!p0 $0x0  }
0x12: {  	s1 =	sld [smem:$0x3F95];
	s0 =	simm.s32 @p0 $0x1  }
0x13: {  	[smem:$0x3FB0] =	sst s0;
	s0 =	simm.s32 @!p1 $0x0  }
0x14: {  	s2 =	sld [smem:$0x3F94];
	s0 =	simm.s32 @p1 $0x1  }
0x15: {  	[smem:$0x3FB1] =	sst s0;
	s0 =	simm.s32 @!p2 $0x0  }
0x16: {  	s3 =	sld [smem:$0x3FDB];
	s0 =	simm.s32 @p2 $0x1  }
0x17: {  	s4 =	simm.s32 $0x1BF5;
	[smem:$0x3FB3] =	sst s0  }
0x18: {  	s0 =	sld [smem:$0x3F96];
	_ =	swait.ge [sflag:s4], $0x0  }
0x19: {  	s7 =	sld [smem:$0x3F97]  }
0x1a: {  	s8 =	sadd.s32 $0xFFFFE003, lr  }
0x1b: {  	s9 =	sadd.s32 $0xFFFFFEF7, lr;
	s5 =	simm.s32 $0xFFFFFFFF;
	p2 =	slt.u32 s8, $0xFFFFF086  }
0x1c: {  	p1 =	slt.u32 s9, $0xF7A;
	s5 =	simm.s32 @!p2 $0x0  }
0x1d: {  	s5 =	simm.s32 @p1 $0x1;
	p0 =	seq.s32 s7, s2  }
0x1e: {  	s7 =	smul.u32 @!p0 $0xF7A, s2;
	p2 =	seq.s32 @!p0 s5, $0x0  }
0x1f: {  	s9 =	smul.u32 $0xF7A, s1;
	s8 =	simm.s32 @!p0 $0x1BF5;
	p2 =	por !p2, p0  }
0x20: {  	[sflag:s8] =	ssyncset.s32 @!p0 $0xFFFFF086;
	s6 =	sadd.s32 @!p0 s3, s7;
	s7 =	simm.s32 @!p0 $0x108  }
0x21: {  	s3 =	sadd.s32 s3, s9;
	s6 =	sadd.s32 @!p0 $0x88, s6;
	s7 =	simm.s32 @p2 $0x1082  }
0x22: {  	[simem:s7], [sflag:s8] =	dma.local @!p0 [hbm:s6], $0xF7A  }
0x23: {  	s9 =	sor.u32 $0xD0000000, s2;
	s6 =	simm.s32 $0x108;
	_ =	swait.ge @!p0 [sflag:s8], $0x0  }
0x24: {  	s3 =	sadd.s32 $0x88, s3;
	s6 =	simm.s32 @!p1 $0x1082;
	[sflag:s4] =	ssyncset.s32 $0xFFFFF086  }
0x25: {  	[simem:s6], [sflag:s4] =	dma.local [hbm:s3], $0xF7A  }
0x26: {  	[smem:$0x3F97] =	sst s1;
	(tag) =	ssettag s2;
	_ =	strace s9  }
0x27: {  	s1 =	sld [smem:$0x3FA7]  }
0x28: {  	s2 =	sld [smem:$0x3FA8]  }
0x29: {  	s4 =	sld [smem:$0x3FAA]  }
0x2a: {  	p0 =	seq.s32 s5, $0x0;
	s5 =	sld [smem:$0x3FAB]  }
0x2b: {  	s6 =	sld [smem:$0x3FAC]  }
0x2c: {  	s7 =	sld [smem:$0x3FAD]  }
0x2d: {  	s3 =	simm.s32 $0x108;
	s8 =	sld [smem:$0x3FAE]  }
0x2e: {  	s3 =	simm.s32 @!p0 $0x1082;
	s9 =	sld [smem:$0x3FAF]  }
0x2f: {  	lr =	sadd.s32 s0, s3;
	s0 =	sld [smem:$0x3FA6]  }
0x30: {  	s3 =	sld [smem:$0x3FA9]  }
0x31: {  	[smem:$0x3FB2] =	sst s10  }
0x32: {  	s10 =	sld [smem:$0x3FB0];
	_ =	sdelay $0x3  }
0x33: {  	p0 =	seq.s32 s10, $0x1;
	s10 =	sld [smem:$0x3FB2];
	_ =	sdelay $0x3  }
0x34: {  	[smem:$0x3FB2] =	sst s10  }
0x35: {  	s10 =	sld [smem:$0x3FB1];
	_ =	sdelay $0x3  }
0x36: {  	p1 =	seq.s32 s10, $0x1;
	s10 =	sld [smem:$0x3FB2];
	_ =	sdelay $0x3  }
0x37: {  	[smem:$0x3FB2] =	sst s10  }
0x38: {  	s10 =	sld [smem:$0x3FB3]  }
0x39: {  	_ = 	snop;
	(pc) =	sbr.ind lr, $3  }
0x3a: {  	_ = 	snop  }
0x3b: {  	_ = 	snop  }
0x3c: {  	p2 =	seq.s32 s10, $0x1;
	s10 =	sld [smem:$0x3FB2]  }
0x3d: {  	_ =	shalt  }
0x3e: {  	_ =	shalt  }
0x3f: {  	_ =	shalt  }
0x40: {  	_ =	shalt  }
0x41: {  	_ =	shalt  }
0x42: {  	_ =	shalt  }
0x43: {  	_ =	shalt  }
0x44: {  	_ =	shalt  }
0x45: {  	_ =	shalt  }
0x46: {  	_ =	shalt  }
0x47: {  	_ =	shalt  }
0x48: {  	_ =	shalt  }
0x49: {  	_ =	shalt  }
0x4a: {  	_ =	shalt  }
0x4b: {  	_ =	shalt  }
0x4c: {  	_ =	shalt  }
0x4d: {  	_ =	shalt  }
0x4e: {  	_ =	shalt  }
0x4f: {  	_ =	shalt  }
0x50: {  	_ =	shalt  }
0x51: {  	_ =	shalt  }
0x52: {  	_ =	shalt  }
0x53: {  	_ =	shalt  }
0x54: {  	_ =	shalt  }
0x55: {  	_ =	shalt  }
0x56: {  	_ =	shalt  }
0x57: {  	_ =	shalt  }
0x58: {  	_ =	shalt  }
0x59: {  	_ =	shalt  }
0x5a: {  	_ =	shalt  }
0x5b: {  	_ =	shalt  }
0x5c: {  	_ =	shalt  }
0x5d: {  	_ =	shalt  }
0x5e: {  	_ =	shalt  }
0x5f: {  	_ =	shalt  }
0x60: {  	_ =	shalt  }
0x61: {  	_ =	shalt  }
0x62: {  	_ =	shalt  }
0x63: {  	_ =	shalt  }
0x64: {  	_ =	shalt  }
0x65: {  	_ =	shalt  }
0x66: {  	_ =	shalt  }
0x67: {  	_ =	shalt  }
0x68: {  	_ =	shalt  }
0x69: {  	_ =	shalt  }
0x6a: {  	_ =	shalt  }
0x6b: {  	_ =	shalt  }
0x6c: {  	_ =	shalt  }
0x6d: {  	_ =	shalt  }
0x6e: {  	_ =	shalt  }
0x6f: {  	_ =	shalt  }
0x70: {  	_ =	shalt  }
0x71: {  	_ =	shalt  }
0x72: {  	_ =	shalt  }
0x73: {  	_ =	shalt  }
0x74: {  	_ =	shalt  }
0x75: {  	_ =	shalt  }
0x76: {  	_ =	shalt  }
0x77: {  	_ =	shalt  }
0x78: {  	_ =	shalt  }
0x79: {  	_ =	shalt  }
0x7a: {  	_ =	shalt  }
0x7b: {  	_ =	shalt  }
0x7c: {  	_ =	shalt  }
0x7d: {  	_ =	shalt  }
0x7e: {  	_ =	shalt  }
0x7f: {  	_ =	shalt  }
0x80: {  	_ =	shalt  }
0x81: {  	_ =	shalt  }
0x82: {  	_ =	shalt  }
0x83: {  	_ =	shalt  }
0x84: {  	_ =	shalt  }
0x85: {  	_ =	shalt  }
0x86: {  	_ =	shalt  }
0x87: {  	_ =	shalt  }
.Lfunc_end0:
.L_simem_size_0:
called_computation.2_lowered:
.L_overlay_start_0:
0x88: {  	s2 =	sld [smem:$0x3FD9]  }
0x89: {  	s3 =	sld [smem:$0x3FFE];
	_ =	sdelay $0x1  }
0x8a: {  	s1 =	srdreg.scid  }
0x8b: {  	s0 =	sand.u32 $0x1, s1  }
0x8c: {  	s16 =	sshll.u32 s0, $0xA;
	s2 =	sadd.s32 s3, s2  }
0x8d: {  	s2 =	sadd.s32 s2, s16  }
0x8e: {  	[smem:$0x3FBE] =	sst s2  }
0x8f: {  	_ = 	snop  }
0x90: {  	(tm) =	ssettm $0x1  }
0x91: {  	s17 =	sld [smem:$0x3FFB];
	_ =	sdelay $0x3  }
0x92: {  	_ =	strace s17  }
0x93: {  	s2 =	sld [smem:$0x3FFC];
	_ =	sdelay $0x3  }
0x94: {  	_ =	strace s2  }
0x95: {  	s2 =	sld [smem:$0x3FFD];
	_ =	sdelay $0x3  }
0x96: {  	_ =	strace s2  }
0x97: {  	_ =	strace $0x8FFFFFFF  }
0x98: {  	s18 =	sld [smem:$0x3FDB];
	_ =	sdelay $0x1  }
0x99: {  	s19 =	simm.s32 $_scs_section_size  }
0x9a: {  	s4 =	simm.s32 $_size__tile_overlayer_lowered;
	s5 =	simm.s32 $_tile_overlayer_lowered  }
0x9b: {  	s22 =	simm.s32 $0x1BFF;
	s21 =	sshll.u32 s5, $0x1;
	s2 =	sadd.s32 s19, s18  }
0x9c: {  	s6 =	simm.s32 $0x0;
	s20 =	sshll.u32 s4, $0x1;
	s4 =	sadd.s32 s21, s2  }
0x9d: {  	[timem:s6], [sflag:s22] =	dma.local [hbm:s4], s20  }
0x9e: {  	_ =	swait.ge [sflag:s22], s20  }
0x9f: {  	s3 =	ssub.s32 $0x0, s20;
	[sflag:s22] =	ssyncset.done $0x0  }
0xa0: {  	[sflag:s22] =	ssyncadd.s32 s3;
	_ =	sdelay $0x1  }
0xa1: {  	s23 =	simm.s32 $0x1B8B  }
0xa2: {  	_ =	swait.ge [sflag:s23], $0x1  }
0xa3: {  	[sflag:s23] =	ssyncset.done $0x0  }
0xa4: {  	s25 =	simm.s32 $0x1B8E;
	s24 =	sld [smem:$0x3FFE];
	[sflag:s23] =	ssyncadd.s32 $0xFFFFFFFF  }
0xa5: {  	s26 =	simm.s32 $execute0_lowered;
	[smem:$0x3FD2] =	sst s25  }
0xa6: {  	s4 =	sshll.u32 s26, $0x1;
	_ =	strace $0x8000004C;
	[dreg:$0x1] =	wrdreg $0xFFFFFFFF  }
0xa7: {  	s28 =	simm.s32 $_size_execute0_lowered;
	s2 =	sadd.s32 s2, s4;
	[dreg:$0x0] =	wrdreg $0x0  }
0xa8: {  	s4 =	sshll.u32 s28, $0x1;
	[dreg:$0x2] =	wrdreg s2  }
0xa9: {  	[dreg:$0x3] =	wrdreg s4  }
0xaa: {  	[dreg:$0x4] =	wrdreg $0xC0  }
0xab: {  	_ =	task [dreg:s6], $0x5FFFF  }
0xac: {  	[dreg:$0x1] =	wrdreg $0xFFFFFFFF  }
0xad: {  	[dreg:$0x0] =	wrdreg $0x60  }
0xae: {  	[dreg:$0x2] =	wrdreg s24  }
0xaf: {  	[dreg:$0x3] =	wrdreg $0x9  }
0xb0: {  	_ =	task.clear_ibuf [dreg:s6], $0x4FFFF;
	_ =	strace $0x9000004C  }
0xb1: {  	s29 =	simm.s32 $0x9;
	_ =	strace $0x8000004E  }
0xb2: {  	_ =	swait.ge [sflag:s29], $0x1  }
0xb3: {  	[sflag:s29] =	ssyncadd.s32 $0xFFFFFFFF  }
0xb4: {  	_ =	strace $0x9000004E  }
0xb5: {  	_ =	sfence  }
0xb6: {  	s30 =	sld [smem:$0x0];
	_ =	sdelay $0x2  }
0xb7: {  	s31 =	sshll.u32 s1, $0xD;
	s1 =	sshrl.u32 s1, $0x2  }
0xb8: {  	s3 =	sand.u32 $0x4000, s31;
	s1 =	sadd.s32 s1, s30  }
0xb9: {  	s0 =	sor.u32 s3, s0;
	s1 =	sshll.u32 s1, $0x11  }
0xba: {  	s0 =	sor.u32 s1, s0  }
0xbb: {  	s0 =	sadd.s32 $0x8F2B, s0  }
0xbc: {  	[sflag:s0] =	ssyncadd.remote.s32 $0x1  }
0xbd: {  	_ =	sfence.sel $0xFFFF  }
0xbe: {  	[dreg:$0x0] =	wrdreg $0xFFFFFFFF;
	(pc) =	sbr.abs _section_cstart, $3  }
0xbf: {  	[dreg:$0x1] =	wrdreg $0xFFFFFFFF  }
0xc0: {  	_ =	task.clear_ibuf [dreg:s6], $0x2FFFF;
	_ =	strace $0x9FFFFFFF  }
0xc1: {  	(tm) =	ssettm $0x7FFFFFFF  }
tec
execute0_lowered:
.L_overlay_start_1:
0x0: {  	(tag) =	ssettag $0x1  }
0x1: {  	s4 =	rddreg [dreg:$0x0];
	s1 =	stileid.u32  }
0x2: {  	s2 =	srdreg.scid;
	s0 =	rddreg [dreg:$0x1];
	s14 =	simm.s32 $0x2980  }
0x3: {  	s15 =	simm.s32 $0x5180;
	s16 =	simm.s32 $0x7980;
	s17 =	simm.s32 $0x80  }
0x4: {  	s18 =	simm.s32 $0x400;
	s19 =	simm.s32 $0xA200;
	s20 =	simm.s32 $0x0  }
0x5: {  	s3 =	smul.u32 $0xA00, s1;
	s5 =	sand.u32 $0x1, s2;
	s6 =	sshrl.u32 s1, $0x2  }
0x6: {  	s7 =	sshll.u32 s1, $0x8;
	s2 =	simm.s32 $0x0;
	s28 =	smul.u32 $0x14000, s6  }
0x7: {  	s8 =	sshll.u32 s5, $0x7;
	s10 =	sshll.u32 s6, $0xA;
	s6 =	smul.u32 $0x14400, s6  }
0x8: {  	[smem:$0x7FF] =	sst s2;
	s30 =	ssub.s32 $0x2, s5;
	s13 =	smul.u32 $0x500, s5  }
0x9: {  	s7 =	sor.u32 s8, s7;
	_ =	strace $0x8000004D;
	s9 =	sadd.s32 s3, s4  }
0xa: {  	s3 =	sadd.s32 $0xCA00, s4;
	s11 =	sshrl.u32 s30, $0x1;
	s7 =	sand.u32 $0x380, s7  }
0xb: {  	s11 =	ssub.s32 s30, s11;
	s31 =	sadd.s32 s13, s9;
	s13 =	simm.s32 $0x2900  }
0xc: {  	s29 =	sor.u32 s28, s7;
	s10 =	sor.u32 s10, s7;
	s6 =	sor.u32 s6, s7  }
0xd: {  	s9 =	sadd.s32 $0x2800, s31;
	s8 =	sshrl.u32 s29, $0x3;
	s10 =	sshrl.u32 s10, $0x3  }
0xe: {  	s6 =	sshrl.u32 s6, $0x3;
	s8 =	sadd.s32 s8, s4;
	s10 =	sadd.s32 s10, s4  }
0xf: {  	s12 =	sadd.s32 s6, s4;
	s4 =	sadd.s32 $0x7AC00, s8;
	s5 =	sadd.s32 $0x84C00, s8  }
0x10: {  	v0 =	vimm.f32 $0.0e+00;
	v1 =	vimm.s32 $0x0;
	s6 =	sadd.s32 $0xD000, s10;
	s7 =	sadd.s32 $0x70A00, s12;
	s8 =	smax.u32 s11, $0x1  }
0x11: {  	v2 =	vimm.s32 $0x2800;
	v3 =	vimm.f32 $1.000000000e+00;
	vm0 =	vcmask $0x300;
	s10 =	sadd.s32 $0x16A00, s31;
	s11 =	simm.s32 $0x1;
	s12 =	simm.s32 $0x2880  }
.LBB2_1:
0x12: {  	s21 =	simm.s32 $0x40;
	s22 =	simm.s32 $0x0  }
.LBB2_2:
0x13: {  	p0 =	sne.s32 s21, $0xA1C0;
	[tilespmem:s22+$0x7980] =	vst v0;
	s22 =	smov.u32 s21;
	s21 =	sadd.s32 $0x40, s21  }
.Ltmp0:
0x14: {  	(pc) =	sbr.rel @p0 .LBB2_2-.Ltmp0, $2  }
0x15: {  	_ =	sdelay $0x2  }
0x16: {  	s22 =	sshra.s32 s22, $0x2  }
0x17: {  	[tilespmem:s22+$0x7980] =	vst v0;
	s21 =	simm.s32 $0x0  }
0x18: {  	[tilespmem:s21], [sflag:$0x1] =	stream.linear.gather [hbm4b:s3+s21], $0x2800, $0x38;
	[tilespmem:$0xA280] =	vst v63  }
0x19: {  	_ =	swait.ge [sflag:s11], $0x2800  }
0x1a: {  	[sflag:s11] =	ssyncset.done $0x0  }
0x1b: {  	[sflag:s11] =	ssyncadd.s32 $0xFFFFD800  }
0x1c: {  	s22 =	simm.s32 $0x40;
	s23 =	simm.s32 $0x0;
	[tilespmem:$0x2800] =	vst v1  }
.LBB2_4:
0x1d: {  	p0 =	sne.s32 s22, $0x9FC0;
	[tilespmem:s23+$0x2980] =	vst v1;
	s24 =	smov.u32 s22;
	s22 =	sadd.s32 $0x40, s22  }
.Ltmp1:
0x1e: {  	[tilespmem:s23+$0x5180] =	vst v2;
	(pc) =	sbr.rel @p0 .LBB2_4-.Ltmp1, $2  }
0x1f: {  	_ =	sdelay $0x2  }
0x20: {  	s23 =	sshra.s32 s24, $0x2  }
0x21: {  	[tilespmem:s23+$0x2980] =	vst v1  }
0x22: {  	[tilespmem:s23+$0x5180] =	vst v2;
	s22 =	simm.s32 $0x0  }
.LBB2_6:
0x23: {  	s23 =	sadd.s32 s21, s10  }
0x24: {  	[tilespmem:s12], [sflag:$0x1] =	stream.linear.gather [hbm4b:s23+s2], $0x80, $0x38;
	[tilespmem:$0xA280] =	vst v63  }
0x25: {  	_ =	swait.ge [sflag:s11], $0x80  }
0x26: {  	[sflag:s11] =	ssyncset.done $0x0  }
0x27: {  	s30 =	sadd.s32 s21, s9;
	[sflag:s11] =	ssyncadd.s32 $0xFFFFFF80  }
0x28: {  	[tilespmem:s13], [sflag:$0x1] =	stream.linear.gather [hbm4b:s30+s2], $0x80, $0x38;
	[tilespmem:$0xA280] =	vst v63  }
0x29: {  	_ =	swait.ge [sflag:s11], $0x80  }
0x2a: {  	[sflag:s11] =	ssyncset.done $0x0  }
0x2b: {  	[sflag:s11] =	ssyncadd.s32 $0xFFFFFF80  }
0x2c: {  	v4 =	vld [tilespmem:$0x2880]  }
0x2d: {  	v5 =	vld [tilespmem:$0x2900];
	_ =	sdelay $0x6  }
0x2e: {  	v6 =	vld.idx.msk [tilespmem:v4+s2+$0x0], $0xffff  }
0x2f: {  	v7 =	vld.idx.msk [tilespmem:v5+s2+$0x0], $0xffff;
	_ =	sdelay $0x4  }
0x30: {  	v6 =	vmul.u32 v6, v7;
	_ =	sdelay $0x1  }
0x31: {  	(xrf0) =	vadd.scan.msk.s32 $0xffff, v6;
	_ =	sdelay $0x2  }
0x32: {  	v33 =	vmov s22  }
0x33: {  	v7 =	vadd.s32 $0xFFFFFFFF, v33  }
0x34: {  	v7 =	vbroadcast v7, $0x0  }
0x35: {  	vm1 =	veq.s32 v6, $0x1;
	v34, _, _ =	vpop (xrf0)  }
0x36: {  	v7 =	vadd.s32 v34, v7;
	_ =	sdelay $0x1  }
0x37: {  	v8 =	vnsel vm1, $0x2800, v5;
	_ =	sdelay $0x2  }
0x38: {  	[tilespmem:v7+s14+$0x0] =	vst.idx.msk vm1, v4  }
0x39: {  	[tilespmem:v7+s15+$0x0] =	vst.idx.msk vm1, v5  }
0x3a: {  	[tilespmem:v8+s16+$0x0] =	vst.idx.add.f32.msk $0xffff, v3  }
0x3b: {  	v4 =	vld [tilespmem:$0x2890]  }
0x3c: {  	v5 =	vld [tilespmem:$0x2910]  }
0x3d: {  	(v2sf) =	vpush v34, $0xF;
	_ =	sdelay $0x5  }
0x3e: {  	v35 =	vld.idx.msk [tilespmem:v4+s2+$0x0], $0xffff  }
0x3f: {  	v7 =	vld.idx.msk [tilespmem:v5+s2+$0x0], $0xffff;
	_ =	sdelay $0x4  }
0x40: {  	v6 =	vmul.u32 v35, v7;
	_ =	sdelay $0x1  }
0x41: {  	(xrf0) =	vadd.scan.msk.s32 $0xffff, v6  }
0x42: {  	s31 =	spop (v2sf)  }
0x43: {  	s23 =	sadd.s32 s22, s31  }
0x44: {  	v36 =	vmov s23  }
0x45: {  	v7 =	vadd.s32 $0xFFFFFFFF, v36  }
0x46: {  	v7 =	vbroadcast v7, $0x0  }
0x47: {  	vm1 =	veq.s32 v6, $0x1;
	v37, _, _ =	vpop (xrf0)  }
0x48: {  	v7 =	vadd.s32 v37, v7;
	_ =	sdelay $0x1  }
0x49: {  	v38 =	vnsel vm1, $0x2800, v5;
	_ =	sdelay $0x2  }
0x4a: {  	[tilespmem:v7+s14+$0x0] =	vst.idx.msk vm1, v4  }
0x4b: {  	[tilespmem:v7+s15+$0x0] =	vst.idx.msk vm1, v5  }
0x4c: {  	[tilespmem:v38+s16+$0x0] =	vst.idx.add.f32.msk $0xffff, v3  }
0x4d: {  	v4 =	vld [tilespmem:$0x28A0]  }
0x4e: {  	v5 =	vld [tilespmem:$0x2920]  }
0x4f: {  	(v2sf) =	vpush v37, $0xF;
	_ =	sdelay $0x5  }
0x50: {  	v39 =	vld.idx.msk [tilespmem:v4+s2+$0x0], $0xffff  }
0x51: {  	v7 =	vld.idx.msk [tilespmem:v5+s2+$0x0], $0xffff;
	_ =	sdelay $0x4  }
0x52: {  	v6 =	vmul.u32 v39, v7;
	_ =	sdelay $0x1  }
0x53: {  	(xrf0) =	vadd.scan.msk.s32 $0xffff, v6  }
0x54: {  	s24 =	spop (v2sf)  }
0x55: {  	s22 =	sadd.s32 s23, s24  }
0x56: {  	v40 =	vmov s22  }
0x57: {  	v7 =	vadd.s32 $0xFFFFFFFF, v40  }
0x58: {  	v7 =	vbroadcast v7, $0x0  }
0x59: {  	vm1 =	veq.s32 v6, $0x1;
	v41, _, _ =	vpop (xrf0)  }
0x5a: {  	v7 =	vadd.s32 v41, v7;
	_ =	sdelay $0x1  }
0x5b: {  	v42 =	vnsel vm1, $0x2800, v5;
	_ =	sdelay $0x2  }
0x5c: {  	[tilespmem:v7+s14+$0x0] =	vst.idx.msk vm1, v4  }
0x5d: {  	[tilespmem:v7+s15+$0x0] =	vst.idx.msk vm1, v5  }
0x5e: {  	[tilespmem:v42+s16+$0x0] =	vst.idx.add.f32.msk $0xffff, v3  }
0x5f: {  	v4 =	vld [tilespmem:$0x28B0]  }
0x60: {  	v5 =	vld [tilespmem:$0x2930]  }
0x61: {  	(v2sf) =	vpush v41, $0xF;
	_ =	sdelay $0x5  }
0x62: {  	v43 =	vld.idx.msk [tilespmem:v4+s2+$0x0], $0xffff  }
0x63: {  	v7 =	vld.idx.msk [tilespmem:v5+s2+$0x0], $0xffff;
	_ =	sdelay $0x4  }
0x64: {  	v6 =	vmul.u32 v43, v7;
	_ =	sdelay $0x1  }
0x65: {  	(xrf0) =	vadd.scan.msk.s32 $0xffff, v6  }
0x66: {  	s25 =	spop (v2sf)  }
0x67: {  	s22 =	sadd.s32 s22, s25  }
0x68: {  	v44 =	vmov s22  }
0x69: {  	v7 =	vadd.s32 $0xFFFFFFFF, v44  }
0x6a: {  	v7 =	vbroadcast v7, $0x0  }
0x6b: {  	vm1 =	veq.s32 v6, $0x1;
	v45, _, _ =	vpop (xrf0)  }
0x6c: {  	v7 =	vadd.s32 v45, v7;
	_ =	sdelay $0x1  }
0x6d: {  	v46 =	vnsel vm1, $0x2800, v5;
	_ =	sdelay $0x2  }
0x6e: {  	[tilespmem:v7+s14+$0x0] =	vst.idx.msk vm1, v4  }
0x6f: {  	[tilespmem:v7+s15+$0x0] =	vst.idx.msk vm1, v5  }
0x70: {  	[tilespmem:v46+s16+$0x0] =	vst.idx.add.f32.msk $0xffff, v3  }
0x71: {  	v4 =	vld [tilespmem:$0x28C0]  }
0x72: {  	v5 =	vld [tilespmem:$0x2940]  }
0x73: {  	(v2sf) =	vpush v45, $0xF;
	_ =	sdelay $0x5  }
0x74: {  	v47 =	vld.idx.msk [tilespmem:v4+s2+$0x0], $0xffff  }
0x75: {  	v7 =	vld.idx.msk [tilespmem:v5+s2+$0x0], $0xffff;
	_ =	sdelay $0x4  }
0x76: {  	v6 =	vmul.u32 v47, v7;
	_ =	sdelay $0x1  }
0x77: {  	(xrf0) =	vadd.scan.msk.s32 $0xffff, v6  }
0x78: {  	s26 =	spop (v2sf)  }
0x79: {  	s22 =	sadd.s32 s22, s26  }
0x7a: {  	v48 =	vmov s22  }
0x7b: {  	v7 =	vadd.s32 $0xFFFFFFFF, v48  }
0x7c: {  	v7 =	vbroadcast v7, $0x0  }
0x7d: {  	vm1 =	veq.s32 v6, $0x1;
	v49, _, _ =	vpop (xrf0)  }
0x7e: {  	v7 =	vadd.s32 v49, v7;
	_ =	sdelay $0x1  }
0x7f: {  	v50 =	vnsel vm1, $0x2800, v5;
	_ =	sdelay $0x2  }
0x80: {  	[tilespmem:v7+s14+$0x0] =	vst.idx.msk vm1, v4  }
0x81: {  	[tilespmem:v7+s15+$0x0] =	vst.idx.msk vm1, v5  }
0x82: {  	[tilespmem:v50+s16+$0x0] =	vst.idx.add.f32.msk $0xffff, v3  }
0x83: {  	v4 =	vld [tilespmem:$0x28D0]  }
0x84: {  	v5 =	vld [tilespmem:$0x2950]  }
0x85: {  	(v2sf) =	vpush v49, $0xF;
	_ =	sdelay $0x5  }
0x86: {  	v51 =	vld.idx.msk [tilespmem:v4+s2+$0x0], $0xffff  }
0x87: {  	v7 =	vld.idx.msk [tilespmem:v5+s2+$0x0], $0xffff;
	_ =	sdelay $0x4  }
0x88: {  	v6 =	vmul.u32 v51, v7;
	_ =	sdelay $0x1  }
0x89: {  	(xrf0) =	vadd.scan.msk.s32 $0xffff, v6  }
0x8a: {  	s28 =	spop (v2sf)  }
0x8b: {  	s22 =	sadd.s32 s22, s28  }
0x8c: {  	v52 =	vmov s22  }
0x8d: {  	v7 =	vadd.s32 $0xFFFFFFFF, v52  }
0x8e: {  	v7 =	vbroadcast v7, $0x0  }
0x8f: {  	vm1 =	veq.s32 v6, $0x1;
	v53, _, _ =	vpop (xrf0)  }
0x90: {  	v7 =	vadd.s32 v53, v7;
	_ =	sdelay $0x1  }
0x91: {  	v54 =	vnsel vm1, $0x2800, v5;
	_ =	sdelay $0x2  }
0x92: {  	[tilespmem:v7+s14+$0x0] =	vst.idx.msk vm1, v4  }
0x93: {  	[tilespmem:v7+s15+$0x0] =	vst.idx.msk vm1, v5  }
0x94: {  	[tilespmem:v54+s16+$0x0] =	vst.idx.add.f32.msk $0xffff, v3  }
0x95: {  	v4 =	vld [tilespmem:$0x28E0]  }
0x96: {  	v5 =	vld [tilespmem:$0x2960]  }
0x97: {  	(v2sf) =	vpush v53, $0xF;
	_ =	sdelay $0x5  }
0x98: {  	v55 =	vld.idx.msk [tilespmem:v4+s2+$0x0], $0xffff  }
0x99: {  	v7 =	vld.idx.msk [tilespmem:v5+s2+$0x0], $0xffff;
	_ =	sdelay $0x4  }
0x9a: {  	v6 =	vmul.u32 v55, v7;
	_ =	sdelay $0x1  }
0x9b: {  	(xrf0) =	vadd.scan.msk.s32 $0xffff, v6  }
0x9c: {  	s29 =	spop (v2sf)  }
0x9d: {  	s22 =	sadd.s32 s22, s29  }
0x9e: {  	v56 =	vmov s22  }
0x9f: {  	v7 =	vadd.s32 $0xFFFFFFFF, v56  }
0xa0: {  	v7 =	vbroadcast v7, $0x0  }
0xa1: {  	vm1 =	veq.s32 v6, $0x1;
	v57, _, _ =	vpop (xrf0)  }
0xa2: {  	v7 =	vadd.s32 v57, v7;
	_ =	sdelay $0x1  }
0xa3: {  	v58 =	vnsel vm1, $0x2800, v5;
	_ =	sdelay $0x2  }
0xa4: {  	[tilespmem:v7+s14+$0x0] =	vst.idx.msk vm1, v4  }
0xa5: {  	[tilespmem:v7+s15+$0x0] =	vst.idx.msk vm1, v5  }
0xa6: {  	[tilespmem:v58+s16+$0x0] =	vst.idx.add.f32.msk $0xffff, v3  }
0xa7: {  	v4 =	vld [tilespmem:$0x28F0]  }
0xa8: {  	v5 =	vld [tilespmem:$0x2970];
	_ =	sdelay $0x6  }
0xa9: {  	v7 =	vld.idx.msk [tilespmem:v4+s2+$0x0], $0xffff  }
0xaa: {  	v8 =	vld.idx.msk [tilespmem:v5+s2+$0x0], $0xffff;
	_ =	sdelay $0x1  }
0xab: {  	(v2sf) =	vpush v57, $0xF;
	_ =	sdelay $0x2  }
0xac: {  	v59 =	vmul.u32 v7, v8;
	_ =	sdelay $0x1  }
0xad: {  	(xrf0) =	vadd.scan.msk.s32 $0xffff, v59;
	_ =	sdelay $0x5  }
0xae: {  	v60, _, _ =	vpop (xrf0)  }
0xaf: {  	(v2sf) =	vpush v60, $0xF;
	_ =	sdelay $0x2  }
0xb0: {  	s30 =	spop (v2sf)  }
0xb1: {  	s22 =	sadd.s32 s22, s30  }
0xb2: {  	v61 =	vmov s22  }
0xb3: {  	v8 =	vadd.s32 $0xFFFFFFFF, v61  }
0xb4: {  	v8 =	vbroadcast v8, $0x0  }
0xb5: {  	vm1 =	veq.s32 v59, $0x1  }
0xb6: {  	v62 =	vadd.s32 v60, v8;
	_ =	sdelay $0x1  }
0xb7: {  	p0 =	sne.s32 s21, $0x4F0;
	v63 =	vnsel vm1, $0x2800, v5  }
.Ltmp2:
0xb8: {  	_ = 	snop;
	(pc) =	sbr.rel @p0 .LBB2_6-.Ltmp2, $4  }
0xb9: {  	_ = 	snop  }
0xba: {  	[tilespmem:v62+s14+$0x0] =	vst.idx.msk vm1, v4  }
0xbb: {  	[tilespmem:v62+s15+$0x0] =	vst.idx.msk vm1, v5;
	s31 =	spop (v2sf)  }
0xbc: {  	s21 =	sadd.s32 $0x10, s21;
	[tilespmem:v63+s16+$0x0] =	vst.idx.add.f32.msk $0xffff, v3;
	s22 =	sadd.s32 s22, s31  }
0xbd: {  	v4 =	vmov s22  }
0xbe: {  	v4 =	vnsel vm0, $0x0, v4  }
0xbf: {  	[tilespmem:$0xA200] =	vst v4  }
0xc0: {  	[hbm4b:s4+s17] =	stream.strided.scatter [tilespmem:s14], [sflag:$0x1], $0x2800, s18, s17, $0x38;
	[tilespmem:$0xA280] =	vst v63  }
0xc1: {  	_ =	swait.ge [sflag:s11], $0x2800  }
0xc2: {  	[sflag:s11] =	ssyncset.done $0x0  }
0xc3: {  	[sflag:s11] =	ssyncadd.s32 $0xFFFFD800  }
0xc4: {  	[hbm4b:s5+s17] =	stream.strided.scatter [tilespmem:s15], [sflag:$0x1], $0x2800, s18, s17, $0x38;
	[tilespmem:$0xA280] =	vst v63  }
0xc5: {  	_ =	swait.ge [sflag:s11], $0x2800  }
0xc6: {  	[sflag:s11] =	ssyncset.done $0x0  }
0xc7: {  	[sflag:s11] =	ssyncadd.s32 $0xFFFFD800  }
0xc8: {  	[hbm4b:s6+s2] =	stream.linear.scatter [tilespmem:s19], [sflag:$0x1], $0x80, $0x38;
	[tilespmem:$0xA280] =	vst v63  }
0xc9: {  	s20 =	sadd.s32 $0x1, s20;
	_ =	swait.ge [sflag:s11], $0x80  }
0xca: {  	p0 =	sne.s32 s20, s8;
	[sflag:s11] =	ssyncset.done $0x0  }
.Ltmp3:
0xcb: {  	[sflag:s11] =	ssyncadd.s32 $0xFFFFFF80;
	(pc) =	sbr.rel @p0 .LBB2_1-.Ltmp3, $4  }
0xcc: {  	[hbm4b:s7+s17] =	stream.strided.scatter [tilespmem:s16], [sflag:$0x1], $0x2880, s18, s17, $0x38;
	[tilespmem:$0xA280] =	vst v63  }
0xcd: {  	_ =	swait.ge [sflag:s11], $0x2880  }
0xce: {  	[sflag:s11] =	ssyncset.done $0x0  }
0xcf: {  	[sflag:s11] =	ssyncadd.s32 $0xFFFFD780  }
0xd0: {  	_ =	sfence.sel $0x180000  }
0xd1: {  	[bflag:$0x0] =	sbarrier.arrive $0xFFFF  }
0xd2: {  	p0 =	sne.s32 s1, $0x0;
	_ =	strace $0x9000004D  }
0xd3: {  	s0 =	sadd.s32 @!p0 $0x100000, s0;
	[bflag:$0x2] =	sbarrier.arrive $0xFFFF  }
0xd4: {  	[sflag:s0] =	ssyncadd.tile.s32 @!p0 $0x1;
	_ =	shalt  }
.Lfunc_end2:
_tile_overlayer_lowered:
.L_overlay_start_2:
0xd5: {  	(tag) =	ssettag $0x2  }
0xd6: {  	s0 =	rddreg [dreg:$0x0];
	s2 =	stileid.u32  }
0xd7: {  	s1 =	rddreg [dreg:$0x1];
	p0 =	sne.s32 s2, $0x0  }
0xd8: {  	s3 =	rddreg [dreg:$0x2];
	[bflag:$0x3] =	sbarrier.arrive $0xFFFF;
	s2 =	simm.s32 @!p0 $0x1C01  }
0xd9: {  	[timem:s3], [sflag:s2] =	dma.local @!p0 [hbm:s0], s1  }
0xda: {  	s0 =	simm.s32 @!p0 $0x1  }
0xdb: {  	_ =	swait.ge @!p0 [sflag:s0], s1  }
0xdc: {  	s1 =	ssub.s32 @!p0 $0x0, s1;
	[sflag:s0] =	ssyncset.done @!p0 $0x0  }
0xdd: {  	[sflag:s0] =	ssyncadd.s32 @!p0 s1  }
0xde: {  	[bflag:$0x3] =	sbarrier.arrive $0xFFFF  }
0xdf: {  	_ =	shalt  }

// kernel: kernel.21.cloned.1.call-start
scs
__scs_entry_jumppad:
0x0: {  	(pc) =	sbr.rel $0x88, $3  }
0x1: {  	(tag) =	ssettag $0x0;
	lr =	simm.s32 $0x1  }
0x2: {  	[smem:$0x3F97] =	sst lr;
	_ =	strace $0xD0000000  }
0x3: {  	_ = 	snop  }
0x4: {  	_ = 	snop  }
0x5: {  	_ = 	snop  }
0x6: {  	_ = 	snop  }
0x7: {  	_ = 	snop  }
__scs_overlays_trampoline_lowered:
0x8: {  	[smem:$0x3FA6] =	sst s0  }
0x9: {  	[smem:$0x3FA7] =	sst s1  }
0xa: {  	[smem:$0x3FA8] =	sst s2  }
0xb: {  	[smem:$0x3FA9] =	sst s3  }
0xc: {  	[smem:$0x3FAA] =	sst s4  }
0xd: {  	[smem:$0x3FAB] =	sst s5  }
0xe: {  	[smem:$0x3FAC] =	sst s6  }
0xf: {  	[smem:$0x3FAD] =	sst s7  }
0x10: {  	[smem:$0x3FAE] =	sst s8  }
0x11: {  	[smem:$0x3FAF] =	sst s9;
	s0 =	simm.s32 @!p0 $0x0  }
0x12: {  	s1 =	sld [smem:$0x3F95];
	s0 =	simm.s32 @p0 $0x1  }
0x13: {  	[smem:$0x3FB0] =	sst s0;
	s0 =	simm.s32 @!p1 $0x0  }
0x14: {  	s2 =	sld [smem:$0x3F94];
	s0 =	simm.s32 @p1 $0x1  }
0x15: {  	[smem:$0x3FB1] =	sst s0;
	s0 =	simm.s32 @!p2 $0x0  }
0x16: {  	s3 =	sld [smem:$0x3FDB];
	s0 =	simm.s32 @p2 $0x1  }
0x17: {  	s4 =	simm.s32 $0x1BF5;
	[smem:$0x3FB3] =	sst s0  }
0x18: {  	s0 =	sld [smem:$0x3F96];
	_ =	swait.ge [sflag:s4], $0x0  }
0x19: {  	s7 =	sld [smem:$0x3F97]  }
0x1a: {  	s8 =	sadd.s32 $0xFFFFE003, lr  }
0x1b: {  	s9 =	sadd.s32 $0xFFFFFEF7, lr;
	s5 =	simm.s32 $0xFFFFFFFF;
	p2 =	slt.u32 s8, $0xFFFFF086  }
0x1c: {  	p1 =	slt.u32 s9, $0xF7A;
	s5 =	simm.s32 @!p2 $0x0  }
0x1d: {  	s5 =	simm.s32 @p1 $0x1;
	p0 =	seq.s32 s7, s2  }
0x1e: {  	s7 =	smul.u32 @!p0 $0xF7A, s2;
	p2 =	seq.s32 @!p0 s5, $0x0  }
0x1f: {  	s9 =	smul.u32 $0xF7A, s1;
	s8 =	simm.s32 @!p0 $0x1BF5;
	p2 =	por !p2, p0  }
0x20: {  	[sflag:s8] =	ssyncset.s32 @!p0 $0xFFFFF086;
	s6 =	sadd.s32 @!p0 s3, s7;
	s7 =	simm.s32 @!p0 $0x108  }
0x21: {  	s3 =	sadd.s32 s3, s9;
	s6 =	sadd.s32 @!p0 $0x88, s6;
	s7 =	simm.s32 @p2 $0x1082  }
0x22: {  	[simem:s7], [sflag:s8] =	dma.local @!p0 [hbm:s6], $0xF7A  }
0x23: {  	s9 =	sor.u32 $0xD0000000, s2;
	s6 =	simm.s32 $0x108;
	_ =	swait.ge @!p0 [sflag:s8], $0x0  }
0x24: {  	s3 =	sadd.s32 $0x88, s3;
	s6 =	simm.s32 @!p1 $0x1082;
	[sflag:s4] =	ssyncset.s32 $0xFFFFF086  }
0x25: {  	[simem:s6], [sflag:s4] =	dma.local [hbm:s3], $0xF7A  }
0x26: {  	[smem:$0x3F97] =	sst s1;
	(tag) =	ssettag s2;
	_ =	strace s9  }
0x27: {  	s1 =	sld [smem:$0x3FA7]  }
0x28: {  	s2 =	sld [smem:$0x3FA8]  }
0x29: {  	s4 =	sld [smem:$0x3FAA]  }
0x2a: {  	p0 =	seq.s32 s5, $0x0;
	s5 =	sld [smem:$0x3FAB]  }
0x2b: {  	s6 =	sld [smem:$0x3FAC]  }
0x2c: {  	s7 =	sld [smem:$0x3FAD]  }
0x2d: {  	s3 =	simm.s32 $0x108;
	s8 =	sld [smem:$0x3FAE]  }
0x2e: {  	s3 =	simm.s32 @!p0 $0x1082;
	s9 =	sld [smem:$0x3FAF]  }
0x2f: {  	lr =	sadd.s32 s0, s3;
	s0 =	sld [smem:$0x3FA6]  }
0x30: {  	s3 =	sld [smem:$0x3FA9]  }
0x31: {  	[smem:$0x3FB2] =	sst s10  }
0x32: {  	s10 =	sld [smem:$0x3FB0];
	_ =	sdelay $0x3  }
0x33: {  	p0 =	seq.s32 s10, $0x1;
	s10 =	sld [smem:$0x3FB2];
	_ =	sdelay $0x3  }
0x34: {  	[smem:$0x3FB2] =	sst s10  }
0x35: {  	s10 =	sld [smem:$0x3FB1];
	_ =	sdelay $0x3  }
0x36: {  	p1 =	seq.s32 s10, $0x1;
	s10 =	sld [smem:$0x3FB2];
	_ =	sdelay $0x3  }
0x37: {  	[smem:$0x3FB2] =	sst s10  }
0x38: {  	s10 =	sld [smem:$0x3FB3]  }
0x39: {  	_ = 	snop;
	(pc) =	sbr.ind lr, $3  }
0x3a: {  	_ = 	snop  }
0x3b: {  	_ = 	snop  }
0x3c: {  	p2 =	seq.s32 s10, $0x1;
	s10 =	sld [smem:$0x3FB2]  }
0x3d: {  	_ =	shalt  }
0x3e: {  	_ =	shalt  }
0x3f: {  	_ =	shalt  }
0x40: {  	_ =	shalt  }
0x41: {  	_ =	shalt  }
0x42: {  	_ =	shalt  }
0x43: {  	_ =	shalt  }
0x44: {  	_ =	shalt  }
0x45: {  	_ =	shalt  }
0x46: {  	_ =	shalt  }
0x47: {  	_ =	shalt  }
0x48: {  	_ =	shalt  }
0x49: {  	_ =	shalt  }
0x4a: {  	_ =	shalt  }
0x4b: {  	_ =	shalt  }
0x4c: {  	_ =	shalt  }
0x4d: {  	_ =	shalt  }
0x4e: {  	_ =	shalt  }
0x4f: {  	_ =	shalt  }
0x50: {  	_ =	shalt  }
0x51: {  	_ =	shalt  }
0x52: {  	_ =	shalt  }
0x53: {  	_ =	shalt  }
0x54: {  	_ =	shalt  }
0x55: {  	_ =	shalt  }
0x56: {  	_ =	shalt  }
0x57: {  	_ =	shalt  }
0x58: {  	_ =	shalt  }
0x59: {  	_ =	shalt  }
0x5a: {  	_ =	shalt  }
0x5b: {  	_ =	shalt  }
0x5c: {  	_ =	shalt  }
0x5d: {  	_ =	shalt  }
0x5e: {  	_ =	shalt  }
0x5f: {  	_ =	shalt  }
0x60: {  	_ =	shalt  }
0x61: {  	_ =	shalt  }
0x62: {  	_ =	shalt  }
0x63: {  	_ =	shalt  }
0x64: {  	_ =	shalt  }
0x65: {  	_ =	shalt  }
0x66: {  	_ =	shalt  }
0x67: {  	_ =	shalt  }
0x68: {  	_ =	shalt  }
0x69: {  	_ =	shalt  }
0x6a: {  	_ =	shalt  }
0x6b: {  	_ =	shalt  }
0x6c: {  	_ =	shalt  }
0x6d: {  	_ =	shalt  }
0x6e: {  	_ =	shalt  }
0x6f: {  	_ =	shalt  }
0x70: {  	_ =	shalt  }
0x71: {  	_ =	shalt  }
0x72: {  	_ =	shalt  }
0x73: {  	_ =	shalt  }
0x74: {  	_ =	shalt  }
0x75: {  	_ =	shalt  }
0x76: {  	_ =	shalt  }
0x77: {  	_ =	shalt  }
0x78: {  	_ =	shalt  }
0x79: {  	_ =	shalt  }
0x7a: {  	_ =	shalt  }
0x7b: {  	_ =	shalt  }
0x7c: {  	_ =	shalt  }
0x7d: {  	_ =	shalt  }
0x7e: {  	_ =	shalt  }
0x7f: {  	_ =	shalt  }
0x80: {  	_ =	shalt  }
0x81: {  	_ =	shalt  }
0x82: {  	_ =	shalt  }
0x83: {  	_ =	shalt  }
0x84: {  	_ =	shalt  }
0x85: {  	_ =	shalt  }
0x86: {  	_ =	shalt  }
0x87: {  	_ =	shalt  }
.Lfunc_end0:
.L_simem_size_0:
called_computation.3_lowered:
.L_overlay_start_0:
0x88: {  	s2 =	sld [smem:$0x3FD9]  }
0x89: {  	s3 =	sld [smem:$0x3FFE];
	_ =	sdelay $0x1  }
0x8a: {  	s1 =	srdreg.scid  }
0x8b: {  	s0 =	sand.u32 $0x1, s1  }
0x8c: {  	s16 =	sshll.u32 s0, $0xA;
	s2 =	sadd.s32 s3, s2  }
0x8d: {  	s2 =	sadd.s32 s2, s16  }
0x8e: {  	[smem:$0x3FBE] =	sst s2  }
0x8f: {  	_ = 	snop  }
0x90: {  	(tm) =	ssettm $0x1  }
0x91: {  	s17 =	sld [smem:$0x3FFB];
	_ =	sdelay $0x3  }
0x92: {  	_ =	strace s17  }
0x93: {  	s2 =	sld [smem:$0x3FFC];
	_ =	sdelay $0x3  }
0x94: {  	_ =	strace s2  }
0x95: {  	s2 =	sld [smem:$0x3FFD];
	_ =	sdelay $0x3  }
0x96: {  	_ =	strace s2  }
0x97: {  	_ =	strace $0x8FFFFFFF  }
0x98: {  	s18 =	sld [smem:$0x3FDB];
	_ =	sdelay $0x1  }
0x99: {  	s19 =	simm.s32 $_scs_section_size  }
0x9a: {  	s4 =	simm.s32 $_size__tile_overlayer_lowered;
	s5 =	simm.s32 $_tile_overlayer_lowered  }
0x9b: {  	s22 =	simm.s32 $0x1BFF;
	s21 =	sshll.u32 s5, $0x1;
	s2 =	sadd.s32 s19, s18  }
0x9c: {  	s6 =	simm.s32 $0x0;
	s20 =	sshll.u32 s4, $0x1;
	s4 =	sadd.s32 s21, s2  }
0x9d: {  	[timem:s6], [sflag:s22] =	dma.local [hbm:s4], s20  }
0x9e: {  	_ =	swait.ge [sflag:s22], s20  }
0x9f: {  	s3 =	ssub.s32 $0x0, s20;
	[sflag:s22] =	ssyncset.done $0x0  }
0xa0: {  	[sflag:s22] =	ssyncadd.s32 s3;
	_ =	sdelay $0x1  }
0xa1: {  	s23 =	simm.s32 $0x1B8B  }
0xa2: {  	_ =	swait.ge [sflag:s23], $0x1  }
0xa3: {  	[sflag:s23] =	ssyncset.done $0x0  }
0xa4: {  	s25 =	simm.s32 $0x1B8E;
	s24 =	sld [smem:$0x3FFE];
	[sflag:s23] =	ssyncadd.s32 $0xFFFFFFFF  }
0xa5: {  	s26 =	simm.s32 $execute0_lowered;
	[smem:$0x3FD2] =	sst s25  }
0xa6: {  	s4 =	sshll.u32 s26, $0x1;
	_ =	strace $0x8000004F;
	[dreg:$0x1] =	wrdreg $0xFFFFFFFF  }
0xa7: {  	s28 =	simm.s32 $_size_execute0_lowered;
	s2 =	sadd.s32 s2, s4;
	[dreg:$0x0] =	wrdreg $0x0  }
0xa8: {  	s4 =	sshll.u32 s28, $0x1;
	[dreg:$0x2] =	wrdreg s2  }
0xa9: {  	[dreg:$0x3] =	wrdreg s4  }
0xaa: {  	[dreg:$0x4] =	wrdreg $0xC0  }
0xab: {  	_ =	task [dreg:s6], $0x5FFFF  }
0xac: {  	[dreg:$0x1] =	wrdreg $0xFFFFFFFF  }
0xad: {  	[dreg:$0x0] =	wrdreg $0x60  }
0xae: {  	[dreg:$0x2] =	wrdreg s24  }
0xaf: {  	[dreg:$0x3] =	wrdreg $0x8A800  }
0xb0: {  	[dreg:$0x4] =	wrdreg $0x9  }
0xb1: {  	_ =	task.clear_ibuf [dreg:s6], $0x5FFFF;
	_ =	strace $0x9000004F  }
0xb2: {  	s29 =	simm.s32 $0x9;
	_ =	strace $0x80000051  }
0xb3: {  	_ =	swait.ge [sflag:s29], $0x1  }
0xb4: {  	[sflag:s29] =	ssyncadd.s32 $0xFFFFFFFF  }
0xb5: {  	_ =	strace $0x90000051  }
0xb6: {  	_ =	sfence  }
0xb7: {  	s30 =	sld [smem:$0x0];
	_ =	sdelay $0x2  }
0xb8: {  	s31 =	sshll.u32 s1, $0xD;
	s1 =	sshrl.u32 s1, $0x2  }
0xb9: {  	s3 =	sand.u32 $0x4000, s31;
	s1 =	sadd.s32 s1, s30  }
0xba: {  	s0 =	sor.u32 s3, s0;
	s1 =	sshll.u32 s1, $0x11  }
0xbb: {  	s0 =	sor.u32 s1, s0  }
0xbc: {  	s0 =	sadd.s32 $0x8F2B, s0  }
0xbd: {  	[sflag:s0] =	ssyncadd.remote.s32 $0x1  }
0xbe: {  	_ =	sfence.sel $0xFFFF  }
0xbf: {  	[dreg:$0x0] =	wrdreg $0xFFFFFFFF;
	(pc) =	sbr.abs _section_cstart, $3  }
0xc0: {  	[dreg:$0x1] =	wrdreg $0xFFFFFFFF  }
0xc1: {  	_ =	task.clear_ibuf [dreg:s6], $0x2FFFF;
	_ =	strace $0x9FFFFFFF  }
0xc2: {  	(tm) =	ssettm $0x7FFFFFFF  }
0xc3: {  	_ =	shalt  }
tec
execute0_lowered:
.L_overlay_start_1:
0x0: {  	(tag) =	ssettag $0x1  }
0x1: {  	s0 =	rddreg [dreg:$0x0]  }
0x2: {  	s1 =	rddreg [dreg:$0x1];
	s2 =	simm.s32 $0x0  }
0x3: {  	s4 =	srdreg.scid;
	s17 =	stileid.u32;
	s30 =	simm.s32 $0x8200  }
0x4: {  	s31 =	simm.s32 $0x5;
	[smem:$0x7FF] =	sst s2;
	s3 =	sadd.s32 $0x7AC00, s0  }
0x5: {  	s5 =	sand.u32 $0x1, s4;
	s4 =	sadd.s32 $0x84C00, s0;
	s10 =	sadd.s32 $0xD000, s0  }
0x6: {  	s7 =	sadd.s32 $0xC800, s0;
	s15 =	ssub.s32 $0x297, s17;
	s16 =	sshrl.u32 s17, $0x2  }
0x7: {  	s8 =	sshll.u32 s17, $0x8;
	s18 =	sshll.u32 s17, $0xB;
	s28 =	smul.u32 $0x2800, s17  }
0x8: {  	_ =	strace $0x80000050;
	s6 =	smul.u32 $0x28000, s5;
	s5 =	ssub.s32 $0x2, s5  }
0x9: {  	[dreg:$0x3] =	wrdreg s7;
	s11 =	sand.u32 $0x300, s8;
	s12 =	sshll.u32 s16, $0xA  }
0xa: {  	s13 =	smul.u32 $0x14000, s16;
	s7 =	sshrl.u32 s15, $0x4;
	s8 =	sadd.s32 s18, s1  }
0xb: {  	s16 =	smul.u32 $0x50000, s17;
	s14 =	sshrl.u32 s5, $0x1;
	s9 =	sor.u32 s11, s12  }
0xc: {  	s0 =	sadd.s32 s6, s0;
	s5 =	ssub.s32 s5, s14;
	s19 =	sshrl.u32 s9, $0x3  }
0xd: {  	s14 =	sor.u32 s11, s13;
	s11 =	sor.u32 $0x80, s11;
	s26 =	sshrl.u32 s16, $0x2  }
0xe: {  	s16 =	simm.s32 $0x180;
	s6 =	sadd.s32 s10, s19;
	s20 =	sshrl.u32 s14, $0x3  }
0xf: {  	s12 =	sor.u32 s12, s11;
	s11 =	sor.u32 s13, s11;
	s5 =	smax.u32 s5, $0x1  }
0x10: {  	[dreg:$0x4] =	wrdreg s6;
	s21 =	sadd.s32 s3, s20;
	s22 =	sadd.s32 s4, s20  }
0x11: {  	s15 =	sshrl.u32 s12, $0x3;
	s12 =	sadd.s32 $0x8EC00, s0;
	[dreg:$0x9] =	wrdreg s5  }
0x12: {  	s24 =	sshrl.u32 s11, $0x3;
	s0 =	sadd.s32 $0xDEC00, s0;
	[dreg:$0x5] =	wrdreg s21  }
0x13: {  	s11 =	sadd.s32 s26, s1;
	s26 =	sor.u32 $0xC00, s14;
	[dreg:$0x6] =	wrdreg s22  }
0x14: {  	s9 =	sor.u32 $0x80, s20;
	s23 =	sadd.s32 s10, s15;
	[dreg:$0x13] =	wrdreg s26  }
0x15: {  	s25 =	sadd.s32 s3, s24;
	s13 =	sadd.s32 s3, s9;
	[dreg:$0x7] =	wrdreg s23  }
0x16: {  	s15 =	sor.u32 $0x100, s20;
	s17 =	sadd.s32 s4, s9;
	[dreg:$0x8] =	wrdreg s25  }
0x17: {  	s19 =	sor.u32 $0x80, s24;
	s20 =	sadd.s32 s28, s0;
	[dreg:$0xa] =	wrdreg s13  }
0x18: {  	s28 =	sor.u32 $0xC80, s14;
	s29 =	sshrl.u32 s11, $0x3;
	[dreg:$0xb] =	wrdreg s17  }
0x19: {  	s10 =	simm.s32 $0x100;
	s18 =	sadd.s32 s3, s15;
	[dreg:$0x14] =	wrdreg s28  }
0x1a: {  	s11 =	simm.s32 $0x80;
	s5 =	sadd.s32 s4, s15;
	[dreg:$0xc] =	wrdreg s18  }
0x1b: {  	s14 =	simm.s32 $0x200;
	s21 =	sadd.s32 s3, s19;
	[dreg:$0xd] =	wrdreg s5  }
0x1c: {  	s22 =	sadd.s32 s4, s19;
	s23 =	sadd.s32 s4, s24;
	[dreg:$0xe] =	wrdreg s21  }
.Ltmp0:
0x1d: {  	s24 =	sor.u32 $0x100, s24;
	[dreg:$0xf] =	wrdreg s22;
	(pc) =	sbr.rel .LBB2_1-.Ltmp0, $4  }
0x1e: {  	s17 =	simm.s32 $0x4200;
	s19 =	simm.s32 $0x3;
	[dreg:$0x10] =	wrdreg s23  }
0x1f: {  	s25 =	sadd.s32 s3, s24;
	s0 =	sadd.s32 s4, s24;
	s5 =	simm.s32 $0x1  }
0x20: {  	s18 =	simm.s32 $0x2;
	s21 =	simm.s32 $0x4;
	[dreg:$0x11] =	wrdreg s25  }
0x21: {  	s22 =	simm.s32 $0x0;
	[dreg:$0x12] =	wrdreg s0;
	s0 =	simm.s32 $0x8A00  }
.LBB2_14:
0x22: {  	s26 =	rddreg [dreg:$0x14]  }
.LBB2_17:
0x23: {  	[sflag:s18] =	ssyncset.done @p0 $0x0  }
0x24: {  	s6 =	simm.s32 @!p1 $0x4;
	[sflag:s18] =	ssyncadd.s32 @p0 $0xFFFFC000  }
0x25: {  	[spmem:s1] =	stream.indirect.scatter.add.f32 @p0 [tilespmem:s17], [sflag:$0x4], $0x80, s16, s11, $0xb8;
	[tilespmem:$0x1CE80] =	vst v63  }
0x26: {  	s9 =	sshrl.u32 @!p1 s26, $0x3;
	_ =	swait.ge @!p1 [sflag:s6], $0x4000  }
0x27: {  	s13 =	simm.s32 @!p1 $0x80;
	s25 =	simm.s32 @!p1 $0x0;
	[sflag:s6] =	ssyncset.done @!p1 $0x0  }
0x28: {  	s15 =	sadd.s32 @!p1 s3, s9;
	[sflag:s6] =	ssyncadd.s32 @!p1 $0xFFFFC000;
	s6 =	simm.s32 @!p1 $0x5  }
0x29: {  	[tilespmem:s13], [sflag:$0x5] =	stream.linear.gather @!p1 [hbm4b:s15+s25], $0x80, $0x38;
	[tilespmem:$0x1CE80] =	vst v63  }
0x2a: {  	_ =	swait.ge @!p1 [sflag:s6], $0x80  }
0x2b: {  	[sflag:s6] =	ssyncset.done @!p1 $0x0  }
0x2c: {  	s9 =	sadd.s32 @!p1 s4, s9;
	s15 =	simm.s32 @!p1 $0x180;
	[sflag:s6] =	ssyncadd.s32 @!p1 $0xFFFFFF80  }
0x2d: {  	[tilespmem:s15], [sflag:$0x5] =	stream.linear.gather @!p1 [hbm4b:s9+s25], $0x80, $0x38;
	[tilespmem:$0x1CE80] =	vst v63  }
0x2e: {  	_ =	swait.ge @!p1 [sflag:s6], $0x80  }
0x2f: {  	[sflag:s6] =	ssyncset.done @!p1 $0x0  }
0x30: {  	s9 =	simm.s32 @!p1 $0x4200;
	[sflag:s6] =	ssyncadd.s32 @!p1 $0xFFFFFF80  }
0x31: {  	[tilespmem:s9], [sflag:$0x2] =	stream.indirect.gather @!p1 [hbm4b:s12+s13], $0x80, s13, s13, $0xb8;
	[tilespmem:$0x1CE80] =	vst v63  }
0x32: {  	s28 =	sadd.s32 $0x1, s24;
	_ =	swait.ge [sflag:s5], $0x4000  }
0x33: {  	p0 =	sge.s32 s28, s23;
	[sflag:s5] =	ssyncset.done $0x0  }
0x34: {  	s6 =	simm.s32 @!p0 $0x3;
	[sflag:s5] =	ssyncadd.s32 $0xFFFFC000  }
0x35: {  	[spmem:s1] =	stream.indirect.scatter.add.f32 [tilespmem:s14], [sflag:$0x3], $0x80, s10, s11, $0xb8;
	[tilespmem:$0x1CE80] =	vst v63  }
0x36: {  	s9 =	sadd.s32 @!p0 $0x400, s26;
	_ =	swait.ge @!p0 [sflag:s6], $0x4000  }
0x37: {  	s15 =	simm.s32 @!p0 $0x0;
	s9 =	sshrl.u32 @!p0 s9, $0x3;
	[sflag:s6] =	ssyncset.done @!p0 $0x0  }
0x38: {  	s13 =	sadd.s32 @!p0 s3, s9;
	[sflag:s6] =	ssyncadd.s32 @!p0 $0xFFFFC000;
	s6 =	simm.s32 @!p0 $0x5  }
0x39: {  	[tilespmem:s15], [sflag:$0x5] =	stream.linear.gather @!p0 [hbm4b:s13+s15], $0x80, $0x38;
	[tilespmem:$0x1CE80] =	vst v63  }
0x3a: {  	_ =	swait.ge @!p0 [sflag:s6], $0x80  }
0x3b: {  	[sflag:s6] =	ssyncset.done @!p0 $0x0  }
0x3c: {  	s9 =	sadd.s32 @!p0 s4, s9;
	s13 =	simm.s32 @!p0 $0x100;
	[sflag:s6] =	ssyncadd.s32 @!p0 $0xFFFFFF80  }
0x3d: {  	[tilespmem:s13], [sflag:$0x5] =	stream.linear.gather @!p0 [hbm4b:s9+s15], $0x80, $0x38;
	[tilespmem:$0x1CE80] =	vst v63  }
0x3e: {  	_ =	swait.ge @!p0 [sflag:s6], $0x80  }
0x3f: {  	[sflag:s6] =	ssyncset.done @!p0 $0x0  }
0x40: {  	s9 =	simm.s32 @!p0 $0x80;
	s13 =	simm.s32 @!p0 $0x200;
	[sflag:s6] =	ssyncadd.s32 @!p0 $0xFFFFFF80  }
0x41: {  	[tilespmem:s13], [sflag:$0x1] =	stream.indirect.gather @!p0 [hbm4b:s12+s9], $0x80, s15, s9, $0xb8;
	[tilespmem:$0x1CE80] =	vst v63  }
0x42: {  	_ =	swait.ge [sflag:s18], $0x4000  }
0x43: {  	[sflag:s18] =	ssyncset.done $0x0  }
0x44: {  	[sflag:s18] =	ssyncadd.s32 $0xFFFFC000  }
0x45: {  	[spmem:s1] =	stream.indirect.scatter.add.f32 [tilespmem:s17], [sflag:$0x4], $0x80, s16, s11, $0xb8;
	[tilespmem:$0x1CE80] =	vst v63  }
.LBB2_18:
0x46: {  	_ =	swait.ge [sflag:s19], $0x4000  }
0x47: {  	[sflag:s19] =	ssyncset.done $0x0  }
0x48: {  	[sflag:s19] =	ssyncadd.s32 $0xFFFFC000  }
0x49: {  	_ =	swait.ge [sflag:s21], $0x4000  }
0x4a: {  	[sflag:s21] =	ssyncset.done $0x0  }
0x4b: {  	[sflag:s21] =	ssyncadd.s32 $0xFFFFC000  }
.LBB2_19:
0x4c: {  	s6 =	stileid.u32  }
0x4d: {  	s6 =	sshll.u32 s6, $0x6  }
0x4e: {  	[bflag:$0x0] =	sbarrier.arrive $0xFFFF;
	s6 =	sor.u32 $0x1C05, s6  }
0x4f: {  	[hbm:s20], [sflag:s6] =	dma.local [spmem:s29], $0x2800  }
0x50: {  	_ =	swait.ge [sflag:s31], $0x2800  }
0x51: {  	s22 =	sadd.s32 $0x1, s22;
	s28 =	rddreg [dreg:$0x9]  }
0x52: {  	p0 =	sne.s32 s22, s28  }
.Ltmp1:
0x53: {  	_ = 	snop;
	(pc) =	sbr.rel @!p0 .LBB2_20-.Ltmp1, $3  }
0x54: {  	_ =	sdelay $0x1  }
0x55: {  	[sflag:s31] =	ssyncset.done $0x0  }
0x56: {  	[sflag:s31] =	ssyncadd.s32 $0xFFFFD800  }
.LBB2_1:
0x57: {  	s6 =	rddreg [dreg:$0x3]  }
0x58: {  	[tilespmem:s30], [sflag:$0x5] =	stream.linear.gather [hbm4b:s6+s2], $0x800, $0x38;
	[tilespmem:$0x1CE80] =	vst v63  }
0x59: {  	p0 =	sne.s32 s7, $0x1;
	_ =	swait.ge [sflag:s31], $0x800  }
.Ltmp2:
0x5a: {  	[sflag:s31] =	ssyncset.done $0x0;
	(pc) =	sbr.rel @!p0 .LBB2_3-.Ltmp2, $4  }
0x5b: {  	[sflag:s31] =	ssyncadd.s32 $0xFFFFF800  }
0x5c: {  	[spmem:s8] =	stream.linear.scatter [tilespmem:s30], [sflag:$0x5], $0x800, $0x38;
	[tilespmem:$0x1CE80] =	vst v63  }
0x5d: {  	_ =	swait.ge [sflag:s31], $0x800  }
0x5e: {  	s23 =	smov.u32 s8;
	s6 =	sadd.s32 $0xFFFFFFFF, s7;
	[sflag:s31] =	ssyncset.done $0x0  }
.LBB2_2:
0x5f: {  	p0 =	sne.s32 s6, $0x1;
	[sflag:s31] =	ssyncadd.s32 $0xFFFFF800;
	s23 =	sadd.s32 $0x8000, s23  }
.Ltmp3:
0x60: {  	s6 =	sadd.s32 $0xFFFFFFFF, s6;
	(pc) =	sbr.rel @p0 .LBB2_2-.Ltmp3, $4  }
0x61: {  	_ = 	snop  }
0x62: {  	[spmem:s23] =	stream.linear.scatter [tilespmem:s30], [sflag:$0x5], $0x800, $0x38;
	[tilespmem:$0x1CE80] =	vst v63  }
0x63: {  	_ =	swait.ge [sflag:s31], $0x800  }
0x64: {  	[sflag:s31] =	ssyncset.done $0x0  }
.LBB2_3:
0x65: {  	[sflag:s31] =	ssyncadd.s32 $0xFFFFF800  }
0x66: {  	[bflag:$0x0] =	sbarrier.arrive $0xFFFF  }
0x67: {  	s6 =	rddreg [dreg:$0x4]  }
0x68: {  	[tilespmem:s0], [sflag:$0x5] =	stream.linear.gather [hbm4b:s6+s2], $0x80, $0x38;
	[tilespmem:$0x1CE80] =	vst v63  }
0x69: {  	_ =	swait.ge [sflag:s31], $0x80  }
0x6a: {  	[sflag:s31] =	ssyncset.done $0x0  }
0x6b: {  	[sflag:s31] =	ssyncadd.s32 $0xFFFFFF80  }
0x6c: {  	v0 =	vld [tilespmem:$0x8A00];
	_ =	sdelay $0x4  }
0x6d: {  	(v2sf) =	vpush v0, $0x0;
	_ =	sdelay $0xe  }
0x6e: {  	s26 =	spop (v2sf)  }
0x6f: {  	s6 =	sadd.s32 $0xFF, s26  }
0x70: {  	s23 =	sand.u32 $0xFF, s6  }
0x71: {  	s28 =	sshra.s32 s6, $0x1F;
	p1 =	slt.s32 s6, $0x1;
	p0 =	sne.s32 s23, $0x0  }
0x72: {  	s23 =	sshrl.u32 s28, $0x18;
	p0 =	por !p1, !p0  }
0x73: {  	s24 =	simm.s32 $0x1;
	s6 =	sadd.s32 s23, s6;
	p0 =	por !p0, !p0  }
0x74: {  	s23 =	sshra.s32 s6, $0x8;
	s24 =	simm.s32 @!p0 $0x0  }
0x75: {  	s6 =	ssub.s32 s23, s24  }
0x76: {  	p1 =	slt.s32 s6, $0x1  }
.Ltmp4:
0x77: {  	_ = 	snop;
	(pc) =	sbr.rel @p1 .LBB2_11-.Ltmp4, $1  }
0x78: {  	_ =	sdelay $0x3  }
0x79: {  	s9 =	rddreg [dreg:$0x5]  }
0x7a: {  	[tilespmem:s2], [sflag:$0x5] =	stream.linear.gather [hbm4b:s9+s2], $0x80, $0x38;
	[tilespmem:$0x1CE80] =	vst v63  }
0x7b: {  	_ =	swait.ge [sflag:s31], $0x80  }
0x7c: {  	[sflag:s31] =	ssyncset.done $0x0  }
0x7d: {  	s25 =	rddreg [dreg:$0x6];
	[sflag:s31] =	ssyncadd.s32 $0xFFFFFF80  }
0x7e: {  	[tilespmem:s10], [sflag:$0x5] =	stream.linear.gather [hbm4b:s25+s2], $0x80, $0x38;
	[tilespmem:$0x1CE80] =	vst v63  }
0x7f: {  	_ =	swait.ge [sflag:s31], $0x80  }
0x80: {  	[sflag:s31] =	ssyncset.done $0x0  }
0x81: {  	[sflag:s31] =	ssyncadd.s32 $0xFFFFFF80  }
0x82: {  	[tilespmem:s14], [sflag:$0x1] =	stream.indirect.gather [hbm4b:s12+s11], $0x80, s2, s11, $0xb8;
	[tilespmem:$0x1CE80] =	vst v63  }
0x83: {  	s26 =	rddreg [dreg:$0xa]  }
0x84: {  	[tilespmem:s11], [sflag:$0x5] =	stream.linear.gather [hbm4b:s26+s2], $0x80, $0x38;
	[tilespmem:$0x1CE80] =	vst v63  }
0x85: {  	_ =	swait.ge [sflag:s31], $0x80  }
0x86: {  	[sflag:s31] =	ssyncset.done $0x0  }
0x87: {  	s28 =	rddreg [dreg:$0xb];
	[sflag:s31] =	ssyncadd.s32 $0xFFFFFF80  }
0x88: {  	[tilespmem:s16], [sflag:$0x5] =	stream.linear.gather [hbm4b:s28+s2], $0x80, $0x38;
	[tilespmem:$0x1CE80] =	vst v63  }
0x89: {  	_ =	swait.ge [sflag:s31], $0x80  }
0x8a: {  	[sflag:s31] =	ssyncset.done $0x0  }
0x8b: {  	[sflag:s31] =	ssyncadd.s32 $0xFFFFFF80  }
0x8c: {  	[tilespmem:s17], [sflag:$0x2] =	stream.indirect.gather [hbm4b:s12+s11], $0x80, s11, s11, $0xb8;
	[tilespmem:$0x1CE80] =	vst v63  }
0x8d: {  	_ =	swait.ge [sflag:s5], $0x4000  }
0x8e: {  	p1 =	seq.s32 s6, $0x1;
	[sflag:s5] =	ssyncset.done $0x0  }
0x8f: {  	s24 =	simm.s32 @!p1 $0x3;
	[sflag:s5] =	ssyncadd.s32 $0xFFFFC000  }
0x90: {  	[spmem:s1] =	stream.indirect.scatter.add.f32 [tilespmem:s14], [sflag:$0x3], $0x80, s10, s11, $0xb8;
	[tilespmem:$0x1CE80] =	vst v63  }
0x91: {  	_ =	swait.ge @!p1 [sflag:s24], $0x4000  }
0x92: {  	s26 =	simm.s32 @!p1 $0x5;
	[sflag:s24] =	ssyncset.done @!p1 $0x0  }
0x93: {  	s9 =	rddreg [dreg:$0xc];
	[sflag:s24] =	ssyncadd.s32 @!p1 $0xFFFFC000;
	s24 =	simm.s32 @!p1 $0x0  }
0x94: {  	[tilespmem:s24], [sflag:$0x5] =	stream.linear.gather @!p1 [hbm4b:s9+s24], $0x80, $0x38;
	[tilespmem:$0x1CE80] =	vst v63  }
0x95: {  	_ =	swait.ge @!p1 [sflag:s26], $0x80  }
0x96: {  	[sflag:s26] =	ssyncset.done @!p1 $0x0  }
0x97: {  	s25 =	simm.s32 @!p1 $0x100;
	s9 =	rddreg [dreg:$0xd];
	[sflag:s26] =	ssyncadd.s32 @!p1 $0xFFFFFF80  }
0x98: {  	[tilespmem:s25], [sflag:$0x5] =	stream.linear.gather @!p1 [hbm4b:s9+s24], $0x80, $0x38;
	[tilespmem:$0x1CE80] =	vst v63  }
0x99: {  	_ =	swait.ge @!p1 [sflag:s26], $0x80  }
0x9a: {  	[sflag:s26] =	ssyncset.done @!p1 $0x0  }
0x9b: {  	s25 =	simm.s32 @!p1 $0x80;
	[sflag:s26] =	ssyncadd.s32 @!p1 $0xFFFFFF80;
	s26 =	simm.s32 @!p1 $0x200  }
0x9c: {  	[tilespmem:s26], [sflag:$0x1] =	stream.indirect.gather @!p1 [hbm4b:s12+s25], $0x80, s24, s25, $0xb8;
	[tilespmem:$0x1CE80] =	vst v63  }
.Ltmp5:
0x9d: {  	_ = 	snop;
	(pc) =	sbr.rel @p1 .LBB2_10-.Ltmp5, $4  }
0x9e: {  	_ =	swait.ge [sflag:s18], $0x4000  }
0x9f: {  	[sflag:s18] =	ssyncset.done $0x0  }
0xa0: {  	[sflag:s18] =	ssyncadd.s32 $0xFFFFC000  }
0xa1: {  	[spmem:s1] =	stream.indirect.scatter.add.f32 [tilespmem:s17], [sflag:$0x4], $0x80, s16, s11, $0xb8;
	[tilespmem:$0x1CE80] =	vst v63  }
0xa2: {  	s24 =	simm.s32 $0xFFFFFFFF  }
0xa3: {  	s24 =	simm.s32 @!p0 $0x0  }
0xa4: {  	s23 =	sadd.s32 s24, s23  }
0xa5: {  	s23 =	sadd.s32 $0xFFFFFFFF, s23  }
0xa6: {  	s26 =	sadd.s32 $0xFFFFFFFF, s23  }
0xa7: {  	p2 =	sne.s32 s26, $0x0  }
.Ltmp6:
0xa8: {  	_ = 	snop;
	(pc) =	sbr.rel @!p2 .LBB2_6-.Ltmp6, $3  }
0xa9: {  	_ =	sdelay $0x1  }
0xaa: {  	s23 =	sshll.u32 s6, $0x1  }
0xab: {  	p0 =	por $0x0, $0x0;
	s24 =	simm.s32 $0x3;
	p1 =	sle.s32 s23, $0x3  }
0xac: {  	s6 =	simm.s32 @!p1 $0x4  }
0xad: {  	_ =	swait.ge @!p1 [sflag:s6], $0x4000  }
0xae: {  	s25 =	simm.s32 @!p1 $0x80;
	s13 =	rddreg [dreg:$0x13]  }
0xaf: {  	s9 =	simm.s32 @!p1 $0x0;
	[sflag:s6] =	ssyncset.done @!p1 $0x0;
	s24 =	sshrl.u32 @!p1 s13, $0x3  }
0xb0: {  	[sflag:s6] =	ssyncadd.s32 @!p1 $0xFFFFC000;
	s6 =	simm.s32 @!p1 $0x5;
	s28 =	sadd.s32 @!p1 s3, s24  }
0xb1: {  	[tilespmem:s25], [sflag:$0x5] =	stream.linear.gather @!p1 [hbm4b:s28+s9], $0x80, $0x38;
	[tilespmem:$0x1CE80] =	vst v63  }
0xb2: {  	_ =	swait.ge @!p1 [sflag:s6], $0x80  }
0xb3: {  	[sflag:s6] =	ssyncset.done @!p1 $0x0  }
0xb4: {  	s24 =	sadd.s32 @!p1 s4, s24;
	s28 =	simm.s32 @!p1 $0x180;
	[sflag:s6] =	ssyncadd.s32 @!p1 $0xFFFFFF80  }
0xb5: {  	[tilespmem:s28], [sflag:$0x5] =	stream.linear.gather @!p1 [hbm4b:s24+s9], $0x80, $0x38;
	[tilespmem:$0x1CE80] =	vst v63  }
0xb6: {  	_ =	swait.ge @!p1 [sflag:s6], $0x80  }
0xb7: {  	[sflag:s6] =	ssyncset.done @!p1 $0x0  }
0xb8: {  	s9 =	simm.s32 @!p1 $0x4200;
	[sflag:s6] =	ssyncadd.s32 @!p1 $0xFFFFFF80  }
0xb9: {  	[tilespmem:s9], [sflag:$0x2] =	stream.indirect.gather @!p1 [hbm4b:s12+s25], $0x80, s25, s25, $0xb8;
	[tilespmem:$0x1CE80] =	vst v63  }
0xba: {  	_ =	swait.ge [sflag:s5], $0x4000  }
0xbb: {  	p0 =	sle.s32 s23, $0x4;
	[sflag:s5] =	ssyncset.done $0x0  }
0xbc: {  	s6 =	simm.s32 @!p0 $0x3;
	[sflag:s5] =	ssyncadd.s32 $0xFFFFC000  }
0xbd: {  	[spmem:s1] =	stream.indirect.scatter.add.f32 [tilespmem:s14], [sflag:$0x3], $0x80, s10, s11, $0xb8;
	[tilespmem:$0x1CE80] =	vst v63  }
0xbe: {  	s9 =	sadd.s32 @!p0 $0x400, s13;
	_ =	swait.ge @!p0 [sflag:s6], $0x4000  }
0xbf: {  	s28 =	simm.s32 @!p0 $0x5;
	s9 =	sshrl.u32 @!p0 s9, $0x3;
	[sflag:s6] =	ssyncset.done @!p0 $0x0  }
0xc0: {  	s25 =	simm.s32 @!p0 $0x0;
	s24 =	sadd.s32 @!p0 s3, s9;
	[sflag:s6] =	ssyncadd.s32 @!p0 $0xFFFFC000  }
0xc1: {  	[tilespmem:s25], [sflag:$0x5] =	stream.linear.gather @!p0 [hbm4b:s24+s25], $0x80, $0x38;
	[tilespmem:$0x1CE80] =	vst v63  }
0xc2: {  	_ =	swait.ge @!p0 [sflag:s28], $0x80  }
0xc3: {  	[sflag:s28] =	ssyncset.done @!p0 $0x0  }
0xc4: {  	s6 =	sadd.s32 @!p0 s4, s9;
	s9 =	simm.s32 @!p0 $0x100;
	[sflag:s28] =	ssyncadd.s32 @!p0 $0xFFFFFF80  }
0xc5: {  	[tilespmem:s9], [sflag:$0x5] =	stream.linear.gather @!p0 [hbm4b:s6+s25], $0x80, $0x38;
	[tilespmem:$0x1CE80] =	vst v63  }
0xc6: {  	s6 =	sadd.s32 $0xFFFFFFFF, s26  }
0xc7: {  	p2 =	sne.s32 s6, $0x0  }
.Ltmp7:
0xc8: {  	_ =	swait.ge @!p0 [sflag:s28], $0x80;
	(pc) =	sbr.rel @!p2 .LBB2_9-.Ltmp7, $4  }
0xc9: {  	p1 =	sle.s32 s23, $0x5;
	s24 =	simm.s32 @!p0 $0x200;
	[sflag:s28] =	ssyncset.done @!p0 $0x0  }
0xca: {  	s9 =	simm.s32 @!p0 $0x80;
	s26 =	sadd.s32 $0x800, s13;
	[sflag:s28] =	ssyncadd.s32 @!p0 $0xFFFFFF80  }
0xcb: {  	[tilespmem:s24], [sflag:$0x1] =	stream.indirect.gather @!p0 [hbm4b:s12+s9], $0x80, s25, s9, $0xb8;
	[tilespmem:$0x1CE80] =	vst v63  }
0xcc: {  	s24 =	simm.s32 $0x5;
	p0 =	por $0x1, $0x1;
	_ =	swait.ge [sflag:s18], $0x4000  }
.LBB2_8:
0xcd: {  	s6 =	sadd.s32 $0xFFFFFFFF, s6;
	s9 =	simm.s32 @!p1 $0x4;
	[sflag:s18] =	ssyncset.done $0x0  }
0xce: {  	p2 =	sne.s32 s6, $0x0;
	[sflag:s18] =	ssyncadd.s32 $0xFFFFC000  }
0xcf: {  	[spmem:s1] =	stream.indirect.scatter.add.f32 [tilespmem:s17], [sflag:$0x4], $0x80, s16, s11, $0xb8;
	[tilespmem:$0x1CE80] =	vst v63  }
0xd0: {  	s25 =	sshrl.u32 @!p1 s26, $0x3;
	s28 =	simm.s32 @!p1 $0x80;
	_ =	swait.ge @!p1 [sflag:s9], $0x4000  }
0xd1: {  	s15 =	simm.s32 @!p1 $0x0;
	s13 =	sadd.s32 @!p1 s3, s25;
	[sflag:s9] =	ssyncset.done @!p1 $0x0  }
0xd2: {  	s25 =	sadd.s32 @!p1 s4, s25;
	[sflag:s9] =	ssyncadd.s32 @!p1 $0xFFFFC000;
	s9 =	simm.s32 @!p1 $0x5  }
0xd3: {  	[tilespmem:s28], [sflag:$0x5] =	stream.linear.gather @!p1 [hbm4b:s13+s15], $0x80, $0x38;
	[tilespmem:$0x1CE80] =	vst v63  }
0xd4: {  	_ =	swait.ge @!p1 [sflag:s9], $0x80  }
0xd5: {  	s13 =	simm.s32 @!p1 $0x180;
	[sflag:s9] =	ssyncset.done @!p1 $0x0  }
0xd6: {  	[sflag:s9] =	ssyncadd.s32 @!p1 $0xFFFFFF80  }
0xd7: {  	[tilespmem:s13], [sflag:$0x5] =	stream.linear.gather @!p1 [hbm4b:s25+s15], $0x80, $0x38;
	[tilespmem:$0x1CE80] =	vst v63  }
0xd8: {  	_ =	swait.ge @!p1 [sflag:s9], $0x80  }
0xd9: {  	s13 =	simm.s32 @!p1 $0x4200;
	[sflag:s9] =	ssyncset.done @!p1 $0x0  }
0xda: {  	[sflag:s9] =	ssyncadd.s32 @!p1 $0xFFFFFF80  }
0xdb: {  	[tilespmem:s13], [sflag:$0x2] =	stream.indirect.gather @!p1 [hbm4b:s12+s28], $0x80, s28, s28, $0xb8;
	[tilespmem:$0x1CE80] =	vst v63  }
0xdc: {  	s9 =	sadd.s32 $0x1, s24;
	_ =	swait.ge [sflag:s5], $0x4000  }
0xdd: {  	p1 =	sge.s32 s9, s23;
	[sflag:s5] =	ssyncset.done $0x0  }
0xde: {  	s9 =	simm.s32 @!p1 $0x3;
	s13 =	sadd.s32 @!p1 $0x400, s26;
	[sflag:s5] =	ssyncadd.s32 $0xFFFFC000  }
0xdf: {  	[spmem:s1] =	stream.indirect.scatter.add.f32 [tilespmem:s14], [sflag:$0x3], $0x80, s10, s11, $0xb8;
	[tilespmem:$0x1CE80] =	vst v63  }
0xe0: {  	s13 =	sshrl.u32 @!p1 s13, $0x3;
	_ =	swait.ge @!p1 [sflag:s9], $0x4000  }
0xe1: {  	s25 =	simm.s32 @!p1 $0x0;
	s15 =	sadd.s32 @!p1 s3, s13;
	[sflag:s9] =	ssyncset.done @!p1 $0x0  }
0xe2: {  	s13 =	sadd.s32 @!p1 s4, s13;
	[sflag:s9] =	ssyncadd.s32 @!p1 $0xFFFFC000;
	s9 =	simm.s32 @!p1 $0x5  }
0xe3: {  	[tilespmem:s25], [sflag:$0x5] =	stream.linear.gather @!p1 [hbm4b:s15+s25], $0x80, $0x38;
	[tilespmem:$0x1CE80] =	vst v63  }
0xe4: {  	_ =	swait.ge @!p1 [sflag:s9], $0x80  }
0xe5: {  	s15 =	simm.s32 @!p1 $0x100;
	[sflag:s9] =	ssyncset.done @!p1 $0x0  }
0xe6: {  	[sflag:s9] =	ssyncadd.s32 @!p1 $0xFFFFFF80  }
0xe7: {  	[tilespmem:s15], [sflag:$0x5] =	stream.linear.gather @!p1 [hbm4b:s13+s25], $0x80, $0x38;
	[tilespmem:$0x1CE80] =	vst v63  }
.Ltmp8:
0xe8: {  	_ =	swait.ge @!p1 [sflag:s9], $0x80;
	(pc) =	sbr.rel @p2 .LBB2_8-.Ltmp8, $4  }
0xe9: {  	s13 =	simm.s32 @!p1 $0x80;
	s15 =	simm.s32 @!p1 $0x200;
	[sflag:s9] =	ssyncset.done @!p1 $0x0  }
0xea: {  	s24 =	sadd.s32 $0x2, s24;
	[sflag:s9] =	ssyncadd.s32 @!p1 $0xFFFFFF80  }
0xeb: {  	[tilespmem:s15], [sflag:$0x1] =	stream.indirect.gather @!p1 [hbm4b:s12+s13], $0x80, s25, s13, $0xb8;
	[tilespmem:$0x1CE80] =	vst v63  }
0xec: {  	s26 =	sadd.s32 $0x800, s26;
	p1 =	sge.s32 s24, s23;
	_ =	swait.ge [sflag:s18], $0x4000  }
.LBB2_9:
0xed: {  	[sflag:s18] =	ssyncset.done @p0 $0x0  }
0xee: {  	s6 =	simm.s32 @!p1 $0x4;
	[sflag:s18] =	ssyncadd.s32 @p0 $0xFFFFC000  }
0xef: {  	[spmem:s1] =	stream.indirect.scatter.add.f32 @p0 [tilespmem:s17], [sflag:$0x4], $0x80, s16, s11, $0xb8;
	[tilespmem:$0x1CE80] =	vst v63  }
0xf0: {  	s9 =	sshrl.u32 @!p1 s26, $0x3;
	_ =	swait.ge @!p1 [sflag:s6], $0x4000  }
0xf1: {  	s13 =	simm.s32 @!p1 $0x80;
	s25 =	simm.s32 @!p1 $0x0;
	[sflag:s6] =	ssyncset.done @!p1 $0x0  }
0xf2: {  	s15 =	sadd.s32 @!p1 s3, s9;
	[sflag:s6] =	ssyncadd.s32 @!p1 $0xFFFFC000;
	s6 =	simm.s32 @!p1 $0x5  }
0xf3: {  	[tilespmem:s13], [sflag:$0x5] =	stream.linear.gather @!p1 [hbm4b:s15+s25], $0x80, $0x38;
	[tilespmem:$0x1CE80] =	vst v63  }
0xf4: {  	_ =	swait.ge @!p1 [sflag:s6], $0x80  }
0xf5: {  	[sflag:s6] =	ssyncset.done @!p1 $0x0  }
0xf6: {  	s9 =	sadd.s32 @!p1 s4, s9;
	s15 =	simm.s32 @!p1 $0x180;
	[sflag:s6] =	ssyncadd.s32 @!p1 $0xFFFFFF80  }
0xf7: {  	[tilespmem:s15], [sflag:$0x5] =	stream.linear.gather @!p1 [hbm4b:s9+s25], $0x80, $0x38;
	[tilespmem:$0x1CE80] =	vst v63  }
0xf8: {  	_ =	swait.ge @!p1 [sflag:s6], $0x80  }
0xf9: {  	[sflag:s6] =	ssyncset.done @!p1 $0x0  }
0xfa: {  	s9 =	simm.s32 @!p1 $0x4200;
	[sflag:s6] =	ssyncadd.s32 @!p1 $0xFFFFFF80  }
0xfb: {  	[tilespmem:s9], [sflag:$0x2] =	stream.indirect.gather @!p1 [hbm4b:s12+s13], $0x80, s13, s13, $0xb8;
	[tilespmem:$0x1CE80] =	vst v63  }
0xfc: {  	s28 =	sadd.s32 $0x1, s24;
	_ =	swait.ge [sflag:s5], $0x4000  }
0xfd: {  	p0 =	sge.s32 s28, s23;
	[sflag:s5] =	ssyncset.done $0x0  }
0xfe: {  	s6 =	simm.s32 @!p0 $0x3;
	[sflag:s5] =	ssyncadd.s32 $0xFFFFC000  }
0xff: {  	[spmem:s1] =	stream.indirect.scatter.add.f32 [tilespmem:s14], [sflag:$0x3], $0x80, s10, s11, $0xb8;
	[tilespmem:$0x1CE80] =	vst v63  }
0x100: {  	s9 =	sadd.s32 @!p0 $0x400, s26;
	_ =	swait.ge @!p0 [sflag:s6], $0x4000  }
0x101: {  	s15 =	simm.s32 @!p0 $0x0;
	s9 =	sshrl.u32 @!p0 s9, $0x3;
	[sflag:s6] =	ssyncset.done @!p0 $0x0  }
0x102: {  	s13 =	sadd.s32 @!p0 s3, s9;
	[sflag:s6] =	ssyncadd.s32 @!p0 $0xFFFFC000;
	s6 =	simm.s32 @!p0 $0x5  }
0x103: {  	[tilespmem:s15], [sflag:$0x5] =	stream.linear.gather @!p0 [hbm4b:s13+s15], $0x80, $0x38;
	[tilespmem:$0x1CE80] =	vst v63  }
0x104: {  	_ =	swait.ge @!p0 [sflag:s6], $0x80  }
0x105: {  	[sflag:s6] =	ssyncset.done @!p0 $0x0  }
0x106: {  	s9 =	sadd.s32 @!p0 s4, s9;
	s13 =	simm.s32 @!p0 $0x100;
	[sflag:s6] =	ssyncadd.s32 @!p0 $0xFFFFFF80  }
0x107: {  	[tilespmem:s13], [sflag:$0x5] =	stream.linear.gather @!p0 [hbm4b:s9+s15], $0x80, $0x38;
	[tilespmem:$0x1CE80] =	vst v63  }
0x108: {  	_ =	swait.ge @!p0 [sflag:s6], $0x80  }
0x109: {  	[sflag:s6] =	ssyncset.done @!p0 $0x0  }
0x10a: {  	s9 =	simm.s32 @!p0 $0x80;
	s13 =	simm.s32 @!p0 $0x200;
	[sflag:s6] =	ssyncadd.s32 @!p0 $0xFFFFFF80  }
0x10b: {  	[tilespmem:s13], [sflag:$0x1] =	stream.indirect.gather @!p0 [hbm4b:s12+s9], $0x80, s15, s9, $0xb8;
	[tilespmem:$0x1CE80] =	vst v63  }
0x10c: {  	_ =	swait.ge [sflag:s18], $0x4000  }
0x10d: {  	[sflag:s18] =	ssyncset.done $0x0  }
0x10e: {  	[sflag:s18] =	ssyncadd.s32 $0xFFFFC000  }
0x10f: {  	[spmem:s1] =	stream.indirect.scatter.add.f32 [tilespmem:s17], [sflag:$0x4], $0x80, s16, s11, $0xb8;
	[tilespmem:$0x1CE80] =	vst v63  }
.LBB2_10:
0x110: {  	_ =	swait.ge [sflag:s19], $0x4000  }
0x111: {  	[sflag:s19] =	ssyncset.done $0x0  }
0x112: {  	[sflag:s19] =	ssyncadd.s32 $0xFFFFC000  }
0x113: {  	_ =	swait.ge [sflag:s21], $0x4000  }
0x114: {  	[sflag:s21] =	ssyncset.done $0x0  }
0x115: {  	[sflag:s21] =	ssyncadd.s32 $0xFFFFC000  }
.LBB2_11:
0x116: {  	s6 =	rddreg [dreg:$0x7]  }
0x117: {  	[tilespmem:s0], [sflag:$0x5] =	stream.linear.gather [hbm4b:s6+s2], $0x80, $0x38;
	[tilespmem:$0x1CE80] =	vst v63  }
0x118: {  	_ =	swait.ge [sflag:s31], $0x80  }
0x119: {  	[sflag:s31] =	ssyncset.done $0x0  }
0x11a: {  	[sflag:s31] =	ssyncadd.s32 $0xFFFFFF80  }
0x11b: {  	v0 =	vld [tilespmem:$0x8A00];
	_ =	sdelay $0x4  }
0x11c: {  	(v2sf) =	vpush v0, $0x0;
	_ =	sdelay $0xe  }
0x11d: {  	s26 =	spop (v2sf)  }
0x11e: {  	s6 =	sadd.s32 $0xFF, s26  }
0x11f: {  	s9 =	sand.u32 $0xFF, s6  }
0x120: {  	s28 =	sshra.s32 s6, $0x1F;
	p1 =	slt.s32 s6, $0x1;
	p0 =	sne.s32 s9, $0x0  }
0x121: {  	s9 =	sshrl.u32 s28, $0x18;
	p0 =	por !p1, !p0  }
0x122: {  	s6 =	sadd.s32 s9, s6;
	s9 =	simm.s32 $0x1;
	p0 =	por !p0, !p0  }
0x123: {  	s23 =	sshra.s32 s6, $0x8;
	s9 =	simm.s32 @!p0 $0x0  }
0x124: {  	s6 =	ssub.s32 s23, s9  }
0x125: {  	p1 =	slt.s32 s6, $0x1  }
.Ltmp9:
0x126: {  	_ = 	snop;
	(pc) =	sbr.rel @p1 .LBB2_19-.Ltmp9, $1  }
0x127: {  	_ =	sdelay $0x3  }
0x128: {  	s9 =	rddreg [dreg:$0x8]  }
0x129: {  	[tilespmem:s2], [sflag:$0x5] =	stream.linear.gather [hbm4b:s9+s2], $0x80, $0x38;
	[tilespmem:$0x1CE80] =	vst v63  }
0x12a: {  	_ =	swait.ge [sflag:s31], $0x80  }
0x12b: {  	[sflag:s31] =	ssyncset.done $0x0  }
0x12c: {  	s25 =	rddreg [dreg:$0x10];
	[sflag:s31] =	ssyncadd.s32 $0xFFFFFF80  }
0x12d: {  	[tilespmem:s10], [sflag:$0x5] =	stream.linear.gather [hbm4b:s25+s2], $0x80, $0x38;
	[tilespmem:$0x1CE80] =	vst v63  }
0x12e: {  	_ =	swait.ge [sflag:s31], $0x80  }
0x12f: {  	[sflag:s31] =	ssyncset.done $0x0  }
0x130: {  	[sflag:s31] =	ssyncadd.s32 $0xFFFFFF80  }
0x131: {  	[tilespmem:s14], [sflag:$0x1] =	stream.indirect.gather [hbm4b:s12+s11], $0x80, s2, s11, $0xb8;
	[tilespmem:$0x1CE80] =	vst v63  }
0x132: {  	s26 =	rddreg [dreg:$0xe]  }
0x133: {  	[tilespmem:s11], [sflag:$0x5] =	stream.linear.gather [hbm4b:s26+s2], $0x80, $0x38;
	[tilespmem:$0x1CE80] =	vst v63  }
0x134: {  	_ =	swait.ge [sflag:s31], $0x80  }
0x135: {  	[sflag:s31] =	ssyncset.done $0x0  }
0x136: {  	s28 =	rddreg [dreg:$0xf];
	[sflag:s31] =	ssyncadd.s32 $0xFFFFFF80  }
0x137: {  	[tilespmem:s16], [sflag:$0x5] =	stream.linear.gather [hbm4b:s28+s2], $0x80, $0x38;
	[tilespmem:$0x1CE80] =	vst v63  }
0x138: {  	_ =	swait.ge [sflag:s31], $0x80  }
0x139: {  	[sflag:s31] =	ssyncset.done $0x0  }
0x13a: {  	[sflag:s31] =	ssyncadd.s32 $0xFFFFFF80  }
0x13b: {  	[tilespmem:s17], [sflag:$0x2] =	stream.indirect.gather [hbm4b:s12+s11], $0x80, s11, s11, $0xb8;
	[tilespmem:$0x1CE80] =	vst v63  }
0x13c: {  	_ =	swait.ge [sflag:s5], $0x4000  }
0x13d: {  	p1 =	seq.s32 s6, $0x1;
	[sflag:s5] =	ssyncset.done $0x0  }
0x13e: {  	s9 =	simm.s32 @!p1 $0x3;
	[sflag:s5] =	ssyncadd.s32 $0xFFFFC000  }
0x13f: {  	[spmem:s1] =	stream.indirect.scatter.add.f32 [tilespmem:s14], [sflag:$0x3], $0x80, s10, s11, $0xb8;
	[tilespmem:$0x1CE80] =	vst v63  }
0x140: {  	_ =	swait.ge @!p1 [sflag:s9], $0x4000  }
0x141: {  	[sflag:s9] =	ssyncset.done @!p1 $0x0  }
0x142: {  	s13 =	rddreg [dreg:$0x11];
	[sflag:s9] =	ssyncadd.s32 @!p1 $0xFFFFC000;
	s9 =	simm.s32 @!p1 $0x0  }
0x143: {  	[tilespmem:s9], [sflag:$0x5] =	stream.linear.gather @!p1 [hbm4b:s13+s9], $0x80, $0x38;
	[tilespmem:$0x1CE80] =	vst v63  }
0x144: {  	s13 =	simm.s32 @!p1 $0x5  }
0x145: {  	_ =	swait.ge @!p1 [sflag:s13], $0x80  }
0x146: {  	[sflag:s13] =	ssyncset.done @!p1 $0x0  }
0x147: {  	s15 =	simm.s32 @!p1 $0x100;
	s24 =	rddreg [dreg:$0x12];
	[sflag:s13] =	ssyncadd.s32 @!p1 $0xFFFFFF80  }
0x148: {  	[tilespmem:s15], [sflag:$0x5] =	stream.linear.gather @!p1 [hbm4b:s24+s9], $0x80, $0x38;
	[tilespmem:$0x1CE80] =	vst v63  }
0x149: {  	_ =	swait.ge @!p1 [sflag:s13], $0x80  }
0x14a: {  	[sflag:s13] =	ssyncset.done @!p1 $0x0  }
0x14b: {  	s15 =	simm.s32 @!p1 $0x200;
	[sflag:s13] =	ssyncadd.s32 @!p1 $0xFFFFFF80;
	s13 =	simm.s32 @!p1 $0x80  }
0x14c: {  	[tilespmem:s15], [sflag:$0x1] =	stream.indirect.gather @!p1 [hbm4b:s12+s13], $0x80, s9, s13, $0xb8;
	[tilespmem:$0x1CE80] =	vst v63  }
.Ltmp10:
0x14d: {  	_ = 	snop;
	(pc) =	sbr.rel @p1 .LBB2_18-.Ltmp10, $4  }
0x14e: {  	_ =	swait.ge [sflag:s18], $0x4000  }
0x14f: {  	[sflag:s18] =	ssyncset.done $0x0  }
0x150: {  	[sflag:s18] =	ssyncadd.s32 $0xFFFFC000  }
0x151: {  	[spmem:s1] =	stream.indirect.scatter.add.f32 [tilespmem:s17], [sflag:$0x4], $0x80, s16, s11, $0xb8;
	[tilespmem:$0x1CE80] =	vst v63  }
0x152: {  	s9 =	simm.s32 $0xFFFFFFFF  }
0x153: {  	s9 =	simm.s32 @!p0 $0x0  }
0x154: {  	s9 =	sadd.s32 s9, s23  }
0x155: {  	s9 =	sadd.s32 $0xFFFFFFFF, s9  }
0x156: {  	s26 =	sadd.s32 $0xFFFFFFFF, s9  }
0x157: {  	p2 =	sne.s32 s26, $0x0  }
.Ltmp11:
0x158: {  	_ = 	snop;
	(pc) =	sbr.rel @!p2 .LBB2_14-.Ltmp11, $3  }
0x159: {  	_ =	sdelay $0x1  }
0x15a: {  	s23 =	sshll.u32 s6, $0x1  }
0x15b: {  	s24 =	simm.s32 $0x3;
	p0 =	por $0x0, $0x0;
	p1 =	sle.s32 s23, $0x3  }
0x15c: {  	s6 =	simm.s32 @!p1 $0x4  }
0x15d: {  	_ =	swait.ge @!p1 [sflag:s6], $0x4000  }
0x15e: {  	s13 =	simm.s32 @!p1 $0x80;
	s25 =	rddreg [dreg:$0x14]  }
0x15f: {  	s24 =	simm.s32 @!p1 $0x0;
	[sflag:s6] =	ssyncset.done @!p1 $0x0;
	s9 =	sshrl.u32 @!p1 s25, $0x3  }
0x160: {  	[sflag:s6] =	ssyncadd.s32 @!p1 $0xFFFFC000;
	s6 =	simm.s32 @!p1 $0x5;
	s15 =	sadd.s32 @!p1 s3, s9  }
0x161: {  	[tilespmem:s13], [sflag:$0x5] =	stream.linear.gather @!p1 [hbm4b:s15+s24], $0x80, $0x38;
	[tilespmem:$0x1CE80] =	vst v63  }
0x162: {  	_ =	swait.ge @!p1 [sflag:s6], $0x80  }
0x163: {  	[sflag:s6] =	ssyncset.done @!p1 $0x0  }
0x164: {  	s9 =	sadd.s32 @!p1 s4, s9;
	s15 =	simm.s32 @!p1 $0x180;
	[sflag:s6] =	ssyncadd.s32 @!p1 $0xFFFFFF80  }
0x165: {  	[tilespmem:s15], [sflag:$0x5] =	stream.linear.gather @!p1 [hbm4b:s9+s24], $0x80, $0x38;
	[tilespmem:$0x1CE80] =	vst v63  }
0x166: {  	_ =	swait.ge @!p1 [sflag:s6], $0x80  }
0x167: {  	[sflag:s6] =	ssyncset.done @!p1 $0x0  }
0x168: {  	s9 =	simm.s32 @!p1 $0x4200;
	[sflag:s6] =	ssyncadd.s32 @!p1 $0xFFFFFF80  }
0x169: {  	[tilespmem:s9], [sflag:$0x2] =	stream.indirect.gather @!p1 [hbm4b:s12+s13], $0x80, s13, s13, $0xb8;
	[tilespmem:$0x1CE80] =	vst v63  }
0x16a: {  	_ =	swait.ge [sflag:s5], $0x4000  }
0x16b: {  	p0 =	sle.s32 s23, $0x4;
	[sflag:s5] =	ssyncset.done $0x0  }
0x16c: {  	s6 =	simm.s32 @!p0 $0x3;
	[sflag:s5] =	ssyncadd.s32 $0xFFFFC000  }
0x16d: {  	[spmem:s1] =	stream.indirect.scatter.add.f32 [tilespmem:s14], [sflag:$0x3], $0x80, s10, s11, $0xb8;
	[tilespmem:$0x1CE80] =	vst v63  }
0x16e: {  	s9 =	sadd.s32 @!p0 $0x400, s25;
	_ =	swait.ge @!p0 [sflag:s6], $0x4000  }
0x16f: {  	s15 =	simm.s32 @!p0 $0x0;
	s9 =	sshrl.u32 @!p0 s9, $0x3;
	[sflag:s6] =	ssyncset.done @!p0 $0x0  }
0x170: {  	s24 =	simm.s32 @!p0 $0x5;
	s13 =	sadd.s32 @!p0 s3, s9;
	[sflag:s6] =	ssyncadd.s32 @!p0 $0xFFFFC000  }
0x171: {  	[tilespmem:s15], [sflag:$0x5] =	stream.linear.gather @!p0 [hbm4b:s13+s15], $0x80, $0x38;
	[tilespmem:$0x1CE80] =	vst v63  }
0x172: {  	_ =	swait.ge @!p0 [sflag:s24], $0x80  }
0x173: {  	[sflag:s24] =	ssyncset.done @!p0 $0x0  }
0x174: {  	s6 =	sadd.s32 @!p0 s4, s9;
	s9 =	simm.s32 @!p0 $0x100;
	[sflag:s24] =	ssyncadd.s32 @!p0 $0xFFFFFF80  }
0x175: {  	[tilespmem:s9], [sflag:$0x5] =	stream.linear.gather @!p0 [hbm4b:s6+s15], $0x80, $0x38;
	[tilespmem:$0x1CE80] =	vst v63  }
0x176: {  	s6 =	sadd.s32 $0xFFFFFFFF, s26  }
0x177: {  	p2 =	sne.s32 s6, $0x0  }
.Ltmp12:
0x178: {  	_ =	swait.ge @!p0 [sflag:s24], $0x80;
	(pc) =	sbr.rel @!p2 .LBB2_17-.Ltmp12, $4  }
0x179: {  	p1 =	sle.s32 s23, $0x5;
	s13 =	simm.s32 @!p0 $0x200;
	[sflag:s24] =	ssyncset.done @!p0 $0x0  }
0x17a: {  	s9 =	simm.s32 @!p0 $0x80;
	s26 =	sadd.s32 $0x800, s25;
	[sflag:s24] =	ssyncadd.s32 @!p0 $0xFFFFFF80  }
0x17b: {  	[tilespmem:s13], [sflag:$0x1] =	stream.indirect.gather @!p0 [hbm4b:s12+s9], $0x80, s15, s9, $0xb8;
	[tilespmem:$0x1CE80] =	vst v63  }
0x17c: {  	s24 =	simm.s32 $0x5;
	p0 =	por $0x1, $0x1;
	_ =	swait.ge [sflag:s18], $0x4000  }
.LBB2_16:
0x17d: {  	s6 =	sadd.s32 $0xFFFFFFFF, s6;
	s9 =	simm.s32 @!p1 $0x4;
	[sflag:s18] =	ssyncset.done $0x0  }
0x17e: {  	p2 =	sne.s32 s6, $0x0;
	[sflag:s18] =	ssyncadd.s32 $0xFFFFC000  }
0x17f: {  	[spmem:s1] =	stream.indirect.scatter.add.f32 [tilespmem:s17], [sflag:$0x4], $0x80, s16, s11, $0xb8;
	[tilespmem:$0x1CE80] =	vst v63  }
0x180: {  	s13 =	sshrl.u32 @!p1 s26, $0x3;
	s15 =	simm.s32 @!p1 $0x80;
	_ =	swait.ge @!p1 [sflag:s9], $0x4000  }
0x181: {  	s28 =	simm.s32 @!p1 $0x0;
	s25 =	sadd.s32 @!p1 s3, s13;
	[sflag:s9] =	ssyncset.done @!p1 $0x0  }
0x182: {  	s13 =	sadd.s32 @!p1 s4, s13;
	[sflag:s9] =	ssyncadd.s32 @!p1 $0xFFFFC000;
	s9 =	simm.s32 @!p1 $0x5  }
0x183: {  	[tilespmem:s15], [sflag:$0x5] =	stream.linear.gather @!p1 [hbm4b:s25+s28], $0x80, $0x38;
	[tilespmem:$0x1CE80] =	vst v63  }
0x184: {  	_ =	swait.ge @!p1 [sflag:s9], $0x80  }
0x185: {  	s25 =	simm.s32 @!p1 $0x180;
	[sflag:s9] =	ssyncset.done @!p1 $0x0  }
0x186: {  	[sflag:s9] =	ssyncadd.s32 @!p1 $0xFFFFFF80  }
0x187: {  	[tilespmem:s25], [sflag:$0x5] =	stream.linear.gather @!p1 [hbm4b:s13+s28], $0x80, $0x38;
	[tilespmem:$0x1CE80] =	vst v63  }
0x188: {  	_ =	swait.ge @!p1 [sflag:s9], $0x80  }
0x189: {  	s13 =	simm.s32 @!p1 $0x4200;
	[sflag:s9] =	ssyncset.done @!p1 $0x0  }
0x18a: {  	[sflag:s9] =	ssyncadd.s32 @!p1 $0xFFFFFF80  }
0x18b: {  	[tilespmem:s13], [sflag:$0x2] =	stream.indirect.gather @!p1 [hbm4b:s12+s15], $0x80, s15, s15, $0xb8;
	[tilespmem:$0x1CE80] =	vst v63  }
0x18c: {  	s9 =	sadd.s32 $0x1, s24;
	_ =	swait.ge [sflag:s5], $0x4000  }
0x18d: {  	p1 =	sge.s32 s9, s23;
	[sflag:s5] =	ssyncset.done $0x0  }
0x18e: {  	s9 =	simm.s32 @!p1 $0x3;
	s13 =	sadd.s32 @!p1 $0x400, s26;
	[sflag:s5] =	ssyncadd.s32 $0xFFFFC000  }
0x18f: {  	[spmem:s1] =	stream.indirect.scatter.add.f32 [tilespmem:s14], [sflag:$0x3], $0x80, s10, s11, $0xb8;
	[tilespmem:$0x1CE80] =	vst v63  }
0x190: {  	s13 =	sshrl.u32 @!p1 s13, $0x3;
	_ =	swait.ge @!p1 [sflag:s9], $0x4000  }
0x191: {  	s25 =	simm.s32 @!p1 $0x0;
	s15 =	sadd.s32 @!p1 s3, s13;
	[sflag:s9] =	ssyncset.done @!p1 $0x0  }
0x192: {  	s13 =	sadd.s32 @!p1 s4, s13;
	[sflag:s9] =	ssyncadd.s32 @!p1 $0xFFFFC000;
	s9 =	simm.s32 @!p1 $0x5  }
0x193: {  	[tilespmem:s25], [sflag:$0x5] =	stream.linear.gather @!p1 [hbm4b:s15+s25], $0x80, $0x38;
	[tilespmem:$0x1CE80] =	vst v63  }
0x194: {  	_ =	swait.ge @!p1 [sflag:s9], $0x80  }
0x195: {  	s15 =	simm.s32 @!p1 $0x100;
	[sflag:s9] =	ssyncset.done @!p1 $0x0  }
0x196: {  	[sflag:s9] =	ssyncadd.s32 @!p1 $0xFFFFFF80  }
0x197: {  	[tilespmem:s15], [sflag:$0x5] =	stream.linear.gather @!p1 [hbm4b:s13+s25], $0x80, $0x38;
	[tilespmem:$0x1CE80] =	vst v63  }
.Ltmp13:
0x198: {  	_ =	swait.ge @!p1 [sflag:s9], $0x80;
	(pc) =	sbr.rel @p2 .LBB2_16-.Ltmp13, $4  }
0x199: {  	s13 =	simm.s32 @!p1 $0x80;
	s15 =	simm.s32 @!p1 $0x200;
	[sflag:s9] =	ssyncset.done @!p1 $0x0  }
0x19a: {  	s24 =	sadd.s32 $0x2, s24;
	[sflag:s9] =	ssyncadd.s32 @!p1 $0xFFFFFF80  }
0x19b: {  	[tilespmem:s15], [sflag:$0x1] =	stream.indirect.gather @!p1 [hbm4b:s12+s13], $0x80, s25, s13, $0xb8;
	[tilespmem:$0x1CE80] =	vst v63  }
0x19c: {  	s26 =	sadd.s32 $0x800, s26;
	p1 =	sge.s32 s24, s23;
	_ =	swait.ge [sflag:s18], $0x4000  }
.Ltmp14:
0x19d: {  	_ = 	snop;
	(pc) =	sbr.rel .LBB2_17-.Ltmp14, $1  }
0x19e: {  	_ =	sdelay $0x3  }
.LBB2_6:
.Ltmp15:
0x19f: {  	(pc) =	sbr.rel .LBB2_9-.Ltmp15, $2  }
0x1a0: {  	_ =	sdelay $0x2  }
0x1a1: {  	s26 =	rddreg [dreg:$0x13]  }
.LBB2_20:
0x1a2: {  	_ =	sfence.sel $0x180000  }
0x1a3: {  	[bflag:$0x0] =	sbarrier.arrive $0xFFFF  }
0x1a4: {  	_ =	strace $0x90000050  }
0x1a5: {  	s0 =	stileid.u32;
	[bflag:$0x2] =	sbarrier.arrive $0xFFFF  }
0x1a6: {  	p0 =	sne.s32 s0, $0x0;
	s0 =	rddreg [dreg:$0x2]  }
0x1a7: {  	s0 =	sadd.s32 @!p0 $0x100000, s0  }
0x1a8: {  	[sflag:s0] =	ssyncadd.tile.s32 @!p0 $0x1;
	_ =	shalt  }
.Lfunc_end2:
_tile_overlayer_lowered:
.L_overlay_start_2:
0x1a9: {  	(tag) =	ssettag $0x2  }
0x1aa: {  	s0 =	rddreg [dreg:$0x0];
	s2 =	stileid.u32  }
0x1ab: {  	s1 =	rddreg [dreg:$0x1];
	p0 =	sne.s32 s2, $0x0  }
0x1ac: {  	s3 =	rddreg [dreg:$0x2];
	[bflag:$0x3] =	sbarrier.arrive $0xFFFF;
	s2 =	simm.s32 @!p0 $0x1C05  }
0x1ad: {  	[timem:s3], [sflag:s2] =	dma.local @!p0 [hbm:s0], s1  }
0x1ae: {  	s0 =	simm.s32 @!p0 $0x5  }
0x1af: {  	_ =	swait.ge @!p0 [sflag:s0], s1  }
0x1b0: {  	s1 =	ssub.s32 @!p0 $0x0, s1;
	[sflag:s0] =	ssyncset.done @!p0 $0x0  }
0x1b1: {  	[sflag:s0] =	ssyncadd.s32 @!p0 s1  }
0x1b2: {  	[bflag:$0x3] =	sbarrier.arrive $0xFFFF  }
0x1b3: {  	_ =	shalt  }

</sc_bundles>
